<compile_context>
chip_gen: v7x
topology: tpu7x:2x2x1
jax: 0.10.2.dev20260603
libtpu: 0.0.44.dev20260713+nightly
codegen_flags: <defaults>
</compile_context>

<pallas_src>
import functools

import jax
import jax.numpy as jnp
from jax import lax
from jax.experimental import pallas as pl
from jax.experimental.pallas import tpu as pltpu
from jax.experimental.pallas import tpu_sc as plsc

N = 10000
E = 320000
R = 2
D = 128
H = 64
NP_ = 10016
AROWS = 2 * NP_
NTILES = 16
NCORES = 2
EB = 64
G = 8
NBLK = 320
NGRP = NBLK // G
EPT = NBLK * EB
EP = EPT * NTILES
RPT = AROWS // NTILES
HPT = NP_ // NTILES
BM = 1024
GRID = (NP_ + BM - 1) // BM


def _prep_body(dst_hbm, typ_hbm, z16_hbm, sidx_out, deg_out,
               dega, db0, tb0, ones, ssem, osem, wsem):
    c = lax.axis_index("c")
    s = lax.axis_index("s")
    row0 = s * RPT

    def _stage(grp):
        off = grp * G
        pltpu.async_copy(dst_hbm.at[s, pl.ds(off, G)], db0, ssem)
        pltpu.async_copy(typ_hbm.at[s, pl.ds(off, G)], tb0, ssem)

    def _stage_wait():
        dummy = dst_hbm.at[s, pl.ds(0, G)]
        pltpu.make_async_copy(dummy, db0, ssem).wait()
        pltpu.make_async_copy(dummy, tb0, ssem).wait()

    @pl.when(c == 0)
    def _():
        o16 = jnp.ones((16,), jnp.float32)

        @pl.loop(0, EB)
        def _fo(i):
            ones[i, pl.ds(0, 16)] = o16

        pltpu.sync_copy(z16_hbm, dega.at[pl.ds(row0, RPT)])
        _stage(0)

    plsc.subcore_barrier()

    @pl.when(c == 0)
    def _():
        @pl.loop(0, NGRP)
        def _g(grp):
            _stage_wait()

            @pl.loop(0, G * (EB // 16))
            def _(k):
                r = k // (EB // 16)
                q = (k % (EB // 16)) * 16
                db0[r, pl.ds(q, 16)] = (db0[r, pl.ds(q, 16)]
                                        + tb0[r, pl.ds(q, 16)] * NP_)

            pltpu.async_copy(db0, sidx_out.at[s, pl.ds(grp * G, G)], osem)
            for j in range(G):
                pltpu.async_copy(ones, dega.at[db0.at[j]], wsem, add=True)
            for j in range(G):
                pltpu.make_async_copy(z16_hbm.at[pl.ds(0, EB)], ones,
                                      wsem).wait()
            pltpu.make_async_copy(dst_hbm.at[s, pl.ds(0, G)], db0, osem).wait()

            @pl.when(grp + 1 < NGRP)
            def _():
                _stage(grp + 1)

    plsc.subcore_barrier()

    @pl.when(c == 0)
    def _():
        pltpu.sync_copy(
            dega.at[pl.ds(row0, RPT)],
            deg_out.at[s // (NTILES // R), pl.ds((s % (NTILES // R)) * RPT, RPT)])


def _make_prep():
    mesh = plsc.VectorSubcoreMesh(core_axis_name="c", subcore_axis_name="s",
                                  num_cores=NCORES, num_subcores=NTILES)
    return pl.kernel(
        _prep_body,
        out_type=(jax.ShapeDtypeStruct((NTILES, NBLK, EB), jnp.int32),
                  jax.ShapeDtypeStruct((R, NP_, 16), jnp.float32)),
        mesh=mesh,
        scratch_types=[
            pltpu.VMEM_SHARED((AROWS, 16), jnp.float32),
            pltpu.VMEM((G, EB), jnp.int32),
            pltpu.VMEM((G, EB), jnp.int32),
            pltpu.VMEM((EB, 16), jnp.float32),
            pltpu.SemaphoreType.DMA,
            pltpu.SemaphoreType.DMA,
            pltpu.SemaphoreType.DMA,
        ],
        compiler_params=pltpu.CompilerParams(use_tc_tiling_on_sc=False),
    )


def _layer_body(h_hbm, src_hbm, sidx_hbm, z64_hbm, s_out,
                acc, htab, sb0, db0, sb1, db1, rbuf0, rbuf1,
                gsem0, gsem1, ssem0, ssem1, wsem0, wsem1):
    c = lax.axis_index("c")
    s = lax.axis_index("s")
    rbufs = (rbuf0, rbuf1)
    gsems = (gsem0, gsem1)
    wsems = (wsem0, wsem1)
    sets = ((sb0, db0, ssem0), (sb1, db1, ssem1))

    def _stage(grp, si):
        sb, db, sem = sets[si]
        off = grp * G
        pltpu.async_copy(src_hbm.at[s, pl.ds(off, G)], sb, sem)
        pltpu.async_copy(sidx_hbm.at[s, pl.ds(off, G)], db, sem)

    def _stage_wait(si):
        sb, db, sem = sets[si]
        dummy = src_hbm.at[s, pl.ds(0, G)]
        pltpu.make_async_copy(dummy, sb, sem).wait()
        pltpu.make_async_copy(dummy, db, sem).wait()

    hrow0 = s * HPT
    pltpu.sync_copy(h_hbm.at[pl.ds(c * NP_ + hrow0, HPT)],
                    htab.at[pl.ds(hrow0, HPT)])
    row0 = s * RPT
    pltpu.sync_copy(z64_hbm, acc.at[pl.ds(row0, RPT)])
    _stage(0, 0)
    plsc.subcore_barrier()

    def _gwait(bi):
        pltpu.make_async_copy(h_hbm.at[pl.ds(0, EB)], rbufs[bi],
                              gsems[bi]).wait()

    def _wwait(bi):
        pltpu.make_async_copy(h_hbm.at[pl.ds(0, EB)], rbufs[bi],
                              wsems[bi]).wait()

    def _group(grp, si, stage_next, first, last):
        sb, db, _ = sets[si]
        _stage_wait(si)
        if stage_next:
            @pl.when(grp + 1 < NGRP)
            def _():
                _stage(grp + 1, 1 - si)
        pltpu.async_copy(htab.at[sb.at[0]], rbufs[0], gsems[0])
        for j in range(G):
            bi = j % 2
            if j + 1 < G:
                if not (first and j == 0):
                    _wwait(1 - bi)
                pltpu.async_copy(htab.at[sb.at[j + 1]], rbufs[1 - bi],
                                 gsems[1 - bi])
            _gwait(bi)
            pltpu.async_copy(rbufs[bi], acc.at[db.at[j]], wsems[bi], add=True)
        if last:
            _wwait(0)
            _wwait(1)
        else:
            _wwait(0)

    _group(0, 0, True, True, False)

    @pl.loop(0, NGRP // 2 - 1)
    def _pair(i):
        _group(2 * i + 1, 1, True, False, False)
        _group(2 * i + 2, 0, True, False, False)

    _group(NGRP - 1, 1, False, False, True)

    plsc.subcore_barrier()

    pltpu.sync_copy(
        acc.at[pl.ds(row0, RPT)],
        s_out.at[c, s // (NTILES // R), pl.ds((s % (NTILES // R)) * RPT, RPT)])


def _make_layer():
    mesh = plsc.VectorSubcoreMesh(core_axis_name="c", subcore_axis_name="s",
                                  num_cores=NCORES, num_subcores=NTILES)
    return pl.kernel(
        _layer_body,
        out_type=jax.ShapeDtypeStruct((NCORES, R, NP_, H), jnp.float32),
        mesh=mesh,
        scratch_types=[
            pltpu.VMEM_SHARED((AROWS, H), jnp.float32),
            pltpu.VMEM_SHARED((NP_, H), jnp.float32),
            pltpu.VMEM((G, EB), jnp.int32),
            pltpu.VMEM((G, EB), jnp.int32),
            pltpu.VMEM((G, EB), jnp.int32),
            pltpu.VMEM((G, EB), jnp.int32),
            pltpu.VMEM((EB, H), jnp.float32),
            pltpu.VMEM((EB, H), jnp.float32),
            pltpu.SemaphoreType.DMA,
            pltpu.SemaphoreType.DMA,
            pltpu.SemaphoreType.DMA,
            pltpu.SemaphoreType.DMA,
            pltpu.SemaphoreType.DMA,
            pltpu.SemaphoreType.DMA,
        ],
        compiler_params=pltpu.CompilerParams(use_tc_tiling_on_sc=False),
    )


_DOT = functools.partial(jnp.dot, preferred_element_type=jnp.float32)


def _encode_body(x_ref, wenc_ref, benc_ref, win_ref, bin_ref, ain_ref, out_ref):
    h = _DOT(x_ref[...], wenc_ref[...]) + benc_ref[...]
    h = jnp.where(h >= 0, h, 0.01 * h)
    h = _DOT(h, win_ref[...]) + bin_ref[...]
    h = jnp.where(h >= 0, h, ain_ref[...] * h)
    out_ref[0] = h[:, :H]
    out_ref[1] = h[:, H:]


def _combine_body(h_ref, s_ref, d_ref, wroot_ref, wrel_ref,
                  b_ref, wcls_ref, bcls_ref, out_ref, *, final):
    h = jnp.concatenate([h_ref[0], h_ref[1]], axis=1)
    s0 = jnp.concatenate([s_ref[0, 0], s_ref[1, 0]], axis=1)
    s1 = jnp.concatenate([s_ref[0, 1], s_ref[1, 1]], axis=1)
    inv0 = 1.0 / jnp.maximum(d_ref[0][:, :1], 1.0)
    inv1 = 1.0 / jnp.maximum(d_ref[1][:, :1], 1.0)
    o = (_DOT(h, wroot_ref[...]) + b_ref[...]
         + _DOT(s0 * inv0, wrel_ref[0]) + _DOT(s1 * inv1, wrel_ref[1]))
    if final:
        out_ref[...] = _DOT(o, wcls_ref[...]) + bcls_ref[...]
    else:
        out_ref[0] = o[:, :H]
        out_ref[1] = o[:, H:]


def _full(shape):
    return pl.BlockSpec(shape, lambda i: (0,) * len(shape))


_CAT_SPEC = pl.BlockSpec((2, BM, H), lambda i: (0, i, 0))


def _encode_call(x_p, wenc, benc, win, bin_, ain):
    return pl.pallas_call(
        _encode_body,
        grid=(GRID,),
        in_specs=[
            pl.BlockSpec((BM, 8), lambda i: (i, 0)),
            _full((8, D)), _full((1, D)), _full((D, D)), _full((1, D)),
            _full((1, D)),
        ],
        out_specs=_CAT_SPEC,
        out_shape=jax.ShapeDtypeStruct((2, NP_, H), jnp.float32),
    )(x_p, wenc, benc, win, bin_, ain)


def _combine_call(final, hcat, s_acc, deg, wroot, wrel, b, wcls, bcls):
    out_shape = (jax.ShapeDtypeStruct((NP_, D), jnp.float32) if final
                 else jax.ShapeDtypeStruct((2, NP_, H), jnp.float32))
    out_specs = (pl.BlockSpec((BM, D), lambda i: (i, 0)) if final
                 else _CAT_SPEC)
    return pl.pallas_call(
        functools.partial(_combine_body, final=final),
        grid=(GRID,),
        in_specs=[
            _CAT_SPEC,
            pl.BlockSpec((2, 2, BM, H), lambda i: (0, 0, i, 0)),
            pl.BlockSpec((2, BM, 16), lambda i: (0, i, 0)),
            _full((D, D)), _full((R, D, D)), _full((1, D)),
            _full((D, D)), _full((1, D)),
        ],
        out_specs=out_specs,
        out_shape=out_shape,
    )(hcat, s_acc, deg, wroot, wrel, b, wcls, bcls)


_sc_cache = {}


def _sc_prep(*args):
    if "prep" not in _sc_cache:
        _sc_cache["prep"] = _make_prep()
    return _sc_cache["prep"](*args)


def _sc_layer(*args):
    if "layer" not in _sc_cache:
        _sc_cache["layer"] = _make_layer()
    return _sc_cache["layer"](*args)


def kernel(x, edge_index, edge_type, W_np, b_np, W_cp, b_cp, W_in, b_in, a_in,
           W_rel1, W_root1, b1, W_rel2, W_root2, b2, W_cls, b_cls):
    f32 = jnp.float32
    x_p = jnp.pad(x, ((0, NP_ - N), (0, 0)))
    wenc = jnp.zeros((8, D), f32).at[:5, :H].set(W_np).at[5:, H:].set(W_cp)
    benc = jnp.concatenate([b_np, b_cp]).reshape(1, D)
    src = jnp.pad(edge_index[0], (0, EP - E)).reshape(NTILES, NBLK, EB)
    dst = jnp.pad(edge_index[1], (0, EP - E),
                  constant_values=N).reshape(NTILES, NBLK, EB)
    typ = jnp.pad(edge_type, (0, EP - E)).reshape(NTILES, NBLK, EB)
    z16 = jnp.zeros((RPT, 16), f32)
    z64 = jnp.zeros((RPT, H), f32)

    sidx, deg = _sc_prep(dst, typ, z16)

    h0cat = _encode_call(x_p, wenc, benc, W_in, b_in.reshape(1, D),
                         a_in.reshape(1, D))

    s1 = _sc_layer(h0cat.reshape(NCORES * NP_, H), src, sidx, z64)
    h1cat = _combine_call(False, h0cat, s1, deg, W_root1, W_rel1,
                          b1.reshape(1, D), W_cls, b_cls.reshape(1, D))

    s2 = _sc_layer(h1cat.reshape(NCORES * NP_, H), src, sidx, z64)
    out = _combine_call(True, h1cat, s2, deg, W_root2, W_rel2,
                        b2.reshape(1, D), W_cls, b_cls.reshape(1, D))
    return out[:N]

# --- scband reference (transcript-rebuilt; emitter-appended) ---
"""Pipeline reference for scband-bot-rgcn-39487929319593 (READ-ONLY COPY).

The authoritative reference and input builder live on the scoring server;
editing this copy changes nothing except your own understanding.
"""

import jax, jax.numpy as jnp
import numpy as np

N = 10000
E = 320000
PROP = 5
CAT = 3
D_IN = 128
D_H = 128
R = 2


def _leaky(v):
    return jnp.where(v >= 0, v, 0.01 * v)


def _prelu(v, a):
    return jnp.where(v >= 0, v, a * v)


def _rgcn(x, edge_index, edge_type, W_rel, W_root, b):
    # PyG RGCNConv with aggr='mean': out_i = W_root x_i + b + sum_r mean_{j in N_r(i)} W_r x_j
    src = edge_index[0]
    dst = edge_index[1]
    n = x.shape[0]
    out = x @ W_root + b
    xs = x[src]  # gather [E, D]
    for r in range(R):
        mask = (edge_type == r).astype(x.dtype)
        m = (xs @ W_rel[r]) * mask[:, None]
        agg = jax.ops.segment_sum(m, dst, num_segments=n)
        deg = jax.ops.segment_sum(mask, dst, num_segments=n)
        out = out + agg / jnp.maximum(deg, 1.0)[:, None]
    return out


def setup_inputs(seed: int = 0):
    key = jax.random.key(seed)
    ks = jax.random.split(key, 24)
    s = 0.05
    inp = {}
    inp['x'] = jax.random.normal(ks[0], (N, PROP + CAT), dtype=jnp.float32)
    inp['edge_index'] = jax.random.randint(ks[1], (2, E), 0, N, dtype=jnp.int32)
    inp['edge_type'] = jax.random.randint(ks[2], (E,), 0, R, dtype=jnp.int32)
    inp['W_np'] = jax.random.normal(ks[3], (PROP, D_IN // 2), dtype=jnp.float32) * s
    inp['b_np'] = jnp.zeros((D_IN // 2,), dtype=jnp.float32)
    inp['W_cp'] = jax.random.normal(ks[4], (CAT, D_IN // 2), dtype=jnp.float32) * s
    inp['b_cp'] = jnp.zeros((D_IN // 2,), dtype=jnp.float32)
    inp['W_in'] = jax.random.normal(ks[5], (D_IN, D_H), dtype=jnp.float32) * s
    inp['b_in'] = jnp.zeros((D_H,), dtype=jnp.float32)
    inp['a_in'] = jnp.full((D_H,), 0.25, dtype=jnp.float32)
    inp['W_rel1'] = jax.random.normal(ks[6], (R, D_H, D_H), dtype=jnp.float32) * s
    inp['W_root1'] = jax.random.normal(ks[7], (D_H, D_H), dtype=jnp.float32) * s
    inp['b1'] = jnp.zeros((D_H,), dtype=jnp.float32)
    inp['W_rel2'] = jax.random.normal(ks[8], (R, D_H, D_H), dtype=jnp.float32) * s
    inp['W_root2'] = jax.random.normal(ks[9], (D_H, D_H), dtype=jnp.float32) * s
    inp['b2'] = jnp.zeros((D_H,), dtype=jnp.float32)
    inp['W_cls'] = jax.random.normal(ks[10], (D_H, D_H), dtype=jnp.float32) * s
    inp['b_cls'] = jnp.zeros((D_H,), dtype=jnp.float32)
    return inp


def reference(x, edge_index, edge_type, W_np, b_np, W_cp, b_cp, W_in, b_in, a_in,
              W_rel1, W_root1, b1, W_rel2, W_root2, b2, W_cls, b_cls):
    # eval mode: no edge_mask, no dropout
    num_prop = x[:, :PROP]
    cat_prop = x[:, PROP:PROP + CAT]
    n = _leaky(num_prop @ W_np + b_np)
    c = _leaky(cat_prop @ W_cp + b_cp)
    h = jnp.concatenate((n, c), axis=1)
    h = _prelu(h @ W_in + b_in, a_in)
    h = _rgcn(h, edge_index, edge_type, W_rel1, W_root1, b1)
    h = _rgcn(h, edge_index, edge_type, W_rel2, W_root2, b2)
    out = h @ W_cls + b_cls
    return out

if __name__ == "__main__":
    import jax
    _d = setup_inputs()
    print(jax.jit(kernel)(*tuple(_d.values())))

</pallas_src>

<mosaic_0001>
#map = affine_map<(d0, d1) -> (0, 0)>
#map1 = affine_map<(d0, d1) -> (0, 0, 0)>
#map2 = affine_map<(d0, d1) -> (0, 0, 0, 0)>
module attributes {stable_mosaic.version = 14 : i64} {
  func.func @_layer_body(%arg0: i32, %arg1: i32, %arg2: memref<20032x64xf32, #tpu.memory_space<hbm>>, %arg3: memref<16x320x64xi32, #tpu.memory_space<hbm>>, %arg4: memref<16x320x64xi32, #tpu.memory_space<hbm>>, %arg5: memref<1252x64xf32, #tpu.memory_space<hbm>>, %arg6: memref<2x2x10016x64xf32, #tpu.memory_space<hbm>>, %arg7: memref<20032x64xf32, #tpu.memory_space<vmem_shared>>, %arg8: memref<10016x64xf32, #tpu.memory_space<vmem_shared>>, %arg9: memref<8x64xi32, #tpu.memory_space<vmem>>, %arg10: memref<8x64xi32, #tpu.memory_space<vmem>>, %arg11: memref<8x64xi32, #tpu.memory_space<vmem>>, %arg12: memref<8x64xi32, #tpu.memory_space<vmem>>, %arg13: memref<64x64xf32, #tpu.memory_space<vmem>>, %arg14: memref<64x64xf32, #tpu.memory_space<vmem>>, %arg15: memref<!tpu.dma_semaphore, #tpu.memory_space<semaphore_mem>>, %arg16: memref<!tpu.dma_semaphore, #tpu.memory_space<semaphore_mem>>, %arg17: memref<!tpu.dma_semaphore, #tpu.memory_space<semaphore_mem>>, %arg18: memref<!tpu.dma_semaphore, #tpu.memory_space<semaphore_mem>>, %arg19: memref<!tpu.dma_semaphore, #tpu.memory_space<semaphore_mem>>, %arg20: memref<!tpu.dma_semaphore, #tpu.memory_space<semaphore_mem>>) attributes {dimension_semantics = [#tpu.dimension_semantics<core_parallel>, #tpu.dimension_semantics<subcore_parallel>], iteration_bounds = array<i64: 2, 16>, scalar_prefetch = 0 : i64, scratch_operands = 14 : i64, tpu.core_type = #tpu.core_type<sc_vector_subcore>, window_params = [{transform_indices = #map}, {transform_indices = #map1}, {transform_indices = #map1}, {transform_indices = #map}, {transform_indices = #map2}]} {
    %mul3A = arith.constant 626 : i32
    %mul3A_0 = arith.muli %arg1, %mul3A : i32
    %mul3A_1 = arith.constant 10016 : i32
    %mul3A_2 = arith.muli %arg0, %mul3A_1 : i32
    %add3A = arith.addi %mul3A_2, %mul3A_0 : i32
    "tpu.region"() ({
      %run_scoped3A = tpu.sem_alloc : memref<!tpu.dma_semaphore, #tpu.memory_space<semaphore_mem>>
      %dma_start3A_520 = arith.constant 0 : i32
      %dma_start3A_521 = tpu.memref_slice %arg8[%mul3A_0, %dma_start3A_520] : memref<10016x64xf32, #tpu.memory_space<vmem_shared>> -> memref<626x64xf32, #tpu.memory_space<vmem_shared>>
      %dma_start3A_522 = arith.constant 0 : i32
      %dma_start3A_523 = tpu.memref_slice %arg2[%add3A, %dma_start3A_522] : memref<20032x64xf32, #tpu.memory_space<hbm>> -> memref<626x64xf32, #tpu.memory_space<hbm>>
      tpu.enqueue_dma source(%dma_start3A_523 : memref<626x64xf32, #tpu.memory_space<hbm>>) target(%dma_start3A_521 : memref<626x64xf32, #tpu.memory_space<vmem_shared>>) target_semaphore(%run_scoped3A : memref<!tpu.dma_semaphore, #tpu.memory_space<semaphore_mem>>)
      %dma_wait3A_524 = arith.constant 0 : i32
      %dma_wait3A_525 = tpu.memref_slice %arg8[%mul3A_0, %dma_wait3A_524] : memref<10016x64xf32, #tpu.memory_space<vmem_shared>> -> memref<626x64xf32, #tpu.memory_space<vmem_shared>>
      %dma_wait3A_526 = arith.constant 0 : i32
      %dma_wait3A_527 = tpu.memref_slice %arg2[%add3A, %dma_wait3A_526] : memref<20032x64xf32, #tpu.memory_space<hbm>> -> memref<626x64xf32, #tpu.memory_space<hbm>>
      tpu.wait_dma2 semaphore(%run_scoped3A : memref<!tpu.dma_semaphore, #tpu.memory_space<semaphore_mem>>) src(%dma_wait3A_527 : memref<626x64xf32, #tpu.memory_space<hbm>>) dst(%dma_wait3A_525 : memref<626x64xf32, #tpu.memory_space<vmem_shared>>)
      tpu.yield
    }) : () -> ()
    %mul3A_3 = arith.constant 1252 : i32
    %mul3A_4 = arith.muli %arg1, %mul3A_3 : i32
    "tpu.region"() ({
      %run_scoped3A = tpu.sem_alloc : memref<!tpu.dma_semaphore, #tpu.memory_space<semaphore_mem>>
      %dma_start3A_520 = arith.constant 0 : i32
      %dma_start3A_521 = tpu.memref_slice %arg7[%mul3A_4, %dma_start3A_520] : memref<20032x64xf32, #tpu.memory_space<vmem_shared>> -> memref<1252x64xf32, #tpu.memory_space<vmem_shared>>
      tpu.enqueue_dma source(%arg5 : memref<1252x64xf32, #tpu.memory_space<hbm>>) target(%dma_start3A_521 : memref<1252x64xf32, #tpu.memory_space<vmem_shared>>) target_semaphore(%run_scoped3A : memref<!tpu.dma_semaphore, #tpu.memory_space<semaphore_mem>>)
      %dma_wait3A_522 = arith.constant 0 : i32
      %dma_wait3A_523 = tpu.memref_slice %arg7[%mul3A_4, %dma_wait3A_522] : memref<20032x64xf32, #tpu.memory_space<vmem_shared>> -> memref<1252x64xf32, #tpu.memory_space<vmem_shared>>
      tpu.wait_dma2 semaphore(%run_scoped3A : memref<!tpu.dma_semaphore, #tpu.memory_space<semaphore_mem>>) src(%arg5 : memref<1252x64xf32, #tpu.memory_space<hbm>>) dst(%dma_wait3A_523 : memref<1252x64xf32, #tpu.memory_space<vmem_shared>>)
      tpu.yield
    }) : () -> ()
    %dma_start3A = arith.constant 0 : i32
    %dma_start3A_5 = arith.constant 0 : i32
    %dma_start3A_6 = tpu.memref_slice %arg3[%arg1, %dma_start3A, %dma_start3A_5] : memref<16x320x64xi32, #tpu.memory_space<hbm>> -> memref<1x8x64xi32, #tpu.memory_space<hbm>>
    %dma_start3A_7 = tpu.memref_squeeze %dma_start3A_6 : memref<1x8x64xi32, #tpu.memory_space<hbm>> -> memref<8x64xi32, #tpu.memory_space<hbm>>
    %dma_start3A_8 = arith.constant 0 : i32
    %dma_start3A_9 = arith.constant 0 : i32
    %dma_start3A_10 = tpu.memref_slice %arg3[%arg1, %dma_start3A_8, %dma_start3A_9] : memref<16x320x64xi32, #tpu.memory_space<hbm>> -> memref<1x8x64xi32, #tpu.memory_space<hbm>>
    %dma_start3A_11 = tpu.memref_squeeze %dma_start3A_10 : memref<1x8x64xi32, #tpu.memory_space<hbm>> -> memref<8x64xi32, #tpu.memory_space<hbm>>
    tpu.enqueue_dma source(%dma_start3A_11 : memref<8x64xi32, #tpu.memory_space<hbm>>) target(%arg9 : memref<8x64xi32, #tpu.memory_space<vmem>>) target_semaphore(%arg17 : memref<!tpu.dma_semaphore, #tpu.memory_space<semaphore_mem>>)
    %dma_start3A_12 = arith.constant 0 : i32
    %dma_start3A_13 = arith.constant 0 : i32
    %dma_start3A_14 = tpu.memref_slice %arg4[%arg1, %dma_start3A_12, %dma_start3A_13] : memref<16x320x64xi32, #tpu.memory_space<hbm>> -> memref<1x8x64xi32, #tpu.memory_space<hbm>>
    %dma_start3A_15 = tpu.memref_squeeze %dma_start3A_14 : memref<1x8x64xi32, #tpu.memory_space<hbm>> -> memref<8x64xi32, #tpu.memory_space<hbm>>
    %dma_start3A_16 = arith.constant 0 : i32
    %dma_start3A_17 = arith.constant 0 : i32
    %dma_start3A_18 = tpu.memref_slice %arg4[%arg1, %dma_start3A_16, %dma_start3A_17] : memref<16x320x64xi32, #tpu.memory_space<hbm>> -> memref<1x8x64xi32, #tpu.memory_space<hbm>>
    %dma_start3A_19 = tpu.memref_squeeze %dma_start3A_18 : memref<1x8x64xi32, #tpu.memory_space<hbm>> -> memref<8x64xi32, #tpu.memory_space<hbm>>
    tpu.enqueue_dma source(%dma_start3A_19 : memref<8x64xi32, #tpu.memory_space<hbm>>) target(%arg10 : memref<8x64xi32, #tpu.memory_space<vmem>>) target_semaphore(%arg17 : memref<!tpu.dma_semaphore, #tpu.memory_space<semaphore_mem>>)
    %barrier3A = arith.constant 0 : index
    tpu.barrier barrier_id(%barrier3A)
    %dma_wait3A = arith.constant 0 : i32
    %dma_wait3A_20 = arith.constant 0 : i32
    %dma_wait3A_21 = tpu.memref_slice %arg3[%arg1, %dma_wait3A, %dma_wait3A_20] : memref<16x320x64xi32, #tpu.memory_space<hbm>> -> memref<1x8x64xi32, #tpu.memory_space<hbm>>
    %dma_wait3A_22 = tpu.memref_squeeze %dma_wait3A_21 : memref<1x8x64xi32, #tpu.memory_space<hbm>> -> memref<8x64xi32, #tpu.memory_space<hbm>>
    %dma_wait3A_23 = arith.constant 0 : i32
    %dma_wait3A_24 = arith.constant 0 : i32
    %dma_wait3A_25 = tpu.memref_slice %arg3[%arg1, %dma_wait3A_23, %dma_wait3A_24] : memref<16x320x64xi32, #tpu.memory_space<hbm>> -> memref<1x8x64xi32, #tpu.memory_space<hbm>>
    %dma_wait3A_26 = tpu.memref_squeeze %dma_wait3A_25 : memref<1x8x64xi32, #tpu.memory_space<hbm>> -> memref<8x64xi32, #tpu.memory_space<hbm>>
    tpu.wait_dma2 semaphore(%arg17 : memref<!tpu.dma_semaphore, #tpu.memory_space<semaphore_mem>>) src(%dma_wait3A_26 : memref<8x64xi32, #tpu.memory_space<hbm>>) dst(%arg9 : memref<8x64xi32, #tpu.memory_space<vmem>>)
    %dma_wait3A_27 = arith.constant 0 : i32
    %dma_wait3A_28 = arith.constant 0 : i32
    %dma_wait3A_29 = tpu.memref_slice %arg3[%arg1, %dma_wait3A_27, %dma_wait3A_28] : memref<16x320x64xi32, #tpu.memory_space<hbm>> -> memref<1x8x64xi32, #tpu.memory_space<hbm>>
    %dma_wait3A_30 = tpu.memref_squeeze %dma_wait3A_29 : memref<1x8x64xi32, #tpu.memory_space<hbm>> -> memref<8x64xi32, #tpu.memory_space<hbm>>
    %dma_wait3A_31 = arith.constant 0 : i32
    %dma_wait3A_32 = arith.constant 0 : i32
    %dma_wait3A_33 = tpu.memref_slice %arg3[%arg1, %dma_wait3A_31, %dma_wait3A_32] : memref<16x320x64xi32, #tpu.memory_space<hbm>> -> memref<1x8x64xi32, #tpu.memory_space<hbm>>
    %dma_wait3A_34 = tpu.memref_squeeze %dma_wait3A_33 : memref<1x8x64xi32, #tpu.memory_space<hbm>> -> memref<8x64xi32, #tpu.memory_space<hbm>>
    tpu.wait_dma2 semaphore(%arg17 : memref<!tpu.dma_semaphore, #tpu.memory_space<semaphore_mem>>) src(%dma_wait3A_34 : memref<8x64xi32, #tpu.memory_space<hbm>>) dst(%arg10 : memref<8x64xi32, #tpu.memory_space<vmem>>)
    %dma_start3A_35 = arith.constant 8 : i32
    %dma_start3A_36 = arith.constant 0 : i32
    %dma_start3A_37 = tpu.memref_slice %arg3[%arg1, %dma_start3A_35, %dma_start3A_36] : memref<16x320x64xi32, #tpu.memory_space<hbm>> -> memref<1x8x64xi32, #tpu.memory_space<hbm>>
    %dma_start3A_38 = tpu.memref_squeeze %dma_start3A_37 : memref<1x8x64xi32, #tpu.memory_space<hbm>> -> memref<8x64xi32, #tpu.memory_space<hbm>>
    %dma_start3A_39 = arith.constant 8 : i32
    %dma_start3A_40 = arith.constant 0 : i32
    %dma_start3A_41 = tpu.memref_slice %arg3[%arg1, %dma_start3A_39, %dma_start3A_40] : memref<16x320x64xi32, #tpu.memory_space<hbm>> -> memref<1x8x64xi32, #tpu.memory_space<hbm>>
    %dma_start3A_42 = tpu.memref_squeeze %dma_start3A_41 : memref<1x8x64xi32, #tpu.memory_space<hbm>> -> memref<8x64xi32, #tpu.memory_space<hbm>>
    tpu.enqueue_dma source(%dma_start3A_42 : memref<8x64xi32, #tpu.memory_space<hbm>>) target(%arg11 : memref<8x64xi32, #tpu.memory_space<vmem>>) target_semaphore(%arg18 : memref<!tpu.dma_semaphore, #tpu.memory_space<semaphore_mem>>)
    %dma_start3A_43 = arith.constant 8 : i32
    %dma_start3A_44 = arith.constant 0 : i32
    %dma_start3A_45 = tpu.memref_slice %arg4[%arg1, %dma_start3A_43, %dma_start3A_44] : memref<16x320x64xi32, #tpu.memory_space<hbm>> -> memref<1x8x64xi32, #tpu.memory_space<hbm>>
    %dma_start3A_46 = tpu.memref_squeeze %dma_start3A_45 : memref<1x8x64xi32, #tpu.memory_space<hbm>> -> memref<8x64xi32, #tpu.memory_space<hbm>>
    %dma_start3A_47 = arith.constant 8 : i32
    %dma_start3A_48 = arith.constant 0 : i32
    %dma_start3A_49 = tpu.memref_slice %arg4[%arg1, %dma_start3A_47, %dma_start3A_48] : memref<16x320x64xi32, #tpu.memory_space<hbm>> -> memref<1x8x64xi32, #tpu.memory_space<hbm>>
    %dma_start3A_50 = tpu.memref_squeeze %dma_start3A_49 : memref<1x8x64xi32, #tpu.memory_space<hbm>> -> memref<8x64xi32, #tpu.memory_space<hbm>>
    tpu.enqueue_dma source(%dma_start3A_50 : memref<8x64xi32, #tpu.memory_space<hbm>>) target(%arg12 : memref<8x64xi32, #tpu.memory_space<vmem>>) target_semaphore(%arg18 : memref<!tpu.dma_semaphore, #tpu.memory_space<semaphore_mem>>)
    %dma_start3A_51 = arith.constant 0 : i32
    %dma_start3A_52 = arith.constant 0 : i32
    %dma_start3A_53 = tpu.memref_slice %arg9[%dma_start3A_51, %dma_start3A_52] : memref<8x64xi32, #tpu.memory_space<vmem>> -> memref<1x64xi32, #tpu.memory_space<vmem>>
    %dma_start3A_54 = tpu.memref_squeeze %dma_start3A_53 : memref<1x64xi32, #tpu.memory_space<vmem>> -> memref<64xi32, #tpu.memory_space<vmem>>
    %dma_start3A_55 = arith.constant 0 : i32
    %dma_start3A_56 = arith.constant 0 : i32
    %dma_start3A_57 = tpu.memref_slice %arg8[%dma_start3A_55, %dma_start3A_56] : memref<10016x64xf32, #tpu.memory_space<vmem_shared>> -> memref<10016x64xf32, #tpu.memory_space<vmem_shared>>
    tpu.enqueue_indirect_dma source(%dma_start3A_57 : memref<10016x64xf32, #tpu.memory_space<vmem_shared>>) target(%arg13 : memref<64x64xf32, #tpu.memory_space<vmem>>) offsets(%dma_start3A_54 : memref<64xi32, #tpu.memory_space<vmem>>) semaphore(%arg15 : memref<!tpu.dma_semaphore, #tpu.memory_space<semaphore_mem>>)
    %dma_start3A_58 = arith.constant 1 : i32
    %dma_start3A_59 = arith.constant 0 : i32
    %dma_start3A_60 = tpu.memref_slice %arg9[%dma_start3A_58, %dma_start3A_59] : memref<8x64xi32, #tpu.memory_space<vmem>> -> memref<1x64xi32, #tpu.memory_space<vmem>>
    %dma_start3A_61 = tpu.memref_squeeze %dma_start3A_60 : memref<1x64xi32, #tpu.memory_space<vmem>> -> memref<64xi32, #tpu.memory_space<vmem>>
    %dma_start3A_62 = arith.constant 0 : i32
    %dma_start3A_63 = arith.constant 0 : i32
    %dma_start3A_64 = tpu.memref_slice %arg8[%dma_start3A_62, %dma_start3A_63] : memref<10016x64xf32, #tpu.memory_space<vmem_shared>> -> memref<10016x64xf32, #tpu.memory_space<vmem_shared>>
    tpu.enqueue_indirect_dma source(%dma_start3A_64 : memref<10016x64xf32, #tpu.memory_space<vmem_shared>>) target(%arg14 : memref<64x64xf32, #tpu.memory_space<vmem>>) offsets(%dma_start3A_61 : memref<64xi32, #tpu.memory_space<vmem>>) semaphore(%arg16 : memref<!tpu.dma_semaphore, #tpu.memory_space<semaphore_mem>>)
    %dma_wait3A_65 = arith.constant 0 : i32
    %dma_wait3A_66 = arith.constant 0 : i32
    %dma_wait3A_67 = tpu.memref_slice %arg2[%dma_wait3A_65, %dma_wait3A_66] : memref<20032x64xf32, #tpu.memory_space<hbm>> -> memref<64x64xf32, #tpu.memory_space<hbm>>
    %dma_wait3A_68 = arith.constant 0 : i32
    %dma_wait3A_69 = arith.constant 0 : i32
    %dma_wait3A_70 = tpu.memref_slice %arg2[%dma_wait3A_68, %dma_wait3A_69] : memref<20032x64xf32, #tpu.memory_space<hbm>> -> memref<64x64xf32, #tpu.memory_space<hbm>>
    tpu.wait_dma2 semaphore(%arg15 : memref<!tpu.dma_semaphore, #tpu.memory_space<semaphore_mem>>) src(%dma_wait3A_70 : memref<64x64xf32, #tpu.memory_space<hbm>>) dst(%arg13 : memref<64x64xf32, #tpu.memory_space<vmem>>)
    %dma_start3A_71 = arith.constant 0 : i32
    %dma_start3A_72 = arith.constant 0 : i32
    %dma_start3A_73 = tpu.memref_slice %arg10[%dma_start3A_71, %dma_start3A_72] : memref<8x64xi32, #tpu.memory_space<vmem>> -> memref<1x64xi32, #tpu.memory_space<vmem>>
    %dma_start3A_74 = tpu.memref_squeeze %dma_start3A_73 : memref<1x64xi32, #tpu.memory_space<vmem>> -> memref<64xi32, #tpu.memory_space<vmem>>
    %dma_start3A_75 = arith.constant 0 : i32
    %dma_start3A_76 = arith.constant 0 : i32
    %dma_start3A_77 = tpu.memref_slice %arg7[%dma_start3A_75, %dma_start3A_76] : memref<20032x64xf32, #tpu.memory_space<vmem_shared>> -> memref<20032x64xf32, #tpu.memory_space<vmem_shared>>
    tpu.enqueue_indirect_dma source(%arg13 : memref<64x64xf32, #tpu.memory_space<vmem>>) target(%dma_start3A_77 : memref<20032x64xf32, #tpu.memory_space<vmem_shared>>) offsets(%dma_start3A_74 : memref<64xi32, #tpu.memory_space<vmem>>) semaphore(%arg19 : memref<!tpu.dma_semaphore, #tpu.memory_space<semaphore_mem>>) {add = true}
    %dma_wait3A_78 = arith.constant 0 : i32
    %dma_wait3A_79 = arith.constant 0 : i32
    %dma_wait3A_80 = tpu.memref_slice %arg2[%dma_wait3A_78, %dma_wait3A_79] : memref<20032x64xf32, #tpu.memory_space<hbm>> -> memref<64x64xf32, #tpu.memory_space<hbm>>
    %dma_wait3A_81 = arith.constant 0 : i32
    %dma_wait3A_82 = arith.constant 0 : i32
    %dma_wait3A_83 = tpu.memref_slice %arg2[%dma_wait3A_81, %dma_wait3A_82] : memref<20032x64xf32, #tpu.memory_space<hbm>> -> memref<64x64xf32, #tpu.memory_space<hbm>>
    tpu.wait_dma2 semaphore(%arg19 : memref<!tpu.dma_semaphore, #tpu.memory_space<semaphore_mem>>) src(%dma_wait3A_83 : memref<64x64xf32, #tpu.memory_space<hbm>>) dst(%arg13 : memref<64x64xf32, #tpu.memory_space<vmem>>)
    %dma_start3A_84 = arith.constant 2 : i32
    %dma_start3A_85 = arith.constant 0 : i32
    %dma_start3A_86 = tpu.memref_slice %arg9[%dma_start3A_84, %dma_start3A_85] : memref<8x64xi32, #tpu.memory_space<vmem>> -> memref<1x64xi32, #tpu.memory_space<vmem>>
    %dma_start3A_87 = tpu.memref_squeeze %dma_start3A_86 : memref<1x64xi32, #tpu.memory_space<vmem>> -> memref<64xi32, #tpu.memory_space<vmem>>
    %dma_start3A_88 = arith.constant 0 : i32
    %dma_start3A_89 = arith.constant 0 : i32
    %dma_start3A_90 = tpu.memref_slice %arg8[%dma_start3A_88, %dma_start3A_89] : memref<10016x64xf32, #tpu.memory_space<vmem_shared>> -> memref<10016x64xf32, #tpu.memory_space<vmem_shared>>
    tpu.enqueue_indirect_dma source(%dma_start3A_90 : memref<10016x64xf32, #tpu.memory_space<vmem_shared>>) target(%arg13 : memref<64x64xf32, #tpu.memory_space<vmem>>) offsets(%dma_start3A_87 : memref<64xi32, #tpu.memory_space<vmem>>) semaphore(%arg15 : memref<!tpu.dma_semaphore, #tpu.memory_space<semaphore_mem>>)
    %dma_wait3A_91 = arith.constant 0 : i32
    %dma_wait3A_92 = arith.constant 0 : i32
    %dma_wait3A_93 = tpu.memref_slice %arg2[%dma_wait3A_91, %dma_wait3A_92] : memref<20032x64xf32, #tpu.memory_space<hbm>> -> memref<64x64xf32, #tpu.memory_space<hbm>>
    %dma_wait3A_94 = arith.constant 0 : i32
    %dma_wait3A_95 = arith.constant 0 : i32
    %dma_wait3A_96 = tpu.memref_slice %arg2[%dma_wait3A_94, %dma_wait3A_95] : memref<20032x64xf32, #tpu.memory_space<hbm>> -> memref<64x64xf32, #tpu.memory_space<hbm>>
    tpu.wait_dma2 semaphore(%arg16 : memref<!tpu.dma_semaphore, #tpu.memory_space<semaphore_mem>>) src(%dma_wait3A_96 : memref<64x64xf32, #tpu.memory_space<hbm>>) dst(%arg14 : memref<64x64xf32, #tpu.memory_space<vmem>>)
    %dma_start3A_97 = arith.constant 1 : i32
    %dma_start3A_98 = arith.constant 0 : i32
    %dma_start3A_99 = tpu.memref_slice %arg10[%dma_start3A_97, %dma_start3A_98] : memref<8x64xi32, #tpu.memory_space<vmem>> -> memref<1x64xi32, #tpu.memory_space<vmem>>
    %dma_start3A_100 = tpu.memref_squeeze %dma_start3A_99 : memref<1x64xi32, #tpu.memory_space<vmem>> -> memref<64xi32, #tpu.memory_space<vmem>>
    %dma_start3A_101 = arith.constant 0 : i32
    %dma_start3A_102 = arith.constant 0 : i32
    %dma_start3A_103 = tpu.memref_slice %arg7[%dma_start3A_101, %dma_start3A_102] : memref<20032x64xf32, #tpu.memory_space<vmem_shared>> -> memref<20032x64xf32, #tpu.memory_space<vmem_shared>>
    tpu.enqueue_indirect_dma source(%arg14 : memref<64x64xf32, #tpu.memory_space<vmem>>) target(%dma_start3A_103 : memref<20032x64xf32, #tpu.memory_space<vmem_shared>>) offsets(%dma_start3A_100 : memref<64xi32, #tpu.memory_space<vmem>>) semaphore(%arg20 : memref<!tpu.dma_semaphore, #tpu.memory_space<semaphore_mem>>) {add = true}
    %dma_wait3A_104 = arith.constant 0 : i32
    %dma_wait3A_105 = arith.constant 0 : i32
    %dma_wait3A_106 = tpu.memref_slice %arg2[%dma_wait3A_104, %dma_wait3A_105] : memref<20032x64xf32, #tpu.memory_space<hbm>> -> memref<64x64xf32, #tpu.memory_space<hbm>>
    %dma_wait3A_107 = arith.constant 0 : i32
    %dma_wait3A_108 = arith.constant 0 : i32
    %dma_wait3A_109 = tpu.memref_slice %arg2[%dma_wait3A_107, %dma_wait3A_108] : memref<20032x64xf32, #tpu.memory_space<hbm>> -> memref<64x64xf32, #tpu.memory_space<hbm>>
    tpu.wait_dma2 semaphore(%arg20 : memref<!tpu.dma_semaphore, #tpu.memory_space<semaphore_mem>>) src(%dma_wait3A_109 : memref<64x64xf32, #tpu.memory_space<hbm>>) dst(%arg14 : memref<64x64xf32, #tpu.memory_space<vmem>>)
    %dma_start3A_110 = arith.constant 3 : i32
    %dma_start3A_111 = arith.constant 0 : i32
    %dma_start3A_112 = tpu.memref_slice %arg9[%dma_start3A_110, %dma_start3A_111] : memref<8x64xi32, #tpu.memory_space<vmem>> -> memref<1x64xi32, #tpu.memory_space<vmem>>
    %dma_start3A_113 = tpu.memref_squeeze %dma_start3A_112 : memref<1x64xi32, #tpu.memory_space<vmem>> -> memref<64xi32, #tpu.memory_space<vmem>>
    %dma_start3A_114 = arith.constant 0 : i32
    %dma_start3A_115 = arith.constant 0 : i32
    %dma_start3A_116 = tpu.memref_slice %arg8[%dma_start3A_114, %dma_start3A_115] : memref<10016x64xf32, #tpu.memory_space<vmem_shared>> -> memref<10016x64xf32, #tpu.memory_space<vmem_shared>>
    tpu.enqueue_indirect_dma source(%dma_start3A_116 : memref<10016x64xf32, #tpu.memory_space<vmem_shared>>) target(%arg14 : memref<64x64xf32, #tpu.memory_space<vmem>>) offsets(%dma_start3A_113 : memref<64xi32, #tpu.memory_space<vmem>>) semaphore(%arg16 : memref<!tpu.dma_semaphore, #tpu.memory_space<semaphore_mem>>)
    %dma_wait3A_117 = arith.constant 0 : i32
    %dma_wait3A_118 = arith.constant 0 : i32
    %dma_wait3A_119 = tpu.memref_slice %arg2[%dma_wait3A_117, %dma_wait3A_118] : memref<20032x64xf32, #tpu.memory_space<hbm>> -> memref<64x64xf32, #tpu.memory_space<hbm>>
    %dma_wait3A_120 = arith.constant 0 : i32
    %dma_wait3A_121 = arith.constant 0 : i32
    %dma_wait3A_122 = tpu.memref_slice %arg2[%dma_wait3A_120, %dma_wait3A_121] : memref<20032x64xf32, #tpu.memory_space<hbm>> -> memref<64x64xf32, #tpu.memory_space<hbm>>
    tpu.wait_dma2 semaphore(%arg15 : memref<!tpu.dma_semaphore, #tpu.memory_space<semaphore_mem>>) src(%dma_wait3A_122 : memref<64x64xf32, #tpu.memory_space<hbm>>) dst(%arg13 : memref<64x64xf32, #tpu.memory_space<vmem>>)
    %dma_start3A_123 = arith.constant 2 : i32
    %dma_start3A_124 = arith.constant 0 : i32
    %dma_start3A_125 = tpu.memref_slice %arg10[%dma_start3A_123, %dma_start3A_124] : memref<8x64xi32, #tpu.memory_space<vmem>> -> memref<1x64xi32, #tpu.memory_space<vmem>>
    %dma_start3A_126 = tpu.memref_squeeze %dma_start3A_125 : memref<1x64xi32, #tpu.memory_space<vmem>> -> memref<64xi32, #tpu.memory_space<vmem>>
    %dma_start3A_127 = arith.constant 0 : i32
    %dma_start3A_128 = arith.constant 0 : i32
    %dma_start3A_129 = tpu.memref_slice %arg7[%dma_start3A_127, %dma_start3A_128] : memref<20032x64xf32, #tpu.memory_space<vmem_shared>> -> memref<20032x64xf32, #tpu.memory_space<vmem_shared>>
    tpu.enqueue_indirect_dma source(%arg13 : memref<64x64xf32, #tpu.memory_space<vmem>>) target(%dma_start3A_129 : memref<20032x64xf32, #tpu.memory_space<vmem_shared>>) offsets(%dma_start3A_126 : memref<64xi32, #tpu.memory_space<vmem>>) semaphore(%arg19 : memref<!tpu.dma_semaphore, #tpu.memory_space<semaphore_mem>>) {add = true}
    %dma_wait3A_130 = arith.constant 0 : i32
    %dma_wait3A_131 = arith.constant 0 : i32
    %dma_wait3A_132 = tpu.memref_slice %arg2[%dma_wait3A_130, %dma_wait3A_131] : memref<20032x64xf32, #tpu.memory_space<hbm>> -> memref<64x64xf32, #tpu.memory_space<hbm>>
    %dma_wait3A_133 = arith.constant 0 : i32
    %dma_wait3A_134 = arith.constant 0 : i32
    %dma_wait3A_135 = tpu.memref_slice %arg2[%dma_wait3A_133, %dma_wait3A_134] : memref<20032x64xf32, #tpu.memory_space<hbm>> -> memref<64x64xf32, #tpu.memory_space<hbm>>
    tpu.wait_dma2 semaphore(%arg19 : memref<!tpu.dma_semaphore, #tpu.memory_space<semaphore_mem>>) src(%dma_wait3A_135 : memref<64x64xf32, #tpu.memory_space<hbm>>) dst(%arg13 : memref<64x64xf32, #tpu.memory_space<vmem>>)
    %dma_start3A_136 = arith.constant 4 : i32
    %dma_start3A_137 = arith.constant 0 : i32
    %dma_start3A_138 = tpu.memref_slice %arg9[%dma_start3A_136, %dma_start3A_137] : memref<8x64xi32, #tpu.memory_space<vmem>> -> memref<1x64xi32, #tpu.memory_space<vmem>>
    %dma_start3A_139 = tpu.memref_squeeze %dma_start3A_138 : memref<1x64xi32, #tpu.memory_space<vmem>> -> memref<64xi32, #tpu.memory_space<vmem>>
    %dma_start3A_140 = arith.constant 0 : i32
    %dma_start3A_141 = arith.constant 0 : i32
    %dma_start3A_142 = tpu.memref_slice %arg8[%dma_start3A_140, %dma_start3A_141] : memref<10016x64xf32, #tpu.memory_space<vmem_shared>> -> memref<10016x64xf32, #tpu.memory_space<vmem_shared>>
    tpu.enqueue_indirect_dma source(%dma_start3A_142 : memref<10016x64xf32, #tpu.memory_space<vmem_shared>>) target(%arg13 : memref<64x64xf32, #tpu.memory_space<vmem>>) offsets(%dma_start3A_139 : memref<64xi32, #tpu.memory_space<vmem>>) semaphore(%arg15 : memref<!tpu.dma_semaphore, #tpu.memory_space<semaphore_mem>>)
    %dma_wait3A_143 = arith.constant 0 : i32
    %dma_wait3A_144 = arith.constant 0 : i32
    %dma_wait3A_145 = tpu.memref_slice %arg2[%dma_wait3A_143, %dma_wait3A_144] : memref<20032x64xf32, #tpu.memory_space<hbm>> -> memref<64x64xf32, #tpu.memory_space<hbm>>
    %dma_wait3A_146 = arith.constant 0 : i32
    %dma_wait3A_147 = arith.constant 0 : i32
    %dma_wait3A_148 = tpu.memref_slice %arg2[%dma_wait3A_146, %dma_wait3A_147] : memref<20032x64xf32, #tpu.memory_space<hbm>> -> memref<64x64xf32, #tpu.memory_space<hbm>>
    tpu.wait_dma2 semaphore(%arg16 : memref<!tpu.dma_semaphore, #tpu.memory_space<semaphore_mem>>) src(%dma_wait3A_148 : memref<64x64xf32, #tpu.memory_space<hbm>>) dst(%arg14 : memref<64x64xf32, #tpu.memory_space<vmem>>)
    %dma_start3A_149 = arith.constant 3 : i32
    %dma_start3A_150 = arith.constant 0 : i32
    %dma_start3A_151 = tpu.memref_slice %arg10[%dma_start3A_149, %dma_start3A_150] : memref<8x64xi32, #tpu.memory_space<vmem>> -> memref<1x64xi32, #tpu.memory_space<vmem>>
    %dma_start3A_152 = tpu.memref_squeeze %dma_start3A_151 : memref<1x64xi32, #tpu.memory_space<vmem>> -> memref<64xi32, #tpu.memory_space<vmem>>
    %dma_start3A_153 = arith.constant 0 : i32
    %dma_start3A_154 = arith.constant 0 : i32
    %dma_start3A_155 = tpu.memref_slice %arg7[%dma_start3A_153, %dma_start3A_154] : memref<20032x64xf32, #tpu.memory_space<vmem_shared>> -> memref<20032x64xf32, #tpu.memory_space<vmem_shared>>
    tpu.enqueue_indirect_dma source(%arg14 : memref<64x64xf32, #tpu.memory_space<vmem>>) target(%dma_start3A_155 : memref<20032x64xf32, #tpu.memory_space<vmem_shared>>) offsets(%dma_start3A_152 : memref<64xi32, #tpu.memory_space<vmem>>) semaphore(%arg20 : memref<!tpu.dma_semaphore, #tpu.memory_space<semaphore_mem>>) {add = true}
    %dma_wait3A_156 = arith.constant 0 : i32
    %dma_wait3A_157 = arith.constant 0 : i32
    %dma_wait3A_158 = tpu.memref_slice %arg2[%dma_wait3A_156, %dma_wait3A_157] : memref<20032x64xf32, #tpu.memory_space<hbm>> -> memref<64x64xf32, #tpu.memory_space<hbm>>
    %dma_wait3A_159 = arith.constant 0 : i32
    %dma_wait3A_160 = arith.constant 0 : i32
    %dma_wait3A_161 = tpu.memref_slice %arg2[%dma_wait3A_159, %dma_wait3A_160] : memref<20032x64xf32, #tpu.memory_space<hbm>> -> memref<64x64xf32, #tpu.memory_space<hbm>>
    tpu.wait_dma2 semaphore(%arg20 : memref<!tpu.dma_semaphore, #tpu.memory_space<semaphore_mem>>) src(%dma_wait3A_161 : memref<64x64xf32, #tpu.memory_space<hbm>>) dst(%arg14 : memref<64x64xf32, #tpu.memory_space<vmem>>)
    %dma_start3A_162 = arith.constant 5 : i32
    %dma_start3A_163 = arith.constant 0 : i32
    %dma_start3A_164 = tpu.memref_slice %arg9[%dma_start3A_162, %dma_start3A_163] : memref<8x64xi32, #tpu.memory_space<vmem>> -> memref<1x64xi32, #tpu.memory_space<vmem>>
    %dma_start3A_165 = tpu.memref_squeeze %dma_start3A_164 : memref<1x64xi32, #tpu.memory_space<vmem>> -> memref<64xi32, #tpu.memory_space<vmem>>
    %dma_start3A_166 = arith.constant 0 : i32
    %dma_start3A_167 = arith.constant 0 : i32
    %dma_start3A_168 = tpu.memref_slice %arg8[%dma_start3A_166, %dma_start3A_167] : memref<10016x64xf32, #tpu.memory_space<vmem_shared>> -> memref<10016x64xf32, #tpu.memory_space<vmem_shared>>
    tpu.enqueue_indirect_dma source(%dma_start3A_168 : memref<10016x64xf32, #tpu.memory_space<vmem_shared>>) target(%arg14 : memref<64x64xf32, #tpu.memory_space<vmem>>) offsets(%dma_start3A_165 : memref<64xi32, #tpu.memory_space<vmem>>) semaphore(%arg16 : memref<!tpu.dma_semaphore, #tpu.memory_space<semaphore_mem>>)
    %dma_wait3A_169 = arith.constant 0 : i32
    %dma_wait3A_170 = arith.constant 0 : i32
    %dma_wait3A_171 = tpu.memref_slice %arg2[%dma_wait3A_169, %dma_wait3A_170] : memref<20032x64xf32, #tpu.memory_space<hbm>> -> memref<64x64xf32, #tpu.memory_space<hbm>>
    %dma_wait3A_172 = arith.constant 0 : i32
    %dma_wait3A_173 = arith.constant 0 : i32
    %dma_wait3A_174 = tpu.memref_slice %arg2[%dma_wait3A_172, %dma_wait3A_173] : memref<20032x64xf32, #tpu.memory_space<hbm>> -> memref<64x64xf32, #tpu.memory_space<hbm>>
    tpu.wait_dma2 semaphore(%arg15 : memref<!tpu.dma_semaphore, #tpu.memory_space<semaphore_mem>>) src(%dma_wait3A_174 : memref<64x64xf32, #tpu.memory_space<hbm>>) dst(%arg13 : memref<64x64xf32, #tpu.memory_space<vmem>>)
    %dma_start3A_175 = arith.constant 4 : i32
    %dma_start3A_176 = arith.constant 0 : i32
    %dma_start3A_177 = tpu.memref_slice %arg10[%dma_start3A_175, %dma_start3A_176] : memref<8x64xi32, #tpu.memory_space<vmem>> -> memref<1x64xi32, #tpu.memory_space<vmem>>
    %dma_start3A_178 = tpu.memref_squeeze %dma_start3A_177 : memref<1x64xi32, #tpu.memory_space<vmem>> -> memref<64xi32, #tpu.memory_space<vmem>>
    %dma_start3A_179 = arith.constant 0 : i32
    %dma_start3A_180 = arith.constant 0 : i32
    %dma_start3A_181 = tpu.memref_slice %arg7[%dma_start3A_179, %dma_start3A_180] : memref<20032x64xf32, #tpu.memory_space<vmem_shared>> -> memref<20032x64xf32, #tpu.memory_space<vmem_shared>>
    tpu.enqueue_indirect_dma source(%arg13 : memref<64x64xf32, #tpu.memory_space<vmem>>) target(%dma_start3A_181 : memref<20032x64xf32, #tpu.memory_space<vmem_shared>>) offsets(%dma_start3A_178 : memref<64xi32, #tpu.memory_space<vmem>>) semaphore(%arg19 : memref<!tpu.dma_semaphore, #tpu.memory_space<semaphore_mem>>) {add = true}
    %dma_wait3A_182 = arith.constant 0 : i32
    %dma_wait3A_183 = arith.constant 0 : i32
    %dma_wait3A_184 = tpu.memref_slice %arg2[%dma_wait3A_182, %dma_wait3A_183] : memref<20032x64xf32, #tpu.memory_space<hbm>> -> memref<64x64xf32, #tpu.memory_space<hbm>>
    %dma_wait3A_185 = arith.constant 0 : i32
    %dma_wait3A_186 = arith.constant 0 : i32
    %dma_wait3A_187 = tpu.memref_slice %arg2[%dma_wait3A_185, %dma_wait3A_186] : memref<20032x64xf32, #tpu.memory_space<hbm>> -> memref<64x64xf32, #tpu.memory_space<hbm>>
    tpu.wait_dma2 semaphore(%arg19 : memref<!tpu.dma_semaphore, #tpu.memory_space<semaphore_mem>>) src(%dma_wait3A_187 : memref<64x64xf32, #tpu.memory_space<hbm>>) dst(%arg13 : memref<64x64xf32, #tpu.memory_space<vmem>>)
    %dma_start3A_188 = arith.constant 6 : i32
    %dma_start3A_189 = arith.constant 0 : i32
    %dma_start3A_190 = tpu.memref_slice %arg9[%dma_start3A_188, %dma_start3A_189] : memref<8x64xi32, #tpu.memory_space<vmem>> -> memref<1x64xi32, #tpu.memory_space<vmem>>
    %dma_start3A_191 = tpu.memref_squeeze %dma_start3A_190 : memref<1x64xi32, #tpu.memory_space<vmem>> -> memref<64xi32, #tpu.memory_space<vmem>>
    %dma_start3A_192 = arith.constant 0 : i32
    %dma_start3A_193 = arith.constant 0 : i32
    %dma_start3A_194 = tpu.memref_slice %arg8[%dma_start3A_192, %dma_start3A_193] : memref<10016x64xf32, #tpu.memory_space<vmem_shared>> -> memref<10016x64xf32, #tpu.memory_space<vmem_shared>>
    tpu.enqueue_indirect_dma source(%dma_start3A_194 : memref<10016x64xf32, #tpu.memory_space<vmem_shared>>) target(%arg13 : memref<64x64xf32, #tpu.memory_space<vmem>>) offsets(%dma_start3A_191 : memref<64xi32, #tpu.memory_space<vmem>>) semaphore(%arg15 : memref<!tpu.dma_semaphore, #tpu.memory_space<semaphore_mem>>)
    %dma_wait3A_195 = arith.constant 0 : i32
    %dma_wait3A_196 = arith.constant 0 : i32
    %dma_wait3A_197 = tpu.memref_slice %arg2[%dma_wait3A_195, %dma_wait3A_196] : memref<20032x64xf32, #tpu.memory_space<hbm>> -> memref<64x64xf32, #tpu.memory_space<hbm>>
    %dma_wait3A_198 = arith.constant 0 : i32
    %dma_wait3A_199 = arith.constant 0 : i32
    %dma_wait3A_200 = tpu.memref_slice %arg2[%dma_wait3A_198, %dma_wait3A_199] : memref<20032x64xf32, #tpu.memory_space<hbm>> -> memref<64x64xf32, #tpu.memory_space<hbm>>
    tpu.wait_dma2 semaphore(%arg16 : memref<!tpu.dma_semaphore, #tpu.memory_space<semaphore_mem>>) src(%dma_wait3A_200 : memref<64x64xf32, #tpu.memory_space<hbm>>) dst(%arg14 : memref<64x64xf32, #tpu.memory_space<vmem>>)
    %dma_start3A_201 = arith.constant 5 : i32
    %dma_start3A_202 = arith.constant 0 : i32
    %dma_start3A_203 = tpu.memref_slice %arg10[%dma_start3A_201, %dma_start3A_202] : memref<8x64xi32, #tpu.memory_space<vmem>> -> memref<1x64xi32, #tpu.memory_space<vmem>>
    %dma_start3A_204 = tpu.memref_squeeze %dma_start3A_203 : memref<1x64xi32, #tpu.memory_space<vmem>> -> memref<64xi32, #tpu.memory_space<vmem>>
    %dma_start3A_205 = arith.constant 0 : i32
    %dma_start3A_206 = arith.constant 0 : i32
    %dma_start3A_207 = tpu.memref_slice %arg7[%dma_start3A_205, %dma_start3A_206] : memref<20032x64xf32, #tpu.memory_space<vmem_shared>> -> memref<20032x64xf32, #tpu.memory_space<vmem_shared>>
    tpu.enqueue_indirect_dma source(%arg14 : memref<64x64xf32, #tpu.memory_space<vmem>>) target(%dma_start3A_207 : memref<20032x64xf32, #tpu.memory_space<vmem_shared>>) offsets(%dma_start3A_204 : memref<64xi32, #tpu.memory_space<vmem>>) semaphore(%arg20 : memref<!tpu.dma_semaphore, #tpu.memory_space<semaphore_mem>>) {add = true}
    %dma_wait3A_208 = arith.constant 0 : i32
    %dma_wait3A_209 = arith.constant 0 : i32
    %dma_wait3A_210 = tpu.memref_slice %arg2[%dma_wait3A_208, %dma_wait3A_209] : memref<20032x64xf32, #tpu.memory_space<hbm>> -> memref<64x64xf32, #tpu.memory_space<hbm>>
    %dma_wait3A_211 = arith.constant 0 : i32
    %dma_wait3A_212 = arith.constant 0 : i32
    %dma_wait3A_213 = tpu.memref_slice %arg2[%dma_wait3A_211, %dma_wait3A_212] : memref<20032x64xf32, #tpu.memory_space<hbm>> -> memref<64x64xf32, #tpu.memory_space<hbm>>
    tpu.wait_dma2 semaphore(%arg20 : memref<!tpu.dma_semaphore, #tpu.memory_space<semaphore_mem>>) src(%dma_wait3A_213 : memref<64x64xf32, #tpu.memory_space<hbm>>) dst(%arg14 : memref<64x64xf32, #tpu.memory_space<vmem>>)
    %dma_start3A_214 = arith.constant 7 : i32
    %dma_start3A_215 = arith.constant 0 : i32
    %dma_start3A_216 = tpu.memref_slice %arg9[%dma_start3A_214, %dma_start3A_215] : memref<8x64xi32, #tpu.memory_space<vmem>> -> memref<1x64xi32, #tpu.memory_space<vmem>>
    %dma_start3A_217 = tpu.memref_squeeze %dma_start3A_216 : memref<1x64xi32, #tpu.memory_space<vmem>> -> memref<64xi32, #tpu.memory_space<vmem>>
    %dma_start3A_218 = arith.constant 0 : i32
    %dma_start3A_219 = arith.constant 0 : i32
    %dma_start3A_220 = tpu.memref_slice %arg8[%dma_start3A_218, %dma_start3A_219] : memref<10016x64xf32, #tpu.memory_space<vmem_shared>> -> memref<10016x64xf32, #tpu.memory_space<vmem_shared>>
    tpu.enqueue_indirect_dma source(%dma_start3A_220 : memref<10016x64xf32, #tpu.memory_space<vmem_shared>>) target(%arg14 : memref<64x64xf32, #tpu.memory_space<vmem>>) offsets(%dma_start3A_217 : memref<64xi32, #tpu.memory_space<vmem>>) semaphore(%arg16 : memref<!tpu.dma_semaphore, #tpu.memory_space<semaphore_mem>>)
    %dma_wait3A_221 = arith.constant 0 : i32
    %dma_wait3A_222 = arith.constant 0 : i32
    %dma_wait3A_223 = tpu.memref_slice %arg2[%dma_wait3A_221, %dma_wait3A_222] : memref<20032x64xf32, #tpu.memory_space<hbm>> -> memref<64x64xf32, #tpu.memory_space<hbm>>
    %dma_wait3A_224 = arith.constant 0 : i32
    %dma_wait3A_225 = arith.constant 0 : i32
    %dma_wait3A_226 = tpu.memref_slice %arg2[%dma_wait3A_224, %dma_wait3A_225] : memref<20032x64xf32, #tpu.memory_space<hbm>> -> memref<64x64xf32, #tpu.memory_space<hbm>>
    tpu.wait_dma2 semaphore(%arg15 : memref<!tpu.dma_semaphore, #tpu.memory_space<semaphore_mem>>) src(%dma_wait3A_226 : memref<64x64xf32, #tpu.memory_space<hbm>>) dst(%arg13 : memref<64x64xf32, #tpu.memory_space<vmem>>)
    %dma_start3A_227 = arith.constant 6 : i32
    %dma_start3A_228 = arith.constant 0 : i32
    %dma_start3A_229 = tpu.memref_slice %arg10[%dma_start3A_227, %dma_start3A_228] : memref<8x64xi32, #tpu.memory_space<vmem>> -> memref<1x64xi32, #tpu.memory_space<vmem>>
    %dma_start3A_230 = tpu.memref_squeeze %dma_start3A_229 : memref<1x64xi32, #tpu.memory_space<vmem>> -> memref<64xi32, #tpu.memory_space<vmem>>
    %dma_start3A_231 = arith.constant 0 : i32
    %dma_start3A_232 = arith.constant 0 : i32
    %dma_start3A_233 = tpu.memref_slice %arg7[%dma_start3A_231, %dma_start3A_232] : memref<20032x64xf32, #tpu.memory_space<vmem_shared>> -> memref<20032x64xf32, #tpu.memory_space<vmem_shared>>
    tpu.enqueue_indirect_dma source(%arg13 : memref<64x64xf32, #tpu.memory_space<vmem>>) target(%dma_start3A_233 : memref<20032x64xf32, #tpu.memory_space<vmem_shared>>) offsets(%dma_start3A_230 : memref<64xi32, #tpu.memory_space<vmem>>) semaphore(%arg19 : memref<!tpu.dma_semaphore, #tpu.memory_space<semaphore_mem>>) {add = true}
    %dma_wait3A_234 = arith.constant 0 : i32
    %dma_wait3A_235 = arith.constant 0 : i32
    %dma_wait3A_236 = tpu.memref_slice %arg2[%dma_wait3A_234, %dma_wait3A_235] : memref<20032x64xf32, #tpu.memory_space<hbm>> -> memref<64x64xf32, #tpu.memory_space<hbm>>
    %dma_wait3A_237 = arith.constant 0 : i32
    %dma_wait3A_238 = arith.constant 0 : i32
    %dma_wait3A_239 = tpu.memref_slice %arg2[%dma_wait3A_237, %dma_wait3A_238] : memref<20032x64xf32, #tpu.memory_space<hbm>> -> memref<64x64xf32, #tpu.memory_space<hbm>>
    tpu.wait_dma2 semaphore(%arg16 : memref<!tpu.dma_semaphore, #tpu.memory_space<semaphore_mem>>) src(%dma_wait3A_239 : memref<64x64xf32, #tpu.memory_space<hbm>>) dst(%arg14 : memref<64x64xf32, #tpu.memory_space<vmem>>)
    %dma_start3A_240 = arith.constant 7 : i32
    %dma_start3A_241 = arith.constant 0 : i32
    %dma_start3A_242 = tpu.memref_slice %arg10[%dma_start3A_240, %dma_start3A_241] : memref<8x64xi32, #tpu.memory_space<vmem>> -> memref<1x64xi32, #tpu.memory_space<vmem>>
    %dma_start3A_243 = tpu.memref_squeeze %dma_start3A_242 : memref<1x64xi32, #tpu.memory_space<vmem>> -> memref<64xi32, #tpu.memory_space<vmem>>
    %dma_start3A_244 = arith.constant 0 : i32
    %dma_start3A_245 = arith.constant 0 : i32
    %dma_start3A_246 = tpu.memref_slice %arg7[%dma_start3A_244, %dma_start3A_245] : memref<20032x64xf32, #tpu.memory_space<vmem_shared>> -> memref<20032x64xf32, #tpu.memory_space<vmem_shared>>
    tpu.enqueue_indirect_dma source(%arg14 : memref<64x64xf32, #tpu.memory_space<vmem>>) target(%dma_start3A_246 : memref<20032x64xf32, #tpu.memory_space<vmem_shared>>) offsets(%dma_start3A_243 : memref<64xi32, #tpu.memory_space<vmem>>) semaphore(%arg20 : memref<!tpu.dma_semaphore, #tpu.memory_space<semaphore_mem>>) {add = true}
    %dma_wait3A_247 = arith.constant 0 : i32
    %dma_wait3A_248 = arith.constant 0 : i32
    %dma_wait3A_249 = tpu.memref_slice %arg2[%dma_wait3A_247, %dma_wait3A_248] : memref<20032x64xf32, #tpu.memory_space<hbm>> -> memref<64x64xf32, #tpu.memory_space<hbm>>
    %dma_wait3A_250 = arith.constant 0 : i32
    %dma_wait3A_251 = arith.constant 0 : i32
    %dma_wait3A_252 = tpu.memref_slice %arg2[%dma_wait3A_250, %dma_wait3A_251] : memref<20032x64xf32, #tpu.memory_space<hbm>> -> memref<64x64xf32, #tpu.memory_space<hbm>>
    tpu.wait_dma2 semaphore(%arg19 : memref<!tpu.dma_semaphore, #tpu.memory_space<semaphore_mem>>) src(%dma_wait3A_252 : memref<64x64xf32, #tpu.memory_space<hbm>>) dst(%arg13 : memref<64x64xf32, #tpu.memory_space<vmem>>)
    %scan3A = arith.constant 0 : i32
    %scan3A_253 = arith.constant 19 : i32
    %scan3A_254 = arith.addi %scan3A, %scan3A_253 : i32
    %scan3A_255 = arith.constant 1 : i32
    scf.for %scan3A_520 = %scan3A to %scan3A_254 step %scan3A_255  : i32 {
      %mul3A_521 = arith.constant 1 : i32
      %mul3A_522 = arith.muli %scan3A_520, %mul3A_521 : i32
      %add3A_523 = arith.constant 0 : i32
      %add3A_524 = arith.addi %add3A_523, %mul3A_522 : i32
      %mul3A_525 = arith.constant 2 : i32
      %mul3A_526 = arith.muli %mul3A_525, %add3A_524 : i32
      %add3A_527 = arith.constant 1 : i32
      %add3A_528 = arith.addi %mul3A_526, %add3A_527 : i32
      %dma_wait3A_529 = arith.constant 0 : i32
      %dma_wait3A_530 = arith.constant 0 : i32
      %dma_wait3A_531 = tpu.memref_slice %arg3[%arg1, %dma_wait3A_529, %dma_wait3A_530] : memref<16x320x64xi32, #tpu.memory_space<hbm>> -> memref<1x8x64xi32, #tpu.memory_space<hbm>>
      %dma_wait3A_532 = tpu.memref_squeeze %dma_wait3A_531 : memref<1x8x64xi32, #tpu.memory_space<hbm>> -> memref<8x64xi32, #tpu.memory_space<hbm>>
      %dma_wait3A_533 = arith.constant 0 : i32
      %dma_wait3A_534 = arith.constant 0 : i32
      %dma_wait3A_535 = tpu.memref_slice %arg3[%arg1, %dma_wait3A_533, %dma_wait3A_534] : memref<16x320x64xi32, #tpu.memory_space<hbm>> -> memref<1x8x64xi32, #tpu.memory_space<hbm>>
      %dma_wait3A_536 = tpu.memref_squeeze %dma_wait3A_535 : memref<1x8x64xi32, #tpu.memory_space<hbm>> -> memref<8x64xi32, #tpu.memory_space<hbm>>
      tpu.wait_dma2 semaphore(%arg18 : memref<!tpu.dma_semaphore, #tpu.memory_space<semaphore_mem>>) src(%dma_wait3A_536 : memref<8x64xi32, #tpu.memory_space<hbm>>) dst(%arg11 : memref<8x64xi32, #tpu.memory_space<vmem>>)
      %dma_wait3A_537 = arith.constant 0 : i32
      %dma_wait3A_538 = arith.constant 0 : i32
      %dma_wait3A_539 = tpu.memref_slice %arg3[%arg1, %dma_wait3A_537, %dma_wait3A_538] : memref<16x320x64xi32, #tpu.memory_space<hbm>> -> memref<1x8x64xi32, #tpu.memory_space<hbm>>
      %dma_wait3A_540 = tpu.memref_squeeze %dma_wait3A_539 : memref<1x8x64xi32, #tpu.memory_space<hbm>> -> memref<8x64xi32, #tpu.memory_space<hbm>>
      %dma_wait3A_541 = arith.constant 0 : i32
      %dma_wait3A_542 = arith.constant 0 : i32
      %dma_wait3A_543 = tpu.memref_slice %arg3[%arg1, %dma_wait3A_541, %dma_wait3A_542] : memref<16x320x64xi32, #tpu.memory_space<hbm>> -> memref<1x8x64xi32, #tpu.memory_space<hbm>>
      %dma_wait3A_544 = tpu.memref_squeeze %dma_wait3A_543 : memref<1x8x64xi32, #tpu.memory_space<hbm>> -> memref<8x64xi32, #tpu.memory_space<hbm>>
      tpu.wait_dma2 semaphore(%arg18 : memref<!tpu.dma_semaphore, #tpu.memory_space<semaphore_mem>>) src(%dma_wait3A_544 : memref<8x64xi32, #tpu.memory_space<hbm>>) dst(%arg12 : memref<8x64xi32, #tpu.memory_space<vmem>>)
      %add3A_545 = arith.constant 1 : i32
      %add3A_546 = arith.addi %add3A_528, %add3A_545 : i32
      %lt3A_547 = arith.constant 40 : i32
      %lt3A_548 = arith.cmpi slt, %add3A_546, %lt3A_547 : i32
      %convert_element_type3A = arith.extui %lt3A_548 : i1 to i32
      %cond3A = arith.constant 0 : i32
      %cond3A_549 = arith.cmpi ne, %convert_element_type3A, %cond3A : i32
      scf.if %cond3A_549 {
        %add3A_993 = arith.constant 1 : i32
        %add3A_994 = arith.addi %add3A_528, %add3A_993 : i32
        %mul3A_995 = arith.constant 8 : i32
        %mul3A_996 = arith.muli %add3A_994, %mul3A_995 : i32
        %dma_start3A_997 = arith.constant 0 : i32
        %dma_start3A_998 = tpu.memref_slice %arg3[%arg1, %mul3A_996, %dma_start3A_997] : memref<16x320x64xi32, #tpu.memory_space<hbm>> -> memref<1x8x64xi32, #tpu.memory_space<hbm>>
        %dma_start3A_999 = tpu.memref_squeeze %dma_start3A_998 : memref<1x8x64xi32, #tpu.memory_space<hbm>> -> memref<8x64xi32, #tpu.memory_space<hbm>>
        %dma_start3A_1000 = arith.constant 0 : i32
        %dma_start3A_1001 = tpu.memref_slice %arg3[%arg1, %mul3A_996, %dma_start3A_1000] : memref<16x320x64xi32, #tpu.memory_space<hbm>> -> memref<1x8x64xi32, #tpu.memory_space<hbm>>
        %dma_start3A_1002 = tpu.memref_squeeze %dma_start3A_1001 : memref<1x8x64xi32, #tpu.memory_space<hbm>> -> memref<8x64xi32, #tpu.memory_space<hbm>>
        tpu.enqueue_dma source(%dma_start3A_1002 : memref<8x64xi32, #tpu.memory_space<hbm>>) target(%arg9 : memref<8x64xi32, #tpu.memory_space<vmem>>) target_semaphore(%arg17 : memref<!tpu.dma_semaphore, #tpu.memory_space<semaphore_mem>>)
        %dma_start3A_1003 = arith.constant 0 : i32
        %dma_start3A_1004 = tpu.memref_slice %arg4[%arg1, %mul3A_996, %dma_start3A_1003] : memref<16x320x64xi32, #tpu.memory_space<hbm>> -> memref<1x8x64xi32, #tpu.memory_space<hbm>>
        %dma_start3A_1005 = tpu.memref_squeeze %dma_start3A_1004 : memref<1x8x64xi32, #tpu.memory_space<hbm>> -> memref<8x64xi32, #tpu.memory_space<hbm>>
        %dma_start3A_1006 = arith.constant 0 : i32
        %dma_start3A_1007 = tpu.memref_slice %arg4[%arg1, %mul3A_996, %dma_start3A_1006] : memref<16x320x64xi32, #tpu.memory_space<hbm>> -> memref<1x8x64xi32, #tpu.memory_space<hbm>>
        %dma_start3A_1008 = tpu.memref_squeeze %dma_start3A_1007 : memref<1x8x64xi32, #tpu.memory_space<hbm>> -> memref<8x64xi32, #tpu.memory_space<hbm>>
        tpu.enqueue_dma source(%dma_start3A_1008 : memref<8x64xi32, #tpu.memory_space<hbm>>) target(%arg10 : memref<8x64xi32, #tpu.memory_space<vmem>>) target_semaphore(%arg17 : memref<!tpu.dma_semaphore, #tpu.memory_space<semaphore_mem>>)
      } else {
      }
      %dma_start3A_550 = arith.constant 0 : i32
      %dma_start3A_551 = arith.constant 0 : i32
      %dma_start3A_552 = tpu.memref_slice %arg11[%dma_start3A_550, %dma_start3A_551] : memref<8x64xi32, #tpu.memory_space<vmem>> -> memref<1x64xi32, #tpu.memory_space<vmem>>
      %dma_start3A_553 = tpu.memref_squeeze %dma_start3A_552 : memref<1x64xi32, #tpu.memory_space<vmem>> -> memref<64xi32, #tpu.memory_space<vmem>>
      %dma_start3A_554 = arith.constant 0 : i32
      %dma_start3A_555 = arith.constant 0 : i32
      %dma_start3A_556 = tpu.memref_slice %arg8[%dma_start3A_554, %dma_start3A_555] : memref<10016x64xf32, #tpu.memory_space<vmem_shared>> -> memref<10016x64xf32, #tpu.memory_space<vmem_shared>>
      tpu.enqueue_indirect_dma source(%dma_start3A_556 : memref<10016x64xf32, #tpu.memory_space<vmem_shared>>) target(%arg13 : memref<64x64xf32, #tpu.memory_space<vmem>>) offsets(%dma_start3A_553 : memref<64xi32, #tpu.memory_space<vmem>>) semaphore(%arg15 : memref<!tpu.dma_semaphore, #tpu.memory_space<semaphore_mem>>)
      %dma_wait3A_557 = arith.constant 0 : i32
      %dma_wait3A_558 = arith.constant 0 : i32
      %dma_wait3A_559 = tpu.memref_slice %arg2[%dma_wait3A_557, %dma_wait3A_558] : memref<20032x64xf32, #tpu.memory_space<hbm>> -> memref<64x64xf32, #tpu.memory_space<hbm>>
      %dma_wait3A_560 = arith.constant 0 : i32
      %dma_wait3A_561 = arith.constant 0 : i32
      %dma_wait3A_562 = tpu.memref_slice %arg2[%dma_wait3A_560, %dma_wait3A_561] : memref<20032x64xf32, #tpu.memory_space<hbm>> -> memref<64x64xf32, #tpu.memory_space<hbm>>
      tpu.wait_dma2 semaphore(%arg20 : memref<!tpu.dma_semaphore, #tpu.memory_space<semaphore_mem>>) src(%dma_wait3A_562 : memref<64x64xf32, #tpu.memory_space<hbm>>) dst(%arg14 : memref<64x64xf32, #tpu.memory_space<vmem>>)
      %dma_start3A_563 = arith.constant 1 : i32
      %dma_start3A_564 = arith.constant 0 : i32
      %dma_start3A_565 = tpu.memref_slice %arg11[%dma_start3A_563, %dma_start3A_564] : memref<8x64xi32, #tpu.memory_space<vmem>> -> memref<1x64xi32, #tpu.memory_space<vmem>>
      %dma_start3A_566 = tpu.memref_squeeze %dma_start3A_565 : memref<1x64xi32, #tpu.memory_space<vmem>> -> memref<64xi32, #tpu.memory_space<vmem>>
      %dma_start3A_567 = arith.constant 0 : i32
      %dma_start3A_568 = arith.constant 0 : i32
      %dma_start3A_569 = tpu.memref_slice %arg8[%dma_start3A_567, %dma_start3A_568] : memref<10016x64xf32, #tpu.memory_space<vmem_shared>> -> memref<10016x64xf32, #tpu.memory_space<vmem_shared>>
      tpu.enqueue_indirect_dma source(%dma_start3A_569 : memref<10016x64xf32, #tpu.memory_space<vmem_shared>>) target(%arg14 : memref<64x64xf32, #tpu.memory_space<vmem>>) offsets(%dma_start3A_566 : memref<64xi32, #tpu.memory_space<vmem>>) semaphore(%arg16 : memref<!tpu.dma_semaphore, #tpu.memory_space<semaphore_mem>>)
      %dma_wait3A_570 = arith.constant 0 : i32
      %dma_wait3A_571 = arith.constant 0 : i32
      %dma_wait3A_572 = tpu.memref_slice %arg2[%dma_wait3A_570, %dma_wait3A_571] : memref<20032x64xf32, #tpu.memory_space<hbm>> -> memref<64x64xf32, #tpu.memory_space<hbm>>
      %dma_wait3A_573 = arith.constant 0 : i32
      %dma_wait3A_574 = arith.constant 0 : i32
      %dma_wait3A_575 = tpu.memref_slice %arg2[%dma_wait3A_573, %dma_wait3A_574] : memref<20032x64xf32, #tpu.memory_space<hbm>> -> memref<64x64xf32, #tpu.memory_space<hbm>>
      tpu.wait_dma2 semaphore(%arg15 : memref<!tpu.dma_semaphore, #tpu.memory_space<semaphore_mem>>) src(%dma_wait3A_575 : memref<64x64xf32, #tpu.memory_space<hbm>>) dst(%arg13 : memref<64x64xf32, #tpu.memory_space<vmem>>)
      %dma_start3A_576 = arith.constant 0 : i32
      %dma_start3A_577 = arith.constant 0 : i32
      %dma_start3A_578 = tpu.memref_slice %arg12[%dma_start3A_576, %dma_start3A_577] : memref<8x64xi32, #tpu.memory_space<vmem>> -> memref<1x64xi32, #tpu.memory_space<vmem>>
      %dma_start3A_579 = tpu.memref_squeeze %dma_start3A_578 : memref<1x64xi32, #tpu.memory_space<vmem>> -> memref<64xi32, #tpu.memory_space<vmem>>
      %dma_start3A_580 = arith.constant 0 : i32
      %dma_start3A_581 = arith.constant 0 : i32
      %dma_start3A_582 = tpu.memref_slice %arg7[%dma_start3A_580, %dma_start3A_581] : memref<20032x64xf32, #tpu.memory_space<vmem_shared>> -> memref<20032x64xf32, #tpu.memory_space<vmem_shared>>
      tpu.enqueue_indirect_dma source(%arg13 : memref<64x64xf32, #tpu.memory_space<vmem>>) target(%dma_start3A_582 : memref<20032x64xf32, #tpu.memory_space<vmem_shared>>) offsets(%dma_start3A_579 : memref<64xi32, #tpu.memory_space<vmem>>) semaphore(%arg19 : memref<!tpu.dma_semaphore, #tpu.memory_space<semaphore_mem>>) {add = true}
      %dma_wait3A_583 = arith.constant 0 : i32
      %dma_wait3A_584 = arith.constant 0 : i32
      %dma_wait3A_585 = tpu.memref_slice %arg2[%dma_wait3A_583, %dma_wait3A_584] : memref<20032x64xf32, #tpu.memory_space<hbm>> -> memref<64x64xf32, #tpu.memory_space<hbm>>
      %dma_wait3A_586 = arith.constant 0 : i32
      %dma_wait3A_587 = arith.constant 0 : i32
      %dma_wait3A_588 = tpu.memref_slice %arg2[%dma_wait3A_586, %dma_wait3A_587] : memref<20032x64xf32, #tpu.memory_space<hbm>> -> memref<64x64xf32, #tpu.memory_space<hbm>>
      tpu.wait_dma2 semaphore(%arg19 : memref<!tpu.dma_semaphore, #tpu.memory_space<semaphore_mem>>) src(%dma_wait3A_588 : memref<64x64xf32, #tpu.memory_space<hbm>>) dst(%arg13 : memref<64x64xf32, #tpu.memory_space<vmem>>)
      %dma_start3A_589 = arith.constant 2 : i32
      %dma_start3A_590 = arith.constant 0 : i32
      %dma_start3A_591 = tpu.memref_slice %arg11[%dma_start3A_589, %dma_start3A_590] : memref<8x64xi32, #tpu.memory_space<vmem>> -> memref<1x64xi32, #tpu.memory_space<vmem>>
      %dma_start3A_592 = tpu.memref_squeeze %dma_start3A_591 : memref<1x64xi32, #tpu.memory_space<vmem>> -> memref<64xi32, #tpu.memory_space<vmem>>
      %dma_start3A_593 = arith.constant 0 : i32
      %dma_start3A_594 = arith.constant 0 : i32
      %dma_start3A_595 = tpu.memref_slice %arg8[%dma_start3A_593, %dma_start3A_594] : memref<10016x64xf32, #tpu.memory_space<vmem_shared>> -> memref<10016x64xf32, #tpu.memory_space<vmem_shared>>
      tpu.enqueue_indirect_dma source(%dma_start3A_595 : memref<10016x64xf32, #tpu.memory_space<vmem_shared>>) target(%arg13 : memref<64x64xf32, #tpu.memory_space<vmem>>) offsets(%dma_start3A_592 : memref<64xi32, #tpu.memory_space<vmem>>) semaphore(%arg15 : memref<!tpu.dma_semaphore, #tpu.memory_space<semaphore_mem>>)
      %dma_wait3A_596 = arith.constant 0 : i32
      %dma_wait3A_597 = arith.constant 0 : i32
      %dma_wait3A_598 = tpu.memref_slice %arg2[%dma_wait3A_596, %dma_wait3A_597] : memref<20032x64xf32, #tpu.memory_space<hbm>> -> memref<64x64xf32, #tpu.memory_space<hbm>>
      %dma_wait3A_599 = arith.constant 0 : i32
      %dma_wait3A_600 = arith.constant 0 : i32
      %dma_wait3A_601 = tpu.memref_slice %arg2[%dma_wait3A_599, %dma_wait3A_600] : memref<20032x64xf32, #tpu.memory_space<hbm>> -> memref<64x64xf32, #tpu.memory_space<hbm>>
      tpu.wait_dma2 semaphore(%arg16 : memref<!tpu.dma_semaphore, #tpu.memory_space<semaphore_mem>>) src(%dma_wait3A_601 : memref<64x64xf32, #tpu.memory_space<hbm>>) dst(%arg14 : memref<64x64xf32, #tpu.memory_space<vmem>>)
      %dma_start3A_602 = arith.constant 1 : i32
      %dma_start3A_603 = arith.constant 0 : i32
      %dma_start3A_604 = tpu.memref_slice %arg12[%dma_start3A_602, %dma_start3A_603] : memref<8x64xi32, #tpu.memory_space<vmem>> -> memref<1x64xi32, #tpu.memory_space<vmem>>
      %dma_start3A_605 = tpu.memref_squeeze %dma_start3A_604 : memref<1x64xi32, #tpu.memory_space<vmem>> -> memref<64xi32, #tpu.memory_space<vmem>>
      %dma_start3A_606 = arith.constant 0 : i32
      %dma_start3A_607 = arith.constant 0 : i32
      %dma_start3A_608 = tpu.memref_slice %arg7[%dma_start3A_606, %dma_start3A_607] : memref<20032x64xf32, #tpu.memory_space<vmem_shared>> -> memref<20032x64xf32, #tpu.memory_space<vmem_shared>>
      tpu.enqueue_indirect_dma source(%arg14 : memref<64x64xf32, #tpu.memory_space<vmem>>) target(%dma_start3A_608 : memref<20032x64xf32, #tpu.memory_space<vmem_shared>>) offsets(%dma_start3A_605 : memref<64xi32, #tpu.memory_space<vmem>>) semaphore(%arg20 : memref<!tpu.dma_semaphore, #tpu.memory_space<semaphore_mem>>) {add = true}
      %dma_wait3A_609 = arith.constant 0 : i32
      %dma_wait3A_610 = arith.constant 0 : i32
      %dma_wait3A_611 = tpu.memref_slice %arg2[%dma_wait3A_609, %dma_wait3A_610] : memref<20032x64xf32, #tpu.memory_space<hbm>> -> memref<64x64xf32, #tpu.memory_space<hbm>>
      %dma_wait3A_612 = arith.constant 0 : i32
      %dma_wait3A_613 = arith.constant 0 : i32
      %dma_wait3A_614 = tpu.memref_slice %arg2[%dma_wait3A_612, %dma_wait3A_613] : memref<20032x64xf32, #tpu.memory_space<hbm>> -> memref<64x64xf32, #tpu.memory_space<hbm>>
      tpu.wait_dma2 semaphore(%arg20 : memref<!tpu.dma_semaphore, #tpu.memory_space<semaphore_mem>>) src(%dma_wait3A_614 : memref<64x64xf32, #tpu.memory_space<hbm>>) dst(%arg14 : memref<64x64xf32, #tpu.memory_space<vmem>>)
      %dma_start3A_615 = arith.constant 3 : i32
      %dma_start3A_616 = arith.constant 0 : i32
      %dma_start3A_617 = tpu.memref_slice %arg11[%dma_start3A_615, %dma_start3A_616] : memref<8x64xi32, #tpu.memory_space<vmem>> -> memref<1x64xi32, #tpu.memory_space<vmem>>
      %dma_start3A_618 = tpu.memref_squeeze %dma_start3A_617 : memref<1x64xi32, #tpu.memory_space<vmem>> -> memref<64xi32, #tpu.memory_space<vmem>>
      %dma_start3A_619 = arith.constant 0 : i32
      %dma_start3A_620 = arith.constant 0 : i32
      %dma_start3A_621 = tpu.memref_slice %arg8[%dma_start3A_619, %dma_start3A_620] : memref<10016x64xf32, #tpu.memory_space<vmem_shared>> -> memref<10016x64xf32, #tpu.memory_space<vmem_shared>>
      tpu.enqueue_indirect_dma source(%dma_start3A_621 : memref<10016x64xf32, #tpu.memory_space<vmem_shared>>) target(%arg14 : memref<64x64xf32, #tpu.memory_space<vmem>>) offsets(%dma_start3A_618 : memref<64xi32, #tpu.memory_space<vmem>>) semaphore(%arg16 : memref<!tpu.dma_semaphore, #tpu.memory_space<semaphore_mem>>)
      %dma_wait3A_622 = arith.constant 0 : i32
      %dma_wait3A_623 = arith.constant 0 : i32
      %dma_wait3A_624 = tpu.memref_slice %arg2[%dma_wait3A_622, %dma_wait3A_623] : memref<20032x64xf32, #tpu.memory_space<hbm>> -> memref<64x64xf32, #tpu.memory_space<hbm>>
      %dma_wait3A_625 = arith.constant 0 : i32
      %dma_wait3A_626 = arith.constant 0 : i32
      %dma_wait3A_627 = tpu.memref_slice %arg2[%dma_wait3A_625, %dma_wait3A_626] : memref<20032x64xf32, #tpu.memory_space<hbm>> -> memref<64x64xf32, #tpu.memory_space<hbm>>
      tpu.wait_dma2 semaphore(%arg15 : memref<!tpu.dma_semaphore, #tpu.memory_space<semaphore_mem>>) src(%dma_wait3A_627 : memref<64x64xf32, #tpu.memory_space<hbm>>) dst(%arg13 : memref<64x64xf32, #tpu.memory_space<vmem>>)
      %dma_start3A_628 = arith.constant 2 : i32
      %dma_start3A_629 = arith.constant 0 : i32
      %dma_start3A_630 = tpu.memref_slice %arg12[%dma_start3A_628, %dma_start3A_629] : memref<8x64xi32, #tpu.memory_space<vmem>> -> memref<1x64xi32, #tpu.memory_space<vmem>>
      %dma_start3A_631 = tpu.memref_squeeze %dma_start3A_630 : memref<1x64xi32, #tpu.memory_space<vmem>> -> memref<64xi32, #tpu.memory_space<vmem>>
      %dma_start3A_632 = arith.constant 0 : i32
      %dma_start3A_633 = arith.constant 0 : i32
      %dma_start3A_634 = tpu.memref_slice %arg7[%dma_start3A_632, %dma_start3A_633] : memref<20032x64xf32, #tpu.memory_space<vmem_shared>> -> memref<20032x64xf32, #tpu.memory_space<vmem_shared>>
      tpu.enqueue_indirect_dma source(%arg13 : memref<64x64xf32, #tpu.memory_space<vmem>>) target(%dma_start3A_634 : memref<20032x64xf32, #tpu.memory_space<vmem_shared>>) offsets(%dma_start3A_631 : memref<64xi32, #tpu.memory_space<vmem>>) semaphore(%arg19 : memref<!tpu.dma_semaphore, #tpu.memory_space<semaphore_mem>>) {add = true}
      %dma_wait3A_635 = arith.constant 0 : i32
      %dma_wait3A_636 = arith.constant 0 : i32
      %dma_wait3A_637 = tpu.memref_slice %arg2[%dma_wait3A_635, %dma_wait3A_636] : memref<20032x64xf32, #tpu.memory_space<hbm>> -> memref<64x64xf32, #tpu.memory_space<hbm>>
      %dma_wait3A_638 = arith.constant 0 : i32
      %dma_wait3A_639 = arith.constant 0 : i32
      %dma_wait3A_640 = tpu.memref_slice %arg2[%dma_wait3A_638, %dma_wait3A_639] : memref<20032x64xf32, #tpu.memory_space<hbm>> -> memref<64x64xf32, #tpu.memory_space<hbm>>
      tpu.wait_dma2 semaphore(%arg19 : memref<!tpu.dma_semaphore, #tpu.memory_space<semaphore_mem>>) src(%dma_wait3A_640 : memref<64x64xf32, #tpu.memory_space<hbm>>) dst(%arg13 : memref<64x64xf32, #tpu.memory_space<vmem>>)
      %dma_start3A_641 = arith.constant 4 : i32
      %dma_start3A_642 = arith.constant 0 : i32
      %dma_start3A_643 = tpu.memref_slice %arg11[%dma_start3A_641, %dma_start3A_642] : memref<8x64xi32, #tpu.memory_space<vmem>> -> memref<1x64xi32, #tpu.memory_space<vmem>>
      %dma_start3A_644 = tpu.memref_squeeze %dma_start3A_643 : memref<1x64xi32, #tpu.memory_space<vmem>> -> memref<64xi32, #tpu.memory_space<vmem>>
      %dma_start3A_645 = arith.constant 0 : i32
      %dma_start3A_646 = arith.constant 0 : i32
      %dma_start3A_647 = tpu.memref_slice %arg8[%dma_start3A_645, %dma_start3A_646] : memref<10016x64xf32, #tpu.memory_space<vmem_shared>> -> memref<10016x64xf32, #tpu.memory_space<vmem_shared>>
      tpu.enqueue_indirect_dma source(%dma_start3A_647 : memref<10016x64xf32, #tpu.memory_space<vmem_shared>>) target(%arg13 : memref<64x64xf32, #tpu.memory_space<vmem>>) offsets(%dma_start3A_644 : memref<64xi32, #tpu.memory_space<vmem>>) semaphore(%arg15 : memref<!tpu.dma_semaphore, #tpu.memory_space<semaphore_mem>>)
      %dma_wait3A_648 = arith.constant 0 : i32
      %dma_wait3A_649 = arith.constant 0 : i32
      %dma_wait3A_650 = tpu.memref_slice %arg2[%dma_wait3A_648, %dma_wait3A_649] : memref<20032x64xf32, #tpu.memory_space<hbm>> -> memref<64x64xf32, #tpu.memory_space<hbm>>
      %dma_wait3A_651 = arith.constant 0 : i32
      %dma_wait3A_652 = arith.constant 0 : i32
      %dma_wait3A_653 = tpu.memref_slice %arg2[%dma_wait3A_651, %dma_wait3A_652] : memref<20032x64xf32, #tpu.memory_space<hbm>> -> memref<64x64xf32, #tpu.memory_space<hbm>>
      tpu.wait_dma2 semaphore(%arg16 : memref<!tpu.dma_semaphore, #tpu.memory_space<semaphore_mem>>) src(%dma_wait3A_653 : memref<64x64xf32, #tpu.memory_space<hbm>>) dst(%arg14 : memref<64x64xf32, #tpu.memory_space<vmem>>)
      %dma_start3A_654 = arith.constant 3 : i32
      %dma_start3A_655 = arith.constant 0 : i32
      %dma_start3A_656 = tpu.memref_slice %arg12[%dma_start3A_654, %dma_start3A_655] : memref<8x64xi32, #tpu.memory_space<vmem>> -> memref<1x64xi32, #tpu.memory_space<vmem>>
      %dma_start3A_657 = tpu.memref_squeeze %dma_start3A_656 : memref<1x64xi32, #tpu.memory_space<vmem>> -> memref<64xi32, #tpu.memory_space<vmem>>
      %dma_start3A_658 = arith.constant 0 : i32
      %dma_start3A_659 = arith.constant 0 : i32
      %dma_start3A_660 = tpu.memref_slice %arg7[%dma_start3A_658, %dma_start3A_659] : memref<20032x64xf32, #tpu.memory_space<vmem_shared>> -> memref<20032x64xf32, #tpu.memory_space<vmem_shared>>
      tpu.enqueue_indirect_dma source(%arg14 : memref<64x64xf32, #tpu.memory_space<vmem>>) target(%dma_start3A_660 : memref<20032x64xf32, #tpu.memory_space<vmem_shared>>) offsets(%dma_start3A_657 : memref<64xi32, #tpu.memory_space<vmem>>) semaphore(%arg20 : memref<!tpu.dma_semaphore, #tpu.memory_space<semaphore_mem>>) {add = true}
      %dma_wait3A_661 = arith.constant 0 : i32
      %dma_wait3A_662 = arith.constant 0 : i32
      %dma_wait3A_663 = tpu.memref_slice %arg2[%dma_wait3A_661, %dma_wait3A_662] : memref<20032x64xf32, #tpu.memory_space<hbm>> -> memref<64x64xf32, #tpu.memory_space<hbm>>
      %dma_wait3A_664 = arith.constant 0 : i32
      %dma_wait3A_665 = arith.constant 0 : i32
      %dma_wait3A_666 = tpu.memref_slice %arg2[%dma_wait3A_664, %dma_wait3A_665] : memref<20032x64xf32, #tpu.memory_space<hbm>> -> memref<64x64xf32, #tpu.memory_space<hbm>>
      tpu.wait_dma2 semaphore(%arg20 : memref<!tpu.dma_semaphore, #tpu.memory_space<semaphore_mem>>) src(%dma_wait3A_666 : memref<64x64xf32, #tpu.memory_space<hbm>>) dst(%arg14 : memref<64x64xf32, #tpu.memory_space<vmem>>)
      %dma_start3A_667 = arith.constant 5 : i32
      %dma_start3A_668 = arith.constant 0 : i32
      %dma_start3A_669 = tpu.memref_slice %arg11[%dma_start3A_667, %dma_start3A_668] : memref<8x64xi32, #tpu.memory_space<vmem>> -> memref<1x64xi32, #tpu.memory_space<vmem>>
      %dma_start3A_670 = tpu.memref_squeeze %dma_start3A_669 : memref<1x64xi32, #tpu.memory_space<vmem>> -> memref<64xi32, #tpu.memory_space<vmem>>
      %dma_start3A_671 = arith.constant 0 : i32
      %dma_start3A_672 = arith.constant 0 : i32
      %dma_start3A_673 = tpu.memref_slice %arg8[%dma_start3A_671, %dma_start3A_672] : memref<10016x64xf32, #tpu.memory_space<vmem_shared>> -> memref<10016x64xf32, #tpu.memory_space<vmem_shared>>
      tpu.enqueue_indirect_dma source(%dma_start3A_673 : memref<10016x64xf32, #tpu.memory_space<vmem_shared>>) target(%arg14 : memref<64x64xf32, #tpu.memory_space<vmem>>) offsets(%dma_start3A_670 : memref<64xi32, #tpu.memory_space<vmem>>) semaphore(%arg16 : memref<!tpu.dma_semaphore, #tpu.memory_space<semaphore_mem>>)
      %dma_wait3A_674 = arith.constant 0 : i32
      %dma_wait3A_675 = arith.constant 0 : i32
      %dma_wait3A_676 = tpu.memref_slice %arg2[%dma_wait3A_674, %dma_wait3A_675] : memref<20032x64xf32, #tpu.memory_space<hbm>> -> memref<64x64xf32, #tpu.memory_space<hbm>>
      %dma_wait3A_677 = arith.constant 0 : i32
      %dma_wait3A_678 = arith.constant 0 : i32
      %dma_wait3A_679 = tpu.memref_slice %arg2[%dma_wait3A_677, %dma_wait3A_678] : memref<20032x64xf32, #tpu.memory_space<hbm>> -> memref<64x64xf32, #tpu.memory_space<hbm>>
      tpu.wait_dma2 semaphore(%arg15 : memref<!tpu.dma_semaphore, #tpu.memory_space<semaphore_mem>>) src(%dma_wait3A_679 : memref<64x64xf32, #tpu.memory_space<hbm>>) dst(%arg13 : memref<64x64xf32, #tpu.memory_space<vmem>>)
      %dma_start3A_680 = arith.constant 4 : i32
      %dma_start3A_681 = arith.constant 0 : i32
      %dma_start3A_682 = tpu.memref_slice %arg12[%dma_start3A_680, %dma_start3A_681] : memref<8x64xi32, #tpu.memory_space<vmem>> -> memref<1x64xi32, #tpu.memory_space<vmem>>
      %dma_start3A_683 = tpu.memref_squeeze %dma_start3A_682 : memref<1x64xi32, #tpu.memory_space<vmem>> -> memref<64xi32, #tpu.memory_space<vmem>>
      %dma_start3A_684 = arith.constant 0 : i32
      %dma_start3A_685 = arith.constant 0 : i32
      %dma_start3A_686 = tpu.memref_slice %arg7[%dma_start3A_684, %dma_start3A_685] : memref<20032x64xf32, #tpu.memory_space<vmem_shared>> -> memref<20032x64xf32, #tpu.memory_space<vmem_shared>>
      tpu.enqueue_indirect_dma source(%arg13 : memref<64x64xf32, #tpu.memory_space<vmem>>) target(%dma_start3A_686 : memref<20032x64xf32, #tpu.memory_space<vmem_shared>>) offsets(%dma_start3A_683 : memref<64xi32, #tpu.memory_space<vmem>>) semaphore(%arg19 : memref<!tpu.dma_semaphore, #tpu.memory_space<semaphore_mem>>) {add = true}
      %dma_wait3A_687 = arith.constant 0 : i32
      %dma_wait3A_688 = arith.constant 0 : i32
      %dma_wait3A_689 = tpu.memref_slice %arg2[%dma_wait3A_687, %dma_wait3A_688] : memref<20032x64xf32, #tpu.memory_space<hbm>> -> memref<64x64xf32, #tpu.memory_space<hbm>>
      %dma_wait3A_690 = arith.constant 0 : i32
      %dma_wait3A_691 = arith.constant 0 : i32
      %dma_wait3A_692 = tpu.memref_slice %arg2[%dma_wait3A_690, %dma_wait3A_691] : memref<20032x64xf32, #tpu.memory_space<hbm>> -> memref<64x64xf32, #tpu.memory_space<hbm>>
      tpu.wait_dma2 semaphore(%arg19 : memref<!tpu.dma_semaphore, #tpu.memory_space<semaphore_mem>>) src(%dma_wait3A_692 : memref<64x64xf32, #tpu.memory_space<hbm>>) dst(%arg13 : memref<64x64xf32, #tpu.memory_space<vmem>>)
      %dma_start3A_693 = arith.constant 6 : i32
      %dma_start3A_694 = arith.constant 0 : i32
      %dma_start3A_695 = tpu.memref_slice %arg11[%dma_start3A_693, %dma_start3A_694] : memref<8x64xi32, #tpu.memory_space<vmem>> -> memref<1x64xi32, #tpu.memory_space<vmem>>
      %dma_start3A_696 = tpu.memref_squeeze %dma_start3A_695 : memref<1x64xi32, #tpu.memory_space<vmem>> -> memref<64xi32, #tpu.memory_space<vmem>>
      %dma_start3A_697 = arith.constant 0 : i32
      %dma_start3A_698 = arith.constant 0 : i32
      %dma_start3A_699 = tpu.memref_slice %arg8[%dma_start3A_697, %dma_start3A_698] : memref<10016x64xf32, #tpu.memory_space<vmem_shared>> -> memref<10016x64xf32, #tpu.memory_space<vmem_shared>>
      tpu.enqueue_indirect_dma source(%dma_start3A_699 : memref<10016x64xf32, #tpu.memory_space<vmem_shared>>) target(%arg13 : memref<64x64xf32, #tpu.memory_space<vmem>>) offsets(%dma_start3A_696 : memref<64xi32, #tpu.memory_space<vmem>>) semaphore(%arg15 : memref<!tpu.dma_semaphore, #tpu.memory_space<semaphore_mem>>)
      %dma_wait3A_700 = arith.constant 0 : i32
      %dma_wait3A_701 = arith.constant 0 : i32
      %dma_wait3A_702 = tpu.memref_slice %arg2[%dma_wait3A_700, %dma_wait3A_701] : memref<20032x64xf32, #tpu.memory_space<hbm>> -> memref<64x64xf32, #tpu.memory_space<hbm>>
      %dma_wait3A_703 = arith.constant 0 : i32
      %dma_wait3A_704 = arith.constant 0 : i32
      %dma_wait3A_705 = tpu.memref_slice %arg2[%dma_wait3A_703, %dma_wait3A_704] : memref<20032x64xf32, #tpu.memory_space<hbm>> -> memref<64x64xf32, #tpu.memory_space<hbm>>
      tpu.wait_dma2 semaphore(%arg16 : memref<!tpu.dma_semaphore, #tpu.memory_space<semaphore_mem>>) src(%dma_wait3A_705 : memref<64x64xf32, #tpu.memory_space<hbm>>) dst(%arg14 : memref<64x64xf32, #tpu.memory_space<vmem>>)
      %dma_start3A_706 = arith.constant 5 : i32
      %dma_start3A_707 = arith.constant 0 : i32
      %dma_start3A_708 = tpu.memref_slice %arg12[%dma_start3A_706, %dma_start3A_707] : memref<8x64xi32, #tpu.memory_space<vmem>> -> memref<1x64xi32, #tpu.memory_space<vmem>>
      %dma_start3A_709 = tpu.memref_squeeze %dma_start3A_708 : memref<1x64xi32, #tpu.memory_space<vmem>> -> memref<64xi32, #tpu.memory_space<vmem>>
      %dma_start3A_710 = arith.constant 0 : i32
      %dma_start3A_711 = arith.constant 0 : i32
      %dma_start3A_712 = tpu.memref_slice %arg7[%dma_start3A_710, %dma_start3A_711] : memref<20032x64xf32, #tpu.memory_space<vmem_shared>> -> memref<20032x64xf32, #tpu.memory_space<vmem_shared>>
      tpu.enqueue_indirect_dma source(%arg14 : memref<64x64xf32, #tpu.memory_space<vmem>>) target(%dma_start3A_712 : memref<20032x64xf32, #tpu.memory_space<vmem_shared>>) offsets(%dma_start3A_709 : memref<64xi32, #tpu.memory_space<vmem>>) semaphore(%arg20 : memref<!tpu.dma_semaphore, #tpu.memory_space<semaphore_mem>>) {add = true}
      %dma_wait3A_713 = arith.constant 0 : i32
      %dma_wait3A_714 = arith.constant 0 : i32
      %dma_wait3A_715 = tpu.memref_slice %arg2[%dma_wait3A_713, %dma_wait3A_714] : memref<20032x64xf32, #tpu.memory_space<hbm>> -> memref<64x64xf32, #tpu.memory_space<hbm>>
      %dma_wait3A_716 = arith.constant 0 : i32
      %dma_wait3A_717 = arith.constant 0 : i32
      %dma_wait3A_718 = tpu.memref_slice %arg2[%dma_wait3A_716, %dma_wait3A_717] : memref<20032x64xf32, #tpu.memory_space<hbm>> -> memref<64x64xf32, #tpu.memory_space<hbm>>
      tpu.wait_dma2 semaphore(%arg20 : memref<!tpu.dma_semaphore, #tpu.memory_space<semaphore_mem>>) src(%dma_wait3A_718 : memref<64x64xf32, #tpu.memory_space<hbm>>) dst(%arg14 : memref<64x64xf32, #tpu.memory_space<vmem>>)
      %dma_start3A_719 = arith.constant 7 : i32
      %dma_start3A_720 = arith.constant 0 : i32
      %dma_start3A_721 = tpu.memref_slice %arg11[%dma_start3A_719, %dma_start3A_720] : memref<8x64xi32, #tpu.memory_space<vmem>> -> memref<1x64xi32, #tpu.memory_space<vmem>>
      %dma_start3A_722 = tpu.memref_squeeze %dma_start3A_721 : memref<1x64xi32, #tpu.memory_space<vmem>> -> memref<64xi32, #tpu.memory_space<vmem>>
      %dma_start3A_723 = arith.constant 0 : i32
      %dma_start3A_724 = arith.constant 0 : i32
      %dma_start3A_725 = tpu.memref_slice %arg8[%dma_start3A_723, %dma_start3A_724] : memref<10016x64xf32, #tpu.memory_space<vmem_shared>> -> memref<10016x64xf32, #tpu.memory_space<vmem_shared>>
      tpu.enqueue_indirect_dma source(%dma_start3A_725 : memref<10016x64xf32, #tpu.memory_space<vmem_shared>>) target(%arg14 : memref<64x64xf32, #tpu.memory_space<vmem>>) offsets(%dma_start3A_722 : memref<64xi32, #tpu.memory_space<vmem>>) semaphore(%arg16 : memref<!tpu.dma_semaphore, #tpu.memory_space<semaphore_mem>>)
      %dma_wait3A_726 = arith.constant 0 : i32
      %dma_wait3A_727 = arith.constant 0 : i32
      %dma_wait3A_728 = tpu.memref_slice %arg2[%dma_wait3A_726, %dma_wait3A_727] : memref<20032x64xf32, #tpu.memory_space<hbm>> -> memref<64x64xf32, #tpu.memory_space<hbm>>
      %dma_wait3A_729 = arith.constant 0 : i32
      %dma_wait3A_730 = arith.constant 0 : i32
      %dma_wait3A_731 = tpu.memref_slice %arg2[%dma_wait3A_729, %dma_wait3A_730] : memref<20032x64xf32, #tpu.memory_space<hbm>> -> memref<64x64xf32, #tpu.memory_space<hbm>>
      tpu.wait_dma2 semaphore(%arg15 : memref<!tpu.dma_semaphore, #tpu.memory_space<semaphore_mem>>) src(%dma_wait3A_731 : memref<64x64xf32, #tpu.memory_space<hbm>>) dst(%arg13 : memref<64x64xf32, #tpu.memory_space<vmem>>)
      %dma_start3A_732 = arith.constant 6 : i32
      %dma_start3A_733 = arith.constant 0 : i32
      %dma_start3A_734 = tpu.memref_slice %arg12[%dma_start3A_732, %dma_start3A_733] : memref<8x64xi32, #tpu.memory_space<vmem>> -> memref<1x64xi32, #tpu.memory_space<vmem>>
      %dma_start3A_735 = tpu.memref_squeeze %dma_start3A_734 : memref<1x64xi32, #tpu.memory_space<vmem>> -> memref<64xi32, #tpu.memory_space<vmem>>
      %dma_start3A_736 = arith.constant 0 : i32
      %dma_start3A_737 = arith.constant 0 : i32
      %dma_start3A_738 = tpu.memref_slice %arg7[%dma_start3A_736, %dma_start3A_737] : memref<20032x64xf32, #tpu.memory_space<vmem_shared>> -> memref<20032x64xf32, #tpu.memory_space<vmem_shared>>
      tpu.enqueue_indirect_dma source(%arg13 : memref<64x64xf32, #tpu.memory_space<vmem>>) target(%dma_start3A_738 : memref<20032x64xf32, #tpu.memory_space<vmem_shared>>) offsets(%dma_start3A_735 : memref<64xi32, #tpu.memory_space<vmem>>) semaphore(%arg19 : memref<!tpu.dma_semaphore, #tpu.memory_space<semaphore_mem>>) {add = true}
      %dma_wait3A_739 = arith.constant 0 : i32
      %dma_wait3A_740 = arith.constant 0 : i32
      %dma_wait3A_741 = tpu.memref_slice %arg2[%dma_wait3A_739, %dma_wait3A_740] : memref<20032x64xf32, #tpu.memory_space<hbm>> -> memref<64x64xf32, #tpu.memory_space<hbm>>
      %dma_wait3A_742 = arith.constant 0 : i32
      %dma_wait3A_743 = arith.constant 0 : i32
      %dma_wait3A_744 = tpu.memref_slice %arg2[%dma_wait3A_742, %dma_wait3A_743] : memref<20032x64xf32, #tpu.memory_space<hbm>> -> memref<64x64xf32, #tpu.memory_space<hbm>>
      tpu.wait_dma2 semaphore(%arg16 : memref<!tpu.dma_semaphore, #tpu.memory_space<semaphore_mem>>) src(%dma_wait3A_744 : memref<64x64xf32, #tpu.memory_space<hbm>>) dst(%arg14 : memref<64x64xf32, #tpu.memory_space<vmem>>)
      %dma_start3A_745 = arith.constant 7 : i32
      %dma_start3A_746 = arith.constant 0 : i32
      %dma_start3A_747 = tpu.memref_slice %arg12[%dma_start3A_745, %dma_start3A_746] : memref<8x64xi32, #tpu.memory_space<vmem>> -> memref<1x64xi32, #tpu.memory_space<vmem>>
      %dma_start3A_748 = tpu.memref_squeeze %dma_start3A_747 : memref<1x64xi32, #tpu.memory_space<vmem>> -> memref<64xi32, #tpu.memory_space<vmem>>
      %dma_start3A_749 = arith.constant 0 : i32
      %dma_start3A_750 = arith.constant 0 : i32
      %dma_start3A_751 = tpu.memref_slice %arg7[%dma_start3A_749, %dma_start3A_750] : memref<20032x64xf32, #tpu.memory_space<vmem_shared>> -> memref<20032x64xf32, #tpu.memory_space<vmem_shared>>
      tpu.enqueue_indirect_dma source(%arg14 : memref<64x64xf32, #tpu.memory_space<vmem>>) target(%dma_start3A_751 : memref<20032x64xf32, #tpu.memory_space<vmem_shared>>) offsets(%dma_start3A_748 : memref<64xi32, #tpu.memory_space<vmem>>) semaphore(%arg20 : memref<!tpu.dma_semaphore, #tpu.memory_space<semaphore_mem>>) {add = true}
      %dma_wait3A_752 = arith.constant 0 : i32
      %dma_wait3A_753 = arith.constant 0 : i32
      %dma_wait3A_754 = tpu.memref_slice %arg2[%dma_wait3A_752, %dma_wait3A_753] : memref<20032x64xf32, #tpu.memory_space<hbm>> -> memref<64x64xf32, #tpu.memory_space<hbm>>
      %dma_wait3A_755 = arith.constant 0 : i32
      %dma_wait3A_756 = arith.constant 0 : i32
      %dma_wait3A_757 = tpu.memref_slice %arg2[%dma_wait3A_755, %dma_wait3A_756] : memref<20032x64xf32, #tpu.memory_space<hbm>> -> memref<64x64xf32, #tpu.memory_space<hbm>>
      tpu.wait_dma2 semaphore(%arg19 : memref<!tpu.dma_semaphore, #tpu.memory_space<semaphore_mem>>) src(%dma_wait3A_757 : memref<64x64xf32, #tpu.memory_space<hbm>>) dst(%arg13 : memref<64x64xf32, #tpu.memory_space<vmem>>)
      %mul3A_758 = arith.constant 2 : i32
      %mul3A_759 = arith.muli %mul3A_758, %add3A_524 : i32
      %add3A_760 = arith.constant 2 : i32
      %add3A_761 = arith.addi %mul3A_759, %add3A_760 : i32
      %dma_wait3A_762 = arith.constant 0 : i32
      %dma_wait3A_763 = arith.constant 0 : i32
      %dma_wait3A_764 = tpu.memref_slice %arg3[%arg1, %dma_wait3A_762, %dma_wait3A_763] : memref<16x320x64xi32, #tpu.memory_space<hbm>> -> memref<1x8x64xi32, #tpu.memory_space<hbm>>
      %dma_wait3A_765 = tpu.memref_squeeze %dma_wait3A_764 : memref<1x8x64xi32, #tpu.memory_space<hbm>> -> memref<8x64xi32, #tpu.memory_space<hbm>>
      %dma_wait3A_766 = arith.constant 0 : i32
      %dma_wait3A_767 = arith.constant 0 : i32
      %dma_wait3A_768 = tpu.memref_slice %arg3[%arg1, %dma_wait3A_766, %dma_wait3A_767] : memref<16x320x64xi32, #tpu.memory_space<hbm>> -> memref<1x8x64xi32, #tpu.memory_space<hbm>>
      %dma_wait3A_769 = tpu.memref_squeeze %dma_wait3A_768 : memref<1x8x64xi32, #tpu.memory_space<hbm>> -> memref<8x64xi32, #tpu.memory_space<hbm>>
      tpu.wait_dma2 semaphore(%arg17 : memref<!tpu.dma_semaphore, #tpu.memory_space<semaphore_mem>>) src(%dma_wait3A_769 : memref<8x64xi32, #tpu.memory_space<hbm>>) dst(%arg9 : memref<8x64xi32, #tpu.memory_space<vmem>>)
      %dma_wait3A_770 = arith.constant 0 : i32
      %dma_wait3A_771 = arith.constant 0 : i32
      %dma_wait3A_772 = tpu.memref_slice %arg3[%arg1, %dma_wait3A_770, %dma_wait3A_771] : memref<16x320x64xi32, #tpu.memory_space<hbm>> -> memref<1x8x64xi32, #tpu.memory_space<hbm>>
      %dma_wait3A_773 = tpu.memref_squeeze %dma_wait3A_772 : memref<1x8x64xi32, #tpu.memory_space<hbm>> -> memref<8x64xi32, #tpu.memory_space<hbm>>
      %dma_wait3A_774 = arith.constant 0 : i32
      %dma_wait3A_775 = arith.constant 0 : i32
      %dma_wait3A_776 = tpu.memref_slice %arg3[%arg1, %dma_wait3A_774, %dma_wait3A_775] : memref<16x320x64xi32, #tpu.memory_space<hbm>> -> memref<1x8x64xi32, #tpu.memory_space<hbm>>
      %dma_wait3A_777 = tpu.memref_squeeze %dma_wait3A_776 : memref<1x8x64xi32, #tpu.memory_space<hbm>> -> memref<8x64xi32, #tpu.memory_space<hbm>>
      tpu.wait_dma2 semaphore(%arg17 : memref<!tpu.dma_semaphore, #tpu.memory_space<semaphore_mem>>) src(%dma_wait3A_777 : memref<8x64xi32, #tpu.memory_space<hbm>>) dst(%arg10 : memref<8x64xi32, #tpu.memory_space<vmem>>)
      %add3A_778 = arith.constant 1 : i32
      %add3A_779 = arith.addi %add3A_761, %add3A_778 : i32
      %lt3A_780 = arith.constant 40 : i32
      %lt3A_781 = arith.cmpi slt, %add3A_779, %lt3A_780 : i32
      %convert_element_type3A_782 = arith.extui %lt3A_781 : i1 to i32
      %cond3A_783 = arith.constant 0 : i32
      %cond3A_784 = arith.cmpi ne, %convert_element_type3A_782, %cond3A_783 : i32
      scf.if %cond3A_784 {
        %add3A_993 = arith.constant 1 : i32
        %add3A_994 = arith.addi %add3A_761, %add3A_993 : i32
        %mul3A_995 = arith.constant 8 : i32
        %mul3A_996 = arith.muli %add3A_994, %mul3A_995 : i32
        %dma_start3A_997 = arith.constant 0 : i32
        %dma_start3A_998 = tpu.memref_slice %arg3[%arg1, %mul3A_996, %dma_start3A_997] : memref<16x320x64xi32, #tpu.memory_space<hbm>> -> memref<1x8x64xi32, #tpu.memory_space<hbm>>
        %dma_start3A_999 = tpu.memref_squeeze %dma_start3A_998 : memref<1x8x64xi32, #tpu.memory_space<hbm>> -> memref<8x64xi32, #tpu.memory_space<hbm>>
        %dma_start3A_1000 = arith.constant 0 : i32
        %dma_start3A_1001 = tpu.memref_slice %arg3[%arg1, %mul3A_996, %dma_start3A_1000] : memref<16x320x64xi32, #tpu.memory_space<hbm>> -> memref<1x8x64xi32, #tpu.memory_space<hbm>>
        %dma_start3A_1002 = tpu.memref_squeeze %dma_start3A_1001 : memref<1x8x64xi32, #tpu.memory_space<hbm>> -> memref<8x64xi32, #tpu.memory_space<hbm>>
        tpu.enqueue_dma source(%dma_start3A_1002 : memref<8x64xi32, #tpu.memory_space<hbm>>) target(%arg11 : memref<8x64xi32, #tpu.memory_space<vmem>>) target_semaphore(%arg18 : memref<!tpu.dma_semaphore, #tpu.memory_space<semaphore_mem>>)
        %dma_start3A_1003 = arith.constant 0 : i32
        %dma_start3A_1004 = tpu.memref_slice %arg4[%arg1, %mul3A_996, %dma_start3A_1003] : memref<16x320x64xi32, #tpu.memory_space<hbm>> -> memref<1x8x64xi32, #tpu.memory_space<hbm>>
        %dma_start3A_1005 = tpu.memref_squeeze %dma_start3A_1004 : memref<1x8x64xi32, #tpu.memory_space<hbm>> -> memref<8x64xi32, #tpu.memory_space<hbm>>
        %dma_start3A_1006 = arith.constant 0 : i32
        %dma_start3A_1007 = tpu.memref_slice %arg4[%arg1, %mul3A_996, %dma_start3A_1006] : memref<16x320x64xi32, #tpu.memory_space<hbm>> -> memref<1x8x64xi32, #tpu.memory_space<hbm>>
        %dma_start3A_1008 = tpu.memref_squeeze %dma_start3A_1007 : memref<1x8x64xi32, #tpu.memory_space<hbm>> -> memref<8x64xi32, #tpu.memory_space<hbm>>
        tpu.enqueue_dma source(%dma_start3A_1008 : memref<8x64xi32, #tpu.memory_space<hbm>>) target(%arg12 : memref<8x64xi32, #tpu.memory_space<vmem>>) target_semaphore(%arg18 : memref<!tpu.dma_semaphore, #tpu.memory_space<semaphore_mem>>)
      } else {
      }
      %dma_start3A_785 = arith.constant 0 : i32
      %dma_start3A_786 = arith.constant 0 : i32
      %dma_start3A_787 = tpu.memref_slice %arg9[%dma_start3A_785, %dma_start3A_786] : memref<8x64xi32, #tpu.memory_space<vmem>> -> memref<1x64xi32, #tpu.memory_space<vmem>>
      %dma_start3A_788 = tpu.memref_squeeze %dma_start3A_787 : memref<1x64xi32, #tpu.memory_space<vmem>> -> memref<64xi32, #tpu.memory_space<vmem>>
      %dma_start3A_789 = arith.constant 0 : i32
      %dma_start3A_790 = arith.constant 0 : i32
      %dma_start3A_791 = tpu.memref_slice %arg8[%dma_start3A_789, %dma_start3A_790] : memref<10016x64xf32, #tpu.memory_space<vmem_shared>> -> memref<10016x64xf32, #tpu.memory_space<vmem_shared>>
      tpu.enqueue_indirect_dma source(%dma_start3A_791 : memref<10016x64xf32, #tpu.memory_space<vmem_shared>>) target(%arg13 : memref<64x64xf32, #tpu.memory_space<vmem>>) offsets(%dma_start3A_788 : memref<64xi32, #tpu.memory_space<vmem>>) semaphore(%arg15 : memref<!tpu.dma_semaphore, #tpu.memory_space<semaphore_mem>>)
      %dma_wait3A_792 = arith.constant 0 : i32
      %dma_wait3A_793 = arith.constant 0 : i32
      %dma_wait3A_794 = tpu.memref_slice %arg2[%dma_wait3A_792, %dma_wait3A_793] : memref<20032x64xf32, #tpu.memory_space<hbm>> -> memref<64x64xf32, #tpu.memory_space<hbm>>
      %dma_wait3A_795 = arith.constant 0 : i32
      %dma_wait3A_796 = arith.constant 0 : i32
      %dma_wait3A_797 = tpu.memref_slice %arg2[%dma_wait3A_795, %dma_wait3A_796] : memref<20032x64xf32, #tpu.memory_space<hbm>> -> memref<64x64xf32, #tpu.memory_space<hbm>>
      tpu.wait_dma2 semaphore(%arg20 : memref<!tpu.dma_semaphore, #tpu.memory_space<semaphore_mem>>) src(%dma_wait3A_797 : memref<64x64xf32, #tpu.memory_space<hbm>>) dst(%arg14 : memref<64x64xf32, #tpu.memory_space<vmem>>)
      %dma_start3A_798 = arith.constant 1 : i32
      %dma_start3A_799 = arith.constant 0 : i32
      %dma_start3A_800 = tpu.memref_slice %arg9[%dma_start3A_798, %dma_start3A_799] : memref<8x64xi32, #tpu.memory_space<vmem>> -> memref<1x64xi32, #tpu.memory_space<vmem>>
      %dma_start3A_801 = tpu.memref_squeeze %dma_start3A_800 : memref<1x64xi32, #tpu.memory_space<vmem>> -> memref<64xi32, #tpu.memory_space<vmem>>
      %dma_start3A_802 = arith.constant 0 : i32
      %dma_start3A_803 = arith.constant 0 : i32
      %dma_start3A_804 = tpu.memref_slice %arg8[%dma_start3A_802, %dma_start3A_803] : memref<10016x64xf32, #tpu.memory_space<vmem_shared>> -> memref<10016x64xf32, #tpu.memory_space<vmem_shared>>
      tpu.enqueue_indirect_dma source(%dma_start3A_804 : memref<10016x64xf32, #tpu.memory_space<vmem_shared>>) target(%arg14 : memref<64x64xf32, #tpu.memory_space<vmem>>) offsets(%dma_start3A_801 : memref<64xi32, #tpu.memory_space<vmem>>) semaphore(%arg16 : memref<!tpu.dma_semaphore, #tpu.memory_space<semaphore_mem>>)
      %dma_wait3A_805 = arith.constant 0 : i32
      %dma_wait3A_806 = arith.constant 0 : i32
      %dma_wait3A_807 = tpu.memref_slice %arg2[%dma_wait3A_805, %dma_wait3A_806] : memref<20032x64xf32, #tpu.memory_space<hbm>> -> memref<64x64xf32, #tpu.memory_space<hbm>>
      %dma_wait3A_808 = arith.constant 0 : i32
      %dma_wait3A_809 = arith.constant 0 : i32
      %dma_wait3A_810 = tpu.memref_slice %arg2[%dma_wait3A_808, %dma_wait3A_809] : memref<20032x64xf32, #tpu.memory_space<hbm>> -> memref<64x64xf32, #tpu.memory_space<hbm>>
      tpu.wait_dma2 semaphore(%arg15 : memref<!tpu.dma_semaphore, #tpu.memory_space<semaphore_mem>>) src(%dma_wait3A_810 : memref<64x64xf32, #tpu.memory_space<hbm>>) dst(%arg13 : memref<64x64xf32, #tpu.memory_space<vmem>>)
      %dma_start3A_811 = arith.constant 0 : i32
      %dma_start3A_812 = arith.constant 0 : i32
      %dma_start3A_813 = tpu.memref_slice %arg10[%dma_start3A_811, %dma_start3A_812] : memref<8x64xi32, #tpu.memory_space<vmem>> -> memref<1x64xi32, #tpu.memory_space<vmem>>
      %dma_start3A_814 = tpu.memref_squeeze %dma_start3A_813 : memref<1x64xi32, #tpu.memory_space<vmem>> -> memref<64xi32, #tpu.memory_space<vmem>>
      %dma_start3A_815 = arith.constant 0 : i32
      %dma_start3A_816 = arith.constant 0 : i32
      %dma_start3A_817 = tpu.memref_slice %arg7[%dma_start3A_815, %dma_start3A_816] : memref<20032x64xf32, #tpu.memory_space<vmem_shared>> -> memref<20032x64xf32, #tpu.memory_space<vmem_shared>>
      tpu.enqueue_indirect_dma source(%arg13 : memref<64x64xf32, #tpu.memory_space<vmem>>) target(%dma_start3A_817 : memref<20032x64xf32, #tpu.memory_space<vmem_shared>>) offsets(%dma_start3A_814 : memref<64xi32, #tpu.memory_space<vmem>>) semaphore(%arg19 : memref<!tpu.dma_semaphore, #tpu.memory_space<semaphore_mem>>) {add = true}
      %dma_wait3A_818 = arith.constant 0 : i32
      %dma_wait3A_819 = arith.constant 0 : i32
      %dma_wait3A_820 = tpu.memref_slice %arg2[%dma_wait3A_818, %dma_wait3A_819] : memref<20032x64xf32, #tpu.memory_space<hbm>> -> memref<64x64xf32, #tpu.memory_space<hbm>>
      %dma_wait3A_821 = arith.constant 0 : i32
      %dma_wait3A_822 = arith.constant 0 : i32
      %dma_wait3A_823 = tpu.memref_slice %arg2[%dma_wait3A_821, %dma_wait3A_822] : memref<20032x64xf32, #tpu.memory_space<hbm>> -> memref<64x64xf32, #tpu.memory_space<hbm>>
      tpu.wait_dma2 semaphore(%arg19 : memref<!tpu.dma_semaphore, #tpu.memory_space<semaphore_mem>>) src(%dma_wait3A_823 : memref<64x64xf32, #tpu.memory_space<hbm>>) dst(%arg13 : memref<64x64xf32, #tpu.memory_space<vmem>>)
      %dma_start3A_824 = arith.constant 2 : i32
      %dma_start3A_825 = arith.constant 0 : i32
      %dma_start3A_826 = tpu.memref_slice %arg9[%dma_start3A_824, %dma_start3A_825] : memref<8x64xi32, #tpu.memory_space<vmem>> -> memref<1x64xi32, #tpu.memory_space<vmem>>
      %dma_start3A_827 = tpu.memref_squeeze %dma_start3A_826 : memref<1x64xi32, #tpu.memory_space<vmem>> -> memref<64xi32, #tpu.memory_space<vmem>>
      %dma_start3A_828 = arith.constant 0 : i32
      %dma_start3A_829 = arith.constant 0 : i32
      %dma_start3A_830 = tpu.memref_slice %arg8[%dma_start3A_828, %dma_start3A_829] : memref<10016x64xf32, #tpu.memory_space<vmem_shared>> -> memref<10016x64xf32, #tpu.memory_space<vmem_shared>>
      tpu.enqueue_indirect_dma source(%dma_start3A_830 : memref<10016x64xf32, #tpu.memory_space<vmem_shared>>) target(%arg13 : memref<64x64xf32, #tpu.memory_space<vmem>>) offsets(%dma_start3A_827 : memref<64xi32, #tpu.memory_space<vmem>>) semaphore(%arg15 : memref<!tpu.dma_semaphore, #tpu.memory_space<semaphore_mem>>)
      %dma_wait3A_831 = arith.constant 0 : i32
      %dma_wait3A_832 = arith.constant 0 : i32
      %dma_wait3A_833 = tpu.memref_slice %arg2[%dma_wait3A_831, %dma_wait3A_832] : memref<20032x64xf32, #tpu.memory_space<hbm>> -> memref<64x64xf32, #tpu.memory_space<hbm>>
      %dma_wait3A_834 = arith.constant 0 : i32
      %dma_wait3A_835 = arith.constant 0 : i32
      %dma_wait3A_836 = tpu.memref_slice %arg2[%dma_wait3A_834, %dma_wait3A_835] : memref<20032x64xf32, #tpu.memory_space<hbm>> -> memref<64x64xf32, #tpu.memory_space<hbm>>
      tpu.wait_dma2 semaphore(%arg16 : memref<!tpu.dma_semaphore, #tpu.memory_space<semaphore_mem>>) src(%dma_wait3A_836 : memref<64x64xf32, #tpu.memory_space<hbm>>) dst(%arg14 : memref<64x64xf32, #tpu.memory_space<vmem>>)
      %dma_start3A_837 = arith.constant 1 : i32
      %dma_start3A_838 = arith.constant 0 : i32
      %dma_start3A_839 = tpu.memref_slice %arg10[%dma_start3A_837, %dma_start3A_838] : memref<8x64xi32, #tpu.memory_space<vmem>> -> memref<1x64xi32, #tpu.memory_space<vmem>>
      %dma_start3A_840 = tpu.memref_squeeze %dma_start3A_839 : memref<1x64xi32, #tpu.memory_space<vmem>> -> memref<64xi32, #tpu.memory_space<vmem>>
      %dma_start3A_841 = arith.constant 0 : i32
      %dma_start3A_842 = arith.constant 0 : i32
      %dma_start3A_843 = tpu.memref_slice %arg7[%dma_start3A_841, %dma_start3A_842] : memref<20032x64xf32, #tpu.memory_space<vmem_shared>> -> memref<20032x64xf32, #tpu.memory_space<vmem_shared>>
      tpu.enqueue_indirect_dma source(%arg14 : memref<64x64xf32, #tpu.memory_space<vmem>>) target(%dma_start3A_843 : memref<20032x64xf32, #tpu.memory_space<vmem_shared>>) offsets(%dma_start3A_840 : memref<64xi32, #tpu.memory_space<vmem>>) semaphore(%arg20 : memref<!tpu.dma_semaphore, #tpu.memory_space<semaphore_mem>>) {add = true}
      %dma_wait3A_844 = arith.constant 0 : i32
      %dma_wait3A_845 = arith.constant 0 : i32
      %dma_wait3A_846 = tpu.memref_slice %arg2[%dma_wait3A_844, %dma_wait3A_845] : memref<20032x64xf32, #tpu.memory_space<hbm>> -> memref<64x64xf32, #tpu.memory_space<hbm>>
      %dma_wait3A_847 = arith.constant 0 : i32
      %dma_wait3A_848 = arith.constant 0 : i32
      %dma_wait3A_849 = tpu.memref_slice %arg2[%dma_wait3A_847, %dma_wait3A_848] : memref<20032x64xf32, #tpu.memory_space<hbm>> -> memref<64x64xf32, #tpu.memory_space<hbm>>
      tpu.wait_dma2 semaphore(%arg20 : memref<!tpu.dma_semaphore, #tpu.memory_space<semaphore_mem>>) src(%dma_wait3A_849 : memref<64x64xf32, #tpu.memory_space<hbm>>) dst(%arg14 : memref<64x64xf32, #tpu.memory_space<vmem>>)
      %dma_start3A_850 = arith.constant 3 : i32
      %dma_start3A_851 = arith.constant 0 : i32
      %dma_start3A_852 = tpu.memref_slice %arg9[%dma_start3A_850, %dma_start3A_851] : memref<8x64xi32, #tpu.memory_space<vmem>> -> memref<1x64xi32, #tpu.memory_space<vmem>>
      %dma_start3A_853 = tpu.memref_squeeze %dma_start3A_852 : memref<1x64xi32, #tpu.memory_space<vmem>> -> memref<64xi32, #tpu.memory_space<vmem>>
      %dma_start3A_854 = arith.constant 0 : i32
      %dma_start3A_855 = arith.constant 0 : i32
      %dma_start3A_856 = tpu.memref_slice %arg8[%dma_start3A_854, %dma_start3A_855] : memref<10016x64xf32, #tpu.memory_space<vmem_shared>> -> memref<10016x64xf32, #tpu.memory_space<vmem_shared>>
      tpu.enqueue_indirect_dma source(%dma_start3A_856 : memref<10016x64xf32, #tpu.memory_space<vmem_shared>>) target(%arg14 : memref<64x64xf32, #tpu.memory_space<vmem>>) offsets(%dma_start3A_853 : memref<64xi32, #tpu.memory_space<vmem>>) semaphore(%arg16 : memref<!tpu.dma_semaphore, #tpu.memory_space<semaphore_mem>>)
      %dma_wait3A_857 = arith.constant 0 : i32
      %dma_wait3A_858 = arith.constant 0 : i32
      %dma_wait3A_859 = tpu.memref_slice %arg2[%dma_wait3A_857, %dma_wait3A_858] : memref<20032x64xf32, #tpu.memory_space<hbm>> -> memref<64x64xf32, #tpu.memory_space<hbm>>
      %dma_wait3A_860 = arith.constant 0 : i32
      %dma_wait3A_861 = arith.constant 0 : i32
      %dma_wait3A_862 = tpu.memref_slice %arg2[%dma_wait3A_860, %dma_wait3A_861] : memref<20032x64xf32, #tpu.memory_space<hbm>> -> memref<64x64xf32, #tpu.memory_space<hbm>>
      tpu.wait_dma2 semaphore(%arg15 : memref<!tpu.dma_semaphore, #tpu.memory_space<semaphore_mem>>) src(%dma_wait3A_862 : memref<64x64xf32, #tpu.memory_space<hbm>>) dst(%arg13 : memref<64x64xf32, #tpu.memory_space<vmem>>)
      %dma_start3A_863 = arith.constant 2 : i32
      %dma_start3A_864 = arith.constant 0 : i32
      %dma_start3A_865 = tpu.memref_slice %arg10[%dma_start3A_863, %dma_start3A_864] : memref<8x64xi32, #tpu.memory_space<vmem>> -> memref<1x64xi32, #tpu.memory_space<vmem>>
      %dma_start3A_866 = tpu.memref_squeeze %dma_start3A_865 : memref<1x64xi32, #tpu.memory_space<vmem>> -> memref<64xi32, #tpu.memory_space<vmem>>
      %dma_start3A_867 = arith.constant 0 : i32
      %dma_start3A_868 = arith.constant 0 : i32
      %dma_start3A_869 = tpu.memref_slice %arg7[%dma_start3A_867, %dma_start3A_868] : memref<20032x64xf32, #tpu.memory_space<vmem_shared>> -> memref<20032x64xf32, #tpu.memory_space<vmem_shared>>
      tpu.enqueue_indirect_dma source(%arg13 : memref<64x64xf32, #tpu.memory_space<vmem>>) target(%dma_start3A_869 : memref<20032x64xf32, #tpu.memory_space<vmem_shared>>) offsets(%dma_start3A_866 : memref<64xi32, #tpu.memory_space<vmem>>) semaphore(%arg19 : memref<!tpu.dma_semaphore, #tpu.memory_space<semaphore_mem>>) {add = true}
      %dma_wait3A_870 = arith.constant 0 : i32
      %dma_wait3A_871 = arith.constant 0 : i32
      %dma_wait3A_872 = tpu.memref_slice %arg2[%dma_wait3A_870, %dma_wait3A_871] : memref<20032x64xf32, #tpu.memory_space<hbm>> -> memref<64x64xf32, #tpu.memory_space<hbm>>
      %dma_wait3A_873 = arith.constant 0 : i32
      %dma_wait3A_874 = arith.constant 0 : i32
      %dma_wait3A_875 = tpu.memref_slice %arg2[%dma_wait3A_873, %dma_wait3A_874] : memref<20032x64xf32, #tpu.memory_space<hbm>> -> memref<64x64xf32, #tpu.memory_space<hbm>>
      tpu.wait_dma2 semaphore(%arg19 : memref<!tpu.dma_semaphore, #tpu.memory_space<semaphore_mem>>) src(%dma_wait3A_875 : memref<64x64xf32, #tpu.memory_space<hbm>>) dst(%arg13 : memref<64x64xf32, #tpu.memory_space<vmem>>)
      %dma_start3A_876 = arith.constant 4 : i32
      %dma_start3A_877 = arith.constant 0 : i32
      %dma_start3A_878 = tpu.memref_slice %arg9[%dma_start3A_876, %dma_start3A_877] : memref<8x64xi32, #tpu.memory_space<vmem>> -> memref<1x64xi32, #tpu.memory_space<vmem>>
      %dma_start3A_879 = tpu.memref_squeeze %dma_start3A_878 : memref<1x64xi32, #tpu.memory_space<vmem>> -> memref<64xi32, #tpu.memory_space<vmem>>
      %dma_start3A_880 = arith.constant 0 : i32
      %dma_start3A_881 = arith.constant 0 : i32
      %dma_start3A_882 = tpu.memref_slice %arg8[%dma_start3A_880, %dma_start3A_881] : memref<10016x64xf32, #tpu.memory_space<vmem_shared>> -> memref<10016x64xf32, #tpu.memory_space<vmem_shared>>
      tpu.enqueue_indirect_dma source(%dma_start3A_882 : memref<10016x64xf32, #tpu.memory_space<vmem_shared>>) target(%arg13 : memref<64x64xf32, #tpu.memory_space<vmem>>) offsets(%dma_start3A_879 : memref<64xi32, #tpu.memory_space<vmem>>) semaphore(%arg15 : memref<!tpu.dma_semaphore, #tpu.memory_space<semaphore_mem>>)
      %dma_wait3A_883 = arith.constant 0 : i32
      %dma_wait3A_884 = arith.constant 0 : i32
      %dma_wait3A_885 = tpu.memref_slice %arg2[%dma_wait3A_883, %dma_wait3A_884] : memref<20032x64xf32, #tpu.memory_space<hbm>> -> memref<64x64xf32, #tpu.memory_space<hbm>>
      %dma_wait3A_886 = arith.constant 0 : i32
      %dma_wait3A_887 = arith.constant 0 : i32
      %dma_wait3A_888 = tpu.memref_slice %arg2[%dma_wait3A_886, %dma_wait3A_887] : memref<20032x64xf32, #tpu.memory_space<hbm>> -> memref<64x64xf32, #tpu.memory_space<hbm>>
      tpu.wait_dma2 semaphore(%arg16 : memref<!tpu.dma_semaphore, #tpu.memory_space<semaphore_mem>>) src(%dma_wait3A_888 : memref<64x64xf32, #tpu.memory_space<hbm>>) dst(%arg14 : memref<64x64xf32, #tpu.memory_space<vmem>>)
      %dma_start3A_889 = arith.constant 3 : i32
      %dma_start3A_890 = arith.constant 0 : i32
      %dma_start3A_891 = tpu.memref_slice %arg10[%dma_start3A_889, %dma_start3A_890] : memref<8x64xi32, #tpu.memory_space<vmem>> -> memref<1x64xi32, #tpu.memory_space<vmem>>
      %dma_start3A_892 = tpu.memref_squeeze %dma_start3A_891 : memref<1x64xi32, #tpu.memory_space<vmem>> -> memref<64xi32, #tpu.memory_space<vmem>>
      %dma_start3A_893 = arith.constant 0 : i32
      %dma_start3A_894 = arith.constant 0 : i32
      %dma_start3A_895 = tpu.memref_slice %arg7[%dma_start3A_893, %dma_start3A_894] : memref<20032x64xf32, #tpu.memory_space<vmem_shared>> -> memref<20032x64xf32, #tpu.memory_space<vmem_shared>>
      tpu.enqueue_indirect_dma source(%arg14 : memref<64x64xf32, #tpu.memory_space<vmem>>) target(%dma_start3A_895 : memref<20032x64xf32, #tpu.memory_space<vmem_shared>>) offsets(%dma_start3A_892 : memref<64xi32, #tpu.memory_space<vmem>>) semaphore(%arg20 : memref<!tpu.dma_semaphore, #tpu.memory_space<semaphore_mem>>) {add = true}
      %dma_wait3A_896 = arith.constant 0 : i32
      %dma_wait3A_897 = arith.constant 0 : i32
      %dma_wait3A_898 = tpu.memref_slice %arg2[%dma_wait3A_896, %dma_wait3A_897] : memref<20032x64xf32, #tpu.memory_space<hbm>> -> memref<64x64xf32, #tpu.memory_space<hbm>>
      %dma_wait3A_899 = arith.constant 0 : i32
      %dma_wait3A_900 = arith.constant 0 : i32
      %dma_wait3A_901 = tpu.memref_slice %arg2[%dma_wait3A_899, %dma_wait3A_900] : memref<20032x64xf32, #tpu.memory_space<hbm>> -> memref<64x64xf32, #tpu.memory_space<hbm>>
      tpu.wait_dma2 semaphore(%arg20 : memref<!tpu.dma_semaphore, #tpu.memory_space<semaphore_mem>>) src(%dma_wait3A_901 : memref<64x64xf32, #tpu.memory_space<hbm>>) dst(%arg14 : memref<64x64xf32, #tpu.memory_space<vmem>>)
      %dma_start3A_902 = arith.constant 5 : i32
      %dma_start3A_903 = arith.constant 0 : i32
      %dma_start3A_904 = tpu.memref_slice %arg9[%dma_start3A_902, %dma_start3A_903] : memref<8x64xi32, #tpu.memory_space<vmem>> -> memref<1x64xi32, #tpu.memory_space<vmem>>
      %dma_start3A_905 = tpu.memref_squeeze %dma_start3A_904 : memref<1x64xi32, #tpu.memory_space<vmem>> -> memref<64xi32, #tpu.memory_space<vmem>>
      %dma_start3A_906 = arith.constant 0 : i32
      %dma_start3A_907 = arith.constant 0 : i32
      %dma_start3A_908 = tpu.memref_slice %arg8[%dma_start3A_906, %dma_start3A_907] : memref<10016x64xf32, #tpu.memory_space<vmem_shared>> -> memref<10016x64xf32, #tpu.memory_space<vmem_shared>>
      tpu.enqueue_indirect_dma source(%dma_start3A_908 : memref<10016x64xf32, #tpu.memory_space<vmem_shared>>) target(%arg14 : memref<64x64xf32, #tpu.memory_space<vmem>>) offsets(%dma_start3A_905 : memref<64xi32, #tpu.memory_space<vmem>>) semaphore(%arg16 : memref<!tpu.dma_semaphore, #tpu.memory_space<semaphore_mem>>)
      %dma_wait3A_909 = arith.constant 0 : i32
      %dma_wait3A_910 = arith.constant 0 : i32
      %dma_wait3A_911 = tpu.memref_slice %arg2[%dma_wait3A_909, %dma_wait3A_910] : memref<20032x64xf32, #tpu.memory_space<hbm>> -> memref<64x64xf32, #tpu.memory_space<hbm>>
      %dma_wait3A_912 = arith.constant 0 : i32
      %dma_wait3A_913 = arith.constant 0 : i32
      %dma_wait3A_914 = tpu.memref_slice %arg2[%dma_wait3A_912, %dma_wait3A_913] : memref<20032x64xf32, #tpu.memory_space<hbm>> -> memref<64x64xf32, #tpu.memory_space<hbm>>
      tpu.wait_dma2 semaphore(%arg15 : memref<!tpu.dma_semaphore, #tpu.memory_space<semaphore_mem>>) src(%dma_wait3A_914 : memref<64x64xf32, #tpu.memory_space<hbm>>) dst(%arg13 : memref<64x64xf32, #tpu.memory_space<vmem>>)
      %dma_start3A_915 = arith.constant 4 : i32
      %dma_start3A_916 = arith.constant 0 : i32
      %dma_start3A_917 = tpu.memref_slice %arg10[%dma_start3A_915, %dma_start3A_916] : memref<8x64xi32, #tpu.memory_space<vmem>> -> memref<1x64xi32, #tpu.memory_space<vmem>>
      %dma_start3A_918 = tpu.memref_squeeze %dma_start3A_917 : memref<1x64xi32, #tpu.memory_space<vmem>> -> memref<64xi32, #tpu.memory_space<vmem>>
      %dma_start3A_919 = arith.constant 0 : i32
      %dma_start3A_920 = arith.constant 0 : i32
      %dma_start3A_921 = tpu.memref_slice %arg7[%dma_start3A_919, %dma_start3A_920] : memref<20032x64xf32, #tpu.memory_space<vmem_shared>> -> memref<20032x64xf32, #tpu.memory_space<vmem_shared>>
      tpu.enqueue_indirect_dma source(%arg13 : memref<64x64xf32, #tpu.memory_space<vmem>>) target(%dma_start3A_921 : memref<20032x64xf32, #tpu.memory_space<vmem_shared>>) offsets(%dma_start3A_918 : memref<64xi32, #tpu.memory_space<vmem>>) semaphore(%arg19 : memref<!tpu.dma_semaphore, #tpu.memory_space<semaphore_mem>>) {add = true}
      %dma_wait3A_922 = arith.constant 0 : i32
      %dma_wait3A_923 = arith.constant 0 : i32
      %dma_wait3A_924 = tpu.memref_slice %arg2[%dma_wait3A_922, %dma_wait3A_923] : memref<20032x64xf32, #tpu.memory_space<hbm>> -> memref<64x64xf32, #tpu.memory_space<hbm>>
      %dma_wait3A_925 = arith.constant 0 : i32
      %dma_wait3A_926 = arith.constant 0 : i32
      %dma_wait3A_927 = tpu.memref_slice %arg2[%dma_wait3A_925, %dma_wait3A_926] : memref<20032x64xf32, #tpu.memory_space<hbm>> -> memref<64x64xf32, #tpu.memory_space<hbm>>
      tpu.wait_dma2 semaphore(%arg19 : memref<!tpu.dma_semaphore, #tpu.memory_space<semaphore_mem>>) src(%dma_wait3A_927 : memref<64x64xf32, #tpu.memory_space<hbm>>) dst(%arg13 : memref<64x64xf32, #tpu.memory_space<vmem>>)
      %dma_start3A_928 = arith.constant 6 : i32
      %dma_start3A_929 = arith.constant 0 : i32
      %dma_start3A_930 = tpu.memref_slice %arg9[%dma_start3A_928, %dma_start3A_929] : memref<8x64xi32, #tpu.memory_space<vmem>> -> memref<1x64xi32, #tpu.memory_space<vmem>>
      %dma_start3A_931 = tpu.memref_squeeze %dma_start3A_930 : memref<1x64xi32, #tpu.memory_space<vmem>> -> memref<64xi32, #tpu.memory_space<vmem>>
      %dma_start3A_932 = arith.constant 0 : i32
      %dma_start3A_933 = arith.constant 0 : i32
      %dma_start3A_934 = tpu.memref_slice %arg8[%dma_start3A_932, %dma_start3A_933] : memref<10016x64xf32, #tpu.memory_space<vmem_shared>> -> memref<10016x64xf32, #tpu.memory_space<vmem_shared>>
      tpu.enqueue_indirect_dma source(%dma_start3A_934 : memref<10016x64xf32, #tpu.memory_space<vmem_shared>>) target(%arg13 : memref<64x64xf32, #tpu.memory_space<vmem>>) offsets(%dma_start3A_931 : memref<64xi32, #tpu.memory_space<vmem>>) semaphore(%arg15 : memref<!tpu.dma_semaphore, #tpu.memory_space<semaphore_mem>>)
      %dma_wait3A_935 = arith.constant 0 : i32
      %dma_wait3A_936 = arith.constant 0 : i32
      %dma_wait3A_937 = tpu.memref_slice %arg2[%dma_wait3A_935, %dma_wait3A_936] : memref<20032x64xf32, #tpu.memory_space<hbm>> -> memref<64x64xf32, #tpu.memory_space<hbm>>
      %dma_wait3A_938 = arith.constant 0 : i32
      %dma_wait3A_939 = arith.constant 0 : i32
      %dma_wait3A_940 = tpu.memref_slice %arg2[%dma_wait3A_938, %dma_wait3A_939] : memref<20032x64xf32, #tpu.memory_space<hbm>> -> memref<64x64xf32, #tpu.memory_space<hbm>>
      tpu.wait_dma2 semaphore(%arg16 : memref<!tpu.dma_semaphore, #tpu.memory_space<semaphore_mem>>) src(%dma_wait3A_940 : memref<64x64xf32, #tpu.memory_space<hbm>>) dst(%arg14 : memref<64x64xf32, #tpu.memory_space<vmem>>)
      %dma_start3A_941 = arith.constant 5 : i32
      %dma_start3A_942 = arith.constant 0 : i32
      %dma_start3A_943 = tpu.memref_slice %arg10[%dma_start3A_941, %dma_start3A_942] : memref<8x64xi32, #tpu.memory_space<vmem>> -> memref<1x64xi32, #tpu.memory_space<vmem>>
      %dma_start3A_944 = tpu.memref_squeeze %dma_start3A_943 : memref<1x64xi32, #tpu.memory_space<vmem>> -> memref<64xi32, #tpu.memory_space<vmem>>
      %dma_start3A_945 = arith.constant 0 : i32
      %dma_start3A_946 = arith.constant 0 : i32
      %dma_start3A_947 = tpu.memref_slice %arg7[%dma_start3A_945, %dma_start3A_946] : memref<20032x64xf32, #tpu.memory_space<vmem_shared>> -> memref<20032x64xf32, #tpu.memory_space<vmem_shared>>
      tpu.enqueue_indirect_dma source(%arg14 : memref<64x64xf32, #tpu.memory_space<vmem>>) target(%dma_start3A_947 : memref<20032x64xf32, #tpu.memory_space<vmem_shared>>) offsets(%dma_start3A_944 : memref<64xi32, #tpu.memory_space<vmem>>) semaphore(%arg20 : memref<!tpu.dma_semaphore, #tpu.memory_space<semaphore_mem>>) {add = true}
      %dma_wait3A_948 = arith.constant 0 : i32
      %dma_wait3A_949 = arith.constant 0 : i32
      %dma_wait3A_950 = tpu.memref_slice %arg2[%dma_wait3A_948, %dma_wait3A_949] : memref<20032x64xf32, #tpu.memory_space<hbm>> -> memref<64x64xf32, #tpu.memory_space<hbm>>
      %dma_wait3A_951 = arith.constant 0 : i32
      %dma_wait3A_952 = arith.constant 0 : i32
      %dma_wait3A_953 = tpu.memref_slice %arg2[%dma_wait3A_951, %dma_wait3A_952] : memref<20032x64xf32, #tpu.memory_space<hbm>> -> memref<64x64xf32, #tpu.memory_space<hbm>>
      tpu.wait_dma2 semaphore(%arg20 : memref<!tpu.dma_semaphore, #tpu.memory_space<semaphore_mem>>) src(%dma_wait3A_953 : memref<64x64xf32, #tpu.memory_space<hbm>>) dst(%arg14 : memref<64x64xf32, #tpu.memory_space<vmem>>)
      %dma_start3A_954 = arith.constant 7 : i32
      %dma_start3A_955 = arith.constant 0 : i32
      %dma_start3A_956 = tpu.memref_slice %arg9[%dma_start3A_954, %dma_start3A_955] : memref<8x64xi32, #tpu.memory_space<vmem>> -> memref<1x64xi32, #tpu.memory_space<vmem>>
      %dma_start3A_957 = tpu.memref_squeeze %dma_start3A_956 : memref<1x64xi32, #tpu.memory_space<vmem>> -> memref<64xi32, #tpu.memory_space<vmem>>
      %dma_start3A_958 = arith.constant 0 : i32
      %dma_start3A_959 = arith.constant 0 : i32
      %dma_start3A_960 = tpu.memref_slice %arg8[%dma_start3A_958, %dma_start3A_959] : memref<10016x64xf32, #tpu.memory_space<vmem_shared>> -> memref<10016x64xf32, #tpu.memory_space<vmem_shared>>
      tpu.enqueue_indirect_dma source(%dma_start3A_960 : memref<10016x64xf32, #tpu.memory_space<vmem_shared>>) target(%arg14 : memref<64x64xf32, #tpu.memory_space<vmem>>) offsets(%dma_start3A_957 : memref<64xi32, #tpu.memory_space<vmem>>) semaphore(%arg16 : memref<!tpu.dma_semaphore, #tpu.memory_space<semaphore_mem>>)
      %dma_wait3A_961 = arith.constant 0 : i32
      %dma_wait3A_962 = arith.constant 0 : i32
      %dma_wait3A_963 = tpu.memref_slice %arg2[%dma_wait3A_961, %dma_wait3A_962] : memref<20032x64xf32, #tpu.memory_space<hbm>> -> memref<64x64xf32, #tpu.memory_space<hbm>>
      %dma_wait3A_964 = arith.constant 0 : i32
      %dma_wait3A_965 = arith.constant 0 : i32
      %dma_wait3A_966 = tpu.memref_slice %arg2[%dma_wait3A_964, %dma_wait3A_965] : memref<20032x64xf32, #tpu.memory_space<hbm>> -> memref<64x64xf32, #tpu.memory_space<hbm>>
      tpu.wait_dma2 semaphore(%arg15 : memref<!tpu.dma_semaphore, #tpu.memory_space<semaphore_mem>>) src(%dma_wait3A_966 : memref<64x64xf32, #tpu.memory_space<hbm>>) dst(%arg13 : memref<64x64xf32, #tpu.memory_space<vmem>>)
      %dma_start3A_967 = arith.constant 6 : i32
      %dma_start3A_968 = arith.constant 0 : i32
      %dma_start3A_969 = tpu.memref_slice %arg10[%dma_start3A_967, %dma_start3A_968] : memref<8x64xi32, #tpu.memory_space<vmem>> -> memref<1x64xi32, #tpu.memory_space<vmem>>
      %dma_start3A_970 = tpu.memref_squeeze %dma_start3A_969 : memref<1x64xi32, #tpu.memory_space<vmem>> -> memref<64xi32, #tpu.memory_space<vmem>>
      %dma_start3A_971 = arith.constant 0 : i32
      %dma_start3A_972 = arith.constant 0 : i32
      %dma_start3A_973 = tpu.memref_slice %arg7[%dma_start3A_971, %dma_start3A_972] : memref<20032x64xf32, #tpu.memory_space<vmem_shared>> -> memref<20032x64xf32, #tpu.memory_space<vmem_shared>>
      tpu.enqueue_indirect_dma source(%arg13 : memref<64x64xf32, #tpu.memory_space<vmem>>) target(%dma_start3A_973 : memref<20032x64xf32, #tpu.memory_space<vmem_shared>>) offsets(%dma_start3A_970 : memref<64xi32, #tpu.memory_space<vmem>>) semaphore(%arg19 : memref<!tpu.dma_semaphore, #tpu.memory_space<semaphore_mem>>) {add = true}
      %dma_wait3A_974 = arith.constant 0 : i32
      %dma_wait3A_975 = arith.constant 0 : i32
      %dma_wait3A_976 = tpu.memref_slice %arg2[%dma_wait3A_974, %dma_wait3A_975] : memref<20032x64xf32, #tpu.memory_space<hbm>> -> memref<64x64xf32, #tpu.memory_space<hbm>>
      %dma_wait3A_977 = arith.constant 0 : i32
      %dma_wait3A_978 = arith.constant 0 : i32
      %dma_wait3A_979 = tpu.memref_slice %arg2[%dma_wait3A_977, %dma_wait3A_978] : memref<20032x64xf32, #tpu.memory_space<hbm>> -> memref<64x64xf32, #tpu.memory_space<hbm>>
      tpu.wait_dma2 semaphore(%arg16 : memref<!tpu.dma_semaphore, #tpu.memory_space<semaphore_mem>>) src(%dma_wait3A_979 : memref<64x64xf32, #tpu.memory_space<hbm>>) dst(%arg14 : memref<64x64xf32, #tpu.memory_space<vmem>>)
      %dma_start3A_980 = arith.constant 7 : i32
      %dma_start3A_981 = arith.constant 0 : i32
      %dma_start3A_982 = tpu.memref_slice %arg10[%dma_start3A_980, %dma_start3A_981] : memref<8x64xi32, #tpu.memory_space<vmem>> -> memref<1x64xi32, #tpu.memory_space<vmem>>
      %dma_start3A_983 = tpu.memref_squeeze %dma_start3A_982 : memref<1x64xi32, #tpu.memory_space<vmem>> -> memref<64xi32, #tpu.memory_space<vmem>>
      %dma_start3A_984 = arith.constant 0 : i32
      %dma_start3A_985 = arith.constant 0 : i32
      %dma_start3A_986 = tpu.memref_slice %arg7[%dma_start3A_984, %dma_start3A_985] : memref<20032x64xf32, #tpu.memory_space<vmem_shared>> -> memref<20032x64xf32, #tpu.memory_space<vmem_shared>>
      tpu.enqueue_indirect_dma source(%arg14 : memref<64x64xf32, #tpu.memory_space<vmem>>) target(%dma_start3A_986 : memref<20032x64xf32, #tpu.memory_space<vmem_shared>>) offsets(%dma_start3A_983 : memref<64xi32, #tpu.memory_space<vmem>>) semaphore(%arg20 : memref<!tpu.dma_semaphore, #tpu.memory_space<semaphore_mem>>) {add = true}
      %dma_wait3A_987 = arith.constant 0 : i32
      %dma_wait3A_988 = arith.constant 0 : i32
      %dma_wait3A_989 = tpu.memref_slice %arg2[%dma_wait3A_987, %dma_wait3A_988] : memref<20032x64xf32, #tpu.memory_space<hbm>> -> memref<64x64xf32, #tpu.memory_space<hbm>>
      %dma_wait3A_990 = arith.constant 0 : i32
      %dma_wait3A_991 = arith.constant 0 : i32
      %dma_wait3A_992 = tpu.memref_slice %arg2[%dma_wait3A_990, %dma_wait3A_991] : memref<20032x64xf32, #tpu.memory_space<hbm>> -> memref<64x64xf32, #tpu.memory_space<hbm>>
      tpu.wait_dma2 semaphore(%arg19 : memref<!tpu.dma_semaphore, #tpu.memory_space<semaphore_mem>>) src(%dma_wait3A_992 : memref<64x64xf32, #tpu.memory_space<hbm>>) dst(%arg13 : memref<64x64xf32, #tpu.memory_space<vmem>>)
    }
    %scan3A_256 = arith.constant 19 : i32
    %dma_wait3A_257 = arith.constant 0 : i32
    %dma_wait3A_258 = arith.constant 0 : i32
    %dma_wait3A_259 = tpu.memref_slice %arg3[%arg1, %dma_wait3A_257, %dma_wait3A_258] : memref<16x320x64xi32, #tpu.memory_space<hbm>> -> memref<1x8x64xi32, #tpu.memory_space<hbm>>
    %dma_wait3A_260 = tpu.memref_squeeze %dma_wait3A_259 : memref<1x8x64xi32, #tpu.memory_space<hbm>> -> memref<8x64xi32, #tpu.memory_space<hbm>>
    %dma_wait3A_261 = arith.constant 0 : i32
    %dma_wait3A_262 = arith.constant 0 : i32
    %dma_wait3A_263 = tpu.memref_slice %arg3[%arg1, %dma_wait3A_261, %dma_wait3A_262] : memref<16x320x64xi32, #tpu.memory_space<hbm>> -> memref<1x8x64xi32, #tpu.memory_space<hbm>>
    %dma_wait3A_264 = tpu.memref_squeeze %dma_wait3A_263 : memref<1x8x64xi32, #tpu.memory_space<hbm>> -> memref<8x64xi32, #tpu.memory_space<hbm>>
    tpu.wait_dma2 semaphore(%arg18 : memref<!tpu.dma_semaphore, #tpu.memory_space<semaphore_mem>>) src(%dma_wait3A_264 : memref<8x64xi32, #tpu.memory_space<hbm>>) dst(%arg11 : memref<8x64xi32, #tpu.memory_space<vmem>>)
    %dma_wait3A_265 = arith.constant 0 : i32
    %dma_wait3A_266 = arith.constant 0 : i32
    %dma_wait3A_267 = tpu.memref_slice %arg3[%arg1, %dma_wait3A_265, %dma_wait3A_266] : memref<16x320x64xi32, #tpu.memory_space<hbm>> -> memref<1x8x64xi32, #tpu.memory_space<hbm>>
    %dma_wait3A_268 = tpu.memref_squeeze %dma_wait3A_267 : memref<1x8x64xi32, #tpu.memory_space<hbm>> -> memref<8x64xi32, #tpu.memory_space<hbm>>
    %dma_wait3A_269 = arith.constant 0 : i32
    %dma_wait3A_270 = arith.constant 0 : i32
    %dma_wait3A_271 = tpu.memref_slice %arg3[%arg1, %dma_wait3A_269, %dma_wait3A_270] : memref<16x320x64xi32, #tpu.memory_space<hbm>> -> memref<1x8x64xi32, #tpu.memory_space<hbm>>
    %dma_wait3A_272 = tpu.memref_squeeze %dma_wait3A_271 : memref<1x8x64xi32, #tpu.memory_space<hbm>> -> memref<8x64xi32, #tpu.memory_space<hbm>>
    tpu.wait_dma2 semaphore(%arg18 : memref<!tpu.dma_semaphore, #tpu.memory_space<semaphore_mem>>) src(%dma_wait3A_272 : memref<8x64xi32, #tpu.memory_space<hbm>>) dst(%arg12 : memref<8x64xi32, #tpu.memory_space<vmem>>)
    %dma_start3A_273 = arith.constant 0 : i32
    %dma_start3A_274 = arith.constant 0 : i32
    %dma_start3A_275 = tpu.memref_slice %arg11[%dma_start3A_273, %dma_start3A_274] : memref<8x64xi32, #tpu.memory_space<vmem>> -> memref<1x64xi32, #tpu.memory_space<vmem>>
    %dma_start3A_276 = tpu.memref_squeeze %dma_start3A_275 : memref<1x64xi32, #tpu.memory_space<vmem>> -> memref<64xi32, #tpu.memory_space<vmem>>
    %dma_start3A_277 = arith.constant 0 : i32
    %dma_start3A_278 = arith.constant 0 : i32
    %dma_start3A_279 = tpu.memref_slice %arg8[%dma_start3A_277, %dma_start3A_278] : memref<10016x64xf32, #tpu.memory_space<vmem_shared>> -> memref<10016x64xf32, #tpu.memory_space<vmem_shared>>
    tpu.enqueue_indirect_dma source(%dma_start3A_279 : memref<10016x64xf32, #tpu.memory_space<vmem_shared>>) target(%arg13 : memref<64x64xf32, #tpu.memory_space<vmem>>) offsets(%dma_start3A_276 : memref<64xi32, #tpu.memory_space<vmem>>) semaphore(%arg15 : memref<!tpu.dma_semaphore, #tpu.memory_space<semaphore_mem>>)
    %dma_wait3A_280 = arith.constant 0 : i32
    %dma_wait3A_281 = arith.constant 0 : i32
    %dma_wait3A_282 = tpu.memref_slice %arg2[%dma_wait3A_280, %dma_wait3A_281] : memref<20032x64xf32, #tpu.memory_space<hbm>> -> memref<64x64xf32, #tpu.memory_space<hbm>>
    %dma_wait3A_283 = arith.constant 0 : i32
    %dma_wait3A_284 = arith.constant 0 : i32
    %dma_wait3A_285 = tpu.memref_slice %arg2[%dma_wait3A_283, %dma_wait3A_284] : memref<20032x64xf32, #tpu.memory_space<hbm>> -> memref<64x64xf32, #tpu.memory_space<hbm>>
    tpu.wait_dma2 semaphore(%arg20 : memref<!tpu.dma_semaphore, #tpu.memory_space<semaphore_mem>>) src(%dma_wait3A_285 : memref<64x64xf32, #tpu.memory_space<hbm>>) dst(%arg14 : memref<64x64xf32, #tpu.memory_space<vmem>>)
    %dma_start3A_286 = arith.constant 1 : i32
    %dma_start3A_287 = arith.constant 0 : i32
    %dma_start3A_288 = tpu.memref_slice %arg11[%dma_start3A_286, %dma_start3A_287] : memref<8x64xi32, #tpu.memory_space<vmem>> -> memref<1x64xi32, #tpu.memory_space<vmem>>
    %dma_start3A_289 = tpu.memref_squeeze %dma_start3A_288 : memref<1x64xi32, #tpu.memory_space<vmem>> -> memref<64xi32, #tpu.memory_space<vmem>>
    %dma_start3A_290 = arith.constant 0 : i32
    %dma_start3A_291 = arith.constant 0 : i32
    %dma_start3A_292 = tpu.memref_slice %arg8[%dma_start3A_290, %dma_start3A_291] : memref<10016x64xf32, #tpu.memory_space<vmem_shared>> -> memref<10016x64xf32, #tpu.memory_space<vmem_shared>>
    tpu.enqueue_indirect_dma source(%dma_start3A_292 : memref<10016x64xf32, #tpu.memory_space<vmem_shared>>) target(%arg14 : memref<64x64xf32, #tpu.memory_space<vmem>>) offsets(%dma_start3A_289 : memref<64xi32, #tpu.memory_space<vmem>>) semaphore(%arg16 : memref<!tpu.dma_semaphore, #tpu.memory_space<semaphore_mem>>)
    %dma_wait3A_293 = arith.constant 0 : i32
    %dma_wait3A_294 = arith.constant 0 : i32
    %dma_wait3A_295 = tpu.memref_slice %arg2[%dma_wait3A_293, %dma_wait3A_294] : memref<20032x64xf32, #tpu.memory_space<hbm>> -> memref<64x64xf32, #tpu.memory_space<hbm>>
    %dma_wait3A_296 = arith.constant 0 : i32
    %dma_wait3A_297 = arith.constant 0 : i32
    %dma_wait3A_298 = tpu.memref_slice %arg2[%dma_wait3A_296, %dma_wait3A_297] : memref<20032x64xf32, #tpu.memory_space<hbm>> -> memref<64x64xf32, #tpu.memory_space<hbm>>
    tpu.wait_dma2 semaphore(%arg15 : memref<!tpu.dma_semaphore, #tpu.memory_space<semaphore_mem>>) src(%dma_wait3A_298 : memref<64x64xf32, #tpu.memory_space<hbm>>) dst(%arg13 : memref<64x64xf32, #tpu.memory_space<vmem>>)
    %dma_start3A_299 = arith.constant 0 : i32
    %dma_start3A_300 = arith.constant 0 : i32
    %dma_start3A_301 = tpu.memref_slice %arg12[%dma_start3A_299, %dma_start3A_300] : memref<8x64xi32, #tpu.memory_space<vmem>> -> memref<1x64xi32, #tpu.memory_space<vmem>>
    %dma_start3A_302 = tpu.memref_squeeze %dma_start3A_301 : memref<1x64xi32, #tpu.memory_space<vmem>> -> memref<64xi32, #tpu.memory_space<vmem>>
    %dma_start3A_303 = arith.constant 0 : i32
    %dma_start3A_304 = arith.constant 0 : i32
    %dma_start3A_305 = tpu.memref_slice %arg7[%dma_start3A_303, %dma_start3A_304] : memref<20032x64xf32, #tpu.memory_space<vmem_shared>> -> memref<20032x64xf32, #tpu.memory_space<vmem_shared>>
    tpu.enqueue_indirect_dma source(%arg13 : memref<64x64xf32, #tpu.memory_space<vmem>>) target(%dma_start3A_305 : memref<20032x64xf32, #tpu.memory_space<vmem_shared>>) offsets(%dma_start3A_302 : memref<64xi32, #tpu.memory_space<vmem>>) semaphore(%arg19 : memref<!tpu.dma_semaphore, #tpu.memory_space<semaphore_mem>>) {add = true}
    %dma_wait3A_306 = arith.constant 0 : i32
    %dma_wait3A_307 = arith.constant 0 : i32
    %dma_wait3A_308 = tpu.memref_slice %arg2[%dma_wait3A_306, %dma_wait3A_307] : memref<20032x64xf32, #tpu.memory_space<hbm>> -> memref<64x64xf32, #tpu.memory_space<hbm>>
    %dma_wait3A_309 = arith.constant 0 : i32
    %dma_wait3A_310 = arith.constant 0 : i32
    %dma_wait3A_311 = tpu.memref_slice %arg2[%dma_wait3A_309, %dma_wait3A_310] : memref<20032x64xf32, #tpu.memory_space<hbm>> -> memref<64x64xf32, #tpu.memory_space<hbm>>
    tpu.wait_dma2 semaphore(%arg19 : memref<!tpu.dma_semaphore, #tpu.memory_space<semaphore_mem>>) src(%dma_wait3A_311 : memref<64x64xf32, #tpu.memory_space<hbm>>) dst(%arg13 : memref<64x64xf32, #tpu.memory_space<vmem>>)
    %dma_start3A_312 = arith.constant 2 : i32
    %dma_start3A_313 = arith.constant 0 : i32
    %dma_start3A_314 = tpu.memref_slice %arg11[%dma_start3A_312, %dma_start3A_313] : memref<8x64xi32, #tpu.memory_space<vmem>> -> memref<1x64xi32, #tpu.memory_space<vmem>>
    %dma_start3A_315 = tpu.memref_squeeze %dma_start3A_314 : memref<1x64xi32, #tpu.memory_space<vmem>> -> memref<64xi32, #tpu.memory_space<vmem>>
    %dma_start3A_316 = arith.constant 0 : i32
    %dma_start3A_317 = arith.constant 0 : i32
    %dma_start3A_318 = tpu.memref_slice %arg8[%dma_start3A_316, %dma_start3A_317] : memref<10016x64xf32, #tpu.memory_space<vmem_shared>> -> memref<10016x64xf32, #tpu.memory_space<vmem_shared>>
    tpu.enqueue_indirect_dma source(%dma_start3A_318 : memref<10016x64xf32, #tpu.memory_space<vmem_shared>>) target(%arg13 : memref<64x64xf32, #tpu.memory_space<vmem>>) offsets(%dma_start3A_315 : memref<64xi32, #tpu.memory_space<vmem>>) semaphore(%arg15 : memref<!tpu.dma_semaphore, #tpu.memory_space<semaphore_mem>>)
    %dma_wait3A_319 = arith.constant 0 : i32
    %dma_wait3A_320 = arith.constant 0 : i32
    %dma_wait3A_321 = tpu.memref_slice %arg2[%dma_wait3A_319, %dma_wait3A_320] : memref<20032x64xf32, #tpu.memory_space<hbm>> -> memref<64x64xf32, #tpu.memory_space<hbm>>
    %dma_wait3A_322 = arith.constant 0 : i32
    %dma_wait3A_323 = arith.constant 0 : i32
    %dma_wait3A_324 = tpu.memref_slice %arg2[%dma_wait3A_322, %dma_wait3A_323] : memref<20032x64xf32, #tpu.memory_space<hbm>> -> memref<64x64xf32, #tpu.memory_space<hbm>>
    tpu.wait_dma2 semaphore(%arg16 : memref<!tpu.dma_semaphore, #tpu.memory_space<semaphore_mem>>) src(%dma_wait3A_324 : memref<64x64xf32, #tpu.memory_space<hbm>>) dst(%arg14 : memref<64x64xf32, #tpu.memory_space<vmem>>)
    %dma_start3A_325 = arith.constant 1 : i32
    %dma_start3A_326 = arith.constant 0 : i32
    %dma_start3A_327 = tpu.memref_slice %arg12[%dma_start3A_325, %dma_start3A_326] : memref<8x64xi32, #tpu.memory_space<vmem>> -> memref<1x64xi32, #tpu.memory_space<vmem>>
    %dma_start3A_328 = tpu.memref_squeeze %dma_start3A_327 : memref<1x64xi32, #tpu.memory_space<vmem>> -> memref<64xi32, #tpu.memory_space<vmem>>
    %dma_start3A_329 = arith.constant 0 : i32
    %dma_start3A_330 = arith.constant 0 : i32
    %dma_start3A_331 = tpu.memref_slice %arg7[%dma_start3A_329, %dma_start3A_330] : memref<20032x64xf32, #tpu.memory_space<vmem_shared>> -> memref<20032x64xf32, #tpu.memory_space<vmem_shared>>
    tpu.enqueue_indirect_dma source(%arg14 : memref<64x64xf32, #tpu.memory_space<vmem>>) target(%dma_start3A_331 : memref<20032x64xf32, #tpu.memory_space<vmem_shared>>) offsets(%dma_start3A_328 : memref<64xi32, #tpu.memory_space<vmem>>) semaphore(%arg20 : memref<!tpu.dma_semaphore, #tpu.memory_space<semaphore_mem>>) {add = true}
    %dma_wait3A_332 = arith.constant 0 : i32
    %dma_wait3A_333 = arith.constant 0 : i32
    %dma_wait3A_334 = tpu.memref_slice %arg2[%dma_wait3A_332, %dma_wait3A_333] : memref<20032x64xf32, #tpu.memory_space<hbm>> -> memref<64x64xf32, #tpu.memory_space<hbm>>
    %dma_wait3A_335 = arith.constant 0 : i32
    %dma_wait3A_336 = arith.constant 0 : i32
    %dma_wait3A_337 = tpu.memref_slice %arg2[%dma_wait3A_335, %dma_wait3A_336] : memref<20032x64xf32, #tpu.memory_space<hbm>> -> memref<64x64xf32, #tpu.memory_space<hbm>>
    tpu.wait_dma2 semaphore(%arg20 : memref<!tpu.dma_semaphore, #tpu.memory_space<semaphore_mem>>) src(%dma_wait3A_337 : memref<64x64xf32, #tpu.memory_space<hbm>>) dst(%arg14 : memref<64x64xf32, #tpu.memory_space<vmem>>)
    %dma_start3A_338 = arith.constant 3 : i32
    %dma_start3A_339 = arith.constant 0 : i32
    %dma_start3A_340 = tpu.memref_slice %arg11[%dma_start3A_338, %dma_start3A_339] : memref<8x64xi32, #tpu.memory_space<vmem>> -> memref<1x64xi32, #tpu.memory_space<vmem>>
    %dma_start3A_341 = tpu.memref_squeeze %dma_start3A_340 : memref<1x64xi32, #tpu.memory_space<vmem>> -> memref<64xi32, #tpu.memory_space<vmem>>
    %dma_start3A_342 = arith.constant 0 : i32
    %dma_start3A_343 = arith.constant 0 : i32
    %dma_start3A_344 = tpu.memref_slice %arg8[%dma_start3A_342, %dma_start3A_343] : memref<10016x64xf32, #tpu.memory_space<vmem_shared>> -> memref<10016x64xf32, #tpu.memory_space<vmem_shared>>
    tpu.enqueue_indirect_dma source(%dma_start3A_344 : memref<10016x64xf32, #tpu.memory_space<vmem_shared>>) target(%arg14 : memref<64x64xf32, #tpu.memory_space<vmem>>) offsets(%dma_start3A_341 : memref<64xi32, #tpu.memory_space<vmem>>) semaphore(%arg16 : memref<!tpu.dma_semaphore, #tpu.memory_space<semaphore_mem>>)
    %dma_wait3A_345 = arith.constant 0 : i32
    %dma_wait3A_346 = arith.constant 0 : i32
    %dma_wait3A_347 = tpu.memref_slice %arg2[%dma_wait3A_345, %dma_wait3A_346] : memref<20032x64xf32, #tpu.memory_space<hbm>> -> memref<64x64xf32, #tpu.memory_space<hbm>>
    %dma_wait3A_348 = arith.constant 0 : i32
    %dma_wait3A_349 = arith.constant 0 : i32
    %dma_wait3A_350 = tpu.memref_slice %arg2[%dma_wait3A_348, %dma_wait3A_349] : memref<20032x64xf32, #tpu.memory_space<hbm>> -> memref<64x64xf32, #tpu.memory_space<hbm>>
    tpu.wait_dma2 semaphore(%arg15 : memref<!tpu.dma_semaphore, #tpu.memory_space<semaphore_mem>>) src(%dma_wait3A_350 : memref<64x64xf32, #tpu.memory_space<hbm>>) dst(%arg13 : memref<64x64xf32, #tpu.memory_space<vmem>>)
    %dma_start3A_351 = arith.constant 2 : i32
    %dma_start3A_352 = arith.constant 0 : i32
    %dma_start3A_353 = tpu.memref_slice %arg12[%dma_start3A_351, %dma_start3A_352] : memref<8x64xi32, #tpu.memory_space<vmem>> -> memref<1x64xi32, #tpu.memory_space<vmem>>
    %dma_start3A_354 = tpu.memref_squeeze %dma_start3A_353 : memref<1x64xi32, #tpu.memory_space<vmem>> -> memref<64xi32, #tpu.memory_space<vmem>>
    %dma_start3A_355 = arith.constant 0 : i32
    %dma_start3A_356 = arith.constant 0 : i32
    %dma_start3A_357 = tpu.memref_slice %arg7[%dma_start3A_355, %dma_start3A_356] : memref<20032x64xf32, #tpu.memory_space<vmem_shared>> -> memref<20032x64xf32, #tpu.memory_space<vmem_shared>>
    tpu.enqueue_indirect_dma source(%arg13 : memref<64x64xf32, #tpu.memory_space<vmem>>) target(%dma_start3A_357 : memref<20032x64xf32, #tpu.memory_space<vmem_shared>>) offsets(%dma_start3A_354 : memref<64xi32, #tpu.memory_space<vmem>>) semaphore(%arg19 : memref<!tpu.dma_semaphore, #tpu.memory_space<semaphore_mem>>) {add = true}
    %dma_wait3A_358 = arith.constant 0 : i32
    %dma_wait3A_359 = arith.constant 0 : i32
    %dma_wait3A_360 = tpu.memref_slice %arg2[%dma_wait3A_358, %dma_wait3A_359] : memref<20032x64xf32, #tpu.memory_space<hbm>> -> memref<64x64xf32, #tpu.memory_space<hbm>>
    %dma_wait3A_361 = arith.constant 0 : i32
    %dma_wait3A_362 = arith.constant 0 : i32
    %dma_wait3A_363 = tpu.memref_slice %arg2[%dma_wait3A_361, %dma_wait3A_362] : memref<20032x64xf32, #tpu.memory_space<hbm>> -> memref<64x64xf32, #tpu.memory_space<hbm>>
    tpu.wait_dma2 semaphore(%arg19 : memref<!tpu.dma_semaphore, #tpu.memory_space<semaphore_mem>>) src(%dma_wait3A_363 : memref<64x64xf32, #tpu.memory_space<hbm>>) dst(%arg13 : memref<64x64xf32, #tpu.memory_space<vmem>>)
    %dma_start3A_364 = arith.constant 4 : i32
    %dma_start3A_365 = arith.constant 0 : i32
    %dma_start3A_366 = tpu.memref_slice %arg11[%dma_start3A_364, %dma_start3A_365] : memref<8x64xi32, #tpu.memory_space<vmem>> -> memref<1x64xi32, #tpu.memory_space<vmem>>
    %dma_start3A_367 = tpu.memref_squeeze %dma_start3A_366 : memref<1x64xi32, #tpu.memory_space<vmem>> -> memref<64xi32, #tpu.memory_space<vmem>>
    %dma_start3A_368 = arith.constant 0 : i32
    %dma_start3A_369 = arith.constant 0 : i32
    %dma_start3A_370 = tpu.memref_slice %arg8[%dma_start3A_368, %dma_start3A_369] : memref<10016x64xf32, #tpu.memory_space<vmem_shared>> -> memref<10016x64xf32, #tpu.memory_space<vmem_shared>>
    tpu.enqueue_indirect_dma source(%dma_start3A_370 : memref<10016x64xf32, #tpu.memory_space<vmem_shared>>) target(%arg13 : memref<64x64xf32, #tpu.memory_space<vmem>>) offsets(%dma_start3A_367 : memref<64xi32, #tpu.memory_space<vmem>>) semaphore(%arg15 : memref<!tpu.dma_semaphore, #tpu.memory_space<semaphore_mem>>)
    %dma_wait3A_371 = arith.constant 0 : i32
    %dma_wait3A_372 = arith.constant 0 : i32
    %dma_wait3A_373 = tpu.memref_slice %arg2[%dma_wait3A_371, %dma_wait3A_372] : memref<20032x64xf32, #tpu.memory_space<hbm>> -> memref<64x64xf32, #tpu.memory_space<hbm>>
    %dma_wait3A_374 = arith.constant 0 : i32
    %dma_wait3A_375 = arith.constant 0 : i32
    %dma_wait3A_376 = tpu.memref_slice %arg2[%dma_wait3A_374, %dma_wait3A_375] : memref<20032x64xf32, #tpu.memory_space<hbm>> -> memref<64x64xf32, #tpu.memory_space<hbm>>
    tpu.wait_dma2 semaphore(%arg16 : memref<!tpu.dma_semaphore, #tpu.memory_space<semaphore_mem>>) src(%dma_wait3A_376 : memref<64x64xf32, #tpu.memory_space<hbm>>) dst(%arg14 : memref<64x64xf32, #tpu.memory_space<vmem>>)
    %dma_start3A_377 = arith.constant 3 : i32
    %dma_start3A_378 = arith.constant 0 : i32
    %dma_start3A_379 = tpu.memref_slice %arg12[%dma_start3A_377, %dma_start3A_378] : memref<8x64xi32, #tpu.memory_space<vmem>> -> memref<1x64xi32, #tpu.memory_space<vmem>>
    %dma_start3A_380 = tpu.memref_squeeze %dma_start3A_379 : memref<1x64xi32, #tpu.memory_space<vmem>> -> memref<64xi32, #tpu.memory_space<vmem>>
    %dma_start3A_381 = arith.constant 0 : i32
    %dma_start3A_382 = arith.constant 0 : i32
    %dma_start3A_383 = tpu.memref_slice %arg7[%dma_start3A_381, %dma_start3A_382] : memref<20032x64xf32, #tpu.memory_space<vmem_shared>> -> memref<20032x64xf32, #tpu.memory_space<vmem_shared>>
    tpu.enqueue_indirect_dma source(%arg14 : memref<64x64xf32, #tpu.memory_space<vmem>>) target(%dma_start3A_383 : memref<20032x64xf32, #tpu.memory_space<vmem_shared>>) offsets(%dma_start3A_380 : memref<64xi32, #tpu.memory_space<vmem>>) semaphore(%arg20 : memref<!tpu.dma_semaphore, #tpu.memory_space<semaphore_mem>>) {add = true}
    %dma_wait3A_384 = arith.constant 0 : i32
    %dma_wait3A_385 = arith.constant 0 : i32
    %dma_wait3A_386 = tpu.memref_slice %arg2[%dma_wait3A_384, %dma_wait3A_385] : memref<20032x64xf32, #tpu.memory_space<hbm>> -> memref<64x64xf32, #tpu.memory_space<hbm>>
    %dma_wait3A_387 = arith.constant 0 : i32
    %dma_wait3A_388 = arith.constant 0 : i32
    %dma_wait3A_389 = tpu.memref_slice %arg2[%dma_wait3A_387, %dma_wait3A_388] : memref<20032x64xf32, #tpu.memory_space<hbm>> -> memref<64x64xf32, #tpu.memory_space<hbm>>
    tpu.wait_dma2 semaphore(%arg20 : memref<!tpu.dma_semaphore, #tpu.memory_space<semaphore_mem>>) src(%dma_wait3A_389 : memref<64x64xf32, #tpu.memory_space<hbm>>) dst(%arg14 : memref<64x64xf32, #tpu.memory_space<vmem>>)
    %dma_start3A_390 = arith.constant 5 : i32
    %dma_start3A_391 = arith.constant 0 : i32
    %dma_start3A_392 = tpu.memref_slice %arg11[%dma_start3A_390, %dma_start3A_391] : memref<8x64xi32, #tpu.memory_space<vmem>> -> memref<1x64xi32, #tpu.memory_space<vmem>>
    %dma_start3A_393 = tpu.memref_squeeze %dma_start3A_392 : memref<1x64xi32, #tpu.memory_space<vmem>> -> memref<64xi32, #tpu.memory_space<vmem>>
    %dma_start3A_394 = arith.constant 0 : i32
    %dma_start3A_395 = arith.constant 0 : i32
    %dma_start3A_396 = tpu.memref_slice %arg8[%dma_start3A_394, %dma_start3A_395] : memref<10016x64xf32, #tpu.memory_space<vmem_shared>> -> memref<10016x64xf32, #tpu.memory_space<vmem_shared>>
    tpu.enqueue_indirect_dma source(%dma_start3A_396 : memref<10016x64xf32, #tpu.memory_space<vmem_shared>>) target(%arg14 : memref<64x64xf32, #tpu.memory_space<vmem>>) offsets(%dma_start3A_393 : memref<64xi32, #tpu.memory_space<vmem>>) semaphore(%arg16 : memref<!tpu.dma_semaphore, #tpu.memory_space<semaphore_mem>>)
    %dma_wait3A_397 = arith.constant 0 : i32
    %dma_wait3A_398 = arith.constant 0 : i32
    %dma_wait3A_399 = tpu.memref_slice %arg2[%dma_wait3A_397, %dma_wait3A_398] : memref<20032x64xf32, #tpu.memory_space<hbm>> -> memref<64x64xf32, #tpu.memory_space<hbm>>
    %dma_wait3A_400 = arith.constant 0 : i32
    %dma_wait3A_401 = arith.constant 0 : i32
    %dma_wait3A_402 = tpu.memref_slice %arg2[%dma_wait3A_400, %dma_wait3A_401] : memref<20032x64xf32, #tpu.memory_space<hbm>> -> memref<64x64xf32, #tpu.memory_space<hbm>>
    tpu.wait_dma2 semaphore(%arg15 : memref<!tpu.dma_semaphore, #tpu.memory_space<semaphore_mem>>) src(%dma_wait3A_402 : memref<64x64xf32, #tpu.memory_space<hbm>>) dst(%arg13 : memref<64x64xf32, #tpu.memory_space<vmem>>)
    %dma_start3A_403 = arith.constant 4 : i32
    %dma_start3A_404 = arith.constant 0 : i32
    %dma_start3A_405 = tpu.memref_slice %arg12[%dma_start3A_403, %dma_start3A_404] : memref<8x64xi32, #tpu.memory_space<vmem>> -> memref<1x64xi32, #tpu.memory_space<vmem>>
    %dma_start3A_406 = tpu.memref_squeeze %dma_start3A_405 : memref<1x64xi32, #tpu.memory_space<vmem>> -> memref<64xi32, #tpu.memory_space<vmem>>
    %dma_start3A_407 = arith.constant 0 : i32
    %dma_start3A_408 = arith.constant 0 : i32
    %dma_start3A_409 = tpu.memref_slice %arg7[%dma_start3A_407, %dma_start3A_408] : memref<20032x64xf32, #tpu.memory_space<vmem_shared>> -> memref<20032x64xf32, #tpu.memory_space<vmem_shared>>
    tpu.enqueue_indirect_dma source(%arg13 : memref<64x64xf32, #tpu.memory_space<vmem>>) target(%dma_start3A_409 : memref<20032x64xf32, #tpu.memory_space<vmem_shared>>) offsets(%dma_start3A_406 : memref<64xi32, #tpu.memory_space<vmem>>) semaphore(%arg19 : memref<!tpu.dma_semaphore, #tpu.memory_space<semaphore_mem>>) {add = true}
    %dma_wait3A_410 = arith.constant 0 : i32
    %dma_wait3A_411 = arith.constant 0 : i32
    %dma_wait3A_412 = tpu.memref_slice %arg2[%dma_wait3A_410, %dma_wait3A_411] : memref<20032x64xf32, #tpu.memory_space<hbm>> -> memref<64x64xf32, #tpu.memory_space<hbm>>
    %dma_wait3A_413 = arith.constant 0 : i32
    %dma_wait3A_414 = arith.constant 0 : i32
    %dma_wait3A_415 = tpu.memref_slice %arg2[%dma_wait3A_413, %dma_wait3A_414] : memref<20032x64xf32, #tpu.memory_space<hbm>> -> memref<64x64xf32, #tpu.memory_space<hbm>>
    tpu.wait_dma2 semaphore(%arg19 : memref<!tpu.dma_semaphore, #tpu.memory_space<semaphore_mem>>) src(%dma_wait3A_415 : memref<64x64xf32, #tpu.memory_space<hbm>>) dst(%arg13 : memref<64x64xf32, #tpu.memory_space<vmem>>)
    %dma_start3A_416 = arith.constant 6 : i32
    %dma_start3A_417 = arith.constant 0 : i32
    %dma_start3A_418 = tpu.memref_slice %arg11[%dma_start3A_416, %dma_start3A_417] : memref<8x64xi32, #tpu.memory_space<vmem>> -> memref<1x64xi32, #tpu.memory_space<vmem>>
    %dma_start3A_419 = tpu.memref_squeeze %dma_start3A_418 : memref<1x64xi32, #tpu.memory_space<vmem>> -> memref<64xi32, #tpu.memory_space<vmem>>
    %dma_start3A_420 = arith.constant 0 : i32
    %dma_start3A_421 = arith.constant 0 : i32
    %dma_start3A_422 = tpu.memref_slice %arg8[%dma_start3A_420, %dma_start3A_421] : memref<10016x64xf32, #tpu.memory_space<vmem_shared>> -> memref<10016x64xf32, #tpu.memory_space<vmem_shared>>
    tpu.enqueue_indirect_dma source(%dma_start3A_422 : memref<10016x64xf32, #tpu.memory_space<vmem_shared>>) target(%arg13 : memref<64x64xf32, #tpu.memory_space<vmem>>) offsets(%dma_start3A_419 : memref<64xi32, #tpu.memory_space<vmem>>) semaphore(%arg15 : memref<!tpu.dma_semaphore, #tpu.memory_space<semaphore_mem>>)
    %dma_wait3A_423 = arith.constant 0 : i32
    %dma_wait3A_424 = arith.constant 0 : i32
    %dma_wait3A_425 = tpu.memref_slice %arg2[%dma_wait3A_423, %dma_wait3A_424] : memref<20032x64xf32, #tpu.memory_space<hbm>> -> memref<64x64xf32, #tpu.memory_space<hbm>>
    %dma_wait3A_426 = arith.constant 0 : i32
    %dma_wait3A_427 = arith.constant 0 : i32
    %dma_wait3A_428 = tpu.memref_slice %arg2[%dma_wait3A_426, %dma_wait3A_427] : memref<20032x64xf32, #tpu.memory_space<hbm>> -> memref<64x64xf32, #tpu.memory_space<hbm>>
    tpu.wait_dma2 semaphore(%arg16 : memref<!tpu.dma_semaphore, #tpu.memory_space<semaphore_mem>>) src(%dma_wait3A_428 : memref<64x64xf32, #tpu.memory_space<hbm>>) dst(%arg14 : memref<64x64xf32, #tpu.memory_space<vmem>>)
    %dma_start3A_429 = arith.constant 5 : i32
    %dma_start3A_430 = arith.constant 0 : i32
    %dma_start3A_431 = tpu.memref_slice %arg12[%dma_start3A_429, %dma_start3A_430] : memref<8x64xi32, #tpu.memory_space<vmem>> -> memref<1x64xi32, #tpu.memory_space<vmem>>
    %dma_start3A_432 = tpu.memref_squeeze %dma_start3A_431 : memref<1x64xi32, #tpu.memory_space<vmem>> -> memref<64xi32, #tpu.memory_space<vmem>>
    %dma_start3A_433 = arith.constant 0 : i32
    %dma_start3A_434 = arith.constant 0 : i32
    %dma_start3A_435 = tpu.memref_slice %arg7[%dma_start3A_433, %dma_start3A_434] : memref<20032x64xf32, #tpu.memory_space<vmem_shared>> -> memref<20032x64xf32, #tpu.memory_space<vmem_shared>>
    tpu.enqueue_indirect_dma source(%arg14 : memref<64x64xf32, #tpu.memory_space<vmem>>) target(%dma_start3A_435 : memref<20032x64xf32, #tpu.memory_space<vmem_shared>>) offsets(%dma_start3A_432 : memref<64xi32, #tpu.memory_space<vmem>>) semaphore(%arg20 : memref<!tpu.dma_semaphore, #tpu.memory_space<semaphore_mem>>) {add = true}
    %dma_wait3A_436 = arith.constant 0 : i32
    %dma_wait3A_437 = arith.constant 0 : i32
    %dma_wait3A_438 = tpu.memref_slice %arg2[%dma_wait3A_436, %dma_wait3A_437] : memref<20032x64xf32, #tpu.memory_space<hbm>> -> memref<64x64xf32, #tpu.memory_space<hbm>>
    %dma_wait3A_439 = arith.constant 0 : i32
    %dma_wait3A_440 = arith.constant 0 : i32
    %dma_wait3A_441 = tpu.memref_slice %arg2[%dma_wait3A_439, %dma_wait3A_440] : memref<20032x64xf32, #tpu.memory_space<hbm>> -> memref<64x64xf32, #tpu.memory_space<hbm>>
    tpu.wait_dma2 semaphore(%arg20 : memref<!tpu.dma_semaphore, #tpu.memory_space<semaphore_mem>>) src(%dma_wait3A_441 : memref<64x64xf32, #tpu.memory_space<hbm>>) dst(%arg14 : memref<64x64xf32, #tpu.memory_space<vmem>>)
    %dma_start3A_442 = arith.constant 7 : i32
    %dma_start3A_443 = arith.constant 0 : i32
    %dma_start3A_444 = tpu.memref_slice %arg11[%dma_start3A_442, %dma_start3A_443] : memref<8x64xi32, #tpu.memory_space<vmem>> -> memref<1x64xi32, #tpu.memory_space<vmem>>
    %dma_start3A_445 = tpu.memref_squeeze %dma_start3A_444 : memref<1x64xi32, #tpu.memory_space<vmem>> -> memref<64xi32, #tpu.memory_space<vmem>>
    %dma_start3A_446 = arith.constant 0 : i32
    %dma_start3A_447 = arith.constant 0 : i32
    %dma_start3A_448 = tpu.memref_slice %arg8[%dma_start3A_446, %dma_start3A_447] : memref<10016x64xf32, #tpu.memory_space<vmem_shared>> -> memref<10016x64xf32, #tpu.memory_space<vmem_shared>>
    tpu.enqueue_indirect_dma source(%dma_start3A_448 : memref<10016x64xf32, #tpu.memory_space<vmem_shared>>) target(%arg14 : memref<64x64xf32, #tpu.memory_space<vmem>>) offsets(%dma_start3A_445 : memref<64xi32, #tpu.memory_space<vmem>>) semaphore(%arg16 : memref<!tpu.dma_semaphore, #tpu.memory_space<semaphore_mem>>)
    %dma_wait3A_449 = arith.constant 0 : i32
    %dma_wait3A_450 = arith.constant 0 : i32
    %dma_wait3A_451 = tpu.memref_slice %arg2[%dma_wait3A_449, %dma_wait3A_450] : memref<20032x64xf32, #tpu.memory_space<hbm>> -> memref<64x64xf32, #tpu.memory_space<hbm>>
    %dma_wait3A_452 = arith.constant 0 : i32
    %dma_wait3A_453 = arith.constant 0 : i32
    %dma_wait3A_454 = tpu.memref_slice %arg2[%dma_wait3A_452, %dma_wait3A_453] : memref<20032x64xf32, #tpu.memory_space<hbm>> -> memref<64x64xf32, #tpu.memory_space<hbm>>
    tpu.wait_dma2 semaphore(%arg15 : memref<!tpu.dma_semaphore, #tpu.memory_space<semaphore_mem>>) src(%dma_wait3A_454 : memref<64x64xf32, #tpu.memory_space<hbm>>) dst(%arg13 : memref<64x64xf32, #tpu.memory_space<vmem>>)
    %dma_start3A_455 = arith.constant 6 : i32
    %dma_start3A_456 = arith.constant 0 : i32
    %dma_start3A_457 = tpu.memref_slice %arg12[%dma_start3A_455, %dma_start3A_456] : memref<8x64xi32, #tpu.memory_space<vmem>> -> memref<1x64xi32, #tpu.memory_space<vmem>>
    %dma_start3A_458 = tpu.memref_squeeze %dma_start3A_457 : memref<1x64xi32, #tpu.memory_space<vmem>> -> memref<64xi32, #tpu.memory_space<vmem>>
    %dma_start3A_459 = arith.constant 0 : i32
    %dma_start3A_460 = arith.constant 0 : i32
    %dma_start3A_461 = tpu.memref_slice %arg7[%dma_start3A_459, %dma_start3A_460] : memref<20032x64xf32, #tpu.memory_space<vmem_shared>> -> memref<20032x64xf32, #tpu.memory_space<vmem_shared>>
    tpu.enqueue_indirect_dma source(%arg13 : memref<64x64xf32, #tpu.memory_space<vmem>>) target(%dma_start3A_461 : memref<20032x64xf32, #tpu.memory_space<vmem_shared>>) offsets(%dma_start3A_458 : memref<64xi32, #tpu.memory_space<vmem>>) semaphore(%arg19 : memref<!tpu.dma_semaphore, #tpu.memory_space<semaphore_mem>>) {add = true}
    %dma_wait3A_462 = arith.constant 0 : i32
    %dma_wait3A_463 = arith.constant 0 : i32
    %dma_wait3A_464 = tpu.memref_slice %arg2[%dma_wait3A_462, %dma_wait3A_463] : memref<20032x64xf32, #tpu.memory_space<hbm>> -> memref<64x64xf32, #tpu.memory_space<hbm>>
    %dma_wait3A_465 = arith.constant 0 : i32
    %dma_wait3A_466 = arith.constant 0 : i32
    %dma_wait3A_467 = tpu.memref_slice %arg2[%dma_wait3A_465, %dma_wait3A_466] : memref<20032x64xf32, #tpu.memory_space<hbm>> -> memref<64x64xf32, #tpu.memory_space<hbm>>
    tpu.wait_dma2 semaphore(%arg16 : memref<!tpu.dma_semaphore, #tpu.memory_space<semaphore_mem>>) src(%dma_wait3A_467 : memref<64x64xf32, #tpu.memory_space<hbm>>) dst(%arg14 : memref<64x64xf32, #tpu.memory_space<vmem>>)
    %dma_start3A_468 = arith.constant 7 : i32
    %dma_start3A_469 = arith.constant 0 : i32
    %dma_start3A_470 = tpu.memref_slice %arg12[%dma_start3A_468, %dma_start3A_469] : memref<8x64xi32, #tpu.memory_space<vmem>> -> memref<1x64xi32, #tpu.memory_space<vmem>>
    %dma_start3A_471 = tpu.memref_squeeze %dma_start3A_470 : memref<1x64xi32, #tpu.memory_space<vmem>> -> memref<64xi32, #tpu.memory_space<vmem>>
    %dma_start3A_472 = arith.constant 0 : i32
    %dma_start3A_473 = arith.constant 0 : i32
    %dma_start3A_474 = tpu.memref_slice %arg7[%dma_start3A_472, %dma_start3A_473] : memref<20032x64xf32, #tpu.memory_space<vmem_shared>> -> memref<20032x64xf32, #tpu.memory_space<vmem_shared>>
    tpu.enqueue_indirect_dma source(%arg14 : memref<64x64xf32, #tpu.memory_space<vmem>>) target(%dma_start3A_474 : memref<20032x64xf32, #tpu.memory_space<vmem_shared>>) offsets(%dma_start3A_471 : memref<64xi32, #tpu.memory_space<vmem>>) semaphore(%arg20 : memref<!tpu.dma_semaphore, #tpu.memory_space<semaphore_mem>>) {add = true}
    %dma_wait3A_475 = arith.constant 0 : i32
    %dma_wait3A_476 = arith.constant 0 : i32
    %dma_wait3A_477 = tpu.memref_slice %arg2[%dma_wait3A_475, %dma_wait3A_476] : memref<20032x64xf32, #tpu.memory_space<hbm>> -> memref<64x64xf32, #tpu.memory_space<hbm>>
    %dma_wait3A_478 = arith.constant 0 : i32
    %dma_wait3A_479 = arith.constant 0 : i32
    %dma_wait3A_480 = tpu.memref_slice %arg2[%dma_wait3A_478, %dma_wait3A_479] : memref<20032x64xf32, #tpu.memory_space<hbm>> -> memref<64x64xf32, #tpu.memory_space<hbm>>
    tpu.wait_dma2 semaphore(%arg19 : memref<!tpu.dma_semaphore, #tpu.memory_space<semaphore_mem>>) src(%dma_wait3A_480 : memref<64x64xf32, #tpu.memory_space<hbm>>) dst(%arg13 : memref<64x64xf32, #tpu.memory_space<vmem>>)
    %dma_wait3A_481 = arith.constant 0 : i32
    %dma_wait3A_482 = arith.constant 0 : i32
    %dma_wait3A_483 = tpu.memref_slice %arg2[%dma_wait3A_481, %dma_wait3A_482] : memref<20032x64xf32, #tpu.memory_space<hbm>> -> memref<64x64xf32, #tpu.memory_space<hbm>>
    %dma_wait3A_484 = arith.constant 0 : i32
    %dma_wait3A_485 = arith.constant 0 : i32
    %dma_wait3A_486 = tpu.memref_slice %arg2[%dma_wait3A_484, %dma_wait3A_485] : memref<20032x64xf32, #tpu.memory_space<hbm>> -> memref<64x64xf32, #tpu.memory_space<hbm>>
    tpu.wait_dma2 semaphore(%arg20 : memref<!tpu.dma_semaphore, #tpu.memory_space<semaphore_mem>>) src(%dma_wait3A_486 : memref<64x64xf32, #tpu.memory_space<hbm>>) dst(%arg14 : memref<64x64xf32, #tpu.memory_space<vmem>>)
    %barrier3A_487 = arith.constant 0 : index
    tpu.barrier barrier_id(%barrier3A_487)
    %jit3A = arith.constant 8 : i32
    %div3A = arith.divsi %arg1, %jit3A : i32
    %sign3A = arith.constant 0 : i32
    %sign3A_488 = arith.cmpi sgt, %arg1, %sign3A : i32
    %sign3A_489 = arith.extui %sign3A_488 : i1 to i32
    %sign3A_490 = arith.constant 0 : i32
    %sign3A_491 = arith.cmpi slt, %arg1, %sign3A_490 : i32
    %sign3A_492 = arith.extui %sign3A_491 : i1 to i32
    %sign3A_493 = arith.subi %sign3A_489, %sign3A_492 : i32
    %sign3A_494 = arith.constant 0 : i32
    %sign3A_495 = arith.cmpi sgt, %jit3A, %sign3A_494 : i32
    %sign3A_496 = arith.extui %sign3A_495 : i1 to i32
    %sign3A_497 = arith.constant 0 : i32
    %sign3A_498 = arith.cmpi slt, %jit3A, %sign3A_497 : i32
    %sign3A_499 = arith.extui %sign3A_498 : i1 to i32
    %sign3A_500 = arith.subi %sign3A_496, %sign3A_499 : i32
    %ne3A = arith.cmpi ne, %sign3A_493, %sign3A_500 : i32
    %rem3A = arith.remsi %arg1, %jit3A : i32
    %ne3A_501 = arith.constant 0 : i32
    %ne3A_502 = arith.cmpi ne, %rem3A, %ne3A_501 : i32
    %and3A = arith.andi %ne3A, %ne3A_502 : i1
    %sub3A = arith.constant 1 : i32
    %sub3A_503 = arith.subi %div3A, %sub3A : i32
    %select_n3A = arith.select %and3A, %sub3A_503, %div3A : i32
    %jit3A_504 = arith.constant 8 : i32
    %eq3A = arith.constant 0 : i32
    %eq3A_505 = arith.cmpi eq, %jit3A_504, %eq3A : i32
    %jit3A_506 = arith.constant 1 : i32
    %select_n3A_507 = arith.select %eq3A_505, %jit3A_506, %jit3A_504 : i32
    %rem3A_508 = arith.remsi %arg1, %select_n3A_507 : i32
    %ne3A_509 = arith.constant 0 : i32
    %ne3A_510 = arith.cmpi ne, %rem3A_508, %ne3A_509 : i32
    %lt3A = arith.constant 0 : i32
    %lt3A_511 = arith.cmpi slt, %rem3A_508, %lt3A : i32
    %lt3A_512 = arith.constant 0 : i32
    %lt3A_513 = arith.cmpi slt, %select_n3A_507, %lt3A_512 : i32
    %ne3A_514 = arith.xori %lt3A_511, %lt3A_513 : i1
    %and3A_515 = arith.andi %ne3A_514, %ne3A_510 : i1
    %add3A_516 = arith.addi %rem3A_508, %select_n3A_507 : i32
    %select_n3A_517 = arith.select %and3A_515, %add3A_516, %rem3A_508 : i32
    %mul3A_518 = arith.constant 1252 : i32
    %mul3A_519 = arith.muli %select_n3A_517, %mul3A_518 : i32
    "tpu.region"() ({
      %run_scoped3A = tpu.sem_alloc : memref<!tpu.dma_semaphore, #tpu.memory_space<semaphore_mem>>
      %dma_start3A_520 = arith.constant 0 : i32
      %dma_start3A_521 = tpu.memref_slice %arg6[%arg0, %select_n3A, %mul3A_519, %dma_start3A_520] : memref<2x2x10016x64xf32, #tpu.memory_space<hbm>> -> memref<1x1x1252x64xf32, #tpu.memory_space<hbm>>
      %dma_start3A_522 = tpu.memref_squeeze %dma_start3A_521 : memref<1x1x1252x64xf32, #tpu.memory_space<hbm>> -> memref<1252x64xf32, #tpu.memory_space<hbm>>
      %dma_start3A_523 = arith.constant 0 : i32
      %dma_start3A_524 = tpu.memref_slice %arg7[%mul3A_4, %dma_start3A_523] : memref<20032x64xf32, #tpu.memory_space<vmem_shared>> -> memref<1252x64xf32, #tpu.memory_space<vmem_shared>>
      tpu.enqueue_dma source(%dma_start3A_524 : memref<1252x64xf32, #tpu.memory_space<vmem_shared>>) target(%dma_start3A_522 : memref<1252x64xf32, #tpu.memory_space<hbm>>) target_semaphore(%run_scoped3A : memref<!tpu.dma_semaphore, #tpu.memory_space<semaphore_mem>>)
      %dma_wait3A_525 = arith.constant 0 : i32
      %dma_wait3A_526 = tpu.memref_slice %arg6[%arg0, %select_n3A, %mul3A_519, %dma_wait3A_525] : memref<2x2x10016x64xf32, #tpu.memory_space<hbm>> -> memref<1x1x1252x64xf32, #tpu.memory_space<hbm>>
      %dma_wait3A_527 = tpu.memref_squeeze %dma_wait3A_526 : memref<1x1x1252x64xf32, #tpu.memory_space<hbm>> -> memref<1252x64xf32, #tpu.memory_space<hbm>>
      %dma_wait3A_528 = arith.constant 0 : i32
      %dma_wait3A_529 = tpu.memref_slice %arg7[%mul3A_4, %dma_wait3A_528] : memref<20032x64xf32, #tpu.memory_space<vmem_shared>> -> memref<1252x64xf32, #tpu.memory_space<vmem_shared>>
      tpu.wait_dma2 semaphore(%run_scoped3A : memref<!tpu.dma_semaphore, #tpu.memory_space<semaphore_mem>>) src(%dma_wait3A_529 : memref<1252x64xf32, #tpu.memory_space<vmem_shared>>) dst(%dma_wait3A_527 : memref<1252x64xf32, #tpu.memory_space<hbm>>)
      tpu.yield
    }) : () -> ()
    return
  }
}

#map = affine_map<(d0, d1) -> (0, 0, 0)>
#map1 = affine_map<(d0, d1) -> (0, 0)>
module attributes {stable_mosaic.version = 14 : i64} {
  func.func @_prep_body(%arg0: i32, %arg1: i32, %arg2: memref<16x320x64xi32, #tpu.memory_space<hbm>>, %arg3: memref<16x320x64xi32, #tpu.memory_space<hbm>>, %arg4: memref<1252x16xf32, #tpu.memory_space<hbm>>, %arg5: memref<16x320x64xi32, #tpu.memory_space<hbm>>, %arg6: memref<2x10016x16xf32, #tpu.memory_space<hbm>>, %arg7: memref<20032x16xf32, #tpu.memory_space<vmem_shared>>, %arg8: memref<8x64xi32, #tpu.memory_space<vmem>>, %arg9: memref<8x64xi32, #tpu.memory_space<vmem>>, %arg10: memref<64x16xf32, #tpu.memory_space<vmem>>, %arg11: memref<!tpu.dma_semaphore, #tpu.memory_space<semaphore_mem>>, %arg12: memref<!tpu.dma_semaphore, #tpu.memory_space<semaphore_mem>>, %arg13: memref<!tpu.dma_semaphore, #tpu.memory_space<semaphore_mem>>) attributes {dimension_semantics = [#tpu.dimension_semantics<core_parallel>, #tpu.dimension_semantics<subcore_parallel>], iteration_bounds = array<i64: 2, 16>, scalar_prefetch = 0 : i64, scratch_operands = 7 : i64, tpu.core_type = #tpu.core_type<sc_vector_subcore>, window_params = [{transform_indices = #map}, {transform_indices = #map}, {transform_indices = #map1}, {transform_indices = #map}, {transform_indices = #map}]} {
    %mul3A = arith.constant 1252 : i32
    %mul3A_0 = arith.muli %arg1, %mul3A : i32
    %eq3A = arith.constant 0 : i32
    %eq3A_1 = arith.cmpi eq, %arg0, %eq3A : i32
    %convert_element_type3A = arith.extui %eq3A_1 : i1 to i32
    %cond3A = arith.constant 0 : i32
    %cond3A_2 = arith.cmpi ne, %convert_element_type3A, %cond3A : i32
    scf.if %cond3A_2 {
      %broadcast_in_dim3A = arith.constant 1.000000e+00 : f32
      %broadcast_in_dim3A_14 = vector.broadcast %broadcast_in_dim3A : f32 to vector<16xf32>
      %scan3A = arith.constant 0 : i32
      %scan3A_15 = arith.constant 64 : i32
      %scan3A_16 = arith.addi %scan3A, %scan3A_15 : i32
      %scan3A_17 = arith.constant 1 : i32
      scf.for %scan3A_34 = %scan3A to %scan3A_16 step %scan3A_17  : i32 {
        %mul3A_35 = arith.constant 1 : i32
        %mul3A_36 = arith.muli %scan3A_34, %mul3A_35 : i32
        %add3A = arith.constant 0 : i32
        %add3A_37 = arith.addi %add3A, %mul3A_36 : i32
        %swap3A = arith.index_cast %add3A_37 : i32 to index
        %swap3A_38 = arith.constant 0 : index
        %swap3A_39 = tpu.vector_load %arg10[%swap3A, %swap3A_38] {strides = array<i32>} : memref<64x16xf32, #tpu.memory_space<vmem>>, vector<1x16xf32>,
        %swap3A_40 = vector.shape_cast %swap3A_39 : vector<1x16xf32> to vector<16xf32>
        %swap3A_41 = vector.shape_cast %broadcast_in_dim3A_14 : vector<16xf32> to vector<1x16xf32>
        tpu.vector_store %arg10[%swap3A, %swap3A_38], %swap3A_41 {strides = array<i32>} : memref<64x16xf32, #tpu.memory_space<vmem>>, vector<1x16xf32>,
      }
      %scan3A_18 = arith.constant 64 : i32
      "tpu.region"() ({
        %run_scoped3A = tpu.sem_alloc : memref<!tpu.dma_semaphore, #tpu.memory_space<semaphore_mem>>
        %dma_start3A_34 = arith.constant 0 : i32
        %dma_start3A_35 = tpu.memref_slice %arg7[%mul3A_0, %dma_start3A_34] : memref<20032x16xf32, #tpu.memory_space<vmem_shared>> -> memref<1252x16xf32, #tpu.memory_space<vmem_shared>>
        tpu.enqueue_dma source(%arg4 : memref<1252x16xf32, #tpu.memory_space<hbm>>) target(%dma_start3A_35 : memref<1252x16xf32, #tpu.memory_space<vmem_shared>>) target_semaphore(%run_scoped3A : memref<!tpu.dma_semaphore, #tpu.memory_space<semaphore_mem>>)
        %dma_wait3A = arith.constant 0 : i32
        %dma_wait3A_36 = tpu.memref_slice %arg7[%mul3A_0, %dma_wait3A] : memref<20032x16xf32, #tpu.memory_space<vmem_shared>> -> memref<1252x16xf32, #tpu.memory_space<vmem_shared>>
        tpu.wait_dma2 semaphore(%run_scoped3A : memref<!tpu.dma_semaphore, #tpu.memory_space<semaphore_mem>>) src(%arg4 : memref<1252x16xf32, #tpu.memory_space<hbm>>) dst(%dma_wait3A_36 : memref<1252x16xf32, #tpu.memory_space<vmem_shared>>)
        tpu.yield
      }) : () -> ()
      %dma_start3A = arith.constant 0 : i32
      %dma_start3A_19 = arith.constant 0 : i32
      %dma_start3A_20 = tpu.memref_slice %arg2[%arg1, %dma_start3A, %dma_start3A_19] : memref<16x320x64xi32, #tpu.memory_space<hbm>> -> memref<1x8x64xi32, #tpu.memory_space<hbm>>
      %dma_start3A_21 = tpu.memref_squeeze %dma_start3A_20 : memref<1x8x64xi32, #tpu.memory_space<hbm>> -> memref<8x64xi32, #tpu.memory_space<hbm>>
      %dma_start3A_22 = arith.constant 0 : i32
      %dma_start3A_23 = arith.constant 0 : i32
      %dma_start3A_24 = tpu.memref_slice %arg2[%arg1, %dma_start3A_22, %dma_start3A_23] : memref<16x320x64xi32, #tpu.memory_space<hbm>> -> memref<1x8x64xi32, #tpu.memory_space<hbm>>
      %dma_start3A_25 = tpu.memref_squeeze %dma_start3A_24 : memref<1x8x64xi32, #tpu.memory_space<hbm>> -> memref<8x64xi32, #tpu.memory_space<hbm>>
      tpu.enqueue_dma source(%dma_start3A_25 : memref<8x64xi32, #tpu.memory_space<hbm>>) target(%arg8 : memref<8x64xi32, #tpu.memory_space<vmem>>) target_semaphore(%arg11 : memref<!tpu.dma_semaphore, #tpu.memory_space<semaphore_mem>>)
      %dma_start3A_26 = arith.constant 0 : i32
      %dma_start3A_27 = arith.constant 0 : i32
      %dma_start3A_28 = tpu.memref_slice %arg3[%arg1, %dma_start3A_26, %dma_start3A_27] : memref<16x320x64xi32, #tpu.memory_space<hbm>> -> memref<1x8x64xi32, #tpu.memory_space<hbm>>
      %dma_start3A_29 = tpu.memref_squeeze %dma_start3A_28 : memref<1x8x64xi32, #tpu.memory_space<hbm>> -> memref<8x64xi32, #tpu.memory_space<hbm>>
      %dma_start3A_30 = arith.constant 0 : i32
      %dma_start3A_31 = arith.constant 0 : i32
      %dma_start3A_32 = tpu.memref_slice %arg3[%arg1, %dma_start3A_30, %dma_start3A_31] : memref<16x320x64xi32, #tpu.memory_space<hbm>> -> memref<1x8x64xi32, #tpu.memory_space<hbm>>
      %dma_start3A_33 = tpu.memref_squeeze %dma_start3A_32 : memref<1x8x64xi32, #tpu.memory_space<hbm>> -> memref<8x64xi32, #tpu.memory_space<hbm>>
      tpu.enqueue_dma source(%dma_start3A_33 : memref<8x64xi32, #tpu.memory_space<hbm>>) target(%arg9 : memref<8x64xi32, #tpu.memory_space<vmem>>) target_semaphore(%arg11 : memref<!tpu.dma_semaphore, #tpu.memory_space<semaphore_mem>>)
    } else {
    }
    %barrier3A = arith.constant 0 : index
    tpu.barrier barrier_id(%barrier3A)
    %eq3A_3 = arith.constant 0 : i32
    %eq3A_4 = arith.cmpi eq, %arg0, %eq3A_3 : i32
    %convert_element_type3A_5 = arith.extui %eq3A_4 : i1 to i32
    %cond3A_6 = arith.constant 0 : i32
    %cond3A_7 = arith.cmpi ne, %convert_element_type3A_5, %cond3A_6 : i32
    scf.if %cond3A_7 {
      %scan3A = arith.constant 0 : i32
      %scan3A_14 = arith.constant 40 : i32
      %scan3A_15 = arith.addi %scan3A, %scan3A_14 : i32
      %scan3A_16 = arith.constant 1 : i32
      scf.for %scan3A_18 = %scan3A to %scan3A_15 step %scan3A_16  : i32 {
        %mul3A_19 = arith.constant 1 : i32
        %mul3A_20 = arith.muli %scan3A_18, %mul3A_19 : i32
        %add3A = arith.constant 0 : i32
        %add3A_21 = arith.addi %add3A, %mul3A_20 : i32
        %dma_wait3A = arith.constant 0 : i32
        %dma_wait3A_22 = arith.constant 0 : i32
        %dma_wait3A_23 = tpu.memref_slice %arg2[%arg1, %dma_wait3A, %dma_wait3A_22] : memref<16x320x64xi32, #tpu.memory_space<hbm>> -> memref<1x8x64xi32, #tpu.memory_space<hbm>>
        %dma_wait3A_24 = tpu.memref_squeeze %dma_wait3A_23 : memref<1x8x64xi32, #tpu.memory_space<hbm>> -> memref<8x64xi32, #tpu.memory_space<hbm>>
        %dma_wait3A_25 = arith.constant 0 : i32
        %dma_wait3A_26 = arith.constant 0 : i32
        %dma_wait3A_27 = tpu.memref_slice %arg2[%arg1, %dma_wait3A_25, %dma_wait3A_26] : memref<16x320x64xi32, #tpu.memory_space<hbm>> -> memref<1x8x64xi32, #tpu.memory_space<hbm>>
        %dma_wait3A_28 = tpu.memref_squeeze %dma_wait3A_27 : memref<1x8x64xi32, #tpu.memory_space<hbm>> -> memref<8x64xi32, #tpu.memory_space<hbm>>
        tpu.wait_dma2 semaphore(%arg11 : memref<!tpu.dma_semaphore, #tpu.memory_space<semaphore_mem>>) src(%dma_wait3A_28 : memref<8x64xi32, #tpu.memory_space<hbm>>) dst(%arg8 : memref<8x64xi32, #tpu.memory_space<vmem>>)
        %dma_wait3A_29 = arith.constant 0 : i32
        %dma_wait3A_30 = arith.constant 0 : i32
        %dma_wait3A_31 = tpu.memref_slice %arg2[%arg1, %dma_wait3A_29, %dma_wait3A_30] : memref<16x320x64xi32, #tpu.memory_space<hbm>> -> memref<1x8x64xi32, #tpu.memory_space<hbm>>
        %dma_wait3A_32 = tpu.memref_squeeze %dma_wait3A_31 : memref<1x8x64xi32, #tpu.memory_space<hbm>> -> memref<8x64xi32, #tpu.memory_space<hbm>>
        %dma_wait3A_33 = arith.constant 0 : i32
        %dma_wait3A_34 = arith.constant 0 : i32
        %dma_wait3A_35 = tpu.memref_slice %arg2[%arg1, %dma_wait3A_33, %dma_wait3A_34] : memref<16x320x64xi32, #tpu.memory_space<hbm>> -> memref<1x8x64xi32, #tpu.memory_space<hbm>>
        %dma_wait3A_36 = tpu.memref_squeeze %dma_wait3A_35 : memref<1x8x64xi32, #tpu.memory_space<hbm>> -> memref<8x64xi32, #tpu.memory_space<hbm>>
        tpu.wait_dma2 semaphore(%arg11 : memref<!tpu.dma_semaphore, #tpu.memory_space<semaphore_mem>>) src(%dma_wait3A_36 : memref<8x64xi32, #tpu.memory_space<hbm>>) dst(%arg9 : memref<8x64xi32, #tpu.memory_space<vmem>>)
        %scan3A_37 = arith.constant 0 : i32
        %scan3A_38 = arith.constant 32 : i32
        %scan3A_39 = arith.addi %scan3A_37, %scan3A_38 : i32
        %scan3A_40 = arith.constant 1 : i32
        scf.for %scan3A_167 = %scan3A_37 to %scan3A_39 step %scan3A_40  : i32 {
          %mul3A_168 = arith.constant 1 : i32
          %mul3A_169 = arith.muli %scan3A_167, %mul3A_168 : i32
          %add3A_170 = arith.constant 0 : i32
          %add3A_171 = arith.addi %add3A_170, %mul3A_169 : i32
          %jit3A = arith.constant 4 : i32
          %div3A = arith.divsi %add3A_171, %jit3A : i32
          %sign3A = arith.constant 0 : i32
          %sign3A_172 = arith.cmpi sgt, %add3A_171, %sign3A : i32
          %sign3A_173 = arith.extui %sign3A_172 : i1 to i32
          %sign3A_174 = arith.constant 0 : i32
          %sign3A_175 = arith.cmpi slt, %add3A_171, %sign3A_174 : i32
          %sign3A_176 = arith.extui %sign3A_175 : i1 to i32
          %sign3A_177 = arith.subi %sign3A_173, %sign3A_176 : i32
          %sign3A_178 = arith.constant 0 : i32
          %sign3A_179 = arith.cmpi sgt, %jit3A, %sign3A_178 : i32
          %sign3A_180 = arith.extui %sign3A_179 : i1 to i32
          %sign3A_181 = arith.constant 0 : i32
          %sign3A_182 = arith.cmpi slt, %jit3A, %sign3A_181 : i32
          %sign3A_183 = arith.extui %sign3A_182 : i1 to i32
          %sign3A_184 = arith.subi %sign3A_180, %sign3A_183 : i32
          %ne3A = arith.cmpi ne, %sign3A_177, %sign3A_184 : i32
          %rem3A = arith.remsi %add3A_171, %jit3A : i32
          %ne3A_185 = arith.constant 0 : i32
          %ne3A_186 = arith.cmpi ne, %rem3A, %ne3A_185 : i32
          %and3A = arith.andi %ne3A, %ne3A_186 : i1
          %sub3A = arith.constant 1 : i32
          %sub3A_187 = arith.subi %div3A, %sub3A : i32
          %select_n3A = arith.select %and3A, %sub3A_187, %div3A : i32
          %jit3A_188 = arith.constant 4 : i32
          %eq3A_189 = arith.constant 0 : i32
          %eq3A_190 = arith.cmpi eq, %jit3A_188, %eq3A_189 : i32
          %jit3A_191 = arith.constant 1 : i32
          %select_n3A_192 = arith.select %eq3A_190, %jit3A_191, %jit3A_188 : i32
          %rem3A_193 = arith.remsi %add3A_171, %select_n3A_192 : i32
          %ne3A_194 = arith.constant 0 : i32
          %ne3A_195 = arith.cmpi ne, %rem3A_193, %ne3A_194 : i32
          %lt3A_196 = arith.constant 0 : i32
          %lt3A_197 = arith.cmpi slt, %rem3A_193, %lt3A_196 : i32
          %lt3A_198 = arith.constant 0 : i32
          %lt3A_199 = arith.cmpi slt, %select_n3A_192, %lt3A_198 : i32
          %ne3A_200 = arith.xori %lt3A_197, %lt3A_199 : i1
          %and3A_201 = arith.andi %ne3A_200, %ne3A_195 : i1
          %add3A_202 = arith.addi %rem3A_193, %select_n3A_192 : i32
          %select_n3A_203 = arith.select %and3A_201, %add3A_202, %rem3A_193 : i32
          %mul3A_204 = arith.constant 16 : i32
          %mul3A_205 = arith.muli %select_n3A_203, %mul3A_204 : i32
          %get3A = arith.index_cast %select_n3A : i32 to index
          %get3A_206 = arith.index_cast %mul3A_205 : i32 to index
          %get3A_207 = tpu.vector_load %arg8[%get3A, %get3A_206] {strides = array<i32>} : memref<8x64xi32, #tpu.memory_space<vmem>>, vector<1x16xi32>,
          %get3A_208 = vector.shape_cast %get3A_207 : vector<1x16xi32> to vector<16xi32>
          %get3A_209 = arith.index_cast %select_n3A : i32 to index
          %get3A_210 = arith.index_cast %mul3A_205 : i32 to index
          %get3A_211 = tpu.vector_load %arg9[%get3A_209, %get3A_210] {strides = array<i32>} : memref<8x64xi32, #tpu.memory_space<vmem>>, vector<1x16xi32>,
          %get3A_212 = vector.shape_cast %get3A_211 : vector<1x16xi32> to vector<16xi32>
          %mul3A_213 = arith.constant 10016 : i32
          %mul3A_214 = vector.broadcast %mul3A_213 : i32 to vector<16xi32>
          %mul3A_215 = arith.muli %get3A_212, %mul3A_214 : vector<16xi32>
          %add3A_216 = arith.addi %get3A_208, %mul3A_215 : vector<16xi32>
          %swap3A = arith.index_cast %select_n3A : i32 to index
          %swap3A_217 = arith.index_cast %mul3A_205 : i32 to index
          %swap3A_218 = tpu.vector_load %arg8[%swap3A, %swap3A_217] {strides = array<i32>} : memref<8x64xi32, #tpu.memory_space<vmem>>, vector<1x16xi32>,
          %swap3A_219 = vector.shape_cast %swap3A_218 : vector<1x16xi32> to vector<16xi32>
          %swap3A_220 = vector.shape_cast %add3A_216 : vector<16xi32> to vector<1x16xi32>
          tpu.vector_store %arg8[%swap3A, %swap3A_217], %swap3A_220 {strides = array<i32>} : memref<8x64xi32, #tpu.memory_space<vmem>>, vector<1x16xi32>,
        }
        %scan3A_41 = arith.constant 32 : i32
        %mul3A_42 = arith.constant 8 : i32
        %mul3A_43 = arith.muli %add3A_21, %mul3A_42 : i32
        %dma_start3A = arith.constant 0 : i32
        %dma_start3A_44 = tpu.memref_slice %arg5[%arg1, %mul3A_43, %dma_start3A] : memref<16x320x64xi32, #tpu.memory_space<hbm>> -> memref<1x8x64xi32, #tpu.memory_space<hbm>>
        %dma_start3A_45 = tpu.memref_squeeze %dma_start3A_44 : memref<1x8x64xi32, #tpu.memory_space<hbm>> -> memref<8x64xi32, #tpu.memory_space<hbm>>
        %dma_start3A_46 = arith.constant 0 : i32
        %dma_start3A_47 = tpu.memref_slice %arg5[%arg1, %mul3A_43, %dma_start3A_46] : memref<16x320x64xi32, #tpu.memory_space<hbm>> -> memref<1x8x64xi32, #tpu.memory_space<hbm>>
        %dma_start3A_48 = tpu.memref_squeeze %dma_start3A_47 : memref<1x8x64xi32, #tpu.memory_space<hbm>> -> memref<8x64xi32, #tpu.memory_space<hbm>>
        tpu.enqueue_dma source(%arg8 : memref<8x64xi32, #tpu.memory_space<vmem>>) target(%dma_start3A_48 : memref<8x64xi32, #tpu.memory_space<hbm>>) target_semaphore(%arg12 : memref<!tpu.dma_semaphore, #tpu.memory_space<semaphore_mem>>)
        %dma_start3A_49 = arith.constant 0 : i32
        %dma_start3A_50 = arith.constant 0 : i32
        %dma_start3A_51 = tpu.memref_slice %arg8[%dma_start3A_49, %dma_start3A_50] : memref<8x64xi32, #tpu.memory_space<vmem>> -> memref<1x64xi32, #tpu.memory_space<vmem>>
        %dma_start3A_52 = tpu.memref_squeeze %dma_start3A_51 : memref<1x64xi32, #tpu.memory_space<vmem>> -> memref<64xi32, #tpu.memory_space<vmem>>
        %dma_start3A_53 = arith.constant 0 : i32
        %dma_start3A_54 = arith.constant 0 : i32
        %dma_start3A_55 = tpu.memref_slice %arg7[%dma_start3A_53, %dma_start3A_54] : memref<20032x16xf32, #tpu.memory_space<vmem_shared>> -> memref<20032x16xf32, #tpu.memory_space<vmem_shared>>
        tpu.enqueue_indirect_dma source(%arg10 : memref<64x16xf32, #tpu.memory_space<vmem>>) target(%dma_start3A_55 : memref<20032x16xf32, #tpu.memory_space<vmem_shared>>) offsets(%dma_start3A_52 : memref<64xi32, #tpu.memory_space<vmem>>) semaphore(%arg13 : memref<!tpu.dma_semaphore, #tpu.memory_space<semaphore_mem>>) {add = true}
        %dma_start3A_56 = arith.constant 1 : i32
        %dma_start3A_57 = arith.constant 0 : i32
        %dma_start3A_58 = tpu.memref_slice %arg8[%dma_start3A_56, %dma_start3A_57] : memref<8x64xi32, #tpu.memory_space<vmem>> -> memref<1x64xi32, #tpu.memory_space<vmem>>
        %dma_start3A_59 = tpu.memref_squeeze %dma_start3A_58 : memref<1x64xi32, #tpu.memory_space<vmem>> -> memref<64xi32, #tpu.memory_space<vmem>>
        %dma_start3A_60 = arith.constant 0 : i32
        %dma_start3A_61 = arith.constant 0 : i32
        %dma_start3A_62 = tpu.memref_slice %arg7[%dma_start3A_60, %dma_start3A_61] : memref<20032x16xf32, #tpu.memory_space<vmem_shared>> -> memref<20032x16xf32, #tpu.memory_space<vmem_shared>>
        tpu.enqueue_indirect_dma source(%arg10 : memref<64x16xf32, #tpu.memory_space<vmem>>) target(%dma_start3A_62 : memref<20032x16xf32, #tpu.memory_space<vmem_shared>>) offsets(%dma_start3A_59 : memref<64xi32, #tpu.memory_space<vmem>>) semaphore(%arg13 : memref<!tpu.dma_semaphore, #tpu.memory_space<semaphore_mem>>) {add = true}
        %dma_start3A_63 = arith.constant 2 : i32
        %dma_start3A_64 = arith.constant 0 : i32
        %dma_start3A_65 = tpu.memref_slice %arg8[%dma_start3A_63, %dma_start3A_64] : memref<8x64xi32, #tpu.memory_space<vmem>> -> memref<1x64xi32, #tpu.memory_space<vmem>>
        %dma_start3A_66 = tpu.memref_squeeze %dma_start3A_65 : memref<1x64xi32, #tpu.memory_space<vmem>> -> memref<64xi32, #tpu.memory_space<vmem>>
        %dma_start3A_67 = arith.constant 0 : i32
        %dma_start3A_68 = arith.constant 0 : i32
        %dma_start3A_69 = tpu.memref_slice %arg7[%dma_start3A_67, %dma_start3A_68] : memref<20032x16xf32, #tpu.memory_space<vmem_shared>> -> memref<20032x16xf32, #tpu.memory_space<vmem_shared>>
        tpu.enqueue_indirect_dma source(%arg10 : memref<64x16xf32, #tpu.memory_space<vmem>>) target(%dma_start3A_69 : memref<20032x16xf32, #tpu.memory_space<vmem_shared>>) offsets(%dma_start3A_66 : memref<64xi32, #tpu.memory_space<vmem>>) semaphore(%arg13 : memref<!tpu.dma_semaphore, #tpu.memory_space<semaphore_mem>>) {add = true}
        %dma_start3A_70 = arith.constant 3 : i32
        %dma_start3A_71 = arith.constant 0 : i32
        %dma_start3A_72 = tpu.memref_slice %arg8[%dma_start3A_70, %dma_start3A_71] : memref<8x64xi32, #tpu.memory_space<vmem>> -> memref<1x64xi32, #tpu.memory_space<vmem>>
        %dma_start3A_73 = tpu.memref_squeeze %dma_start3A_72 : memref<1x64xi32, #tpu.memory_space<vmem>> -> memref<64xi32, #tpu.memory_space<vmem>>
        %dma_start3A_74 = arith.constant 0 : i32
        %dma_start3A_75 = arith.constant 0 : i32
        %dma_start3A_76 = tpu.memref_slice %arg7[%dma_start3A_74, %dma_start3A_75] : memref<20032x16xf32, #tpu.memory_space<vmem_shared>> -> memref<20032x16xf32, #tpu.memory_space<vmem_shared>>
        tpu.enqueue_indirect_dma source(%arg10 : memref<64x16xf32, #tpu.memory_space<vmem>>) target(%dma_start3A_76 : memref<20032x16xf32, #tpu.memory_space<vmem_shared>>) offsets(%dma_start3A_73 : memref<64xi32, #tpu.memory_space<vmem>>) semaphore(%arg13 : memref<!tpu.dma_semaphore, #tpu.memory_space<semaphore_mem>>) {add = true}
        %dma_start3A_77 = arith.constant 4 : i32
        %dma_start3A_78 = arith.constant 0 : i32
        %dma_start3A_79 = tpu.memref_slice %arg8[%dma_start3A_77, %dma_start3A_78] : memref<8x64xi32, #tpu.memory_space<vmem>> -> memref<1x64xi32, #tpu.memory_space<vmem>>
        %dma_start3A_80 = tpu.memref_squeeze %dma_start3A_79 : memref<1x64xi32, #tpu.memory_space<vmem>> -> memref<64xi32, #tpu.memory_space<vmem>>
        %dma_start3A_81 = arith.constant 0 : i32
        %dma_start3A_82 = arith.constant 0 : i32
        %dma_start3A_83 = tpu.memref_slice %arg7[%dma_start3A_81, %dma_start3A_82] : memref<20032x16xf32, #tpu.memory_space<vmem_shared>> -> memref<20032x16xf32, #tpu.memory_space<vmem_shared>>
        tpu.enqueue_indirect_dma source(%arg10 : memref<64x16xf32, #tpu.memory_space<vmem>>) target(%dma_start3A_83 : memref<20032x16xf32, #tpu.memory_space<vmem_shared>>) offsets(%dma_start3A_80 : memref<64xi32, #tpu.memory_space<vmem>>) semaphore(%arg13 : memref<!tpu.dma_semaphore, #tpu.memory_space<semaphore_mem>>) {add = true}
        %dma_start3A_84 = arith.constant 5 : i32
        %dma_start3A_85 = arith.constant 0 : i32
        %dma_start3A_86 = tpu.memref_slice %arg8[%dma_start3A_84, %dma_start3A_85] : memref<8x64xi32, #tpu.memory_space<vmem>> -> memref<1x64xi32, #tpu.memory_space<vmem>>
        %dma_start3A_87 = tpu.memref_squeeze %dma_start3A_86 : memref<1x64xi32, #tpu.memory_space<vmem>> -> memref<64xi32, #tpu.memory_space<vmem>>
        %dma_start3A_88 = arith.constant 0 : i32
        %dma_start3A_89 = arith.constant 0 : i32
        %dma_start3A_90 = tpu.memref_slice %arg7[%dma_start3A_88, %dma_start3A_89] : memref<20032x16xf32, #tpu.memory_space<vmem_shared>> -> memref<20032x16xf32, #tpu.memory_space<vmem_shared>>
        tpu.enqueue_indirect_dma source(%arg10 : memref<64x16xf32, #tpu.memory_space<vmem>>) target(%dma_start3A_90 : memref<20032x16xf32, #tpu.memory_space<vmem_shared>>) offsets(%dma_start3A_87 : memref<64xi32, #tpu.memory_space<vmem>>) semaphore(%arg13 : memref<!tpu.dma_semaphore, #tpu.memory_space<semaphore_mem>>) {add = true}
        %dma_start3A_91 = arith.constant 6 : i32
        %dma_start3A_92 = arith.constant 0 : i32
        %dma_start3A_93 = tpu.memref_slice %arg8[%dma_start3A_91, %dma_start3A_92] : memref<8x64xi32, #tpu.memory_space<vmem>> -> memref<1x64xi32, #tpu.memory_space<vmem>>
        %dma_start3A_94 = tpu.memref_squeeze %dma_start3A_93 : memref<1x64xi32, #tpu.memory_space<vmem>> -> memref<64xi32, #tpu.memory_space<vmem>>
        %dma_start3A_95 = arith.constant 0 : i32
        %dma_start3A_96 = arith.constant 0 : i32
        %dma_start3A_97 = tpu.memref_slice %arg7[%dma_start3A_95, %dma_start3A_96] : memref<20032x16xf32, #tpu.memory_space<vmem_shared>> -> memref<20032x16xf32, #tpu.memory_space<vmem_shared>>
        tpu.enqueue_indirect_dma source(%arg10 : memref<64x16xf32, #tpu.memory_space<vmem>>) target(%dma_start3A_97 : memref<20032x16xf32, #tpu.memory_space<vmem_shared>>) offsets(%dma_start3A_94 : memref<64xi32, #tpu.memory_space<vmem>>) semaphore(%arg13 : memref<!tpu.dma_semaphore, #tpu.memory_space<semaphore_mem>>) {add = true}
        %dma_start3A_98 = arith.constant 7 : i32
        %dma_start3A_99 = arith.constant 0 : i32
        %dma_start3A_100 = tpu.memref_slice %arg8[%dma_start3A_98, %dma_start3A_99] : memref<8x64xi32, #tpu.memory_space<vmem>> -> memref<1x64xi32, #tpu.memory_space<vmem>>
        %dma_start3A_101 = tpu.memref_squeeze %dma_start3A_100 : memref<1x64xi32, #tpu.memory_space<vmem>> -> memref<64xi32, #tpu.memory_space<vmem>>
        %dma_start3A_102 = arith.constant 0 : i32
        %dma_start3A_103 = arith.constant 0 : i32
        %dma_start3A_104 = tpu.memref_slice %arg7[%dma_start3A_102, %dma_start3A_103] : memref<20032x16xf32, #tpu.memory_space<vmem_shared>> -> memref<20032x16xf32, #tpu.memory_space<vmem_shared>>
        tpu.enqueue_indirect_dma source(%arg10 : memref<64x16xf32, #tpu.memory_space<vmem>>) target(%dma_start3A_104 : memref<20032x16xf32, #tpu.memory_space<vmem_shared>>) offsets(%dma_start3A_101 : memref<64xi32, #tpu.memory_space<vmem>>) semaphore(%arg13 : memref<!tpu.dma_semaphore, #tpu.memory_space<semaphore_mem>>) {add = true}
        %dma_wait3A_105 = arith.constant 0 : i32
        %dma_wait3A_106 = arith.constant 0 : i32
        %dma_wait3A_107 = tpu.memref_slice %arg4[%dma_wait3A_105, %dma_wait3A_106] : memref<1252x16xf32, #tpu.memory_space<hbm>> -> memref<64x16xf32, #tpu.memory_space<hbm>>
        %dma_wait3A_108 = arith.constant 0 : i32
        %dma_wait3A_109 = arith.constant 0 : i32
        %dma_wait3A_110 = tpu.memref_slice %arg4[%dma_wait3A_108, %dma_wait3A_109] : memref<1252x16xf32, #tpu.memory_space<hbm>> -> memref<64x16xf32, #tpu.memory_space<hbm>>
        tpu.wait_dma2 semaphore(%arg13 : memref<!tpu.dma_semaphore, #tpu.memory_space<semaphore_mem>>) src(%dma_wait3A_110 : memref<64x16xf32, #tpu.memory_space<hbm>>) dst(%arg10 : memref<64x16xf32, #tpu.memory_space<vmem>>)
        %dma_wait3A_111 = arith.constant 0 : i32
        %dma_wait3A_112 = arith.constant 0 : i32
        %dma_wait3A_113 = tpu.memref_slice %arg4[%dma_wait3A_111, %dma_wait3A_112] : memref<1252x16xf32, #tpu.memory_space<hbm>> -> memref<64x16xf32, #tpu.memory_space<hbm>>
        %dma_wait3A_114 = arith.constant 0 : i32
        %dma_wait3A_115 = arith.constant 0 : i32
        %dma_wait3A_116 = tpu.memref_slice %arg4[%dma_wait3A_114, %dma_wait3A_115] : memref<1252x16xf32, #tpu.memory_space<hbm>> -> memref<64x16xf32, #tpu.memory_space<hbm>>
        tpu.wait_dma2 semaphore(%arg13 : memref<!tpu.dma_semaphore, #tpu.memory_space<semaphore_mem>>) src(%dma_wait3A_116 : memref<64x16xf32, #tpu.memory_space<hbm>>) dst(%arg10 : memref<64x16xf32, #tpu.memory_space<vmem>>)
        %dma_wait3A_117 = arith.constant 0 : i32
        %dma_wait3A_118 = arith.constant 0 : i32
        %dma_wait3A_119 = tpu.memref_slice %arg4[%dma_wait3A_117, %dma_wait3A_118] : memref<1252x16xf32, #tpu.memory_space<hbm>> -> memref<64x16xf32, #tpu.memory_space<hbm>>
        %dma_wait3A_120 = arith.constant 0 : i32
        %dma_wait3A_121 = arith.constant 0 : i32
        %dma_wait3A_122 = tpu.memref_slice %arg4[%dma_wait3A_120, %dma_wait3A_121] : memref<1252x16xf32, #tpu.memory_space<hbm>> -> memref<64x16xf32, #tpu.memory_space<hbm>>
        tpu.wait_dma2 semaphore(%arg13 : memref<!tpu.dma_semaphore, #tpu.memory_space<semaphore_mem>>) src(%dma_wait3A_122 : memref<64x16xf32, #tpu.memory_space<hbm>>) dst(%arg10 : memref<64x16xf32, #tpu.memory_space<vmem>>)
        %dma_wait3A_123 = arith.constant 0 : i32
        %dma_wait3A_124 = arith.constant 0 : i32
        %dma_wait3A_125 = tpu.memref_slice %arg4[%dma_wait3A_123, %dma_wait3A_124] : memref<1252x16xf32, #tpu.memory_space<hbm>> -> memref<64x16xf32, #tpu.memory_space<hbm>>
        %dma_wait3A_126 = arith.constant 0 : i32
        %dma_wait3A_127 = arith.constant 0 : i32
        %dma_wait3A_128 = tpu.memref_slice %arg4[%dma_wait3A_126, %dma_wait3A_127] : memref<1252x16xf32, #tpu.memory_space<hbm>> -> memref<64x16xf32, #tpu.memory_space<hbm>>
        tpu.wait_dma2 semaphore(%arg13 : memref<!tpu.dma_semaphore, #tpu.memory_space<semaphore_mem>>) src(%dma_wait3A_128 : memref<64x16xf32, #tpu.memory_space<hbm>>) dst(%arg10 : memref<64x16xf32, #tpu.memory_space<vmem>>)
        %dma_wait3A_129 = arith.constant 0 : i32
        %dma_wait3A_130 = arith.constant 0 : i32
        %dma_wait3A_131 = tpu.memref_slice %arg4[%dma_wait3A_129, %dma_wait3A_130] : memref<1252x16xf32, #tpu.memory_space<hbm>> -> memref<64x16xf32, #tpu.memory_space<hbm>>
        %dma_wait3A_132 = arith.constant 0 : i32
        %dma_wait3A_133 = arith.constant 0 : i32
        %dma_wait3A_134 = tpu.memref_slice %arg4[%dma_wait3A_132, %dma_wait3A_133] : memref<1252x16xf32, #tpu.memory_space<hbm>> -> memref<64x16xf32, #tpu.memory_space<hbm>>
        tpu.wait_dma2 semaphore(%arg13 : memref<!tpu.dma_semaphore, #tpu.memory_space<semaphore_mem>>) src(%dma_wait3A_134 : memref<64x16xf32, #tpu.memory_space<hbm>>) dst(%arg10 : memref<64x16xf32, #tpu.memory_space<vmem>>)
        %dma_wait3A_135 = arith.constant 0 : i32
        %dma_wait3A_136 = arith.constant 0 : i32
        %dma_wait3A_137 = tpu.memref_slice %arg4[%dma_wait3A_135, %dma_wait3A_136] : memref<1252x16xf32, #tpu.memory_space<hbm>> -> memref<64x16xf32, #tpu.memory_space<hbm>>
        %dma_wait3A_138 = arith.constant 0 : i32
        %dma_wait3A_139 = arith.constant 0 : i32
        %dma_wait3A_140 = tpu.memref_slice %arg4[%dma_wait3A_138, %dma_wait3A_139] : memref<1252x16xf32, #tpu.memory_space<hbm>> -> memref<64x16xf32, #tpu.memory_space<hbm>>
        tpu.wait_dma2 semaphore(%arg13 : memref<!tpu.dma_semaphore, #tpu.memory_space<semaphore_mem>>) src(%dma_wait3A_140 : memref<64x16xf32, #tpu.memory_space<hbm>>) dst(%arg10 : memref<64x16xf32, #tpu.memory_space<vmem>>)
        %dma_wait3A_141 = arith.constant 0 : i32
        %dma_wait3A_142 = arith.constant 0 : i32
        %dma_wait3A_143 = tpu.memref_slice %arg4[%dma_wait3A_141, %dma_wait3A_142] : memref<1252x16xf32, #tpu.memory_space<hbm>> -> memref<64x16xf32, #tpu.memory_space<hbm>>
        %dma_wait3A_144 = arith.constant 0 : i32
        %dma_wait3A_145 = arith.constant 0 : i32
        %dma_wait3A_146 = tpu.memref_slice %arg4[%dma_wait3A_144, %dma_wait3A_145] : memref<1252x16xf32, #tpu.memory_space<hbm>> -> memref<64x16xf32, #tpu.memory_space<hbm>>
        tpu.wait_dma2 semaphore(%arg13 : memref<!tpu.dma_semaphore, #tpu.memory_space<semaphore_mem>>) src(%dma_wait3A_146 : memref<64x16xf32, #tpu.memory_space<hbm>>) dst(%arg10 : memref<64x16xf32, #tpu.memory_space<vmem>>)
        %dma_wait3A_147 = arith.constant 0 : i32
        %dma_wait3A_148 = arith.constant 0 : i32
        %dma_wait3A_149 = tpu.memref_slice %arg4[%dma_wait3A_147, %dma_wait3A_148] : memref<1252x16xf32, #tpu.memory_space<hbm>> -> memref<64x16xf32, #tpu.memory_space<hbm>>
        %dma_wait3A_150 = arith.constant 0 : i32
        %dma_wait3A_151 = arith.constant 0 : i32
        %dma_wait3A_152 = tpu.memref_slice %arg4[%dma_wait3A_150, %dma_wait3A_151] : memref<1252x16xf32, #tpu.memory_space<hbm>> -> memref<64x16xf32, #tpu.memory_space<hbm>>
        tpu.wait_dma2 semaphore(%arg13 : memref<!tpu.dma_semaphore, #tpu.memory_space<semaphore_mem>>) src(%dma_wait3A_152 : memref<64x16xf32, #tpu.memory_space<hbm>>) dst(%arg10 : memref<64x16xf32, #tpu.memory_space<vmem>>)
        %dma_wait3A_153 = arith.constant 0 : i32
        %dma_wait3A_154 = arith.constant 0 : i32
        %dma_wait3A_155 = tpu.memref_slice %arg2[%arg1, %dma_wait3A_153, %dma_wait3A_154] : memref<16x320x64xi32, #tpu.memory_space<hbm>> -> memref<1x8x64xi32, #tpu.memory_space<hbm>>
        %dma_wait3A_156 = tpu.memref_squeeze %dma_wait3A_155 : memref<1x8x64xi32, #tpu.memory_space<hbm>> -> memref<8x64xi32, #tpu.memory_space<hbm>>
        %dma_wait3A_157 = arith.constant 0 : i32
        %dma_wait3A_158 = arith.constant 0 : i32
        %dma_wait3A_159 = tpu.memref_slice %arg2[%arg1, %dma_wait3A_157, %dma_wait3A_158] : memref<16x320x64xi32, #tpu.memory_space<hbm>> -> memref<1x8x64xi32, #tpu.memory_space<hbm>>
        %dma_wait3A_160 = tpu.memref_squeeze %dma_wait3A_159 : memref<1x8x64xi32, #tpu.memory_space<hbm>> -> memref<8x64xi32, #tpu.memory_space<hbm>>
        tpu.wait_dma2 semaphore(%arg12 : memref<!tpu.dma_semaphore, #tpu.memory_space<semaphore_mem>>) src(%dma_wait3A_160 : memref<8x64xi32, #tpu.memory_space<hbm>>) dst(%arg8 : memref<8x64xi32, #tpu.memory_space<vmem>>)
        %add3A_161 = arith.constant 1 : i32
        %add3A_162 = arith.addi %add3A_21, %add3A_161 : i32
        %lt3A = arith.constant 40 : i32
        %lt3A_163 = arith.cmpi slt, %add3A_162, %lt3A : i32
        %convert_element_type3A_164 = arith.extui %lt3A_163 : i1 to i32
        %cond3A_165 = arith.constant 0 : i32
        %cond3A_166 = arith.cmpi ne, %convert_element_type3A_164, %cond3A_165 : i32
        scf.if %cond3A_166 {
          %add3A_167 = arith.constant 1 : i32
          %add3A_168 = arith.addi %add3A_21, %add3A_167 : i32
          %mul3A_169 = arith.constant 8 : i32
          %mul3A_170 = arith.muli %add3A_168, %mul3A_169 : i32
          %dma_start3A_171 = arith.constant 0 : i32
          %dma_start3A_172 = tpu.memref_slice %arg2[%arg1, %mul3A_170, %dma_start3A_171] : memref<16x320x64xi32, #tpu.memory_space<hbm>> -> memref<1x8x64xi32, #tpu.memory_space<hbm>>
          %dma_start3A_173 = tpu.memref_squeeze %dma_start3A_172 : memref<1x8x64xi32, #tpu.memory_space<hbm>> -> memref<8x64xi32, #tpu.memory_space<hbm>>
          %dma_start3A_174 = arith.constant 0 : i32
          %dma_start3A_175 = tpu.memref_slice %arg2[%arg1, %mul3A_170, %dma_start3A_174] : memref<16x320x64xi32, #tpu.memory_space<hbm>> -> memref<1x8x64xi32, #tpu.memory_space<hbm>>
          %dma_start3A_176 = tpu.memref_squeeze %dma_start3A_175 : memref<1x8x64xi32, #tpu.memory_space<hbm>> -> memref<8x64xi32, #tpu.memory_space<hbm>>
          tpu.enqueue_dma source(%dma_start3A_176 : memref<8x64xi32, #tpu.memory_space<hbm>>) target(%arg8 : memref<8x64xi32, #tpu.memory_space<vmem>>) target_semaphore(%arg11 : memref<!tpu.dma_semaphore, #tpu.memory_space<semaphore_mem>>)
          %dma_start3A_177 = arith.constant 0 : i32
          %dma_start3A_178 = tpu.memref_slice %arg3[%arg1, %mul3A_170, %dma_start3A_177] : memref<16x320x64xi32, #tpu.memory_space<hbm>> -> memref<1x8x64xi32, #tpu.memory_space<hbm>>
          %dma_start3A_179 = tpu.memref_squeeze %dma_start3A_178 : memref<1x8x64xi32, #tpu.memory_space<hbm>> -> memref<8x64xi32, #tpu.memory_space<hbm>>
          %dma_start3A_180 = arith.constant 0 : i32
          %dma_start3A_181 = tpu.memref_slice %arg3[%arg1, %mul3A_170, %dma_start3A_180] : memref<16x320x64xi32, #tpu.memory_space<hbm>> -> memref<1x8x64xi32, #tpu.memory_space<hbm>>
          %dma_start3A_182 = tpu.memref_squeeze %dma_start3A_181 : memref<1x8x64xi32, #tpu.memory_space<hbm>> -> memref<8x64xi32, #tpu.memory_space<hbm>>
          tpu.enqueue_dma source(%dma_start3A_182 : memref<8x64xi32, #tpu.memory_space<hbm>>) target(%arg9 : memref<8x64xi32, #tpu.memory_space<vmem>>) target_semaphore(%arg11 : memref<!tpu.dma_semaphore, #tpu.memory_space<semaphore_mem>>)
        } else {
        }
      }
      %scan3A_17 = arith.constant 40 : i32
    } else {
    }
    %barrier3A_8 = arith.constant 0 : index
    tpu.barrier barrier_id(%barrier3A_8)
    %eq3A_9 = arith.constant 0 : i32
    %eq3A_10 = arith.cmpi eq, %arg0, %eq3A_9 : i32
    %convert_element_type3A_11 = arith.extui %eq3A_10 : i1 to i32
    %cond3A_12 = arith.constant 0 : i32
    %cond3A_13 = arith.cmpi ne, %convert_element_type3A_11, %cond3A_12 : i32
    scf.if %cond3A_13 {
      %jit3A = arith.constant 8 : i32
      %div3A = arith.divsi %arg1, %jit3A : i32
      %sign3A = arith.constant 0 : i32
      %sign3A_14 = arith.cmpi sgt, %arg1, %sign3A : i32
      %sign3A_15 = arith.extui %sign3A_14 : i1 to i32
      %sign3A_16 = arith.constant 0 : i32
      %sign3A_17 = arith.cmpi slt, %arg1, %sign3A_16 : i32
      %sign3A_18 = arith.extui %sign3A_17 : i1 to i32
      %sign3A_19 = arith.subi %sign3A_15, %sign3A_18 : i32
      %sign3A_20 = arith.constant 0 : i32
      %sign3A_21 = arith.cmpi sgt, %jit3A, %sign3A_20 : i32
      %sign3A_22 = arith.extui %sign3A_21 : i1 to i32
      %sign3A_23 = arith.constant 0 : i32
      %sign3A_24 = arith.cmpi slt, %jit3A, %sign3A_23 : i32
      %sign3A_25 = arith.extui %sign3A_24 : i1 to i32
      %sign3A_26 = arith.subi %sign3A_22, %sign3A_25 : i32
      %ne3A = arith.cmpi ne, %sign3A_19, %sign3A_26 : i32
      %rem3A = arith.remsi %arg1, %jit3A : i32
      %ne3A_27 = arith.constant 0 : i32
      %ne3A_28 = arith.cmpi ne, %rem3A, %ne3A_27 : i32
      %and3A = arith.andi %ne3A, %ne3A_28 : i1
      %sub3A = arith.constant 1 : i32
      %sub3A_29 = arith.subi %div3A, %sub3A : i32
      %select_n3A = arith.select %and3A, %sub3A_29, %div3A : i32
      %jit3A_30 = arith.constant 8 : i32
      %eq3A_31 = arith.constant 0 : i32
      %eq3A_32 = arith.cmpi eq, %jit3A_30, %eq3A_31 : i32
      %jit3A_33 = arith.constant 1 : i32
      %select_n3A_34 = arith.select %eq3A_32, %jit3A_33, %jit3A_30 : i32
      %rem3A_35 = arith.remsi %arg1, %select_n3A_34 : i32
      %ne3A_36 = arith.constant 0 : i32
      %ne3A_37 = arith.cmpi ne, %rem3A_35, %ne3A_36 : i32
      %lt3A = arith.constant 0 : i32
      %lt3A_38 = arith.cmpi slt, %rem3A_35, %lt3A : i32
      %lt3A_39 = arith.constant 0 : i32
      %lt3A_40 = arith.cmpi slt, %select_n3A_34, %lt3A_39 : i32
      %ne3A_41 = arith.xori %lt3A_38, %lt3A_40 : i1
      %and3A_42 = arith.andi %ne3A_41, %ne3A_37 : i1
      %add3A = arith.addi %rem3A_35, %select_n3A_34 : i32
      %select_n3A_43 = arith.select %and3A_42, %add3A, %rem3A_35 : i32
      %mul3A_44 = arith.constant 1252 : i32
      %mul3A_45 = arith.muli %select_n3A_43, %mul3A_44 : i32
      "tpu.region"() ({
        %run_scoped3A = tpu.sem_alloc : memref<!tpu.dma_semaphore, #tpu.memory_space<semaphore_mem>>
        %dma_start3A = arith.constant 0 : i32
        %dma_start3A_46 = tpu.memref_slice %arg6[%select_n3A, %mul3A_45, %dma_start3A] : memref<2x10016x16xf32, #tpu.memory_space<hbm>> -> memref<1x1252x16xf32, #tpu.memory_space<hbm>>
        %dma_start3A_47 = tpu.memref_squeeze %dma_start3A_46 : memref<1x1252x16xf32, #tpu.memory_space<hbm>> -> memref<1252x16xf32, #tpu.memory_space<hbm>>
        %dma_start3A_48 = arith.constant 0 : i32
        %dma_start3A_49 = tpu.memref_slice %arg7[%mul3A_0, %dma_start3A_48] : memref<20032x16xf32, #tpu.memory_space<vmem_shared>> -> memref<1252x16xf32, #tpu.memory_space<vmem_shared>>
        tpu.enqueue_dma source(%dma_start3A_49 : memref<1252x16xf32, #tpu.memory_space<vmem_shared>>) target(%dma_start3A_47 : memref<1252x16xf32, #tpu.memory_space<hbm>>) target_semaphore(%run_scoped3A : memref<!tpu.dma_semaphore, #tpu.memory_space<semaphore_mem>>)
        %dma_wait3A = arith.constant 0 : i32
        %dma_wait3A_50 = tpu.memref_slice %arg6[%select_n3A, %mul3A_45, %dma_wait3A] : memref<2x10016x16xf32, #tpu.memory_space<hbm>> -> memref<1x1252x16xf32, #tpu.memory_space<hbm>>
        %dma_wait3A_51 = tpu.memref_squeeze %dma_wait3A_50 : memref<1x1252x16xf32, #tpu.memory_space<hbm>> -> memref<1252x16xf32, #tpu.memory_space<hbm>>
        %dma_wait3A_52 = arith.constant 0 : i32
        %dma_wait3A_53 = tpu.memref_slice %arg7[%mul3A_0, %dma_wait3A_52] : memref<20032x16xf32, #tpu.memory_space<vmem_shared>> -> memref<1252x16xf32, #tpu.memory_space<vmem_shared>>
        tpu.wait_dma2 semaphore(%run_scoped3A : memref<!tpu.dma_semaphore, #tpu.memory_space<semaphore_mem>>) src(%dma_wait3A_53 : memref<1252x16xf32, #tpu.memory_space<vmem_shared>>) dst(%dma_wait3A_51 : memref<1252x16xf32, #tpu.memory_space<hbm>>)
        tpu.yield
      }) : () -> ()
    } else {
    }
    return
  }
}

#map = affine_map<(d0, d1) -> (0, 0)>
#map1 = affine_map<(d0, d1) -> (0, 0, 0)>
#map2 = affine_map<(d0, d1) -> (0, 0, 0, 0)>
module attributes {stable_mosaic.version = 14 : i64} {
  func.func @_layer_body(%arg0: i32, %arg1: i32, %arg2: memref<20032x64xf32, #tpu.memory_space<hbm>>, %arg3: memref<16x320x64xi32, #tpu.memory_space<hbm>>, %arg4: memref<16x320x64xi32, #tpu.memory_space<hbm>>, %arg5: memref<1252x64xf32, #tpu.memory_space<hbm>>, %arg6: memref<2x2x10016x64xf32, #tpu.memory_space<hbm>>, %arg7: memref<20032x64xf32, #tpu.memory_space<vmem_shared>>, %arg8: memref<10016x64xf32, #tpu.memory_space<vmem_shared>>, %arg9: memref<8x64xi32, #tpu.memory_space<vmem>>, %arg10: memref<8x64xi32, #tpu.memory_space<vmem>>, %arg11: memref<8x64xi32, #tpu.memory_space<vmem>>, %arg12: memref<8x64xi32, #tpu.memory_space<vmem>>, %arg13: memref<64x64xf32, #tpu.memory_space<vmem>>, %arg14: memref<64x64xf32, #tpu.memory_space<vmem>>, %arg15: memref<!tpu.dma_semaphore, #tpu.memory_space<semaphore_mem>>, %arg16: memref<!tpu.dma_semaphore, #tpu.memory_space<semaphore_mem>>, %arg17: memref<!tpu.dma_semaphore, #tpu.memory_space<semaphore_mem>>, %arg18: memref<!tpu.dma_semaphore, #tpu.memory_space<semaphore_mem>>, %arg19: memref<!tpu.dma_semaphore, #tpu.memory_space<semaphore_mem>>, %arg20: memref<!tpu.dma_semaphore, #tpu.memory_space<semaphore_mem>>) attributes {dimension_semantics = [#tpu.dimension_semantics<core_parallel>, #tpu.dimension_semantics<subcore_parallel>], iteration_bounds = array<i64: 2, 16>, scalar_prefetch = 0 : i64, scratch_operands = 14 : i64, tpu.core_type = #tpu.core_type<sc_vector_subcore>, window_params = [{transform_indices = #map}, {transform_indices = #map1}, {transform_indices = #map1}, {transform_indices = #map}, {transform_indices = #map2}]} {
    %mul3A = arith.constant 626 : i32
    %mul3A_0 = arith.muli %arg1, %mul3A : i32
    %mul3A_1 = arith.constant 10016 : i32
    %mul3A_2 = arith.muli %arg0, %mul3A_1 : i32
    %add3A = arith.addi %mul3A_2, %mul3A_0 : i32
    "tpu.region"() ({
      %run_scoped3A = tpu.sem_alloc : memref<!tpu.dma_semaphore, #tpu.memory_space<semaphore_mem>>
      %dma_start3A_520 = arith.constant 0 : i32
      %dma_start3A_521 = tpu.memref_slice %arg8[%mul3A_0, %dma_start3A_520] : memref<10016x64xf32, #tpu.memory_space<vmem_shared>> -> memref<626x64xf32, #tpu.memory_space<vmem_shared>>
      %dma_start3A_522 = arith.constant 0 : i32
      %dma_start3A_523 = tpu.memref_slice %arg2[%add3A, %dma_start3A_522] : memref<20032x64xf32, #tpu.memory_space<hbm>> -> memref<626x64xf32, #tpu.memory_space<hbm>>
      tpu.enqueue_dma source(%dma_start3A_523 : memref<626x64xf32, #tpu.memory_space<hbm>>) target(%dma_start3A_521 : memref<626x64xf32, #tpu.memory_space<vmem_shared>>) target_semaphore(%run_scoped3A : memref<!tpu.dma_semaphore, #tpu.memory_space<semaphore_mem>>)
      %dma_wait3A_524 = arith.constant 0 : i32
      %dma_wait3A_525 = tpu.memref_slice %arg8[%mul3A_0, %dma_wait3A_524] : memref<10016x64xf32, #tpu.memory_space<vmem_shared>> -> memref<626x64xf32, #tpu.memory_space<vmem_shared>>
      %dma_wait3A_526 = arith.constant 0 : i32
      %dma_wait3A_527 = tpu.memref_slice %arg2[%add3A, %dma_wait3A_526] : memref<20032x64xf32, #tpu.memory_space<hbm>> -> memref<626x64xf32, #tpu.memory_space<hbm>>
      tpu.wait_dma2 semaphore(%run_scoped3A : memref<!tpu.dma_semaphore, #tpu.memory_space<semaphore_mem>>) src(%dma_wait3A_527 : memref<626x64xf32, #tpu.memory_space<hbm>>) dst(%dma_wait3A_525 : memref<626x64xf32, #tpu.memory_space<vmem_shared>>)
      tpu.yield
    }) : () -> ()
    %mul3A_3 = arith.constant 1252 : i32
    %mul3A_4 = arith.muli %arg1, %mul3A_3 : i32
    "tpu.region"() ({
      %run_scoped3A = tpu.sem_alloc : memref<!tpu.dma_semaphore, #tpu.memory_space<semaphore_mem>>
      %dma_start3A_520 = arith.constant 0 : i32
      %dma_start3A_521 = tpu.memref_slice %arg7[%mul3A_4, %dma_start3A_520] : memref<20032x64xf32, #tpu.memory_space<vmem_shared>> -> memref<1252x64xf32, #tpu.memory_space<vmem_shared>>
      tpu.enqueue_dma source(%arg5 : memref<1252x64xf32, #tpu.memory_space<hbm>>) target(%dma_start3A_521 : memref<1252x64xf32, #tpu.memory_space<vmem_shared>>) target_semaphore(%run_scoped3A : memref<!tpu.dma_semaphore, #tpu.memory_space<semaphore_mem>>)
      %dma_wait3A_522 = arith.constant 0 : i32
      %dma_wait3A_523 = tpu.memref_slice %arg7[%mul3A_4, %dma_wait3A_522] : memref<20032x64xf32, #tpu.memory_space<vmem_shared>> -> memref<1252x64xf32, #tpu.memory_space<vmem_shared>>
      tpu.wait_dma2 semaphore(%run_scoped3A : memref<!tpu.dma_semaphore, #tpu.memory_space<semaphore_mem>>) src(%arg5 : memref<1252x64xf32, #tpu.memory_space<hbm>>) dst(%dma_wait3A_523 : memref<1252x64xf32, #tpu.memory_space<vmem_shared>>)
      tpu.yield
    }) : () -> ()
    %dma_start3A = arith.constant 0 : i32
    %dma_start3A_5 = arith.constant 0 : i32
    %dma_start3A_6 = tpu.memref_slice %arg3[%arg1, %dma_start3A, %dma_start3A_5] : memref<16x320x64xi32, #tpu.memory_space<hbm>> -> memref<1x8x64xi32, #tpu.memory_space<hbm>>
    %dma_start3A_7 = tpu.memref_squeeze %dma_start3A_6 : memref<1x8x64xi32, #tpu.memory_space<hbm>> -> memref<8x64xi32, #tpu.memory_space<hbm>>
    %dma_start3A_8 = arith.constant 0 : i32
    %dma_start3A_9 = arith.constant 0 : i32
    %dma_start3A_10 = tpu.memref_slice %arg3[%arg1, %dma_start3A_8, %dma_start3A_9] : memref<16x320x64xi32, #tpu.memory_space<hbm>> -> memref<1x8x64xi32, #tpu.memory_space<hbm>>
    %dma_start3A_11 = tpu.memref_squeeze %dma_start3A_10 : memref<1x8x64xi32, #tpu.memory_space<hbm>> -> memref<8x64xi32, #tpu.memory_space<hbm>>
    tpu.enqueue_dma source(%dma_start3A_11 : memref<8x64xi32, #tpu.memory_space<hbm>>) target(%arg9 : memref<8x64xi32, #tpu.memory_space<vmem>>) target_semaphore(%arg17 : memref<!tpu.dma_semaphore, #tpu.memory_space<semaphore_mem>>)
    %dma_start3A_12 = arith.constant 0 : i32
    %dma_start3A_13 = arith.constant 0 : i32
    %dma_start3A_14 = tpu.memref_slice %arg4[%arg1, %dma_start3A_12, %dma_start3A_13] : memref<16x320x64xi32, #tpu.memory_space<hbm>> -> memref<1x8x64xi32, #tpu.memory_space<hbm>>
    %dma_start3A_15 = tpu.memref_squeeze %dma_start3A_14 : memref<1x8x64xi32, #tpu.memory_space<hbm>> -> memref<8x64xi32, #tpu.memory_space<hbm>>
    %dma_start3A_16 = arith.constant 0 : i32
    %dma_start3A_17 = arith.constant 0 : i32
    %dma_start3A_18 = tpu.memref_slice %arg4[%arg1, %dma_start3A_16, %dma_start3A_17] : memref<16x320x64xi32, #tpu.memory_space<hbm>> -> memref<1x8x64xi32, #tpu.memory_space<hbm>>
    %dma_start3A_19 = tpu.memref_squeeze %dma_start3A_18 : memref<1x8x64xi32, #tpu.memory_space<hbm>> -> memref<8x64xi32, #tpu.memory_space<hbm>>
    tpu.enqueue_dma source(%dma_start3A_19 : memref<8x64xi32, #tpu.memory_space<hbm>>) target(%arg10 : memref<8x64xi32, #tpu.memory_space<vmem>>) target_semaphore(%arg17 : memref<!tpu.dma_semaphore, #tpu.memory_space<semaphore_mem>>)
    %barrier3A = arith.constant 0 : index
    tpu.barrier barrier_id(%barrier3A)
    %dma_wait3A = arith.constant 0 : i32
    %dma_wait3A_20 = arith.constant 0 : i32
    %dma_wait3A_21 = tpu.memref_slice %arg3[%arg1, %dma_wait3A, %dma_wait3A_20] : memref<16x320x64xi32, #tpu.memory_space<hbm>> -> memref<1x8x64xi32, #tpu.memory_space<hbm>>
    %dma_wait3A_22 = tpu.memref_squeeze %dma_wait3A_21 : memref<1x8x64xi32, #tpu.memory_space<hbm>> -> memref<8x64xi32, #tpu.memory_space<hbm>>
    %dma_wait3A_23 = arith.constant 0 : i32
    %dma_wait3A_24 = arith.constant 0 : i32
    %dma_wait3A_25 = tpu.memref_slice %arg3[%arg1, %dma_wait3A_23, %dma_wait3A_24] : memref<16x320x64xi32, #tpu.memory_space<hbm>> -> memref<1x8x64xi32, #tpu.memory_space<hbm>>
    %dma_wait3A_26 = tpu.memref_squeeze %dma_wait3A_25 : memref<1x8x64xi32, #tpu.memory_space<hbm>> -> memref<8x64xi32, #tpu.memory_space<hbm>>
    tpu.wait_dma2 semaphore(%arg17 : memref<!tpu.dma_semaphore, #tpu.memory_space<semaphore_mem>>) src(%dma_wait3A_26 : memref<8x64xi32, #tpu.memory_space<hbm>>) dst(%arg9 : memref<8x64xi32, #tpu.memory_space<vmem>>)
    %dma_wait3A_27 = arith.constant 0 : i32
    %dma_wait3A_28 = arith.constant 0 : i32
    %dma_wait3A_29 = tpu.memref_slice %arg3[%arg1, %dma_wait3A_27, %dma_wait3A_28] : memref<16x320x64xi32, #tpu.memory_space<hbm>> -> memref<1x8x64xi32, #tpu.memory_space<hbm>>
    %dma_wait3A_30 = tpu.memref_squeeze %dma_wait3A_29 : memref<1x8x64xi32, #tpu.memory_space<hbm>> -> memref<8x64xi32, #tpu.memory_space<hbm>>
    %dma_wait3A_31 = arith.constant 0 : i32
    %dma_wait3A_32 = arith.constant 0 : i32
    %dma_wait3A_33 = tpu.memref_slice %arg3[%arg1, %dma_wait3A_31, %dma_wait3A_32] : memref<16x320x64xi32, #tpu.memory_space<hbm>> -> memref<1x8x64xi32, #tpu.memory_space<hbm>>
    %dma_wait3A_34 = tpu.memref_squeeze %dma_wait3A_33 : memref<1x8x64xi32, #tpu.memory_space<hbm>> -> memref<8x64xi32, #tpu.memory_space<hbm>>
    tpu.wait_dma2 semaphore(%arg17 : memref<!tpu.dma_semaphore, #tpu.memory_space<semaphore_mem>>) src(%dma_wait3A_34 : memref<8x64xi32, #tpu.memory_space<hbm>>) dst(%arg10 : memref<8x64xi32, #tpu.memory_space<vmem>>)
    %dma_start3A_35 = arith.constant 8 : i32
    %dma_start3A_36 = arith.constant 0 : i32
    %dma_start3A_37 = tpu.memref_slice %arg3[%arg1, %dma_start3A_35, %dma_start3A_36] : memref<16x320x64xi32, #tpu.memory_space<hbm>> -> memref<1x8x64xi32, #tpu.memory_space<hbm>>
    %dma_start3A_38 = tpu.memref_squeeze %dma_start3A_37 : memref<1x8x64xi32, #tpu.memory_space<hbm>> -> memref<8x64xi32, #tpu.memory_space<hbm>>
    %dma_start3A_39 = arith.constant 8 : i32
    %dma_start3A_40 = arith.constant 0 : i32
    %dma_start3A_41 = tpu.memref_slice %arg3[%arg1, %dma_start3A_39, %dma_start3A_40] : memref<16x320x64xi32, #tpu.memory_space<hbm>> -> memref<1x8x64xi32, #tpu.memory_space<hbm>>
    %dma_start3A_42 = tpu.memref_squeeze %dma_start3A_41 : memref<1x8x64xi32, #tpu.memory_space<hbm>> -> memref<8x64xi32, #tpu.memory_space<hbm>>
    tpu.enqueue_dma source(%dma_start3A_42 : memref<8x64xi32, #tpu.memory_space<hbm>>) target(%arg11 : memref<8x64xi32, #tpu.memory_space<vmem>>) target_semaphore(%arg18 : memref<!tpu.dma_semaphore, #tpu.memory_space<semaphore_mem>>)
    %dma_start3A_43 = arith.constant 8 : i32
    %dma_start3A_44 = arith.constant 0 : i32
    %dma_start3A_45 = tpu.memref_slice %arg4[%arg1, %dma_start3A_43, %dma_start3A_44] : memref<16x320x64xi32, #tpu.memory_space<hbm>> -> memref<1x8x64xi32, #tpu.memory_space<hbm>>
    %dma_start3A_46 = tpu.memref_squeeze %dma_start3A_45 : memref<1x8x64xi32, #tpu.memory_space<hbm>> -> memref<8x64xi32, #tpu.memory_space<hbm>>
    %dma_start3A_47 = arith.constant 8 : i32
    %dma_start3A_48 = arith.constant 0 : i32
    %dma_start3A_49 = tpu.memref_slice %arg4[%arg1, %dma_start3A_47, %dma_start3A_48] : memref<16x320x64xi32, #tpu.memory_space<hbm>> -> memref<1x8x64xi32, #tpu.memory_space<hbm>>
    %dma_start3A_50 = tpu.memref_squeeze %dma_start3A_49 : memref<1x8x64xi32, #tpu.memory_space<hbm>> -> memref<8x64xi32, #tpu.memory_space<hbm>>
    tpu.enqueue_dma source(%dma_start3A_50 : memref<8x64xi32, #tpu.memory_space<hbm>>) target(%arg12 : memref<8x64xi32, #tpu.memory_space<vmem>>) target_semaphore(%arg18 : memref<!tpu.dma_semaphore, #tpu.memory_space<semaphore_mem>>)
    %dma_start3A_51 = arith.constant 0 : i32
    %dma_start3A_52 = arith.constant 0 : i32
    %dma_start3A_53 = tpu.memref_slice %arg9[%dma_start3A_51, %dma_start3A_52] : memref<8x64xi32, #tpu.memory_space<vmem>> -> memref<1x64xi32, #tpu.memory_space<vmem>>
    %dma_start3A_54 = tpu.memref_squeeze %dma_start3A_53 : memref<1x64xi32, #tpu.memory_space<vmem>> -> memref<64xi32, #tpu.memory_space<vmem>>
    %dma_start3A_55 = arith.constant 0 : i32
    %dma_start3A_56 = arith.constant 0 : i32
    %dma_start3A_57 = tpu.memref_slice %arg8[%dma_start3A_55, %dma_start3A_56] : memref<10016x64xf32, #tpu.memory_space<vmem_shared>> -> memref<10016x64xf32, #tpu.memory_space<vmem_shared>>
    tpu.enqueue_indirect_dma source(%dma_start3A_57 : memref<10016x64xf32, #tpu.memory_space<vmem_shared>>) target(%arg13 : memref<64x64xf32, #tpu.memory_space<vmem>>) offsets(%dma_start3A_54 : memref<64xi32, #tpu.memory_space<vmem>>) semaphore(%arg15 : memref<!tpu.dma_semaphore, #tpu.memory_space<semaphore_mem>>)
    %dma_start3A_58 = arith.constant 1 : i32
    %dma_start3A_59 = arith.constant 0 : i32
    %dma_start3A_60 = tpu.memref_slice %arg9[%dma_start3A_58, %dma_start3A_59] : memref<8x64xi32, #tpu.memory_space<vmem>> -> memref<1x64xi32, #tpu.memory_space<vmem>>
    %dma_start3A_61 = tpu.memref_squeeze %dma_start3A_60 : memref<1x64xi32, #tpu.memory_space<vmem>> -> memref<64xi32, #tpu.memory_space<vmem>>
    %dma_start3A_62 = arith.constant 0 : i32
    %dma_start3A_63 = arith.constant 0 : i32
    %dma_start3A_64 = tpu.memref_slice %arg8[%dma_start3A_62, %dma_start3A_63] : memref<10016x64xf32, #tpu.memory_space<vmem_shared>> -> memref<10016x64xf32, #tpu.memory_space<vmem_shared>>
    tpu.enqueue_indirect_dma source(%dma_start3A_64 : memref<10016x64xf32, #tpu.memory_space<vmem_shared>>) target(%arg14 : memref<64x64xf32, #tpu.memory_space<vmem>>) offsets(%dma_start3A_61 : memref<64xi32, #tpu.memory_space<vmem>>) semaphore(%arg16 : memref<!tpu.dma_semaphore, #tpu.memory_space<semaphore_mem>>)
    %dma_wait3A_65 = arith.constant 0 : i32
    %dma_wait3A_66 = arith.constant 0 : i32
    %dma_wait3A_67 = tpu.memref_slice %arg2[%dma_wait3A_65, %dma_wait3A_66] : memref<20032x64xf32, #tpu.memory_space<hbm>> -> memref<64x64xf32, #tpu.memory_space<hbm>>
    %dma_wait3A_68 = arith.constant 0 : i32
    %dma_wait3A_69 = arith.constant 0 : i32
    %dma_wait3A_70 = tpu.memref_slice %arg2[%dma_wait3A_68, %dma_wait3A_69] : memref<20032x64xf32, #tpu.memory_space<hbm>> -> memref<64x64xf32, #tpu.memory_space<hbm>>
    tpu.wait_dma2 semaphore(%arg15 : memref<!tpu.dma_semaphore, #tpu.memory_space<semaphore_mem>>) src(%dma_wait3A_70 : memref<64x64xf32, #tpu.memory_space<hbm>>) dst(%arg13 : memref<64x64xf32, #tpu.memory_space<vmem>>)
    %dma_start3A_71 = arith.constant 0 : i32
    %dma_start3A_72 = arith.constant 0 : i32
    %dma_start3A_73 = tpu.memref_slice %arg10[%dma_start3A_71, %dma_start3A_72] : memref<8x64xi32, #tpu.memory_space<vmem>> -> memref<1x64xi32, #tpu.memory_space<vmem>>
    %dma_start3A_74 = tpu.memref_squeeze %dma_start3A_73 : memref<1x64xi32, #tpu.memory_space<vmem>> -> memref<64xi32, #tpu.memory_space<vmem>>
    %dma_start3A_75 = arith.constant 0 : i32
    %dma_start3A_76 = arith.constant 0 : i32
    %dma_start3A_77 = tpu.memref_slice %arg7[%dma_start3A_75, %dma_start3A_76] : memref<20032x64xf32, #tpu.memory_space<vmem_shared>> -> memref<20032x64xf32, #tpu.memory_space<vmem_shared>>
    tpu.enqueue_indirect_dma source(%arg13 : memref<64x64xf32, #tpu.memory_space<vmem>>) target(%dma_start3A_77 : memref<20032x64xf32, #tpu.memory_space<vmem_shared>>) offsets(%dma_start3A_74 : memref<64xi32, #tpu.memory_space<vmem>>) semaphore(%arg19 : memref<!tpu.dma_semaphore, #tpu.memory_space<semaphore_mem>>) {add = true}
    %dma_wait3A_78 = arith.constant 0 : i32
    %dma_wait3A_79 = arith.constant 0 : i32
    %dma_wait3A_80 = tpu.memref_slice %arg2[%dma_wait3A_78, %dma_wait3A_79] : memref<20032x64xf32, #tpu.memory_space<hbm>> -> memref<64x64xf32, #tpu.memory_space<hbm>>
    %dma_wait3A_81 = arith.constant 0 : i32
    %dma_wait3A_82 = arith.constant 0 : i32
    %dma_wait3A_83 = tpu.memref_slice %arg2[%dma_wait3A_81, %dma_wait3A_82] : memref<20032x64xf32, #tpu.memory_space<hbm>> -> memref<64x64xf32, #tpu.memory_space<hbm>>
    tpu.wait_dma2 semaphore(%arg19 : memref<!tpu.dma_semaphore, #tpu.memory_space<semaphore_mem>>) src(%dma_wait3A_83 : memref<64x64xf32, #tpu.memory_space<hbm>>) dst(%arg13 : memref<64x64xf32, #tpu.memory_space<vmem>>)
    %dma_start3A_84 = arith.constant 2 : i32
    %dma_start3A_85 = arith.constant 0 : i32
    %dma_start3A_86 = tpu.memref_slice %arg9[%dma_start3A_84, %dma_start3A_85] : memref<8x64xi32, #tpu.memory_space<vmem>> -> memref<1x64xi32, #tpu.memory_space<vmem>>
    %dma_start3A_87 = tpu.memref_squeeze %dma_start3A_86 : memref<1x64xi32, #tpu.memory_space<vmem>> -> memref<64xi32, #tpu.memory_space<vmem>>
    %dma_start3A_88 = arith.constant 0 : i32
    %dma_start3A_89 = arith.constant 0 : i32
    %dma_start3A_90 = tpu.memref_slice %arg8[%dma_start3A_88, %dma_start3A_89] : memref<10016x64xf32, #tpu.memory_space<vmem_shared>> -> memref<10016x64xf32, #tpu.memory_space<vmem_shared>>
    tpu.enqueue_indirect_dma source(%dma_start3A_90 : memref<10016x64xf32, #tpu.memory_space<vmem_shared>>) target(%arg13 : memref<64x64xf32, #tpu.memory_space<vmem>>) offsets(%dma_start3A_87 : memref<64xi32, #tpu.memory_space<vmem>>) semaphore(%arg15 : memref<!tpu.dma_semaphore, #tpu.memory_space<semaphore_mem>>)
    %dma_wait3A_91 = arith.constant 0 : i32
    %dma_wait3A_92 = arith.constant 0 : i32
    %dma_wait3A_93 = tpu.memref_slice %arg2[%dma_wait3A_91, %dma_wait3A_92] : memref<20032x64xf32, #tpu.memory_space<hbm>> -> memref<64x64xf32, #tpu.memory_space<hbm>>
    %dma_wait3A_94 = arith.constant 0 : i32
    %dma_wait3A_95 = arith.constant 0 : i32
    %dma_wait3A_96 = tpu.memref_slice %arg2[%dma_wait3A_94, %dma_wait3A_95] : memref<20032x64xf32, #tpu.memory_space<hbm>> -> memref<64x64xf32, #tpu.memory_space<hbm>>
    tpu.wait_dma2 semaphore(%arg16 : memref<!tpu.dma_semaphore, #tpu.memory_space<semaphore_mem>>) src(%dma_wait3A_96 : memref<64x64xf32, #tpu.memory_space<hbm>>) dst(%arg14 : memref<64x64xf32, #tpu.memory_space<vmem>>)
    %dma_start3A_97 = arith.constant 1 : i32
    %dma_start3A_98 = arith.constant 0 : i32
    %dma_start3A_99 = tpu.memref_slice %arg10[%dma_start3A_97, %dma_start3A_98] : memref<8x64xi32, #tpu.memory_space<vmem>> -> memref<1x64xi32, #tpu.memory_space<vmem>>
    %dma_start3A_100 = tpu.memref_squeeze %dma_start3A_99 : memref<1x64xi32, #tpu.memory_space<vmem>> -> memref<64xi32, #tpu.memory_space<vmem>>
    %dma_start3A_101 = arith.constant 0 : i32
    %dma_start3A_102 = arith.constant 0 : i32
    %dma_start3A_103 = tpu.memref_slice %arg7[%dma_start3A_101, %dma_start3A_102] : memref<20032x64xf32, #tpu.memory_space<vmem_shared>> -> memref<20032x64xf32, #tpu.memory_space<vmem_shared>>
    tpu.enqueue_indirect_dma source(%arg14 : memref<64x64xf32, #tpu.memory_space<vmem>>) target(%dma_start3A_103 : memref<20032x64xf32, #tpu.memory_space<vmem_shared>>) offsets(%dma_start3A_100 : memref<64xi32, #tpu.memory_space<vmem>>) semaphore(%arg20 : memref<!tpu.dma_semaphore, #tpu.memory_space<semaphore_mem>>) {add = true}
    %dma_wait3A_104 = arith.constant 0 : i32
    %dma_wait3A_105 = arith.constant 0 : i32
    %dma_wait3A_106 = tpu.memref_slice %arg2[%dma_wait3A_104, %dma_wait3A_105] : memref<20032x64xf32, #tpu.memory_space<hbm>> -> memref<64x64xf32, #tpu.memory_space<hbm>>
    %dma_wait3A_107 = arith.constant 0 : i32
    %dma_wait3A_108 = arith.constant 0 : i32
    %dma_wait3A_109 = tpu.memref_slice %arg2[%dma_wait3A_107, %dma_wait3A_108] : memref<20032x64xf32, #tpu.memory_space<hbm>> -> memref<64x64xf32, #tpu.memory_space<hbm>>
    tpu.wait_dma2 semaphore(%arg20 : memref<!tpu.dma_semaphore, #tpu.memory_space<semaphore_mem>>) src(%dma_wait3A_109 : memref<64x64xf32, #tpu.memory_space<hbm>>) dst(%arg14 : memref<64x64xf32, #tpu.memory_space<vmem>>)
    %dma_start3A_110 = arith.constant 3 : i32
    %dma_start3A_111 = arith.constant 0 : i32
    %dma_start3A_112 = tpu.memref_slice %arg9[%dma_start3A_110, %dma_start3A_111] : memref<8x64xi32, #tpu.memory_space<vmem>> -> memref<1x64xi32, #tpu.memory_space<vmem>>
    %dma_start3A_113 = tpu.memref_squeeze %dma_start3A_112 : memref<1x64xi32, #tpu.memory_space<vmem>> -> memref<64xi32, #tpu.memory_space<vmem>>
    %dma_start3A_114 = arith.constant 0 : i32
    %dma_start3A_115 = arith.constant 0 : i32
    %dma_start3A_116 = tpu.memref_slice %arg8[%dma_start3A_114, %dma_start3A_115] : memref<10016x64xf32, #tpu.memory_space<vmem_shared>> -> memref<10016x64xf32, #tpu.memory_space<vmem_shared>>
    tpu.enqueue_indirect_dma source(%dma_start3A_116 : memref<10016x64xf32, #tpu.memory_space<vmem_shared>>) target(%arg14 : memref<64x64xf32, #tpu.memory_space<vmem>>) offsets(%dma_start3A_113 : memref<64xi32, #tpu.memory_space<vmem>>) semaphore(%arg16 : memref<!tpu.dma_semaphore, #tpu.memory_space<semaphore_mem>>)
    %dma_wait3A_117 = arith.constant 0 : i32
    %dma_wait3A_118 = arith.constant 0 : i32
    %dma_wait3A_119 = tpu.memref_slice %arg2[%dma_wait3A_117, %dma_wait3A_118] : memref<20032x64xf32, #tpu.memory_space<hbm>> -> memref<64x64xf32, #tpu.memory_space<hbm>>
    %dma_wait3A_120 = arith.constant 0 : i32
    %dma_wait3A_121 = arith.constant 0 : i32
    %dma_wait3A_122 = tpu.memref_slice %arg2[%dma_wait3A_120, %dma_wait3A_121] : memref<20032x64xf32, #tpu.memory_space<hbm>> -> memref<64x64xf32, #tpu.memory_space<hbm>>
    tpu.wait_dma2 semaphore(%arg15 : memref<!tpu.dma_semaphore, #tpu.memory_space<semaphore_mem>>) src(%dma_wait3A_122 : memref<64x64xf32, #tpu.memory_space<hbm>>) dst(%arg13 : memref<64x64xf32, #tpu.memory_space<vmem>>)
    %dma_start3A_123 = arith.constant 2 : i32
    %dma_start3A_124 = arith.constant 0 : i32
    %dma_start3A_125 = tpu.memref_slice %arg10[%dma_start3A_123, %dma_start3A_124] : memref<8x64xi32, #tpu.memory_space<vmem>> -> memref<1x64xi32, #tpu.memory_space<vmem>>
    %dma_start3A_126 = tpu.memref_squeeze %dma_start3A_125 : memref<1x64xi32, #tpu.memory_space<vmem>> -> memref<64xi32, #tpu.memory_space<vmem>>
    %dma_start3A_127 = arith.constant 0 : i32
    %dma_start3A_128 = arith.constant 0 : i32
    %dma_start3A_129 = tpu.memref_slice %arg7[%dma_start3A_127, %dma_start3A_128] : memref<20032x64xf32, #tpu.memory_space<vmem_shared>> -> memref<20032x64xf32, #tpu.memory_space<vmem_shared>>
    tpu.enqueue_indirect_dma source(%arg13 : memref<64x64xf32, #tpu.memory_space<vmem>>) target(%dma_start3A_129 : memref<20032x64xf32, #tpu.memory_space<vmem_shared>>) offsets(%dma_start3A_126 : memref<64xi32, #tpu.memory_space<vmem>>) semaphore(%arg19 : memref<!tpu.dma_semaphore, #tpu.memory_space<semaphore_mem>>) {add = true}
    %dma_wait3A_130 = arith.constant 0 : i32
    %dma_wait3A_131 = arith.constant 0 : i32
    %dma_wait3A_132 = tpu.memref_slice %arg2[%dma_wait3A_130, %dma_wait3A_131] : memref<20032x64xf32, #tpu.memory_space<hbm>> -> memref<64x64xf32, #tpu.memory_space<hbm>>
    %dma_wait3A_133 = arith.constant 0 : i32
    %dma_wait3A_134 = arith.constant 0 : i32
    %dma_wait3A_135 = tpu.memref_slice %arg2[%dma_wait3A_133, %dma_wait3A_134] : memref<20032x64xf32, #tpu.memory_space<hbm>> -> memref<64x64xf32, #tpu.memory_space<hbm>>
    tpu.wait_dma2 semaphore(%arg19 : memref<!tpu.dma_semaphore, #tpu.memory_space<semaphore_mem>>) src(%dma_wait3A_135 : memref<64x64xf32, #tpu.memory_space<hbm>>) dst(%arg13 : memref<64x64xf32, #tpu.memory_space<vmem>>)
    %dma_start3A_136 = arith.constant 4 : i32
    %dma_start3A_137 = arith.constant 0 : i32
    %dma_start3A_138 = tpu.memref_slice %arg9[%dma_start3A_136, %dma_start3A_137] : memref<8x64xi32, #tpu.memory_space<vmem>> -> memref<1x64xi32, #tpu.memory_space<vmem>>
    %dma_start3A_139 = tpu.memref_squeeze %dma_start3A_138 : memref<1x64xi32, #tpu.memory_space<vmem>> -> memref<64xi32, #tpu.memory_space<vmem>>
    %dma_start3A_140 = arith.constant 0 : i32
    %dma_start3A_141 = arith.constant 0 : i32
    %dma_start3A_142 = tpu.memref_slice %arg8[%dma_start3A_140, %dma_start3A_141] : memref<10016x64xf32, #tpu.memory_space<vmem_shared>> -> memref<10016x64xf32, #tpu.memory_space<vmem_shared>>
    tpu.enqueue_indirect_dma source(%dma_start3A_142 : memref<10016x64xf32, #tpu.memory_space<vmem_shared>>) target(%arg13 : memref<64x64xf32, #tpu.memory_space<vmem>>) offsets(%dma_start3A_139 : memref<64xi32, #tpu.memory_space<vmem>>) semaphore(%arg15 : memref<!tpu.dma_semaphore, #tpu.memory_space<semaphore_mem>>)
    %dma_wait3A_143 = arith.constant 0 : i32
    %dma_wait3A_144 = arith.constant 0 : i32
    %dma_wait3A_145 = tpu.memref_slice %arg2[%dma_wait3A_143, %dma_wait3A_144] : memref<20032x64xf32, #tpu.memory_space<hbm>> -> memref<64x64xf32, #tpu.memory_space<hbm>>
    %dma_wait3A_146 = arith.constant 0 : i32
    %dma_wait3A_147 = arith.constant 0 : i32
    %dma_wait3A_148 = tpu.memref_slice %arg2[%dma_wait3A_146, %dma_wait3A_147] : memref<20032x64xf32, #tpu.memory_space<hbm>> -> memref<64x64xf32, #tpu.memory_space<hbm>>
    tpu.wait_dma2 semaphore(%arg16 : memref<!tpu.dma_semaphore, #tpu.memory_space<semaphore_mem>>) src(%dma_wait3A_148 : memref<64x64xf32, #tpu.memory_space<hbm>>) dst(%arg14 : memref<64x64xf32, #tpu.memory_space<vmem>>)
    %dma_start3A_149 = arith.constant 3 : i32
    %dma_start3A_150 = arith.constant 0 : i32
    %dma_start3A_151 = tpu.memref_slice %arg10[%dma_start3A_149, %dma_start3A_150] : memref<8x64xi32, #tpu.memory_space<vmem>> -> memref<1x64xi32, #tpu.memory_space<vmem>>
    %dma_start3A_152 = tpu.memref_squeeze %dma_start3A_151 : memref<1x64xi32, #tpu.memory_space<vmem>> -> memref<64xi32, #tpu.memory_space<vmem>>
    %dma_start3A_153 = arith.constant 0 : i32
    %dma_start3A_154 = arith.constant 0 : i32
    %dma_start3A_155 = tpu.memref_slice %arg7[%dma_start3A_153, %dma_start3A_154] : memref<20032x64xf32, #tpu.memory_space<vmem_shared>> -> memref<20032x64xf32, #tpu.memory_space<vmem_shared>>
    tpu.enqueue_indirect_dma source(%arg14 : memref<64x64xf32, #tpu.memory_space<vmem>>) target(%dma_start3A_155 : memref<20032x64xf32, #tpu.memory_space<vmem_shared>>) offsets(%dma_start3A_152 : memref<64xi32, #tpu.memory_space<vmem>>) semaphore(%arg20 : memref<!tpu.dma_semaphore, #tpu.memory_space<semaphore_mem>>) {add = true}
    %dma_wait3A_156 = arith.constant 0 : i32
    %dma_wait3A_157 = arith.constant 0 : i32
    %dma_wait3A_158 = tpu.memref_slice %arg2[%dma_wait3A_156, %dma_wait3A_157] : memref<20032x64xf32, #tpu.memory_space<hbm>> -> memref<64x64xf32, #tpu.memory_space<hbm>>
    %dma_wait3A_159 = arith.constant 0 : i32
    %dma_wait3A_160 = arith.constant 0 : i32
    %dma_wait3A_161 = tpu.memref_slice %arg2[%dma_wait3A_159, %dma_wait3A_160] : memref<20032x64xf32, #tpu.memory_space<hbm>> -> memref<64x64xf32, #tpu.memory_space<hbm>>
    tpu.wait_dma2 semaphore(%arg20 : memref<!tpu.dma_semaphore, #tpu.memory_space<semaphore_mem>>) src(%dma_wait3A_161 : memref<64x64xf32, #tpu.memory_space<hbm>>) dst(%arg14 : memref<64x64xf32, #tpu.memory_space<vmem>>)
    %dma_start3A_162 = arith.constant 5 : i32
    %dma_start3A_163 = arith.constant 0 : i32
    %dma_start3A_164 = tpu.memref_slice %arg9[%dma_start3A_162, %dma_start3A_163] : memref<8x64xi32, #tpu.memory_space<vmem>> -> memref<1x64xi32, #tpu.memory_space<vmem>>
    %dma_start3A_165 = tpu.memref_squeeze %dma_start3A_164 : memref<1x64xi32, #tpu.memory_space<vmem>> -> memref<64xi32, #tpu.memory_space<vmem>>
    %dma_start3A_166 = arith.constant 0 : i32
    %dma_start3A_167 = arith.constant 0 : i32
    %dma_start3A_168 = tpu.memref_slice %arg8[%dma_start3A_166, %dma_start3A_167] : memref<10016x64xf32, #tpu.memory_space<vmem_shared>> -> memref<10016x64xf32, #tpu.memory_space<vmem_shared>>
    tpu.enqueue_indirect_dma source(%dma_start3A_168 : memref<10016x64xf32, #tpu.memory_space<vmem_shared>>) target(%arg14 : memref<64x64xf32, #tpu.memory_space<vmem>>) offsets(%dma_start3A_165 : memref<64xi32, #tpu.memory_space<vmem>>) semaphore(%arg16 : memref<!tpu.dma_semaphore, #tpu.memory_space<semaphore_mem>>)
    %dma_wait3A_169 = arith.constant 0 : i32
    %dma_wait3A_170 = arith.constant 0 : i32
    %dma_wait3A_171 = tpu.memref_slice %arg2[%dma_wait3A_169, %dma_wait3A_170] : memref<20032x64xf32, #tpu.memory_space<hbm>> -> memref<64x64xf32, #tpu.memory_space<hbm>>
    %dma_wait3A_172 = arith.constant 0 : i32
    %dma_wait3A_173 = arith.constant 0 : i32
    %dma_wait3A_174 = tpu.memref_slice %arg2[%dma_wait3A_172, %dma_wait3A_173] : memref<20032x64xf32, #tpu.memory_space<hbm>> -> memref<64x64xf32, #tpu.memory_space<hbm>>
    tpu.wait_dma2 semaphore(%arg15 : memref<!tpu.dma_semaphore, #tpu.memory_space<semaphore_mem>>) src(%dma_wait3A_174 : memref<64x64xf32, #tpu.memory_space<hbm>>) dst(%arg13 : memref<64x64xf32, #tpu.memory_space<vmem>>)
    %dma_start3A_175 = arith.constant 4 : i32
    %dma_start3A_176 = arith.constant 0 : i32
    %dma_start3A_177 = tpu.memref_slice %arg10[%dma_start3A_175, %dma_start3A_176] : memref<8x64xi32, #tpu.memory_space<vmem>> -> memref<1x64xi32, #tpu.memory_space<vmem>>
    %dma_start3A_178 = tpu.memref_squeeze %dma_start3A_177 : memref<1x64xi32, #tpu.memory_space<vmem>> -> memref<64xi32, #tpu.memory_space<vmem>>
    %dma_start3A_179 = arith.constant 0 : i32
    %dma_start3A_180 = arith.constant 0 : i32
    %dma_start3A_181 = tpu.memref_slice %arg7[%dma_start3A_179, %dma_start3A_180] : memref<20032x64xf32, #tpu.memory_space<vmem_shared>> -> memref<20032x64xf32, #tpu.memory_space<vmem_shared>>
    tpu.enqueue_indirect_dma source(%arg13 : memref<64x64xf32, #tpu.memory_space<vmem>>) target(%dma_start3A_181 : memref<20032x64xf32, #tpu.memory_space<vmem_shared>>) offsets(%dma_start3A_178 : memref<64xi32, #tpu.memory_space<vmem>>) semaphore(%arg19 : memref<!tpu.dma_semaphore, #tpu.memory_space<semaphore_mem>>) {add = true}
    %dma_wait3A_182 = arith.constant 0 : i32
    %dma_wait3A_183 = arith.constant 0 : i32
    %dma_wait3A_184 = tpu.memref_slice %arg2[%dma_wait3A_182, %dma_wait3A_183] : memref<20032x64xf32, #tpu.memory_space<hbm>> -> memref<64x64xf32, #tpu.memory_space<hbm>>
    %dma_wait3A_185 = arith.constant 0 : i32
    %dma_wait3A_186 = arith.constant 0 : i32
    %dma_wait3A_187 = tpu.memref_slice %arg2[%dma_wait3A_185, %dma_wait3A_186] : memref<20032x64xf32, #tpu.memory_space<hbm>> -> memref<64x64xf32, #tpu.memory_space<hbm>>
    tpu.wait_dma2 semaphore(%arg19 : memref<!tpu.dma_semaphore, #tpu.memory_space<semaphore_mem>>) src(%dma_wait3A_187 : memref<64x64xf32, #tpu.memory_space<hbm>>) dst(%arg13 : memref<64x64xf32, #tpu.memory_space<vmem>>)
    %dma_start3A_188 = arith.constant 6 : i32
    %dma_start3A_189 = arith.constant 0 : i32
    %dma_start3A_190 = tpu.memref_slice %arg9[%dma_start3A_188, %dma_start3A_189] : memref<8x64xi32, #tpu.memory_space<vmem>> -> memref<1x64xi32, #tpu.memory_space<vmem>>
    %dma_start3A_191 = tpu.memref_squeeze %dma_start3A_190 : memref<1x64xi32, #tpu.memory_space<vmem>> -> memref<64xi32, #tpu.memory_space<vmem>>
    %dma_start3A_192 = arith.constant 0 : i32
    %dma_start3A_193 = arith.constant 0 : i32
    %dma_start3A_194 = tpu.memref_slice %arg8[%dma_start3A_192, %dma_start3A_193] : memref<10016x64xf32, #tpu.memory_space<vmem_shared>> -> memref<10016x64xf32, #tpu.memory_space<vmem_shared>>
    tpu.enqueue_indirect_dma source(%dma_start3A_194 : memref<10016x64xf32, #tpu.memory_space<vmem_shared>>) target(%arg13 : memref<64x64xf32, #tpu.memory_space<vmem>>) offsets(%dma_start3A_191 : memref<64xi32, #tpu.memory_space<vmem>>) semaphore(%arg15 : memref<!tpu.dma_semaphore, #tpu.memory_space<semaphore_mem>>)
    %dma_wait3A_195 = arith.constant 0 : i32
    %dma_wait3A_196 = arith.constant 0 : i32
    %dma_wait3A_197 = tpu.memref_slice %arg2[%dma_wait3A_195, %dma_wait3A_196] : memref<20032x64xf32, #tpu.memory_space<hbm>> -> memref<64x64xf32, #tpu.memory_space<hbm>>
    %dma_wait3A_198 = arith.constant 0 : i32
    %dma_wait3A_199 = arith.constant 0 : i32
    %dma_wait3A_200 = tpu.memref_slice %arg2[%dma_wait3A_198, %dma_wait3A_199] : memref<20032x64xf32, #tpu.memory_space<hbm>> -> memref<64x64xf32, #tpu.memory_space<hbm>>
    tpu.wait_dma2 semaphore(%arg16 : memref<!tpu.dma_semaphore, #tpu.memory_space<semaphore_mem>>) src(%dma_wait3A_200 : memref<64x64xf32, #tpu.memory_space<hbm>>) dst(%arg14 : memref<64x64xf32, #tpu.memory_space<vmem>>)
    %dma_start3A_201 = arith.constant 5 : i32
    %dma_start3A_202 = arith.constant 0 : i32
    %dma_start3A_203 = tpu.memref_slice %arg10[%dma_start3A_201, %dma_start3A_202] : memref<8x64xi32, #tpu.memory_space<vmem>> -> memref<1x64xi32, #tpu.memory_space<vmem>>
    %dma_start3A_204 = tpu.memref_squeeze %dma_start3A_203 : memref<1x64xi32, #tpu.memory_space<vmem>> -> memref<64xi32, #tpu.memory_space<vmem>>
    %dma_start3A_205 = arith.constant 0 : i32
    %dma_start3A_206 = arith.constant 0 : i32
    %dma_start3A_207 = tpu.memref_slice %arg7[%dma_start3A_205, %dma_start3A_206] : memref<20032x64xf32, #tpu.memory_space<vmem_shared>> -> memref<20032x64xf32, #tpu.memory_space<vmem_shared>>
    tpu.enqueue_indirect_dma source(%arg14 : memref<64x64xf32, #tpu.memory_space<vmem>>) target(%dma_start3A_207 : memref<20032x64xf32, #tpu.memory_space<vmem_shared>>) offsets(%dma_start3A_204 : memref<64xi32, #tpu.memory_space<vmem>>) semaphore(%arg20 : memref<!tpu.dma_semaphore, #tpu.memory_space<semaphore_mem>>) {add = true}
    %dma_wait3A_208 = arith.constant 0 : i32
    %dma_wait3A_209 = arith.constant 0 : i32
    %dma_wait3A_210 = tpu.memref_slice %arg2[%dma_wait3A_208, %dma_wait3A_209] : memref<20032x64xf32, #tpu.memory_space<hbm>> -> memref<64x64xf32, #tpu.memory_space<hbm>>
    %dma_wait3A_211 = arith.constant 0 : i32
    %dma_wait3A_212 = arith.constant 0 : i32
    %dma_wait3A_213 = tpu.memref_slice %arg2[%dma_wait3A_211, %dma_wait3A_212] : memref<20032x64xf32, #tpu.memory_space<hbm>> -> memref<64x64xf32, #tpu.memory_space<hbm>>
    tpu.wait_dma2 semaphore(%arg20 : memref<!tpu.dma_semaphore, #tpu.memory_space<semaphore_mem>>) src(%dma_wait3A_213 : memref<64x64xf32, #tpu.memory_space<hbm>>) dst(%arg14 : memref<64x64xf32, #tpu.memory_space<vmem>>)
    %dma_start3A_214 = arith.constant 7 : i32
    %dma_start3A_215 = arith.constant 0 : i32
    %dma_start3A_216 = tpu.memref_slice %arg9[%dma_start3A_214, %dma_start3A_215] : memref<8x64xi32, #tpu.memory_space<vmem>> -> memref<1x64xi32, #tpu.memory_space<vmem>>
    %dma_start3A_217 = tpu.memref_squeeze %dma_start3A_216 : memref<1x64xi32, #tpu.memory_space<vmem>> -> memref<64xi32, #tpu.memory_space<vmem>>
    %dma_start3A_218 = arith.constant 0 : i32
    %dma_start3A_219 = arith.constant 0 : i32
    %dma_start3A_220 = tpu.memref_slice %arg8[%dma_start3A_218, %dma_start3A_219] : memref<10016x64xf32, #tpu.memory_space<vmem_shared>> -> memref<10016x64xf32, #tpu.memory_space<vmem_shared>>
    tpu.enqueue_indirect_dma source(%dma_start3A_220 : memref<10016x64xf32, #tpu.memory_space<vmem_shared>>) target(%arg14 : memref<64x64xf32, #tpu.memory_space<vmem>>) offsets(%dma_start3A_217 : memref<64xi32, #tpu.memory_space<vmem>>) semaphore(%arg16 : memref<!tpu.dma_semaphore, #tpu.memory_space<semaphore_mem>>)
    %dma_wait3A_221 = arith.constant 0 : i32
    %dma_wait3A_222 = arith.constant 0 : i32
    %dma_wait3A_223 = tpu.memref_slice %arg2[%dma_wait3A_221, %dma_wait3A_222] : memref<20032x64xf32, #tpu.memory_space<hbm>> -> memref<64x64xf32, #tpu.memory_space<hbm>>
    %dma_wait3A_224 = arith.constant 0 : i32
    %dma_wait3A_225 = arith.constant 0 : i32
    %dma_wait3A_226 = tpu.memref_slice %arg2[%dma_wait3A_224, %dma_wait3A_225] : memref<20032x64xf32, #tpu.memory_space<hbm>> -> memref<64x64xf32, #tpu.memory_space<hbm>>
    tpu.wait_dma2 semaphore(%arg15 : memref<!tpu.dma_semaphore, #tpu.memory_space<semaphore_mem>>) src(%dma_wait3A_226 : memref<64x64xf32, #tpu.memory_space<hbm>>) dst(%arg13 : memref<64x64xf32, #tpu.memory_space<vmem>>)
    %dma_start3A_227 = arith.constant 6 : i32
    %dma_start3A_228 = arith.constant 0 : i32
    %dma_start3A_229 = tpu.memref_slice %arg10[%dma_start3A_227, %dma_start3A_228] : memref<8x64xi32, #tpu.memory_space<vmem>> -> memref<1x64xi32, #tpu.memory_space<vmem>>
    %dma_start3A_230 = tpu.memref_squeeze %dma_start3A_229 : memref<1x64xi32, #tpu.memory_space<vmem>> -> memref<64xi32, #tpu.memory_space<vmem>>
    %dma_start3A_231 = arith.constant 0 : i32
    %dma_start3A_232 = arith.constant 0 : i32
    %dma_start3A_233 = tpu.memref_slice %arg7[%dma_start3A_231, %dma_start3A_232] : memref<20032x64xf32, #tpu.memory_space<vmem_shared>> -> memref<20032x64xf32, #tpu.memory_space<vmem_shared>>
    tpu.enqueue_indirect_dma source(%arg13 : memref<64x64xf32, #tpu.memory_space<vmem>>) target(%dma_start3A_233 : memref<20032x64xf32, #tpu.memory_space<vmem_shared>>) offsets(%dma_start3A_230 : memref<64xi32, #tpu.memory_space<vmem>>) semaphore(%arg19 : memref<!tpu.dma_semaphore, #tpu.memory_space<semaphore_mem>>) {add = true}
    %dma_wait3A_234 = arith.constant 0 : i32
    %dma_wait3A_235 = arith.constant 0 : i32
    %dma_wait3A_236 = tpu.memref_slice %arg2[%dma_wait3A_234, %dma_wait3A_235] : memref<20032x64xf32, #tpu.memory_space<hbm>> -> memref<64x64xf32, #tpu.memory_space<hbm>>
    %dma_wait3A_237 = arith.constant 0 : i32
    %dma_wait3A_238 = arith.constant 0 : i32
    %dma_wait3A_239 = tpu.memref_slice %arg2[%dma_wait3A_237, %dma_wait3A_238] : memref<20032x64xf32, #tpu.memory_space<hbm>> -> memref<64x64xf32, #tpu.memory_space<hbm>>
    tpu.wait_dma2 semaphore(%arg16 : memref<!tpu.dma_semaphore, #tpu.memory_space<semaphore_mem>>) src(%dma_wait3A_239 : memref<64x64xf32, #tpu.memory_space<hbm>>) dst(%arg14 : memref<64x64xf32, #tpu.memory_space<vmem>>)
    %dma_start3A_240 = arith.constant 7 : i32
    %dma_start3A_241 = arith.constant 0 : i32
    %dma_start3A_242 = tpu.memref_slice %arg10[%dma_start3A_240, %dma_start3A_241] : memref<8x64xi32, #tpu.memory_space<vmem>> -> memref<1x64xi32, #tpu.memory_space<vmem>>
    %dma_start3A_243 = tpu.memref_squeeze %dma_start3A_242 : memref<1x64xi32, #tpu.memory_space<vmem>> -> memref<64xi32, #tpu.memory_space<vmem>>
    %dma_start3A_244 = arith.constant 0 : i32
    %dma_start3A_245 = arith.constant 0 : i32
    %dma_start3A_246 = tpu.memref_slice %arg7[%dma_start3A_244, %dma_start3A_245] : memref<20032x64xf32, #tpu.memory_space<vmem_shared>> -> memref<20032x64xf32, #tpu.memory_space<vmem_shared>>
    tpu.enqueue_indirect_dma source(%arg14 : memref<64x64xf32, #tpu.memory_space<vmem>>) target(%dma_start3A_246 : memref<20032x64xf32, #tpu.memory_space<vmem_shared>>) offsets(%dma_start3A_243 : memref<64xi32, #tpu.memory_space<vmem>>) semaphore(%arg20 : memref<!tpu.dma_semaphore, #tpu.memory_space<semaphore_mem>>) {add = true}
    %dma_wait3A_247 = arith.constant 0 : i32
    %dma_wait3A_248 = arith.constant 0 : i32
    %dma_wait3A_249 = tpu.memref_slice %arg2[%dma_wait3A_247, %dma_wait3A_248] : memref<20032x64xf32, #tpu.memory_space<hbm>> -> memref<64x64xf32, #tpu.memory_space<hbm>>
    %dma_wait3A_250 = arith.constant 0 : i32
    %dma_wait3A_251 = arith.constant 0 : i32
    %dma_wait3A_252 = tpu.memref_slice %arg2[%dma_wait3A_250, %dma_wait3A_251] : memref<20032x64xf32, #tpu.memory_space<hbm>> -> memref<64x64xf32, #tpu.memory_space<hbm>>
    tpu.wait_dma2 semaphore(%arg19 : memref<!tpu.dma_semaphore, #tpu.memory_space<semaphore_mem>>) src(%dma_wait3A_252 : memref<64x64xf32, #tpu.memory_space<hbm>>) dst(%arg13 : memref<64x64xf32, #tpu.memory_space<vmem>>)
    %scan3A = arith.constant 0 : i32
    %scan3A_253 = arith.constant 19 : i32
    %scan3A_254 = arith.addi %scan3A, %scan3A_253 : i32
    %scan3A_255 = arith.constant 1 : i32
    scf.for %scan3A_520 = %scan3A to %scan3A_254 step %scan3A_255  : i32 {
      %mul3A_521 = arith.constant 1 : i32
      %mul3A_522 = arith.muli %scan3A_520, %mul3A_521 : i32
      %add3A_523 = arith.constant 0 : i32
      %add3A_524 = arith.addi %add3A_523, %mul3A_522 : i32
      %mul3A_525 = arith.constant 2 : i32
      %mul3A_526 = arith.muli %mul3A_525, %add3A_524 : i32
      %add3A_527 = arith.constant 1 : i32
      %add3A_528 = arith.addi %mul3A_526, %add3A_527 : i32
      %dma_wait3A_529 = arith.constant 0 : i32
      %dma_wait3A_530 = arith.constant 0 : i32
      %dma_wait3A_531 = tpu.memref_slice %arg3[%arg1, %dma_wait3A_529, %dma_wait3A_530] : memref<16x320x64xi32, #tpu.memory_space<hbm>> -> memref<1x8x64xi32, #tpu.memory_space<hbm>>
      %dma_wait3A_532 = tpu.memref_squeeze %dma_wait3A_531 : memref<1x8x64xi32, #tpu.memory_space<hbm>> -> memref<8x64xi32, #tpu.memory_space<hbm>>
      %dma_wait3A_533 = arith.constant 0 : i32
      %dma_wait3A_534 = arith.constant 0 : i32
      %dma_wait3A_535 = tpu.memref_slice %arg3[%arg1, %dma_wait3A_533, %dma_wait3A_534] : memref<16x320x64xi32, #tpu.memory_space<hbm>> -> memref<1x8x64xi32, #tpu.memory_space<hbm>>
      %dma_wait3A_536 = tpu.memref_squeeze %dma_wait3A_535 : memref<1x8x64xi32, #tpu.memory_space<hbm>> -> memref<8x64xi32, #tpu.memory_space<hbm>>
      tpu.wait_dma2 semaphore(%arg18 : memref<!tpu.dma_semaphore, #tpu.memory_space<semaphore_mem>>) src(%dma_wait3A_536 : memref<8x64xi32, #tpu.memory_space<hbm>>) dst(%arg11 : memref<8x64xi32, #tpu.memory_space<vmem>>)
      %dma_wait3A_537 = arith.constant 0 : i32
      %dma_wait3A_538 = arith.constant 0 : i32
      %dma_wait3A_539 = tpu.memref_slice %arg3[%arg1, %dma_wait3A_537, %dma_wait3A_538] : memref<16x320x64xi32, #tpu.memory_space<hbm>> -> memref<1x8x64xi32, #tpu.memory_space<hbm>>
      %dma_wait3A_540 = tpu.memref_squeeze %dma_wait3A_539 : memref<1x8x64xi32, #tpu.memory_space<hbm>> -> memref<8x64xi32, #tpu.memory_space<hbm>>
      %dma_wait3A_541 = arith.constant 0 : i32
      %dma_wait3A_542 = arith.constant 0 : i32
      %dma_wait3A_543 = tpu.memref_slice %arg3[%arg1, %dma_wait3A_541, %dma_wait3A_542] : memref<16x320x64xi32, #tpu.memory_space<hbm>> -> memref<1x8x64xi32, #tpu.memory_space<hbm>>
      %dma_wait3A_544 = tpu.memref_squeeze %dma_wait3A_543 : memref<1x8x64xi32, #tpu.memory_space<hbm>> -> memref<8x64xi32, #tpu.memory_space<hbm>>
      tpu.wait_dma2 semaphore(%arg18 : memref<!tpu.dma_semaphore, #tpu.memory_space<semaphore_mem>>) src(%dma_wait3A_544 : memref<8x64xi32, #tpu.memory_space<hbm>>) dst(%arg12 : memref<8x64xi32, #tpu.memory_space<vmem>>)
      %add3A_545 = arith.constant 1 : i32
      %add3A_546 = arith.addi %add3A_528, %add3A_545 : i32
      %lt3A_547 = arith.constant 40 : i32
      %lt3A_548 = arith.cmpi slt, %add3A_546, %lt3A_547 : i32
      %convert_element_type3A = arith.extui %lt3A_548 : i1 to i32
      %cond3A = arith.constant 0 : i32
      %cond3A_549 = arith.cmpi ne, %convert_element_type3A, %cond3A : i32
      scf.if %cond3A_549 {
        %add3A_993 = arith.constant 1 : i32
        %add3A_994 = arith.addi %add3A_528, %add3A_993 : i32
        %mul3A_995 = arith.constant 8 : i32
        %mul3A_996 = arith.muli %add3A_994, %mul3A_995 : i32
        %dma_start3A_997 = arith.constant 0 : i32
        %dma_start3A_998 = tpu.memref_slice %arg3[%arg1, %mul3A_996, %dma_start3A_997] : memref<16x320x64xi32, #tpu.memory_space<hbm>> -> memref<1x8x64xi32, #tpu.memory_space<hbm>>
        %dma_start3A_999 = tpu.memref_squeeze %dma_start3A_998 : memref<1x8x64xi32, #tpu.memory_space<hbm>> -> memref<8x64xi32, #tpu.memory_space<hbm>>
        %dma_start3A_1000 = arith.constant 0 : i32
        %dma_start3A_1001 = tpu.memref_slice %arg3[%arg1, %mul3A_996, %dma_start3A_1000] : memref<16x320x64xi32, #tpu.memory_space<hbm>> -> memref<1x8x64xi32, #tpu.memory_space<hbm>>
        %dma_start3A_1002 = tpu.memref_squeeze %dma_start3A_1001 : memref<1x8x64xi32, #tpu.memory_space<hbm>> -> memref<8x64xi32, #tpu.memory_space<hbm>>
        tpu.enqueue_dma source(%dma_start3A_1002 : memref<8x64xi32, #tpu.memory_space<hbm>>) target(%arg9 : memref<8x64xi32, #tpu.memory_space<vmem>>) target_semaphore(%arg17 : memref<!tpu.dma_semaphore, #tpu.memory_space<semaphore_mem>>)
        %dma_start3A_1003 = arith.constant 0 : i32
        %dma_start3A_1004 = tpu.memref_slice %arg4[%arg1, %mul3A_996, %dma_start3A_1003] : memref<16x320x64xi32, #tpu.memory_space<hbm>> -> memref<1x8x64xi32, #tpu.memory_space<hbm>>
        %dma_start3A_1005 = tpu.memref_squeeze %dma_start3A_1004 : memref<1x8x64xi32, #tpu.memory_space<hbm>> -> memref<8x64xi32, #tpu.memory_space<hbm>>
        %dma_start3A_1006 = arith.constant 0 : i32
        %dma_start3A_1007 = tpu.memref_slice %arg4[%arg1, %mul3A_996, %dma_start3A_1006] : memref<16x320x64xi32, #tpu.memory_space<hbm>> -> memref<1x8x64xi32, #tpu.memory_space<hbm>>
        %dma_start3A_1008 = tpu.memref_squeeze %dma_start3A_1007 : memref<1x8x64xi32, #tpu.memory_space<hbm>> -> memref<8x64xi32, #tpu.memory_space<hbm>>
        tpu.enqueue_dma source(%dma_start3A_1008 : memref<8x64xi32, #tpu.memory_space<hbm>>) target(%arg10 : memref<8x64xi32, #tpu.memory_space<vmem>>) target_semaphore(%arg17 : memref<!tpu.dma_semaphore, #tpu.memory_space<semaphore_mem>>)
      } else {
      }
      %dma_start3A_550 = arith.constant 0 : i32
      %dma_start3A_551 = arith.constant 0 : i32
      %dma_start3A_552 = tpu.memref_slice %arg11[%dma_start3A_550, %dma_start3A_551] : memref<8x64xi32, #tpu.memory_space<vmem>> -> memref<1x64xi32, #tpu.memory_space<vmem>>
      %dma_start3A_553 = tpu.memref_squeeze %dma_start3A_552 : memref<1x64xi32, #tpu.memory_space<vmem>> -> memref<64xi32, #tpu.memory_space<vmem>>
      %dma_start3A_554 = arith.constant 0 : i32
      %dma_start3A_555 = arith.constant 0 : i32
      %dma_start3A_556 = tpu.memref_slice %arg8[%dma_start3A_554, %dma_start3A_555] : memref<10016x64xf32, #tpu.memory_space<vmem_shared>> -> memref<10016x64xf32, #tpu.memory_space<vmem_shared>>
      tpu.enqueue_indirect_dma source(%dma_start3A_556 : memref<10016x64xf32, #tpu.memory_space<vmem_shared>>) target(%arg13 : memref<64x64xf32, #tpu.memory_space<vmem>>) offsets(%dma_start3A_553 : memref<64xi32, #tpu.memory_space<vmem>>) semaphore(%arg15 : memref<!tpu.dma_semaphore, #tpu.memory_space<semaphore_mem>>)
      %dma_wait3A_557 = arith.constant 0 : i32
      %dma_wait3A_558 = arith.constant 0 : i32
      %dma_wait3A_559 = tpu.memref_slice %arg2[%dma_wait3A_557, %dma_wait3A_558] : memref<20032x64xf32, #tpu.memory_space<hbm>> -> memref<64x64xf32, #tpu.memory_space<hbm>>
      %dma_wait3A_560 = arith.constant 0 : i32
      %dma_wait3A_561 = arith.constant 0 : i32
      %dma_wait3A_562 = tpu.memref_slice %arg2[%dma_wait3A_560, %dma_wait3A_561] : memref<20032x64xf32, #tpu.memory_space<hbm>> -> memref<64x64xf32, #tpu.memory_space<hbm>>
      tpu.wait_dma2 semaphore(%arg20 : memref<!tpu.dma_semaphore, #tpu.memory_space<semaphore_mem>>) src(%dma_wait3A_562 : memref<64x64xf32, #tpu.memory_space<hbm>>) dst(%arg14 : memref<64x64xf32, #tpu.memory_space<vmem>>)
      %dma_start3A_563 = arith.constant 1 : i32
      %dma_start3A_564 = arith.constant 0 : i32
      %dma_start3A_565 = tpu.memref_slice %arg11[%dma_start3A_563, %dma_start3A_564] : memref<8x64xi32, #tpu.memory_space<vmem>> -> memref<1x64xi32, #tpu.memory_space<vmem>>
      %dma_start3A_566 = tpu.memref_squeeze %dma_start3A_565 : memref<1x64xi32, #tpu.memory_space<vmem>> -> memref<64xi32, #tpu.memory_space<vmem>>
      %dma_start3A_567 = arith.constant 0 : i32
      %dma_start3A_568 = arith.constant 0 : i32
      %dma_start3A_569 = tpu.memref_slice %arg8[%dma_start3A_567, %dma_start3A_568] : memref<10016x64xf32, #tpu.memory_space<vmem_shared>> -> memref<10016x64xf32, #tpu.memory_space<vmem_shared>>
      tpu.enqueue_indirect_dma source(%dma_start3A_569 : memref<10016x64xf32, #tpu.memory_space<vmem_shared>>) target(%arg14 : memref<64x64xf32, #tpu.memory_space<vmem>>) offsets(%dma_start3A_566 : memref<64xi32, #tpu.memory_space<vmem>>) semaphore(%arg16 : memref<!tpu.dma_semaphore, #tpu.memory_space<semaphore_mem>>)
      %dma_wait3A_570 = arith.constant 0 : i32
      %dma_wait3A_571 = arith.constant 0 : i32
      %dma_wait3A_572 = tpu.memref_slice %arg2[%dma_wait3A_570, %dma_wait3A_571] : memref<20032x64xf32, #tpu.memory_space<hbm>> -> memref<64x64xf32, #tpu.memory_space<hbm>>
      %dma_wait3A_573 = arith.constant 0 : i32
      %dma_wait3A_574 = arith.constant 0 : i32
      %dma_wait3A_575 = tpu.memref_slice %arg2[%dma_wait3A_573, %dma_wait3A_574] : memref<20032x64xf32, #tpu.memory_space<hbm>> -> memref<64x64xf32, #tpu.memory_space<hbm>>
      tpu.wait_dma2 semaphore(%arg15 : memref<!tpu.dma_semaphore, #tpu.memory_space<semaphore_mem>>) src(%dma_wait3A_575 : memref<64x64xf32, #tpu.memory_space<hbm>>) dst(%arg13 : memref<64x64xf32, #tpu.memory_space<vmem>>)
      %dma_start3A_576 = arith.constant 0 : i32
      %dma_start3A_577 = arith.constant 0 : i32
      %dma_start3A_578 = tpu.memref_slice %arg12[%dma_start3A_576, %dma_start3A_577] : memref<8x64xi32, #tpu.memory_space<vmem>> -> memref<1x64xi32, #tpu.memory_space<vmem>>
      %dma_start3A_579 = tpu.memref_squeeze %dma_start3A_578 : memref<1x64xi32, #tpu.memory_space<vmem>> -> memref<64xi32, #tpu.memory_space<vmem>>
      %dma_start3A_580 = arith.constant 0 : i32
      %dma_start3A_581 = arith.constant 0 : i32
      %dma_start3A_582 = tpu.memref_slice %arg7[%dma_start3A_580, %dma_start3A_581] : memref<20032x64xf32, #tpu.memory_space<vmem_shared>> -> memref<20032x64xf32, #tpu.memory_space<vmem_shared>>
      tpu.enqueue_indirect_dma source(%arg13 : memref<64x64xf32, #tpu.memory_space<vmem>>) target(%dma_start3A_582 : memref<20032x64xf32, #tpu.memory_space<vmem_shared>>) offsets(%dma_start3A_579 : memref<64xi32, #tpu.memory_space<vmem>>) semaphore(%arg19 : memref<!tpu.dma_semaphore, #tpu.memory_space<semaphore_mem>>) {add = true}
      %dma_wait3A_583 = arith.constant 0 : i32
      %dma_wait3A_584 = arith.constant 0 : i32
      %dma_wait3A_585 = tpu.memref_slice %arg2[%dma_wait3A_583, %dma_wait3A_584] : memref<20032x64xf32, #tpu.memory_space<hbm>> -> memref<64x64xf32, #tpu.memory_space<hbm>>
      %dma_wait3A_586 = arith.constant 0 : i32
      %dma_wait3A_587 = arith.constant 0 : i32
      %dma_wait3A_588 = tpu.memref_slice %arg2[%dma_wait3A_586, %dma_wait3A_587] : memref<20032x64xf32, #tpu.memory_space<hbm>> -> memref<64x64xf32, #tpu.memory_space<hbm>>
      tpu.wait_dma2 semaphore(%arg19 : memref<!tpu.dma_semaphore, #tpu.memory_space<semaphore_mem>>) src(%dma_wait3A_588 : memref<64x64xf32, #tpu.memory_space<hbm>>) dst(%arg13 : memref<64x64xf32, #tpu.memory_space<vmem>>)
      %dma_start3A_589 = arith.constant 2 : i32
      %dma_start3A_590 = arith.constant 0 : i32
      %dma_start3A_591 = tpu.memref_slice %arg11[%dma_start3A_589, %dma_start3A_590] : memref<8x64xi32, #tpu.memory_space<vmem>> -> memref<1x64xi32, #tpu.memory_space<vmem>>
      %dma_start3A_592 = tpu.memref_squeeze %dma_start3A_591 : memref<1x64xi32, #tpu.memory_space<vmem>> -> memref<64xi32, #tpu.memory_space<vmem>>
      %dma_start3A_593 = arith.constant 0 : i32
      %dma_start3A_594 = arith.constant 0 : i32
      %dma_start3A_595 = tpu.memref_slice %arg8[%dma_start3A_593, %dma_start3A_594] : memref<10016x64xf32, #tpu.memory_space<vmem_shared>> -> memref<10016x64xf32, #tpu.memory_space<vmem_shared>>
      tpu.enqueue_indirect_dma source(%dma_start3A_595 : memref<10016x64xf32, #tpu.memory_space<vmem_shared>>) target(%arg13 : memref<64x64xf32, #tpu.memory_space<vmem>>) offsets(%dma_start3A_592 : memref<64xi32, #tpu.memory_space<vmem>>) semaphore(%arg15 : memref<!tpu.dma_semaphore, #tpu.memory_space<semaphore_mem>>)
      %dma_wait3A_596 = arith.constant 0 : i32
      %dma_wait3A_597 = arith.constant 0 : i32
      %dma_wait3A_598 = tpu.memref_slice %arg2[%dma_wait3A_596, %dma_wait3A_597] : memref<20032x64xf32, #tpu.memory_space<hbm>> -> memref<64x64xf32, #tpu.memory_space<hbm>>
      %dma_wait3A_599 = arith.constant 0 : i32
      %dma_wait3A_600 = arith.constant 0 : i32
      %dma_wait3A_601 = tpu.memref_slice %arg2[%dma_wait3A_599, %dma_wait3A_600] : memref<20032x64xf32, #tpu.memory_space<hbm>> -> memref<64x64xf32, #tpu.memory_space<hbm>>
      tpu.wait_dma2 semaphore(%arg16 : memref<!tpu.dma_semaphore, #tpu.memory_space<semaphore_mem>>) src(%dma_wait3A_601 : memref<64x64xf32, #tpu.memory_space<hbm>>) dst(%arg14 : memref<64x64xf32, #tpu.memory_space<vmem>>)
      %dma_start3A_602 = arith.constant 1 : i32
      %dma_start3A_603 = arith.constant 0 : i32
      %dma_start3A_604 = tpu.memref_slice %arg12[%dma_start3A_602, %dma_start3A_603] : memref<8x64xi32, #tpu.memory_space<vmem>> -> memref<1x64xi32, #tpu.memory_space<vmem>>
      %dma_start3A_605 = tpu.memref_squeeze %dma_start3A_604 : memref<1x64xi32, #tpu.memory_space<vmem>> -> memref<64xi32, #tpu.memory_space<vmem>>
      %dma_start3A_606 = arith.constant 0 : i32
      %dma_start3A_607 = arith.constant 0 : i32
      %dma_start3A_608 = tpu.memref_slice %arg7[%dma_start3A_606, %dma_start3A_607] : memref<20032x64xf32, #tpu.memory_space<vmem_shared>> -> memref<20032x64xf32, #tpu.memory_space<vmem_shared>>
      tpu.enqueue_indirect_dma source(%arg14 : memref<64x64xf32, #tpu.memory_space<vmem>>) target(%dma_start3A_608 : memref<20032x64xf32, #tpu.memory_space<vmem_shared>>) offsets(%dma_start3A_605 : memref<64xi32, #tpu.memory_space<vmem>>) semaphore(%arg20 : memref<!tpu.dma_semaphore, #tpu.memory_space<semaphore_mem>>) {add = true}
      %dma_wait3A_609 = arith.constant 0 : i32
      %dma_wait3A_610 = arith.constant 0 : i32
      %dma_wait3A_611 = tpu.memref_slice %arg2[%dma_wait3A_609, %dma_wait3A_610] : memref<20032x64xf32, #tpu.memory_space<hbm>> -> memref<64x64xf32, #tpu.memory_space<hbm>>
      %dma_wait3A_612 = arith.constant 0 : i32
      %dma_wait3A_613 = arith.constant 0 : i32
      %dma_wait3A_614 = tpu.memref_slice %arg2[%dma_wait3A_612, %dma_wait3A_613] : memref<20032x64xf32, #tpu.memory_space<hbm>> -> memref<64x64xf32, #tpu.memory_space<hbm>>
      tpu.wait_dma2 semaphore(%arg20 : memref<!tpu.dma_semaphore, #tpu.memory_space<semaphore_mem>>) src(%dma_wait3A_614 : memref<64x64xf32, #tpu.memory_space<hbm>>) dst(%arg14 : memref<64x64xf32, #tpu.memory_space<vmem>>)
      %dma_start3A_615 = arith.constant 3 : i32
      %dma_start3A_616 = arith.constant 0 : i32
      %dma_start3A_617 = tpu.memref_slice %arg11[%dma_start3A_615, %dma_start3A_616] : memref<8x64xi32, #tpu.memory_space<vmem>> -> memref<1x64xi32, #tpu.memory_space<vmem>>
      %dma_start3A_618 = tpu.memref_squeeze %dma_start3A_617 : memref<1x64xi32, #tpu.memory_space<vmem>> -> memref<64xi32, #tpu.memory_space<vmem>>
      %dma_start3A_619 = arith.constant 0 : i32
      %dma_start3A_620 = arith.constant 0 : i32
      %dma_start3A_621 = tpu.memref_slice %arg8[%dma_start3A_619, %dma_start3A_620] : memref<10016x64xf32, #tpu.memory_space<vmem_shared>> -> memref<10016x64xf32, #tpu.memory_space<vmem_shared>>
      tpu.enqueue_indirect_dma source(%dma_start3A_621 : memref<10016x64xf32, #tpu.memory_space<vmem_shared>>) target(%arg14 : memref<64x64xf32, #tpu.memory_space<vmem>>) offsets(%dma_start3A_618 : memref<64xi32, #tpu.memory_space<vmem>>) semaphore(%arg16 : memref<!tpu.dma_semaphore, #tpu.memory_space<semaphore_mem>>)
      %dma_wait3A_622 = arith.constant 0 : i32
      %dma_wait3A_623 = arith.constant 0 : i32
      %dma_wait3A_624 = tpu.memref_slice %arg2[%dma_wait3A_622, %dma_wait3A_623] : memref<20032x64xf32, #tpu.memory_space<hbm>> -> memref<64x64xf32, #tpu.memory_space<hbm>>
      %dma_wait3A_625 = arith.constant 0 : i32
      %dma_wait3A_626 = arith.constant 0 : i32
      %dma_wait3A_627 = tpu.memref_slice %arg2[%dma_wait3A_625, %dma_wait3A_626] : memref<20032x64xf32, #tpu.memory_space<hbm>> -> memref<64x64xf32, #tpu.memory_space<hbm>>
      tpu.wait_dma2 semaphore(%arg15 : memref<!tpu.dma_semaphore, #tpu.memory_space<semaphore_mem>>) src(%dma_wait3A_627 : memref<64x64xf32, #tpu.memory_space<hbm>>) dst(%arg13 : memref<64x64xf32, #tpu.memory_space<vmem>>)
      %dma_start3A_628 = arith.constant 2 : i32
      %dma_start3A_629 = arith.constant 0 : i32
      %dma_start3A_630 = tpu.memref_slice %arg12[%dma_start3A_628, %dma_start3A_629] : memref<8x64xi32, #tpu.memory_space<vmem>> -> memref<1x64xi32, #tpu.memory_space<vmem>>
      %dma_start3A_631 = tpu.memref_squeeze %dma_start3A_630 : memref<1x64xi32, #tpu.memory_space<vmem>> -> memref<64xi32, #tpu.memory_space<vmem>>
      %dma_start3A_632 = arith.constant 0 : i32
      %dma_start3A_633 = arith.constant 0 : i32
      %dma_start3A_634 = tpu.memref_slice %arg7[%dma_start3A_632, %dma_start3A_633] : memref<20032x64xf32, #tpu.memory_space<vmem_shared>> -> memref<20032x64xf32, #tpu.memory_space<vmem_shared>>
      tpu.enqueue_indirect_dma source(%arg13 : memref<64x64xf32, #tpu.memory_space<vmem>>) target(%dma_start3A_634 : memref<20032x64xf32, #tpu.memory_space<vmem_shared>>) offsets(%dma_start3A_631 : memref<64xi32, #tpu.memory_space<vmem>>) semaphore(%arg19 : memref<!tpu.dma_semaphore, #tpu.memory_space<semaphore_mem>>) {add = true}
      %dma_wait3A_635 = arith.constant 0 : i32
      %dma_wait3A_636 = arith.constant 0 : i32
      %dma_wait3A_637 = tpu.memref_slice %arg2[%dma_wait3A_635, %dma_wait3A_636] : memref<20032x64xf32, #tpu.memory_space<hbm>> -> memref<64x64xf32, #tpu.memory_space<hbm>>
      %dma_wait3A_638 = arith.constant 0 : i32
      %dma_wait3A_639 = arith.constant 0 : i32
      %dma_wait3A_640 = tpu.memref_slice %arg2[%dma_wait3A_638, %dma_wait3A_639] : memref<20032x64xf32, #tpu.memory_space<hbm>> -> memref<64x64xf32, #tpu.memory_space<hbm>>
      tpu.wait_dma2 semaphore(%arg19 : memref<!tpu.dma_semaphore, #tpu.memory_space<semaphore_mem>>) src(%dma_wait3A_640 : memref<64x64xf32, #tpu.memory_space<hbm>>) dst(%arg13 : memref<64x64xf32, #tpu.memory_space<vmem>>)
      %dma_start3A_641 = arith.constant 4 : i32
      %dma_start3A_642 = arith.constant 0 : i32
      %dma_start3A_643 = tpu.memref_slice %arg11[%dma_start3A_641, %dma_start3A_642] : memref<8x64xi32, #tpu.memory_space<vmem>> -> memref<1x64xi32, #tpu.memory_space<vmem>>
      %dma_start3A_644 = tpu.memref_squeeze %dma_start3A_643 : memref<1x64xi32, #tpu.memory_space<vmem>> -> memref<64xi32, #tpu.memory_space<vmem>>
      %dma_start3A_645 = arith.constant 0 : i32
      %dma_start3A_646 = arith.constant 0 : i32
      %dma_start3A_647 = tpu.memref_slice %arg8[%dma_start3A_645, %dma_start3A_646] : memref<10016x64xf32, #tpu.memory_space<vmem_shared>> -> memref<10016x64xf32, #tpu.memory_space<vmem_shared>>
      tpu.enqueue_indirect_dma source(%dma_start3A_647 : memref<10016x64xf32, #tpu.memory_space<vmem_shared>>) target(%arg13 : memref<64x64xf32, #tpu.memory_space<vmem>>) offsets(%dma_start3A_644 : memref<64xi32, #tpu.memory_space<vmem>>) semaphore(%arg15 : memref<!tpu.dma_semaphore, #tpu.memory_space<semaphore_mem>>)
      %dma_wait3A_648 = arith.constant 0 : i32
      %dma_wait3A_649 = arith.constant 0 : i32
      %dma_wait3A_650 = tpu.memref_slice %arg2[%dma_wait3A_648, %dma_wait3A_649] : memref<20032x64xf32, #tpu.memory_space<hbm>> -> memref<64x64xf32, #tpu.memory_space<hbm>>
      %dma_wait3A_651 = arith.constant 0 : i32
      %dma_wait3A_652 = arith.constant 0 : i32
      %dma_wait3A_653 = tpu.memref_slice %arg2[%dma_wait3A_651, %dma_wait3A_652] : memref<20032x64xf32, #tpu.memory_space<hbm>> -> memref<64x64xf32, #tpu.memory_space<hbm>>
      tpu.wait_dma2 semaphore(%arg16 : memref<!tpu.dma_semaphore, #tpu.memory_space<semaphore_mem>>) src(%dma_wait3A_653 : memref<64x64xf32, #tpu.memory_space<hbm>>) dst(%arg14 : memref<64x64xf32, #tpu.memory_space<vmem>>)
      %dma_start3A_654 = arith.constant 3 : i32
      %dma_start3A_655 = arith.constant 0 : i32
      %dma_start3A_656 = tpu.memref_slice %arg12[%dma_start3A_654, %dma_start3A_655] : memref<8x64xi32, #tpu.memory_space<vmem>> -> memref<1x64xi32, #tpu.memory_space<vmem>>
      %dma_start3A_657 = tpu.memref_squeeze %dma_start3A_656 : memref<1x64xi32, #tpu.memory_space<vmem>> -> memref<64xi32, #tpu.memory_space<vmem>>
      %dma_start3A_658 = arith.constant 0 : i32
      %dma_start3A_659 = arith.constant 0 : i32
      %dma_start3A_660 = tpu.memref_slice %arg7[%dma_start3A_658, %dma_start3A_659] : memref<20032x64xf32, #tpu.memory_space<vmem_shared>> -> memref<20032x64xf32, #tpu.memory_space<vmem_shared>>
      tpu.enqueue_indirect_dma source(%arg14 : memref<64x64xf32, #tpu.memory_space<vmem>>) target(%dma_start3A_660 : memref<20032x64xf32, #tpu.memory_space<vmem_shared>>) offsets(%dma_start3A_657 : memref<64xi32, #tpu.memory_space<vmem>>) semaphore(%arg20 : memref<!tpu.dma_semaphore, #tpu.memory_space<semaphore_mem>>) {add = true}
      %dma_wait3A_661 = arith.constant 0 : i32
      %dma_wait3A_662 = arith.constant 0 : i32
      %dma_wait3A_663 = tpu.memref_slice %arg2[%dma_wait3A_661, %dma_wait3A_662] : memref<20032x64xf32, #tpu.memory_space<hbm>> -> memref<64x64xf32, #tpu.memory_space<hbm>>
      %dma_wait3A_664 = arith.constant 0 : i32
      %dma_wait3A_665 = arith.constant 0 : i32
      %dma_wait3A_666 = tpu.memref_slice %arg2[%dma_wait3A_664, %dma_wait3A_665] : memref<20032x64xf32, #tpu.memory_space<hbm>> -> memref<64x64xf32, #tpu.memory_space<hbm>>
      tpu.wait_dma2 semaphore(%arg20 : memref<!tpu.dma_semaphore, #tpu.memory_space<semaphore_mem>>) src(%dma_wait3A_666 : memref<64x64xf32, #tpu.memory_space<hbm>>) dst(%arg14 : memref<64x64xf32, #tpu.memory_space<vmem>>)
      %dma_start3A_667 = arith.constant 5 : i32
      %dma_start3A_668 = arith.constant 0 : i32
      %dma_start3A_669 = tpu.memref_slice %arg11[%dma_start3A_667, %dma_start3A_668] : memref<8x64xi32, #tpu.memory_space<vmem>> -> memref<1x64xi32, #tpu.memory_space<vmem>>
      %dma_start3A_670 = tpu.memref_squeeze %dma_start3A_669 : memref<1x64xi32, #tpu.memory_space<vmem>> -> memref<64xi32, #tpu.memory_space<vmem>>
      %dma_start3A_671 = arith.constant 0 : i32
      %dma_start3A_672 = arith.constant 0 : i32
      %dma_start3A_673 = tpu.memref_slice %arg8[%dma_start3A_671, %dma_start3A_672] : memref<10016x64xf32, #tpu.memory_space<vmem_shared>> -> memref<10016x64xf32, #tpu.memory_space<vmem_shared>>
      tpu.enqueue_indirect_dma source(%dma_start3A_673 : memref<10016x64xf32, #tpu.memory_space<vmem_shared>>) target(%arg14 : memref<64x64xf32, #tpu.memory_space<vmem>>) offsets(%dma_start3A_670 : memref<64xi32, #tpu.memory_space<vmem>>) semaphore(%arg16 : memref<!tpu.dma_semaphore, #tpu.memory_space<semaphore_mem>>)
      %dma_wait3A_674 = arith.constant 0 : i32
      %dma_wait3A_675 = arith.constant 0 : i32
      %dma_wait3A_676 = tpu.memref_slice %arg2[%dma_wait3A_674, %dma_wait3A_675] : memref<20032x64xf32, #tpu.memory_space<hbm>> -> memref<64x64xf32, #tpu.memory_space<hbm>>
      %dma_wait3A_677 = arith.constant 0 : i32
      %dma_wait3A_678 = arith.constant 0 : i32
      %dma_wait3A_679 = tpu.memref_slice %arg2[%dma_wait3A_677, %dma_wait3A_678] : memref<20032x64xf32, #tpu.memory_space<hbm>> -> memref<64x64xf32, #tpu.memory_space<hbm>>
      tpu.wait_dma2 semaphore(%arg15 : memref<!tpu.dma_semaphore, #tpu.memory_space<semaphore_mem>>) src(%dma_wait3A_679 : memref<64x64xf32, #tpu.memory_space<hbm>>) dst(%arg13 : memref<64x64xf32, #tpu.memory_space<vmem>>)
      %dma_start3A_680 = arith.constant 4 : i32
      %dma_start3A_681 = arith.constant 0 : i32
      %dma_start3A_682 = tpu.memref_slice %arg12[%dma_start3A_680, %dma_start3A_681] : memref<8x64xi32, #tpu.memory_space<vmem>> -> memref<1x64xi32, #tpu.memory_space<vmem>>
      %dma_start3A_683 = tpu.memref_squeeze %dma_start3A_682 : memref<1x64xi32, #tpu.memory_space<vmem>> -> memref<64xi32, #tpu.memory_space<vmem>>
      %dma_start3A_684 = arith.constant 0 : i32
      %dma_start3A_685 = arith.constant 0 : i32
      %dma_start3A_686 = tpu.memref_slice %arg7[%dma_start3A_684, %dma_start3A_685] : memref<20032x64xf32, #tpu.memory_space<vmem_shared>> -> memref<20032x64xf32, #tpu.memory_space<vmem_shared>>
      tpu.enqueue_indirect_dma source(%arg13 : memref<64x64xf32, #tpu.memory_space<vmem>>) target(%dma_start3A_686 : memref<20032x64xf32, #tpu.memory_space<vmem_shared>>) offsets(%dma_start3A_683 : memref<64xi32, #tpu.memory_space<vmem>>) semaphore(%arg19 : memref<!tpu.dma_semaphore, #tpu.memory_space<semaphore_mem>>) {add = true}
      %dma_wait3A_687 = arith.constant 0 : i32
      %dma_wait3A_688 = arith.constant 0 : i32
      %dma_wait3A_689 = tpu.memref_slice %arg2[%dma_wait3A_687, %dma_wait3A_688] : memref<20032x64xf32, #tpu.memory_space<hbm>> -> memref<64x64xf32, #tpu.memory_space<hbm>>
      %dma_wait3A_690 = arith.constant 0 : i32
      %dma_wait3A_691 = arith.constant 0 : i32
      %dma_wait3A_692 = tpu.memref_slice %arg2[%dma_wait3A_690, %dma_wait3A_691] : memref<20032x64xf32, #tpu.memory_space<hbm>> -> memref<64x64xf32, #tpu.memory_space<hbm>>
      tpu.wait_dma2 semaphore(%arg19 : memref<!tpu.dma_semaphore, #tpu.memory_space<semaphore_mem>>) src(%dma_wait3A_692 : memref<64x64xf32, #tpu.memory_space<hbm>>) dst(%arg13 : memref<64x64xf32, #tpu.memory_space<vmem>>)
      %dma_start3A_693 = arith.constant 6 : i32
      %dma_start3A_694 = arith.constant 0 : i32
      %dma_start3A_695 = tpu.memref_slice %arg11[%dma_start3A_693, %dma_start3A_694] : memref<8x64xi32, #tpu.memory_space<vmem>> -> memref<1x64xi32, #tpu.memory_space<vmem>>
      %dma_start3A_696 = tpu.memref_squeeze %dma_start3A_695 : memref<1x64xi32, #tpu.memory_space<vmem>> -> memref<64xi32, #tpu.memory_space<vmem>>
      %dma_start3A_697 = arith.constant 0 : i32
      %dma_start3A_698 = arith.constant 0 : i32
      %dma_start3A_699 = tpu.memref_slice %arg8[%dma_start3A_697, %dma_start3A_698] : memref<10016x64xf32, #tpu.memory_space<vmem_shared>> -> memref<10016x64xf32, #tpu.memory_space<vmem_shared>>
      tpu.enqueue_indirect_dma source(%dma_start3A_699 : memref<10016x64xf32, #tpu.memory_space<vmem_shared>>) target(%arg13 : memref<64x64xf32, #tpu.memory_space<vmem>>) offsets(%dma_start3A_696 : memref<64xi32, #tpu.memory_space<vmem>>) semaphore(%arg15 : memref<!tpu.dma_semaphore, #tpu.memory_space<semaphore_mem>>)
      %dma_wait3A_700 = arith.constant 0 : i32
      %dma_wait3A_701 = arith.constant 0 : i32
      %dma_wait3A_702 = tpu.memref_slice %arg2[%dma_wait3A_700, %dma_wait3A_701] : memref<20032x64xf32, #tpu.memory_space<hbm>> -> memref<64x64xf32, #tpu.memory_space<hbm>>
      %dma_wait3A_703 = arith.constant 0 : i32
      %dma_wait3A_704 = arith.constant 0 : i32
      %dma_wait3A_705 = tpu.memref_slice %arg2[%dma_wait3A_703, %dma_wait3A_704] : memref<20032x64xf32, #tpu.memory_space<hbm>> -> memref<64x64xf32, #tpu.memory_space<hbm>>
      tpu.wait_dma2 semaphore(%arg16 : memref<!tpu.dma_semaphore, #tpu.memory_space<semaphore_mem>>) src(%dma_wait3A_705 : memref<64x64xf32, #tpu.memory_space<hbm>>) dst(%arg14 : memref<64x64xf32, #tpu.memory_space<vmem>>)
      %dma_start3A_706 = arith.constant 5 : i32
      %dma_start3A_707 = arith.constant 0 : i32
      %dma_start3A_708 = tpu.memref_slice %arg12[%dma_start3A_706, %dma_start3A_707] : memref<8x64xi32, #tpu.memory_space<vmem>> -> memref<1x64xi32, #tpu.memory_space<vmem>>
      %dma_start3A_709 = tpu.memref_squeeze %dma_start3A_708 : memref<1x64xi32, #tpu.memory_space<vmem>> -> memref<64xi32, #tpu.memory_space<vmem>>
      %dma_start3A_710 = arith.constant 0 : i32
      %dma_start3A_711 = arith.constant 0 : i32
      %dma_start3A_712 = tpu.memref_slice %arg7[%dma_start3A_710, %dma_start3A_711] : memref<20032x64xf32, #tpu.memory_space<vmem_shared>> -> memref<20032x64xf32, #tpu.memory_space<vmem_shared>>
      tpu.enqueue_indirect_dma source(%arg14 : memref<64x64xf32, #tpu.memory_space<vmem>>) target(%dma_start3A_712 : memref<20032x64xf32, #tpu.memory_space<vmem_shared>>) offsets(%dma_start3A_709 : memref<64xi32, #tpu.memory_space<vmem>>) semaphore(%arg20 : memref<!tpu.dma_semaphore, #tpu.memory_space<semaphore_mem>>) {add = true}
      %dma_wait3A_713 = arith.constant 0 : i32
      %dma_wait3A_714 = arith.constant 0 : i32
      %dma_wait3A_715 = tpu.memref_slice %arg2[%dma_wait3A_713, %dma_wait3A_714] : memref<20032x64xf32, #tpu.memory_space<hbm>> -> memref<64x64xf32, #tpu.memory_space<hbm>>
      %dma_wait3A_716 = arith.constant 0 : i32
      %dma_wait3A_717 = arith.constant 0 : i32
      %dma_wait3A_718 = tpu.memref_slice %arg2[%dma_wait3A_716, %dma_wait3A_717] : memref<20032x64xf32, #tpu.memory_space<hbm>> -> memref<64x64xf32, #tpu.memory_space<hbm>>
      tpu.wait_dma2 semaphore(%arg20 : memref<!tpu.dma_semaphore, #tpu.memory_space<semaphore_mem>>) src(%dma_wait3A_718 : memref<64x64xf32, #tpu.memory_space<hbm>>) dst(%arg14 : memref<64x64xf32, #tpu.memory_space<vmem>>)
      %dma_start3A_719 = arith.constant 7 : i32
      %dma_start3A_720 = arith.constant 0 : i32
      %dma_start3A_721 = tpu.memref_slice %arg11[%dma_start3A_719, %dma_start3A_720] : memref<8x64xi32, #tpu.memory_space<vmem>> -> memref<1x64xi32, #tpu.memory_space<vmem>>
      %dma_start3A_722 = tpu.memref_squeeze %dma_start3A_721 : memref<1x64xi32, #tpu.memory_space<vmem>> -> memref<64xi32, #tpu.memory_space<vmem>>
      %dma_start3A_723 = arith.constant 0 : i32
      %dma_start3A_724 = arith.constant 0 : i32
      %dma_start3A_725 = tpu.memref_slice %arg8[%dma_start3A_723, %dma_start3A_724] : memref<10016x64xf32, #tpu.memory_space<vmem_shared>> -> memref<10016x64xf32, #tpu.memory_space<vmem_shared>>
      tpu.enqueue_indirect_dma source(%dma_start3A_725 : memref<10016x64xf32, #tpu.memory_space<vmem_shared>>) target(%arg14 : memref<64x64xf32, #tpu.memory_space<vmem>>) offsets(%dma_start3A_722 : memref<64xi32, #tpu.memory_space<vmem>>) semaphore(%arg16 : memref<!tpu.dma_semaphore, #tpu.memory_space<semaphore_mem>>)
      %dma_wait3A_726 = arith.constant 0 : i32
      %dma_wait3A_727 = arith.constant 0 : i32
      %dma_wait3A_728 = tpu.memref_slice %arg2[%dma_wait3A_726, %dma_wait3A_727] : memref<20032x64xf32, #tpu.memory_space<hbm>> -> memref<64x64xf32, #tpu.memory_space<hbm>>
      %dma_wait3A_729 = arith.constant 0 : i32
      %dma_wait3A_730 = arith.constant 0 : i32
      %dma_wait3A_731 = tpu.memref_slice %arg2[%dma_wait3A_729, %dma_wait3A_730] : memref<20032x64xf32, #tpu.memory_space<hbm>> -> memref<64x64xf32, #tpu.memory_space<hbm>>
      tpu.wait_dma2 semaphore(%arg15 : memref<!tpu.dma_semaphore, #tpu.memory_space<semaphore_mem>>) src(%dma_wait3A_731 : memref<64x64xf32, #tpu.memory_space<hbm>>) dst(%arg13 : memref<64x64xf32, #tpu.memory_space<vmem>>)
      %dma_start3A_732 = arith.constant 6 : i32
      %dma_start3A_733 = arith.constant 0 : i32
      %dma_start3A_734 = tpu.memref_slice %arg12[%dma_start3A_732, %dma_start3A_733] : memref<8x64xi32, #tpu.memory_space<vmem>> -> memref<1x64xi32, #tpu.memory_space<vmem>>
      %dma_start3A_735 = tpu.memref_squeeze %dma_start3A_734 : memref<1x64xi32, #tpu.memory_space<vmem>> -> memref<64xi32, #tpu.memory_space<vmem>>
      %dma_start3A_736 = arith.constant 0 : i32
      %dma_start3A_737 = arith.constant 0 : i32
      %dma_start3A_738 = tpu.memref_slice %arg7[%dma_start3A_736, %dma_start3A_737] : memref<20032x64xf32, #tpu.memory_space<vmem_shared>> -> memref<20032x64xf32, #tpu.memory_space<vmem_shared>>
      tpu.enqueue_indirect_dma source(%arg13 : memref<64x64xf32, #tpu.memory_space<vmem>>) target(%dma_start3A_738 : memref<20032x64xf32, #tpu.memory_space<vmem_shared>>) offsets(%dma_start3A_735 : memref<64xi32, #tpu.memory_space<vmem>>) semaphore(%arg19 : memref<!tpu.dma_semaphore, #tpu.memory_space<semaphore_mem>>) {add = true}
      %dma_wait3A_739 = arith.constant 0 : i32
      %dma_wait3A_740 = arith.constant 0 : i32
      %dma_wait3A_741 = tpu.memref_slice %arg2[%dma_wait3A_739, %dma_wait3A_740] : memref<20032x64xf32, #tpu.memory_space<hbm>> -> memref<64x64xf32, #tpu.memory_space<hbm>>
      %dma_wait3A_742 = arith.constant 0 : i32
      %dma_wait3A_743 = arith.constant 0 : i32
      %dma_wait3A_744 = tpu.memref_slice %arg2[%dma_wait3A_742, %dma_wait3A_743] : memref<20032x64xf32, #tpu.memory_space<hbm>> -> memref<64x64xf32, #tpu.memory_space<hbm>>
      tpu.wait_dma2 semaphore(%arg16 : memref<!tpu.dma_semaphore, #tpu.memory_space<semaphore_mem>>) src(%dma_wait3A_744 : memref<64x64xf32, #tpu.memory_space<hbm>>) dst(%arg14 : memref<64x64xf32, #tpu.memory_space<vmem>>)
      %dma_start3A_745 = arith.constant 7 : i32
      %dma_start3A_746 = arith.constant 0 : i32
      %dma_start3A_747 = tpu.memref_slice %arg12[%dma_start3A_745, %dma_start3A_746] : memref<8x64xi32, #tpu.memory_space<vmem>> -> memref<1x64xi32, #tpu.memory_space<vmem>>
      %dma_start3A_748 = tpu.memref_squeeze %dma_start3A_747 : memref<1x64xi32, #tpu.memory_space<vmem>> -> memref<64xi32, #tpu.memory_space<vmem>>
      %dma_start3A_749 = arith.constant 0 : i32
      %dma_start3A_750 = arith.constant 0 : i32
      %dma_start3A_751 = tpu.memref_slice %arg7[%dma_start3A_749, %dma_start3A_750] : memref<20032x64xf32, #tpu.memory_space<vmem_shared>> -> memref<20032x64xf32, #tpu.memory_space<vmem_shared>>
      tpu.enqueue_indirect_dma source(%arg14 : memref<64x64xf32, #tpu.memory_space<vmem>>) target(%dma_start3A_751 : memref<20032x64xf32, #tpu.memory_space<vmem_shared>>) offsets(%dma_start3A_748 : memref<64xi32, #tpu.memory_space<vmem>>) semaphore(%arg20 : memref<!tpu.dma_semaphore, #tpu.memory_space<semaphore_mem>>) {add = true}
      %dma_wait3A_752 = arith.constant 0 : i32
      %dma_wait3A_753 = arith.constant 0 : i32
      %dma_wait3A_754 = tpu.memref_slice %arg2[%dma_wait3A_752, %dma_wait3A_753] : memref<20032x64xf32, #tpu.memory_space<hbm>> -> memref<64x64xf32, #tpu.memory_space<hbm>>
      %dma_wait3A_755 = arith.constant 0 : i32
      %dma_wait3A_756 = arith.constant 0 : i32
      %dma_wait3A_757 = tpu.memref_slice %arg2[%dma_wait3A_755, %dma_wait3A_756] : memref<20032x64xf32, #tpu.memory_space<hbm>> -> memref<64x64xf32, #tpu.memory_space<hbm>>
      tpu.wait_dma2 semaphore(%arg19 : memref<!tpu.dma_semaphore, #tpu.memory_space<semaphore_mem>>) src(%dma_wait3A_757 : memref<64x64xf32, #tpu.memory_space<hbm>>) dst(%arg13 : memref<64x64xf32, #tpu.memory_space<vmem>>)
      %mul3A_758 = arith.constant 2 : i32
      %mul3A_759 = arith.muli %mul3A_758, %add3A_524 : i32
      %add3A_760 = arith.constant 2 : i32
      %add3A_761 = arith.addi %mul3A_759, %add3A_760 : i32
      %dma_wait3A_762 = arith.constant 0 : i32
      %dma_wait3A_763 = arith.constant 0 : i32
      %dma_wait3A_764 = tpu.memref_slice %arg3[%arg1, %dma_wait3A_762, %dma_wait3A_763] : memref<16x320x64xi32, #tpu.memory_space<hbm>> -> memref<1x8x64xi32, #tpu.memory_space<hbm>>
      %dma_wait3A_765 = tpu.memref_squeeze %dma_wait3A_764 : memref<1x8x64xi32, #tpu.memory_space<hbm>> -> memref<8x64xi32, #tpu.memory_space<hbm>>
      %dma_wait3A_766 = arith.constant 0 : i32
      %dma_wait3A_767 = arith.constant 0 : i32
      %dma_wait3A_768 = tpu.memref_slice %arg3[%arg1, %dma_wait3A_766, %dma_wait3A_767] : memref<16x320x64xi32, #tpu.memory_space<hbm>> -> memref<1x8x64xi32, #tpu.memory_space<hbm>>
      %dma_wait3A_769 = tpu.memref_squeeze %dma_wait3A_768 : memref<1x8x64xi32, #tpu.memory_space<hbm>> -> memref<8x64xi32, #tpu.memory_space<hbm>>
      tpu.wait_dma2 semaphore(%arg17 : memref<!tpu.dma_semaphore, #tpu.memory_space<semaphore_mem>>) src(%dma_wait3A_769 : memref<8x64xi32, #tpu.memory_space<hbm>>) dst(%arg9 : memref<8x64xi32, #tpu.memory_space<vmem>>)
      %dma_wait3A_770 = arith.constant 0 : i32
      %dma_wait3A_771 = arith.constant 0 : i32
      %dma_wait3A_772 = tpu.memref_slice %arg3[%arg1, %dma_wait3A_770, %dma_wait3A_771] : memref<16x320x64xi32, #tpu.memory_space<hbm>> -> memref<1x8x64xi32, #tpu.memory_space<hbm>>
      %dma_wait3A_773 = tpu.memref_squeeze %dma_wait3A_772 : memref<1x8x64xi32, #tpu.memory_space<hbm>> -> memref<8x64xi32, #tpu.memory_space<hbm>>
      %dma_wait3A_774 = arith.constant 0 : i32
      %dma_wait3A_775 = arith.constant 0 : i32
      %dma_wait3A_776 = tpu.memref_slice %arg3[%arg1, %dma_wait3A_774, %dma_wait3A_775] : memref<16x320x64xi32, #tpu.memory_space<hbm>> -> memref<1x8x64xi32, #tpu.memory_space<hbm>>
      %dma_wait3A_777 = tpu.memref_squeeze %dma_wait3A_776 : memref<1x8x64xi32, #tpu.memory_space<hbm>> -> memref<8x64xi32, #tpu.memory_space<hbm>>
      tpu.wait_dma2 semaphore(%arg17 : memref<!tpu.dma_semaphore, #tpu.memory_space<semaphore_mem>>) src(%dma_wait3A_777 : memref<8x64xi32, #tpu.memory_space<hbm>>) dst(%arg10 : memref<8x64xi32, #tpu.memory_space<vmem>>)
      %add3A_778 = arith.constant 1 : i32
      %add3A_779 = arith.addi %add3A_761, %add3A_778 : i32
      %lt3A_780 = arith.constant 40 : i32
      %lt3A_781 = arith.cmpi slt, %add3A_779, %lt3A_780 : i32
      %convert_element_type3A_782 = arith.extui %lt3A_781 : i1 to i32
      %cond3A_783 = arith.constant 0 : i32
      %cond3A_784 = arith.cmpi ne, %convert_element_type3A_782, %cond3A_783 : i32
      scf.if %cond3A_784 {
        %add3A_993 = arith.constant 1 : i32
        %add3A_994 = arith.addi %add3A_761, %add3A_993 : i32
        %mul3A_995 = arith.constant 8 : i32
        %mul3A_996 = arith.muli %add3A_994, %mul3A_995 : i32
        %dma_start3A_997 = arith.constant 0 : i32
        %dma_start3A_998 = tpu.memref_slice %arg3[%arg1, %mul3A_996, %dma_start3A_997] : memref<16x320x64xi32, #tpu.memory_space<hbm>> -> memref<1x8x64xi32, #tpu.memory_space<hbm>>
        %dma_start3A_999 = tpu.memref_squeeze %dma_start3A_998 : memref<1x8x64xi32, #tpu.memory_space<hbm>> -> memref<8x64xi32, #tpu.memory_space<hbm>>
        %dma_start3A_1000 = arith.constant 0 : i32
        %dma_start3A_1001 = tpu.memref_slice %arg3[%arg1, %mul3A_996, %dma_start3A_1000] : memref<16x320x64xi32, #tpu.memory_space<hbm>> -> memref<1x8x64xi32, #tpu.memory_space<hbm>>
        %dma_start3A_1002 = tpu.memref_squeeze %dma_start3A_1001 : memref<1x8x64xi32, #tpu.memory_space<hbm>> -> memref<8x64xi32, #tpu.memory_space<hbm>>
        tpu.enqueue_dma source(%dma_start3A_1002 : memref<8x64xi32, #tpu.memory_space<hbm>>) target(%arg11 : memref<8x64xi32, #tpu.memory_space<vmem>>) target_semaphore(%arg18 : memref<!tpu.dma_semaphore, #tpu.memory_space<semaphore_mem>>)
        %dma_start3A_1003 = arith.constant 0 : i32
        %dma_start3A_1004 = tpu.memref_slice %arg4[%arg1, %mul3A_996, %dma_start3A_1003] : memref<16x320x64xi32, #tpu.memory_space<hbm>> -> memref<1x8x64xi32, #tpu.memory_space<hbm>>
        %dma_start3A_1005 = tpu.memref_squeeze %dma_start3A_1004 : memref<1x8x64xi32, #tpu.memory_space<hbm>> -> memref<8x64xi32, #tpu.memory_space<hbm>>
        %dma_start3A_1006 = arith.constant 0 : i32
        %dma_start3A_1007 = tpu.memref_slice %arg4[%arg1, %mul3A_996, %dma_start3A_1006] : memref<16x320x64xi32, #tpu.memory_space<hbm>> -> memref<1x8x64xi32, #tpu.memory_space<hbm>>
        %dma_start3A_1008 = tpu.memref_squeeze %dma_start3A_1007 : memref<1x8x64xi32, #tpu.memory_space<hbm>> -> memref<8x64xi32, #tpu.memory_space<hbm>>
        tpu.enqueue_dma source(%dma_start3A_1008 : memref<8x64xi32, #tpu.memory_space<hbm>>) target(%arg12 : memref<8x64xi32, #tpu.memory_space<vmem>>) target_semaphore(%arg18 : memref<!tpu.dma_semaphore, #tpu.memory_space<semaphore_mem>>)
      } else {
      }
      %dma_start3A_785 = arith.constant 0 : i32
      %dma_start3A_786 = arith.constant 0 : i32
      %dma_start3A_787 = tpu.memref_slice %arg9[%dma_start3A_785, %dma_start3A_786] : memref<8x64xi32, #tpu.memory_space<vmem>> -> memref<1x64xi32, #tpu.memory_space<vmem>>
      %dma_start3A_788 = tpu.memref_squeeze %dma_start3A_787 : memref<1x64xi32, #tpu.memory_space<vmem>> -> memref<64xi32, #tpu.memory_space<vmem>>
      %dma_start3A_789 = arith.constant 0 : i32
      %dma_start3A_790 = arith.constant 0 : i32
      %dma_start3A_791 = tpu.memref_slice %arg8[%dma_start3A_789, %dma_start3A_790] : memref<10016x64xf32, #tpu.memory_space<vmem_shared>> -> memref<10016x64xf32, #tpu.memory_space<vmem_shared>>
      tpu.enqueue_indirect_dma source(%dma_start3A_791 : memref<10016x64xf32, #tpu.memory_space<vmem_shared>>) target(%arg13 : memref<64x64xf32, #tpu.memory_space<vmem>>) offsets(%dma_start3A_788 : memref<64xi32, #tpu.memory_space<vmem>>) semaphore(%arg15 : memref<!tpu.dma_semaphore, #tpu.memory_space<semaphore_mem>>)
      %dma_wait3A_792 = arith.constant 0 : i32
      %dma_wait3A_793 = arith.constant 0 : i32
      %dma_wait3A_794 = tpu.memref_slice %arg2[%dma_wait3A_792, %dma_wait3A_793] : memref<20032x64xf32, #tpu.memory_space<hbm>> -> memref<64x64xf32, #tpu.memory_space<hbm>>
      %dma_wait3A_795 = arith.constant 0 : i32
      %dma_wait3A_796 = arith.constant 0 : i32
      %dma_wait3A_797 = tpu.memref_slice %arg2[%dma_wait3A_795, %dma_wait3A_796] : memref<20032x64xf32, #tpu.memory_space<hbm>> -> memref<64x64xf32, #tpu.memory_space<hbm>>
      tpu.wait_dma2 semaphore(%arg20 : memref<!tpu.dma_semaphore, #tpu.memory_space<semaphore_mem>>) src(%dma_wait3A_797 : memref<64x64xf32, #tpu.memory_space<hbm>>) dst(%arg14 : memref<64x64xf32, #tpu.memory_space<vmem>>)
      %dma_start3A_798 = arith.constant 1 : i32
      %dma_start3A_799 = arith.constant 0 : i32
      %dma_start3A_800 = tpu.memref_slice %arg9[%dma_start3A_798, %dma_start3A_799] : memref<8x64xi32, #tpu.memory_space<vmem>> -> memref<1x64xi32, #tpu.memory_space<vmem>>
      %dma_start3A_801 = tpu.memref_squeeze %dma_start3A_800 : memref<1x64xi32, #tpu.memory_space<vmem>> -> memref<64xi32, #tpu.memory_space<vmem>>
      %dma_start3A_802 = arith.constant 0 : i32
      %dma_start3A_803 = arith.constant 0 : i32
      %dma_start3A_804 = tpu.memref_slice %arg8[%dma_start3A_802, %dma_start3A_803] : memref<10016x64xf32, #tpu.memory_space<vmem_shared>> -> memref<10016x64xf32, #tpu.memory_space<vmem_shared>>
      tpu.enqueue_indirect_dma source(%dma_start3A_804 : memref<10016x64xf32, #tpu.memory_space<vmem_shared>>) target(%arg14 : memref<64x64xf32, #tpu.memory_space<vmem>>) offsets(%dma_start3A_801 : memref<64xi32, #tpu.memory_space<vmem>>) semaphore(%arg16 : memref<!tpu.dma_semaphore, #tpu.memory_space<semaphore_mem>>)
      %dma_wait3A_805 = arith.constant 0 : i32
      %dma_wait3A_806 = arith.constant 0 : i32
      %dma_wait3A_807 = tpu.memref_slice %arg2[%dma_wait3A_805, %dma_wait3A_806] : memref<20032x64xf32, #tpu.memory_space<hbm>> -> memref<64x64xf32, #tpu.memory_space<hbm>>
      %dma_wait3A_808 = arith.constant 0 : i32
      %dma_wait3A_809 = arith.constant 0 : i32
      %dma_wait3A_810 = tpu.memref_slice %arg2[%dma_wait3A_808, %dma_wait3A_809] : memref<20032x64xf32, #tpu.memory_space<hbm>> -> memref<64x64xf32, #tpu.memory_space<hbm>>
      tpu.wait_dma2 semaphore(%arg15 : memref<!tpu.dma_semaphore, #tpu.memory_space<semaphore_mem>>) src(%dma_wait3A_810 : memref<64x64xf32, #tpu.memory_space<hbm>>) dst(%arg13 : memref<64x64xf32, #tpu.memory_space<vmem>>)
      %dma_start3A_811 = arith.constant 0 : i32
      %dma_start3A_812 = arith.constant 0 : i32
      %dma_start3A_813 = tpu.memref_slice %arg10[%dma_start3A_811, %dma_start3A_812] : memref<8x64xi32, #tpu.memory_space<vmem>> -> memref<1x64xi32, #tpu.memory_space<vmem>>
      %dma_start3A_814 = tpu.memref_squeeze %dma_start3A_813 : memref<1x64xi32, #tpu.memory_space<vmem>> -> memref<64xi32, #tpu.memory_space<vmem>>
      %dma_start3A_815 = arith.constant 0 : i32
      %dma_start3A_816 = arith.constant 0 : i32
      %dma_start3A_817 = tpu.memref_slice %arg7[%dma_start3A_815, %dma_start3A_816] : memref<20032x64xf32, #tpu.memory_space<vmem_shared>> -> memref<20032x64xf32, #tpu.memory_space<vmem_shared>>
      tpu.enqueue_indirect_dma source(%arg13 : memref<64x64xf32, #tpu.memory_space<vmem>>) target(%dma_start3A_817 : memref<20032x64xf32, #tpu.memory_space<vmem_shared>>) offsets(%dma_start3A_814 : memref<64xi32, #tpu.memory_space<vmem>>) semaphore(%arg19 : memref<!tpu.dma_semaphore, #tpu.memory_space<semaphore_mem>>) {add = true}
      %dma_wait3A_818 = arith.constant 0 : i32
      %dma_wait3A_819 = arith.constant 0 : i32
      %dma_wait3A_820 = tpu.memref_slice %arg2[%dma_wait3A_818, %dma_wait3A_819] : memref<20032x64xf32, #tpu.memory_space<hbm>> -> memref<64x64xf32, #tpu.memory_space<hbm>>
      %dma_wait3A_821 = arith.constant 0 : i32
      %dma_wait3A_822 = arith.constant 0 : i32
      %dma_wait3A_823 = tpu.memref_slice %arg2[%dma_wait3A_821, %dma_wait3A_822] : memref<20032x64xf32, #tpu.memory_space<hbm>> -> memref<64x64xf32, #tpu.memory_space<hbm>>
      tpu.wait_dma2 semaphore(%arg19 : memref<!tpu.dma_semaphore, #tpu.memory_space<semaphore_mem>>) src(%dma_wait3A_823 : memref<64x64xf32, #tpu.memory_space<hbm>>) dst(%arg13 : memref<64x64xf32, #tpu.memory_space<vmem>>)
      %dma_start3A_824 = arith.constant 2 : i32
      %dma_start3A_825 = arith.constant 0 : i32
      %dma_start3A_826 = tpu.memref_slice %arg9[%dma_start3A_824, %dma_start3A_825] : memref<8x64xi32, #tpu.memory_space<vmem>> -> memref<1x64xi32, #tpu.memory_space<vmem>>
      %dma_start3A_827 = tpu.memref_squeeze %dma_start3A_826 : memref<1x64xi32, #tpu.memory_space<vmem>> -> memref<64xi32, #tpu.memory_space<vmem>>
      %dma_start3A_828 = arith.constant 0 : i32
      %dma_start3A_829 = arith.constant 0 : i32
      %dma_start3A_830 = tpu.memref_slice %arg8[%dma_start3A_828, %dma_start3A_829] : memref<10016x64xf32, #tpu.memory_space<vmem_shared>> -> memref<10016x64xf32, #tpu.memory_space<vmem_shared>>
      tpu.enqueue_indirect_dma source(%dma_start3A_830 : memref<10016x64xf32, #tpu.memory_space<vmem_shared>>) target(%arg13 : memref<64x64xf32, #tpu.memory_space<vmem>>) offsets(%dma_start3A_827 : memref<64xi32, #tpu.memory_space<vmem>>) semaphore(%arg15 : memref<!tpu.dma_semaphore, #tpu.memory_space<semaphore_mem>>)
      %dma_wait3A_831 = arith.constant 0 : i32
      %dma_wait3A_832 = arith.constant 0 : i32
      %dma_wait3A_833 = tpu.memref_slice %arg2[%dma_wait3A_831, %dma_wait3A_832] : memref<20032x64xf32, #tpu.memory_space<hbm>> -> memref<64x64xf32, #tpu.memory_space<hbm>>
      %dma_wait3A_834 = arith.constant 0 : i32
      %dma_wait3A_835 = arith.constant 0 : i32
      %dma_wait3A_836 = tpu.memref_slice %arg2[%dma_wait3A_834, %dma_wait3A_835] : memref<20032x64xf32, #tpu.memory_space<hbm>> -> memref<64x64xf32, #tpu.memory_space<hbm>>
      tpu.wait_dma2 semaphore(%arg16 : memref<!tpu.dma_semaphore, #tpu.memory_space<semaphore_mem>>) src(%dma_wait3A_836 : memref<64x64xf32, #tpu.memory_space<hbm>>) dst(%arg14 : memref<64x64xf32, #tpu.memory_space<vmem>>)
      %dma_start3A_837 = arith.constant 1 : i32
      %dma_start3A_838 = arith.constant 0 : i32
      %dma_start3A_839 = tpu.memref_slice %arg10[%dma_start3A_837, %dma_start3A_838] : memref<8x64xi32, #tpu.memory_space<vmem>> -> memref<1x64xi32, #tpu.memory_space<vmem>>
      %dma_start3A_840 = tpu.memref_squeeze %dma_start3A_839 : memref<1x64xi32, #tpu.memory_space<vmem>> -> memref<64xi32, #tpu.memory_space<vmem>>
      %dma_start3A_841 = arith.constant 0 : i32
      %dma_start3A_842 = arith.constant 0 : i32
      %dma_start3A_843 = tpu.memref_slice %arg7[%dma_start3A_841, %dma_start3A_842] : memref<20032x64xf32, #tpu.memory_space<vmem_shared>> -> memref<20032x64xf32, #tpu.memory_space<vmem_shared>>
      tpu.enqueue_indirect_dma source(%arg14 : memref<64x64xf32, #tpu.memory_space<vmem>>) target(%dma_start3A_843 : memref<20032x64xf32, #tpu.memory_space<vmem_shared>>) offsets(%dma_start3A_840 : memref<64xi32, #tpu.memory_space<vmem>>) semaphore(%arg20 : memref<!tpu.dma_semaphore, #tpu.memory_space<semaphore_mem>>) {add = true}
      %dma_wait3A_844 = arith.constant 0 : i32
      %dma_wait3A_845 = arith.constant 0 : i32
      %dma_wait3A_846 = tpu.memref_slice %arg2[%dma_wait3A_844, %dma_wait3A_845] : memref<20032x64xf32, #tpu.memory_space<hbm>> -> memref<64x64xf32, #tpu.memory_space<hbm>>
      %dma_wait3A_847 = arith.constant 0 : i32
      %dma_wait3A_848 = arith.constant 0 : i32
      %dma_wait3A_849 = tpu.memref_slice %arg2[%dma_wait3A_847, %dma_wait3A_848] : memref<20032x64xf32, #tpu.memory_space<hbm>> -> memref<64x64xf32, #tpu.memory_space<hbm>>
      tpu.wait_dma2 semaphore(%arg20 : memref<!tpu.dma_semaphore, #tpu.memory_space<semaphore_mem>>) src(%dma_wait3A_849 : memref<64x64xf32, #tpu.memory_space<hbm>>) dst(%arg14 : memref<64x64xf32, #tpu.memory_space<vmem>>)
      %dma_start3A_850 = arith.constant 3 : i32
      %dma_start3A_851 = arith.constant 0 : i32
      %dma_start3A_852 = tpu.memref_slice %arg9[%dma_start3A_850, %dma_start3A_851] : memref<8x64xi32, #tpu.memory_space<vmem>> -> memref<1x64xi32, #tpu.memory_space<vmem>>
      %dma_start3A_853 = tpu.memref_squeeze %dma_start3A_852 : memref<1x64xi32, #tpu.memory_space<vmem>> -> memref<64xi32, #tpu.memory_space<vmem>>
      %dma_start3A_854 = arith.constant 0 : i32
      %dma_start3A_855 = arith.constant 0 : i32
      %dma_start3A_856 = tpu.memref_slice %arg8[%dma_start3A_854, %dma_start3A_855] : memref<10016x64xf32, #tpu.memory_space<vmem_shared>> -> memref<10016x64xf32, #tpu.memory_space<vmem_shared>>
      tpu.enqueue_indirect_dma source(%dma_start3A_856 : memref<10016x64xf32, #tpu.memory_space<vmem_shared>>) target(%arg14 : memref<64x64xf32, #tpu.memory_space<vmem>>) offsets(%dma_start3A_853 : memref<64xi32, #tpu.memory_space<vmem>>) semaphore(%arg16 : memref<!tpu.dma_semaphore, #tpu.memory_space<semaphore_mem>>)
      %dma_wait3A_857 = arith.constant 0 : i32
      %dma_wait3A_858 = arith.constant 0 : i32
      %dma_wait3A_859 = tpu.memref_slice %arg2[%dma_wait3A_857, %dma_wait3A_858] : memref<20032x64xf32, #tpu.memory_space<hbm>> -> memref<64x64xf32, #tpu.memory_space<hbm>>
      %dma_wait3A_860 = arith.constant 0 : i32
      %dma_wait3A_861 = arith.constant 0 : i32
      %dma_wait3A_862 = tpu.memref_slice %arg2[%dma_wait3A_860, %dma_wait3A_861] : memref<20032x64xf32, #tpu.memory_space<hbm>> -> memref<64x64xf32, #tpu.memory_space<hbm>>
      tpu.wait_dma2 semaphore(%arg15 : memref<!tpu.dma_semaphore, #tpu.memory_space<semaphore_mem>>) src(%dma_wait3A_862 : memref<64x64xf32, #tpu.memory_space<hbm>>) dst(%arg13 : memref<64x64xf32, #tpu.memory_space<vmem>>)
      %dma_start3A_863 = arith.constant 2 : i32
      %dma_start3A_864 = arith.constant 0 : i32
      %dma_start3A_865 = tpu.memref_slice %arg10[%dma_start3A_863, %dma_start3A_864] : memref<8x64xi32, #tpu.memory_space<vmem>> -> memref<1x64xi32, #tpu.memory_space<vmem>>
      %dma_start3A_866 = tpu.memref_squeeze %dma_start3A_865 : memref<1x64xi32, #tpu.memory_space<vmem>> -> memref<64xi32, #tpu.memory_space<vmem>>
      %dma_start3A_867 = arith.constant 0 : i32
      %dma_start3A_868 = arith.constant 0 : i32
      %dma_start3A_869 = tpu.memref_slice %arg7[%dma_start3A_867, %dma_start3A_868] : memref<20032x64xf32, #tpu.memory_space<vmem_shared>> -> memref<20032x64xf32, #tpu.memory_space<vmem_shared>>
      tpu.enqueue_indirect_dma source(%arg13 : memref<64x64xf32, #tpu.memory_space<vmem>>) target(%dma_start3A_869 : memref<20032x64xf32, #tpu.memory_space<vmem_shared>>) offsets(%dma_start3A_866 : memref<64xi32, #tpu.memory_space<vmem>>) semaphore(%arg19 : memref<!tpu.dma_semaphore, #tpu.memory_space<semaphore_mem>>) {add = true}
      %dma_wait3A_870 = arith.constant 0 : i32
      %dma_wait3A_871 = arith.constant 0 : i32
      %dma_wait3A_872 = tpu.memref_slice %arg2[%dma_wait3A_870, %dma_wait3A_871] : memref<20032x64xf32, #tpu.memory_space<hbm>> -> memref<64x64xf32, #tpu.memory_space<hbm>>
      %dma_wait3A_873 = arith.constant 0 : i32
      %dma_wait3A_874 = arith.constant 0 : i32
      %dma_wait3A_875 = tpu.memref_slice %arg2[%dma_wait3A_873, %dma_wait3A_874] : memref<20032x64xf32, #tpu.memory_space<hbm>> -> memref<64x64xf32, #tpu.memory_space<hbm>>
      tpu.wait_dma2 semaphore(%arg19 : memref<!tpu.dma_semaphore, #tpu.memory_space<semaphore_mem>>) src(%dma_wait3A_875 : memref<64x64xf32, #tpu.memory_space<hbm>>) dst(%arg13 : memref<64x64xf32, #tpu.memory_space<vmem>>)
      %dma_start3A_876 = arith.constant 4 : i32
      %dma_start3A_877 = arith.constant 0 : i32
      %dma_start3A_878 = tpu.memref_slice %arg9[%dma_start3A_876, %dma_start3A_877] : memref<8x64xi32, #tpu.memory_space<vmem>> -> memref<1x64xi32, #tpu.memory_space<vmem>>
      %dma_start3A_879 = tpu.memref_squeeze %dma_start3A_878 : memref<1x64xi32, #tpu.memory_space<vmem>> -> memref<64xi32, #tpu.memory_space<vmem>>
      %dma_start3A_880 = arith.constant 0 : i32
      %dma_start3A_881 = arith.constant 0 : i32
      %dma_start3A_882 = tpu.memref_slice %arg8[%dma_start3A_880, %dma_start3A_881] : memref<10016x64xf32, #tpu.memory_space<vmem_shared>> -> memref<10016x64xf32, #tpu.memory_space<vmem_shared>>
      tpu.enqueue_indirect_dma source(%dma_start3A_882 : memref<10016x64xf32, #tpu.memory_space<vmem_shared>>) target(%arg13 : memref<64x64xf32, #tpu.memory_space<vmem>>) offsets(%dma_start3A_879 : memref<64xi32, #tpu.memory_space<vmem>>) semaphore(%arg15 : memref<!tpu.dma_semaphore, #tpu.memory_space<semaphore_mem>>)
      %dma_wait3A_883 = arith.constant 0 : i32
      %dma_wait3A_884 = arith.constant 0 : i32
      %dma_wait3A_885 = tpu.memref_slice %arg2[%dma_wait3A_883, %dma_wait3A_884] : memref<20032x64xf32, #tpu.memory_space<hbm>> -> memref<64x64xf32, #tpu.memory_space<hbm>>
      %dma_wait3A_886 = arith.constant 0 : i32
      %dma_wait3A_887 = arith.constant 0 : i32
      %dma_wait3A_888 = tpu.memref_slice %arg2[%dma_wait3A_886, %dma_wait3A_887] : memref<20032x64xf32, #tpu.memory_space<hbm>> -> memref<64x64xf32, #tpu.memory_space<hbm>>
      tpu.wait_dma2 semaphore(%arg16 : memref<!tpu.dma_semaphore, #tpu.memory_space<semaphore_mem>>) src(%dma_wait3A_888 : memref<64x64xf32, #tpu.memory_space<hbm>>) dst(%arg14 : memref<64x64xf32, #tpu.memory_space<vmem>>)
      %dma_start3A_889 = arith.constant 3 : i32
      %dma_start3A_890 = arith.constant 0 : i32
      %dma_start3A_891 = tpu.memref_slice %arg10[%dma_start3A_889, %dma_start3A_890] : memref<8x64xi32, #tpu.memory_space<vmem>> -> memref<1x64xi32, #tpu.memory_space<vmem>>
      %dma_start3A_892 = tpu.memref_squeeze %dma_start3A_891 : memref<1x64xi32, #tpu.memory_space<vmem>> -> memref<64xi32, #tpu.memory_space<vmem>>
      %dma_start3A_893 = arith.constant 0 : i32
      %dma_start3A_894 = arith.constant 0 : i32
      %dma_start3A_895 = tpu.memref_slice %arg7[%dma_start3A_893, %dma_start3A_894] : memref<20032x64xf32, #tpu.memory_space<vmem_shared>> -> memref<20032x64xf32, #tpu.memory_space<vmem_shared>>
      tpu.enqueue_indirect_dma source(%arg14 : memref<64x64xf32, #tpu.memory_space<vmem>>) target(%dma_start3A_895 : memref<20032x64xf32, #tpu.memory_space<vmem_shared>>) offsets(%dma_start3A_892 : memref<64xi32, #tpu.memory_space<vmem>>) semaphore(%arg20 : memref<!tpu.dma_semaphore, #tpu.memory_space<semaphore_mem>>) {add = true}
      %dma_wait3A_896 = arith.constant 0 : i32
      %dma_wait3A_897 = arith.constant 0 : i32
      %dma_wait3A_898 = tpu.memref_slice %arg2[%dma_wait3A_896, %dma_wait3A_897] : memref<20032x64xf32, #tpu.memory_space<hbm>> -> memref<64x64xf32, #tpu.memory_space<hbm>>
      %dma_wait3A_899 = arith.constant 0 : i32
      %dma_wait3A_900 = arith.constant 0 : i32
      %dma_wait3A_901 = tpu.memref_slice %arg2[%dma_wait3A_899, %dma_wait3A_900] : memref<20032x64xf32, #tpu.memory_space<hbm>> -> memref<64x64xf32, #tpu.memory_space<hbm>>
      tpu.wait_dma2 semaphore(%arg20 : memref<!tpu.dma_semaphore, #tpu.memory_space<semaphore_mem>>) src(%dma_wait3A_901 : memref<64x64xf32, #tpu.memory_space<hbm>>) dst(%arg14 : memref<64x64xf32, #tpu.memory_space<vmem>>)
      %dma_start3A_902 = arith.constant 5 : i32
      %dma_start3A_903 = arith.constant 0 : i32
      %dma_start3A_904 = tpu.memref_slice %arg9[%dma_start3A_902, %dma_start3A_903] : memref<8x64xi32, #tpu.memory_space<vmem>> -> memref<1x64xi32, #tpu.memory_space<vmem>>
      %dma_start3A_905 = tpu.memref_squeeze %dma_start3A_904 : memref<1x64xi32, #tpu.memory_space<vmem>> -> memref<64xi32, #tpu.memory_space<vmem>>
      %dma_start3A_906 = arith.constant 0 : i32
      %dma_start3A_907 = arith.constant 0 : i32
      %dma_start3A_908 = tpu.memref_slice %arg8[%dma_start3A_906, %dma_start3A_907] : memref<10016x64xf32, #tpu.memory_space<vmem_shared>> -> memref<10016x64xf32, #tpu.memory_space<vmem_shared>>
      tpu.enqueue_indirect_dma source(%dma_start3A_908 : memref<10016x64xf32, #tpu.memory_space<vmem_shared>>) target(%arg14 : memref<64x64xf32, #tpu.memory_space<vmem>>) offsets(%dma_start3A_905 : memref<64xi32, #tpu.memory_space<vmem>>) semaphore(%arg16 : memref<!tpu.dma_semaphore, #tpu.memory_space<semaphore_mem>>)
      %dma_wait3A_909 = arith.constant 0 : i32
      %dma_wait3A_910 = arith.constant 0 : i32
      %dma_wait3A_911 = tpu.memref_slice %arg2[%dma_wait3A_909, %dma_wait3A_910] : memref<20032x64xf32, #tpu.memory_space<hbm>> -> memref<64x64xf32, #tpu.memory_space<hbm>>
      %dma_wait3A_912 = arith.constant 0 : i32
      %dma_wait3A_913 = arith.constant 0 : i32
      %dma_wait3A_914 = tpu.memref_slice %arg2[%dma_wait3A_912, %dma_wait3A_913] : memref<20032x64xf32, #tpu.memory_space<hbm>> -> memref<64x64xf32, #tpu.memory_space<hbm>>
      tpu.wait_dma2 semaphore(%arg15 : memref<!tpu.dma_semaphore, #tpu.memory_space<semaphore_mem>>) src(%dma_wait3A_914 : memref<64x64xf32, #tpu.memory_space<hbm>>) dst(%arg13 : memref<64x64xf32, #tpu.memory_space<vmem>>)
      %dma_start3A_915 = arith.constant 4 : i32
      %dma_start3A_916 = arith.constant 0 : i32
      %dma_start3A_917 = tpu.memref_slice %arg10[%dma_start3A_915, %dma_start3A_916] : memref<8x64xi32, #tpu.memory_space<vmem>> -> memref<1x64xi32, #tpu.memory_space<vmem>>
      %dma_start3A_918 = tpu.memref_squeeze %dma_start3A_917 : memref<1x64xi32, #tpu.memory_space<vmem>> -> memref<64xi32, #tpu.memory_space<vmem>>
      %dma_start3A_919 = arith.constant 0 : i32
      %dma_start3A_920 = arith.constant 0 : i32
      %dma_start3A_921 = tpu.memref_slice %arg7[%dma_start3A_919, %dma_start3A_920] : memref<20032x64xf32, #tpu.memory_space<vmem_shared>> -> memref<20032x64xf32, #tpu.memory_space<vmem_shared>>
      tpu.enqueue_indirect_dma source(%arg13 : memref<64x64xf32, #tpu.memory_space<vmem>>) target(%dma_start3A_921 : memref<20032x64xf32, #tpu.memory_space<vmem_shared>>) offsets(%dma_start3A_918 : memref<64xi32, #tpu.memory_space<vmem>>) semaphore(%arg19 : memref<!tpu.dma_semaphore, #tpu.memory_space<semaphore_mem>>) {add = true}
      %dma_wait3A_922 = arith.constant 0 : i32
      %dma_wait3A_923 = arith.constant 0 : i32
      %dma_wait3A_924 = tpu.memref_slice %arg2[%dma_wait3A_922, %dma_wait3A_923] : memref<20032x64xf32, #tpu.memory_space<hbm>> -> memref<64x64xf32, #tpu.memory_space<hbm>>
      %dma_wait3A_925 = arith.constant 0 : i32
      %dma_wait3A_926 = arith.constant 0 : i32
      %dma_wait3A_927 = tpu.memref_slice %arg2[%dma_wait3A_925, %dma_wait3A_926] : memref<20032x64xf32, #tpu.memory_space<hbm>> -> memref<64x64xf32, #tpu.memory_space<hbm>>
      tpu.wait_dma2 semaphore(%arg19 : memref<!tpu.dma_semaphore, #tpu.memory_space<semaphore_mem>>) src(%dma_wait3A_927 : memref<64x64xf32, #tpu.memory_space<hbm>>) dst(%arg13 : memref<64x64xf32, #tpu.memory_space<vmem>>)
      %dma_start3A_928 = arith.constant 6 : i32
      %dma_start3A_929 = arith.constant 0 : i32
      %dma_start3A_930 = tpu.memref_slice %arg9[%dma_start3A_928, %dma_start3A_929] : memref<8x64xi32, #tpu.memory_space<vmem>> -> memref<1x64xi32, #tpu.memory_space<vmem>>
      %dma_start3A_931 = tpu.memref_squeeze %dma_start3A_930 : memref<1x64xi32, #tpu.memory_space<vmem>> -> memref<64xi32, #tpu.memory_space<vmem>>
      %dma_start3A_932 = arith.constant 0 : i32
      %dma_start3A_933 = arith.constant 0 : i32
      %dma_start3A_934 = tpu.memref_slice %arg8[%dma_start3A_932, %dma_start3A_933] : memref<10016x64xf32, #tpu.memory_space<vmem_shared>> -> memref<10016x64xf32, #tpu.memory_space<vmem_shared>>
      tpu.enqueue_indirect_dma source(%dma_start3A_934 : memref<10016x64xf32, #tpu.memory_space<vmem_shared>>) target(%arg13 : memref<64x64xf32, #tpu.memory_space<vmem>>) offsets(%dma_start3A_931 : memref<64xi32, #tpu.memory_space<vmem>>) semaphore(%arg15 : memref<!tpu.dma_semaphore, #tpu.memory_space<semaphore_mem>>)
      %dma_wait3A_935 = arith.constant 0 : i32
      %dma_wait3A_936 = arith.constant 0 : i32
      %dma_wait3A_937 = tpu.memref_slice %arg2[%dma_wait3A_935, %dma_wait3A_936] : memref<20032x64xf32, #tpu.memory_space<hbm>> -> memref<64x64xf32, #tpu.memory_space<hbm>>
      %dma_wait3A_938 = arith.constant 0 : i32
      %dma_wait3A_939 = arith.constant 0 : i32
      %dma_wait3A_940 = tpu.memref_slice %arg2[%dma_wait3A_938, %dma_wait3A_939] : memref<20032x64xf32, #tpu.memory_space<hbm>> -> memref<64x64xf32, #tpu.memory_space<hbm>>
      tpu.wait_dma2 semaphore(%arg16 : memref<!tpu.dma_semaphore, #tpu.memory_space<semaphore_mem>>) src(%dma_wait3A_940 : memref<64x64xf32, #tpu.memory_space<hbm>>) dst(%arg14 : memref<64x64xf32, #tpu.memory_space<vmem>>)
      %dma_start3A_941 = arith.constant 5 : i32
      %dma_start3A_942 = arith.constant 0 : i32
      %dma_start3A_943 = tpu.memref_slice %arg10[%dma_start3A_941, %dma_start3A_942] : memref<8x64xi32, #tpu.memory_space<vmem>> -> memref<1x64xi32, #tpu.memory_space<vmem>>
      %dma_start3A_944 = tpu.memref_squeeze %dma_start3A_943 : memref<1x64xi32, #tpu.memory_space<vmem>> -> memref<64xi32, #tpu.memory_space<vmem>>
      %dma_start3A_945 = arith.constant 0 : i32
      %dma_start3A_946 = arith.constant 0 : i32
      %dma_start3A_947 = tpu.memref_slice %arg7[%dma_start3A_945, %dma_start3A_946] : memref<20032x64xf32, #tpu.memory_space<vmem_shared>> -> memref<20032x64xf32, #tpu.memory_space<vmem_shared>>
      tpu.enqueue_indirect_dma source(%arg14 : memref<64x64xf32, #tpu.memory_space<vmem>>) target(%dma_start3A_947 : memref<20032x64xf32, #tpu.memory_space<vmem_shared>>) offsets(%dma_start3A_944 : memref<64xi32, #tpu.memory_space<vmem>>) semaphore(%arg20 : memref<!tpu.dma_semaphore, #tpu.memory_space<semaphore_mem>>) {add = true}
      %dma_wait3A_948 = arith.constant 0 : i32
      %dma_wait3A_949 = arith.constant 0 : i32
      %dma_wait3A_950 = tpu.memref_slice %arg2[%dma_wait3A_948, %dma_wait3A_949] : memref<20032x64xf32, #tpu.memory_space<hbm>> -> memref<64x64xf32, #tpu.memory_space<hbm>>
      %dma_wait3A_951 = arith.constant 0 : i32
      %dma_wait3A_952 = arith.constant 0 : i32
      %dma_wait3A_953 = tpu.memref_slice %arg2[%dma_wait3A_951, %dma_wait3A_952] : memref<20032x64xf32, #tpu.memory_space<hbm>> -> memref<64x64xf32, #tpu.memory_space<hbm>>
      tpu.wait_dma2 semaphore(%arg20 : memref<!tpu.dma_semaphore, #tpu.memory_space<semaphore_mem>>) src(%dma_wait3A_953 : memref<64x64xf32, #tpu.memory_space<hbm>>) dst(%arg14 : memref<64x64xf32, #tpu.memory_space<vmem>>)
      %dma_start3A_954 = arith.constant 7 : i32
      %dma_start3A_955 = arith.constant 0 : i32
      %dma_start3A_956 = tpu.memref_slice %arg9[%dma_start3A_954, %dma_start3A_955] : memref<8x64xi32, #tpu.memory_space<vmem>> -> memref<1x64xi32, #tpu.memory_space<vmem>>
      %dma_start3A_957 = tpu.memref_squeeze %dma_start3A_956 : memref<1x64xi32, #tpu.memory_space<vmem>> -> memref<64xi32, #tpu.memory_space<vmem>>
      %dma_start3A_958 = arith.constant 0 : i32
      %dma_start3A_959 = arith.constant 0 : i32
      %dma_start3A_960 = tpu.memref_slice %arg8[%dma_start3A_958, %dma_start3A_959] : memref<10016x64xf32, #tpu.memory_space<vmem_shared>> -> memref<10016x64xf32, #tpu.memory_space<vmem_shared>>
      tpu.enqueue_indirect_dma source(%dma_start3A_960 : memref<10016x64xf32, #tpu.memory_space<vmem_shared>>) target(%arg14 : memref<64x64xf32, #tpu.memory_space<vmem>>) offsets(%dma_start3A_957 : memref<64xi32, #tpu.memory_space<vmem>>) semaphore(%arg16 : memref<!tpu.dma_semaphore, #tpu.memory_space<semaphore_mem>>)
      %dma_wait3A_961 = arith.constant 0 : i32
      %dma_wait3A_962 = arith.constant 0 : i32
      %dma_wait3A_963 = tpu.memref_slice %arg2[%dma_wait3A_961, %dma_wait3A_962] : memref<20032x64xf32, #tpu.memory_space<hbm>> -> memref<64x64xf32, #tpu.memory_space<hbm>>
      %dma_wait3A_964 = arith.constant 0 : i32
      %dma_wait3A_965 = arith.constant 0 : i32
      %dma_wait3A_966 = tpu.memref_slice %arg2[%dma_wait3A_964, %dma_wait3A_965] : memref<20032x64xf32, #tpu.memory_space<hbm>> -> memref<64x64xf32, #tpu.memory_space<hbm>>
      tpu.wait_dma2 semaphore(%arg15 : memref<!tpu.dma_semaphore, #tpu.memory_space<semaphore_mem>>) src(%dma_wait3A_966 : memref<64x64xf32, #tpu.memory_space<hbm>>) dst(%arg13 : memref<64x64xf32, #tpu.memory_space<vmem>>)
      %dma_start3A_967 = arith.constant 6 : i32
      %dma_start3A_968 = arith.constant 0 : i32
      %dma_start3A_969 = tpu.memref_slice %arg10[%dma_start3A_967, %dma_start3A_968] : memref<8x64xi32, #tpu.memory_space<vmem>> -> memref<1x64xi32, #tpu.memory_space<vmem>>
      %dma_start3A_970 = tpu.memref_squeeze %dma_start3A_969 : memref<1x64xi32, #tpu.memory_space<vmem>> -> memref<64xi32, #tpu.memory_space<vmem>>
      %dma_start3A_971 = arith.constant 0 : i32
      %dma_start3A_972 = arith.constant 0 : i32
      %dma_start3A_973 = tpu.memref_slice %arg7[%dma_start3A_971, %dma_start3A_972] : memref<20032x64xf32, #tpu.memory_space<vmem_shared>> -> memref<20032x64xf32, #tpu.memory_space<vmem_shared>>
      tpu.enqueue_indirect_dma source(%arg13 : memref<64x64xf32, #tpu.memory_space<vmem>>) target(%dma_start3A_973 : memref<20032x64xf32, #tpu.memory_space<vmem_shared>>) offsets(%dma_start3A_970 : memref<64xi32, #tpu.memory_space<vmem>>) semaphore(%arg19 : memref<!tpu.dma_semaphore, #tpu.memory_space<semaphore_mem>>) {add = true}
      %dma_wait3A_974 = arith.constant 0 : i32
      %dma_wait3A_975 = arith.constant 0 : i32
      %dma_wait3A_976 = tpu.memref_slice %arg2[%dma_wait3A_974, %dma_wait3A_975] : memref<20032x64xf32, #tpu.memory_space<hbm>> -> memref<64x64xf32, #tpu.memory_space<hbm>>
      %dma_wait3A_977 = arith.constant 0 : i32
      %dma_wait3A_978 = arith.constant 0 : i32
      %dma_wait3A_979 = tpu.memref_slice %arg2[%dma_wait3A_977, %dma_wait3A_978] : memref<20032x64xf32, #tpu.memory_space<hbm>> -> memref<64x64xf32, #tpu.memory_space<hbm>>
      tpu.wait_dma2 semaphore(%arg16 : memref<!tpu.dma_semaphore, #tpu.memory_space<semaphore_mem>>) src(%dma_wait3A_979 : memref<64x64xf32, #tpu.memory_space<hbm>>) dst(%arg14 : memref<64x64xf32, #tpu.memory_space<vmem>>)
      %dma_start3A_980 = arith.constant 7 : i32
      %dma_start3A_981 = arith.constant 0 : i32
      %dma_start3A_982 = tpu.memref_slice %arg10[%dma_start3A_980, %dma_start3A_981] : memref<8x64xi32, #tpu.memory_space<vmem>> -> memref<1x64xi32, #tpu.memory_space<vmem>>
      %dma_start3A_983 = tpu.memref_squeeze %dma_start3A_982 : memref<1x64xi32, #tpu.memory_space<vmem>> -> memref<64xi32, #tpu.memory_space<vmem>>
      %dma_start3A_984 = arith.constant 0 : i32
      %dma_start3A_985 = arith.constant 0 : i32
      %dma_start3A_986 = tpu.memref_slice %arg7[%dma_start3A_984, %dma_start3A_985] : memref<20032x64xf32, #tpu.memory_space<vmem_shared>> -> memref<20032x64xf32, #tpu.memory_space<vmem_shared>>
      tpu.enqueue_indirect_dma source(%arg14 : memref<64x64xf32, #tpu.memory_space<vmem>>) target(%dma_start3A_986 : memref<20032x64xf32, #tpu.memory_space<vmem_shared>>) offsets(%dma_start3A_983 : memref<64xi32, #tpu.memory_space<vmem>>) semaphore(%arg20 : memref<!tpu.dma_semaphore, #tpu.memory_space<semaphore_mem>>) {add = true}
      %dma_wait3A_987 = arith.constant 0 : i32
      %dma_wait3A_988 = arith.constant 0 : i32
      %dma_wait3A_989 = tpu.memref_slice %arg2[%dma_wait3A_987, %dma_wait3A_988] : memref<20032x64xf32, #tpu.memory_space<hbm>> -> memref<64x64xf32, #tpu.memory_space<hbm>>
      %dma_wait3A_990 = arith.constant 0 : i32
      %dma_wait3A_991 = arith.constant 0 : i32
      %dma_wait3A_992 = tpu.memref_slice %arg2[%dma_wait3A_990, %dma_wait3A_991] : memref<20032x64xf32, #tpu.memory_space<hbm>> -> memref<64x64xf32, #tpu.memory_space<hbm>>
      tpu.wait_dma2 semaphore(%arg19 : memref<!tpu.dma_semaphore, #tpu.memory_space<semaphore_mem>>) src(%dma_wait3A_992 : memref<64x64xf32, #tpu.memory_space<hbm>>) dst(%arg13 : memref<64x64xf32, #tpu.memory_space<vmem>>)
    }
    %scan3A_256 = arith.constant 19 : i32
    %dma_wait3A_257 = arith.constant 0 : i32
    %dma_wait3A_258 = arith.constant 0 : i32
    %dma_wait3A_259 = tpu.memref_slice %arg3[%arg1, %dma_wait3A_257, %dma_wait3A_258] : memref<16x320x64xi32, #tpu.memory_space<hbm>> -> memref<1x8x64xi32, #tpu.memory_space<hbm>>
    %dma_wait3A_260 = tpu.memref_squeeze %dma_wait3A_259 : memref<1x8x64xi32, #tpu.memory_space<hbm>> -> memref<8x64xi32, #tpu.memory_space<hbm>>
    %dma_wait3A_261 = arith.constant 0 : i32
    %dma_wait3A_262 = arith.constant 0 : i32
    %dma_wait3A_263 = tpu.memref_slice %arg3[%arg1, %dma_wait3A_261, %dma_wait3A_262] : memref<16x320x64xi32, #tpu.memory_space<hbm>> -> memref<1x8x64xi32, #tpu.memory_space<hbm>>
    %dma_wait3A_264 = tpu.memref_squeeze %dma_wait3A_263 : memref<1x8x64xi32, #tpu.memory_space<hbm>> -> memref<8x64xi32, #tpu.memory_space<hbm>>
    tpu.wait_dma2 semaphore(%arg18 : memref<!tpu.dma_semaphore, #tpu.memory_space<semaphore_mem>>) src(%dma_wait3A_264 : memref<8x64xi32, #tpu.memory_space<hbm>>) dst(%arg11 : memref<8x64xi32, #tpu.memory_space<vmem>>)
    %dma_wait3A_265 = arith.constant 0 : i32
    %dma_wait3A_266 = arith.constant 0 : i32
    %dma_wait3A_267 = tpu.memref_slice %arg3[%arg1, %dma_wait3A_265, %dma_wait3A_266] : memref<16x320x64xi32, #tpu.memory_space<hbm>> -> memref<1x8x64xi32, #tpu.memory_space<hbm>>
    %dma_wait3A_268 = tpu.memref_squeeze %dma_wait3A_267 : memref<1x8x64xi32, #tpu.memory_space<hbm>> -> memref<8x64xi32, #tpu.memory_space<hbm>>
    %dma_wait3A_269 = arith.constant 0 : i32
    %dma_wait3A_270 = arith.constant 0 : i32
    %dma_wait3A_271 = tpu.memref_slice %arg3[%arg1, %dma_wait3A_269, %dma_wait3A_270] : memref<16x320x64xi32, #tpu.memory_space<hbm>> -> memref<1x8x64xi32, #tpu.memory_space<hbm>>
    %dma_wait3A_272 = tpu.memref_squeeze %dma_wait3A_271 : memref<1x8x64xi32, #tpu.memory_space<hbm>> -> memref<8x64xi32, #tpu.memory_space<hbm>>
    tpu.wait_dma2 semaphore(%arg18 : memref<!tpu.dma_semaphore, #tpu.memory_space<semaphore_mem>>) src(%dma_wait3A_272 : memref<8x64xi32, #tpu.memory_space<hbm>>) dst(%arg12 : memref<8x64xi32, #tpu.memory_space<vmem>>)
    %dma_start3A_273 = arith.constant 0 : i32
    %dma_start3A_274 = arith.constant 0 : i32
    %dma_start3A_275 = tpu.memref_slice %arg11[%dma_start3A_273, %dma_start3A_274] : memref<8x64xi32, #tpu.memory_space<vmem>> -> memref<1x64xi32, #tpu.memory_space<vmem>>
    %dma_start3A_276 = tpu.memref_squeeze %dma_start3A_275 : memref<1x64xi32, #tpu.memory_space<vmem>> -> memref<64xi32, #tpu.memory_space<vmem>>
    %dma_start3A_277 = arith.constant 0 : i32
    %dma_start3A_278 = arith.constant 0 : i32
    %dma_start3A_279 = tpu.memref_slice %arg8[%dma_start3A_277, %dma_start3A_278] : memref<10016x64xf32, #tpu.memory_space<vmem_shared>> -> memref<10016x64xf32, #tpu.memory_space<vmem_shared>>
    tpu.enqueue_indirect_dma source(%dma_start3A_279 : memref<10016x64xf32, #tpu.memory_space<vmem_shared>>) target(%arg13 : memref<64x64xf32, #tpu.memory_space<vmem>>) offsets(%dma_start3A_276 : memref<64xi32, #tpu.memory_space<vmem>>) semaphore(%arg15 : memref<!tpu.dma_semaphore, #tpu.memory_space<semaphore_mem>>)
    %dma_wait3A_280 = arith.constant 0 : i32
    %dma_wait3A_281 = arith.constant 0 : i32
    %dma_wait3A_282 = tpu.memref_slice %arg2[%dma_wait3A_280, %dma_wait3A_281] : memref<20032x64xf32, #tpu.memory_space<hbm>> -> memref<64x64xf32, #tpu.memory_space<hbm>>
    %dma_wait3A_283 = arith.constant 0 : i32
    %dma_wait3A_284 = arith.constant 0 : i32
    %dma_wait3A_285 = tpu.memref_slice %arg2[%dma_wait3A_283, %dma_wait3A_284] : memref<20032x64xf32, #tpu.memory_space<hbm>> -> memref<64x64xf32, #tpu.memory_space<hbm>>
    tpu.wait_dma2 semaphore(%arg20 : memref<!tpu.dma_semaphore, #tpu.memory_space<semaphore_mem>>) src(%dma_wait3A_285 : memref<64x64xf32, #tpu.memory_space<hbm>>) dst(%arg14 : memref<64x64xf32, #tpu.memory_space<vmem>>)
    %dma_start3A_286 = arith.constant 1 : i32
    %dma_start3A_287 = arith.constant 0 : i32
    %dma_start3A_288 = tpu.memref_slice %arg11[%dma_start3A_286, %dma_start3A_287] : memref<8x64xi32, #tpu.memory_space<vmem>> -> memref<1x64xi32, #tpu.memory_space<vmem>>
    %dma_start3A_289 = tpu.memref_squeeze %dma_start3A_288 : memref<1x64xi32, #tpu.memory_space<vmem>> -> memref<64xi32, #tpu.memory_space<vmem>>
    %dma_start3A_290 = arith.constant 0 : i32
    %dma_start3A_291 = arith.constant 0 : i32
    %dma_start3A_292 = tpu.memref_slice %arg8[%dma_start3A_290, %dma_start3A_291] : memref<10016x64xf32, #tpu.memory_space<vmem_shared>> -> memref<10016x64xf32, #tpu.memory_space<vmem_shared>>
    tpu.enqueue_indirect_dma source(%dma_start3A_292 : memref<10016x64xf32, #tpu.memory_space<vmem_shared>>) target(%arg14 : memref<64x64xf32, #tpu.memory_space<vmem>>) offsets(%dma_start3A_289 : memref<64xi32, #tpu.memory_space<vmem>>) semaphore(%arg16 : memref<!tpu.dma_semaphore, #tpu.memory_space<semaphore_mem>>)
    %dma_wait3A_293 = arith.constant 0 : i32
    %dma_wait3A_294 = arith.constant 0 : i32
    %dma_wait3A_295 = tpu.memref_slice %arg2[%dma_wait3A_293, %dma_wait3A_294] : memref<20032x64xf32, #tpu.memory_space<hbm>> -> memref<64x64xf32, #tpu.memory_space<hbm>>
    %dma_wait3A_296 = arith.constant 0 : i32
    %dma_wait3A_297 = arith.constant 0 : i32
    %dma_wait3A_298 = tpu.memref_slice %arg2[%dma_wait3A_296, %dma_wait3A_297] : memref<20032x64xf32, #tpu.memory_space<hbm>> -> memref<64x64xf32, #tpu.memory_space<hbm>>
    tpu.wait_dma2 semaphore(%arg15 : memref<!tpu.dma_semaphore, #tpu.memory_space<semaphore_mem>>) src(%dma_wait3A_298 : memref<64x64xf32, #tpu.memory_space<hbm>>) dst(%arg13 : memref<64x64xf32, #tpu.memory_space<vmem>>)
    %dma_start3A_299 = arith.constant 0 : i32
    %dma_start3A_300 = arith.constant 0 : i32
    %dma_start3A_301 = tpu.memref_slice %arg12[%dma_start3A_299, %dma_start3A_300] : memref<8x64xi32, #tpu.memory_space<vmem>> -> memref<1x64xi32, #tpu.memory_space<vmem>>
    %dma_start3A_302 = tpu.memref_squeeze %dma_start3A_301 : memref<1x64xi32, #tpu.memory_space<vmem>> -> memref<64xi32, #tpu.memory_space<vmem>>
    %dma_start3A_303 = arith.constant 0 : i32
    %dma_start3A_304 = arith.constant 0 : i32
    %dma_start3A_305 = tpu.memref_slice %arg7[%dma_start3A_303, %dma_start3A_304] : memref<20032x64xf32, #tpu.memory_space<vmem_shared>> -> memref<20032x64xf32, #tpu.memory_space<vmem_shared>>
    tpu.enqueue_indirect_dma source(%arg13 : memref<64x64xf32, #tpu.memory_space<vmem>>) target(%dma_start3A_305 : memref<20032x64xf32, #tpu.memory_space<vmem_shared>>) offsets(%dma_start3A_302 : memref<64xi32, #tpu.memory_space<vmem>>) semaphore(%arg19 : memref<!tpu.dma_semaphore, #tpu.memory_space<semaphore_mem>>) {add = true}
    %dma_wait3A_306 = arith.constant 0 : i32
    %dma_wait3A_307 = arith.constant 0 : i32
    %dma_wait3A_308 = tpu.memref_slice %arg2[%dma_wait3A_306, %dma_wait3A_307] : memref<20032x64xf32, #tpu.memory_space<hbm>> -> memref<64x64xf32, #tpu.memory_space<hbm>>
    %dma_wait3A_309 = arith.constant 0 : i32
    %dma_wait3A_310 = arith.constant 0 : i32
    %dma_wait3A_311 = tpu.memref_slice %arg2[%dma_wait3A_309, %dma_wait3A_310] : memref<20032x64xf32, #tpu.memory_space<hbm>> -> memref<64x64xf32, #tpu.memory_space<hbm>>
    tpu.wait_dma2 semaphore(%arg19 : memref<!tpu.dma_semaphore, #tpu.memory_space<semaphore_mem>>) src(%dma_wait3A_311 : memref<64x64xf32, #tpu.memory_space<hbm>>) dst(%arg13 : memref<64x64xf32, #tpu.memory_space<vmem>>)
    %dma_start3A_312 = arith.constant 2 : i32
    %dma_start3A_313 = arith.constant 0 : i32
    %dma_start3A_314 = tpu.memref_slice %arg11[%dma_start3A_312, %dma_start3A_313] : memref<8x64xi32, #tpu.memory_space<vmem>> -> memref<1x64xi32, #tpu.memory_space<vmem>>
    %dma_start3A_315 = tpu.memref_squeeze %dma_start3A_314 : memref<1x64xi32, #tpu.memory_space<vmem>> -> memref<64xi32, #tpu.memory_space<vmem>>
    %dma_start3A_316 = arith.constant 0 : i32
    %dma_start3A_317 = arith.constant 0 : i32
    %dma_start3A_318 = tpu.memref_slice %arg8[%dma_start3A_316, %dma_start3A_317] : memref<10016x64xf32, #tpu.memory_space<vmem_shared>> -> memref<10016x64xf32, #tpu.memory_space<vmem_shared>>
    tpu.enqueue_indirect_dma source(%dma_start3A_318 : memref<10016x64xf32, #tpu.memory_space<vmem_shared>>) target(%arg13 : memref<64x64xf32, #tpu.memory_space<vmem>>) offsets(%dma_start3A_315 : memref<64xi32, #tpu.memory_space<vmem>>) semaphore(%arg15 : memref<!tpu.dma_semaphore, #tpu.memory_space<semaphore_mem>>)
    %dma_wait3A_319 = arith.constant 0 : i32
    %dma_wait3A_320 = arith.constant 0 : i32
    %dma_wait3A_321 = tpu.memref_slice %arg2[%dma_wait3A_319, %dma_wait3A_320] : memref<20032x64xf32, #tpu.memory_space<hbm>> -> memref<64x64xf32, #tpu.memory_space<hbm>>
    %dma_wait3A_322 = arith.constant 0 : i32
    %dma_wait3A_323 = arith.constant 0 : i32
    %dma_wait3A_324 = tpu.memref_slice %arg2[%dma_wait3A_322, %dma_wait3A_323] : memref<20032x64xf32, #tpu.memory_space<hbm>> -> memref<64x64xf32, #tpu.memory_space<hbm>>
    tpu.wait_dma2 semaphore(%arg16 : memref<!tpu.dma_semaphore, #tpu.memory_space<semaphore_mem>>) src(%dma_wait3A_324 : memref<64x64xf32, #tpu.memory_space<hbm>>) dst(%arg14 : memref<64x64xf32, #tpu.memory_space<vmem>>)
    %dma_start3A_325 = arith.constant 1 : i32
    %dma_start3A_326 = arith.constant 0 : i32
    %dma_start3A_327 = tpu.memref_slice %arg12[%dma_start3A_325, %dma_start3A_326] : memref<8x64xi32, #tpu.memory_space<vmem>> -> memref<1x64xi32, #tpu.memory_space<vmem>>
    %dma_start3A_328 = tpu.memref_squeeze %dma_start3A_327 : memref<1x64xi32, #tpu.memory_space<vmem>> -> memref<64xi32, #tpu.memory_space<vmem>>
    %dma_start3A_329 = arith.constant 0 : i32
    %dma_start3A_330 = arith.constant 0 : i32
    %dma_start3A_331 = tpu.memref_slice %arg7[%dma_start3A_329, %dma_start3A_330] : memref<20032x64xf32, #tpu.memory_space<vmem_shared>> -> memref<20032x64xf32, #tpu.memory_space<vmem_shared>>
    tpu.enqueue_indirect_dma source(%arg14 : memref<64x64xf32, #tpu.memory_space<vmem>>) target(%dma_start3A_331 : memref<20032x64xf32, #tpu.memory_space<vmem_shared>>) offsets(%dma_start3A_328 : memref<64xi32, #tpu.memory_space<vmem>>) semaphore(%arg20 : memref<!tpu.dma_semaphore, #tpu.memory_space<semaphore_mem>>) {add = true}
    %dma_wait3A_332 = arith.constant 0 : i32
    %dma_wait3A_333 = arith.constant 0 : i32
    %dma_wait3A_334 = tpu.memref_slice %arg2[%dma_wait3A_332, %dma_wait3A_333] : memref<20032x64xf32, #tpu.memory_space<hbm>> -> memref<64x64xf32, #tpu.memory_space<hbm>>
    %dma_wait3A_335 = arith.constant 0 : i32
    %dma_wait3A_336 = arith.constant 0 : i32
    %dma_wait3A_337 = tpu.memref_slice %arg2[%dma_wait3A_335, %dma_wait3A_336] : memref<20032x64xf32, #tpu.memory_space<hbm>> -> memref<64x64xf32, #tpu.memory_space<hbm>>
    tpu.wait_dma2 semaphore(%arg20 : memref<!tpu.dma_semaphore, #tpu.memory_space<semaphore_mem>>) src(%dma_wait3A_337 : memref<64x64xf32, #tpu.memory_space<hbm>>) dst(%arg14 : memref<64x64xf32, #tpu.memory_space<vmem>>)
    %dma_start3A_338 = arith.constant 3 : i32
    %dma_start3A_339 = arith.constant 0 : i32
    %dma_start3A_340 = tpu.memref_slice %arg11[%dma_start3A_338, %dma_start3A_339] : memref<8x64xi32, #tpu.memory_space<vmem>> -> memref<1x64xi32, #tpu.memory_space<vmem>>
    %dma_start3A_341 = tpu.memref_squeeze %dma_start3A_340 : memref<1x64xi32, #tpu.memory_space<vmem>> -> memref<64xi32, #tpu.memory_space<vmem>>
    %dma_start3A_342 = arith.constant 0 : i32
    %dma_start3A_343 = arith.constant 0 : i32
    %dma_start3A_344 = tpu.memref_slice %arg8[%dma_start3A_342, %dma_start3A_343] : memref<10016x64xf32, #tpu.memory_space<vmem_shared>> -> memref<10016x64xf32, #tpu.memory_space<vmem_shared>>
    tpu.enqueue_indirect_dma source(%dma_start3A_344 : memref<10016x64xf32, #tpu.memory_space<vmem_shared>>) target(%arg14 : memref<64x64xf32, #tpu.memory_space<vmem>>) offsets(%dma_start3A_341 : memref<64xi32, #tpu.memory_space<vmem>>) semaphore(%arg16 : memref<!tpu.dma_semaphore, #tpu.memory_space<semaphore_mem>>)
    %dma_wait3A_345 = arith.constant 0 : i32
    %dma_wait3A_346 = arith.constant 0 : i32
    %dma_wait3A_347 = tpu.memref_slice %arg2[%dma_wait3A_345, %dma_wait3A_346] : memref<20032x64xf32, #tpu.memory_space<hbm>> -> memref<64x64xf32, #tpu.memory_space<hbm>>
    %dma_wait3A_348 = arith.constant 0 : i32
    %dma_wait3A_349 = arith.constant 0 : i32
    %dma_wait3A_350 = tpu.memref_slice %arg2[%dma_wait3A_348, %dma_wait3A_349] : memref<20032x64xf32, #tpu.memory_space<hbm>> -> memref<64x64xf32, #tpu.memory_space<hbm>>
    tpu.wait_dma2 semaphore(%arg15 : memref<!tpu.dma_semaphore, #tpu.memory_space<semaphore_mem>>) src(%dma_wait3A_350 : memref<64x64xf32, #tpu.memory_space<hbm>>) dst(%arg13 : memref<64x64xf32, #tpu.memory_space<vmem>>)
    %dma_start3A_351 = arith.constant 2 : i32
    %dma_start3A_352 = arith.constant 0 : i32
    %dma_start3A_353 = tpu.memref_slice %arg12[%dma_start3A_351, %dma_start3A_352] : memref<8x64xi32, #tpu.memory_space<vmem>> -> memref<1x64xi32, #tpu.memory_space<vmem>>
    %dma_start3A_354 = tpu.memref_squeeze %dma_start3A_353 : memref<1x64xi32, #tpu.memory_space<vmem>> -> memref<64xi32, #tpu.memory_space<vmem>>
    %dma_start3A_355 = arith.constant 0 : i32
    %dma_start3A_356 = arith.constant 0 : i32
    %dma_start3A_357 = tpu.memref_slice %arg7[%dma_start3A_355, %dma_start3A_356] : memref<20032x64xf32, #tpu.memory_space<vmem_shared>> -> memref<20032x64xf32, #tpu.memory_space<vmem_shared>>
    tpu.enqueue_indirect_dma source(%arg13 : memref<64x64xf32, #tpu.memory_space<vmem>>) target(%dma_start3A_357 : memref<20032x64xf32, #tpu.memory_space<vmem_shared>>) offsets(%dma_start3A_354 : memref<64xi32, #tpu.memory_space<vmem>>) semaphore(%arg19 : memref<!tpu.dma_semaphore, #tpu.memory_space<semaphore_mem>>) {add = true}
    %dma_wait3A_358 = arith.constant 0 : i32
    %dma_wait3A_359 = arith.constant 0 : i32
    %dma_wait3A_360 = tpu.memref_slice %arg2[%dma_wait3A_358, %dma_wait3A_359] : memref<20032x64xf32, #tpu.memory_space<hbm>> -> memref<64x64xf32, #tpu.memory_space<hbm>>
    %dma_wait3A_361 = arith.constant 0 : i32
    %dma_wait3A_362 = arith.constant 0 : i32
    %dma_wait3A_363 = tpu.memref_slice %arg2[%dma_wait3A_361, %dma_wait3A_362] : memref<20032x64xf32, #tpu.memory_space<hbm>> -> memref<64x64xf32, #tpu.memory_space<hbm>>
    tpu.wait_dma2 semaphore(%arg19 : memref<!tpu.dma_semaphore, #tpu.memory_space<semaphore_mem>>) src(%dma_wait3A_363 : memref<64x64xf32, #tpu.memory_space<hbm>>) dst(%arg13 : memref<64x64xf32, #tpu.memory_space<vmem>>)
    %dma_start3A_364 = arith.constant 4 : i32
    %dma_start3A_365 = arith.constant 0 : i32
    %dma_start3A_366 = tpu.memref_slice %arg11[%dma_start3A_364, %dma_start3A_365] : memref<8x64xi32, #tpu.memory_space<vmem>> -> memref<1x64xi32, #tpu.memory_space<vmem>>
    %dma_start3A_367 = tpu.memref_squeeze %dma_start3A_366 : memref<1x64xi32, #tpu.memory_space<vmem>> -> memref<64xi32, #tpu.memory_space<vmem>>
    %dma_start3A_368 = arith.constant 0 : i32
    %dma_start3A_369 = arith.constant 0 : i32
    %dma_start3A_370 = tpu.memref_slice %arg8[%dma_start3A_368, %dma_start3A_369] : memref<10016x64xf32, #tpu.memory_space<vmem_shared>> -> memref<10016x64xf32, #tpu.memory_space<vmem_shared>>
    tpu.enqueue_indirect_dma source(%dma_start3A_370 : memref<10016x64xf32, #tpu.memory_space<vmem_shared>>) target(%arg13 : memref<64x64xf32, #tpu.memory_space<vmem>>) offsets(%dma_start3A_367 : memref<64xi32, #tpu.memory_space<vmem>>) semaphore(%arg15 : memref<!tpu.dma_semaphore, #tpu.memory_space<semaphore_mem>>)
    %dma_wait3A_371 = arith.constant 0 : i32
    %dma_wait3A_372 = arith.constant 0 : i32
    %dma_wait3A_373 = tpu.memref_slice %arg2[%dma_wait3A_371, %dma_wait3A_372] : memref<20032x64xf32, #tpu.memory_space<hbm>> -> memref<64x64xf32, #tpu.memory_space<hbm>>
    %dma_wait3A_374 = arith.constant 0 : i32
    %dma_wait3A_375 = arith.constant 0 : i32
    %dma_wait3A_376 = tpu.memref_slice %arg2[%dma_wait3A_374, %dma_wait3A_375] : memref<20032x64xf32, #tpu.memory_space<hbm>> -> memref<64x64xf32, #tpu.memory_space<hbm>>
    tpu.wait_dma2 semaphore(%arg16 : memref<!tpu.dma_semaphore, #tpu.memory_space<semaphore_mem>>) src(%dma_wait3A_376 : memref<64x64xf32, #tpu.memory_space<hbm>>) dst(%arg14 : memref<64x64xf32, #tpu.memory_space<vmem>>)
    %dma_start3A_377 = arith.constant 3 : i32
    %dma_start3A_378 = arith.constant 0 : i32
    %dma_start3A_379 = tpu.memref_slice %arg12[%dma_start3A_377, %dma_start3A_378] : memref<8x64xi32, #tpu.memory_space<vmem>> -> memref<1x64xi32, #tpu.memory_space<vmem>>
    %dma_start3A_380 = tpu.memref_squeeze %dma_start3A_379 : memref<1x64xi32, #tpu.memory_space<vmem>> -> memref<64xi32, #tpu.memory_space<vmem>>
    %dma_start3A_381 = arith.constant 0 : i32
    %dma_start3A_382 = arith.constant 0 : i32
    %dma_start3A_383 = tpu.memref_slice %arg7[%dma_start3A_381, %dma_start3A_382] : memref<20032x64xf32, #tpu.memory_space<vmem_shared>> -> memref<20032x64xf32, #tpu.memory_space<vmem_shared>>
    tpu.enqueue_indirect_dma source(%arg14 : memref<64x64xf32, #tpu.memory_space<vmem>>) target(%dma_start3A_383 : memref<20032x64xf32, #tpu.memory_space<vmem_shared>>) offsets(%dma_start3A_380 : memref<64xi32, #tpu.memory_space<vmem>>) semaphore(%arg20 : memref<!tpu.dma_semaphore, #tpu.memory_space<semaphore_mem>>) {add = true}
    %dma_wait3A_384 = arith.constant 0 : i32
    %dma_wait3A_385 = arith.constant 0 : i32
    %dma_wait3A_386 = tpu.memref_slice %arg2[%dma_wait3A_384, %dma_wait3A_385] : memref<20032x64xf32, #tpu.memory_space<hbm>> -> memref<64x64xf32, #tpu.memory_space<hbm>>
    %dma_wait3A_387 = arith.constant 0 : i32
    %dma_wait3A_388 = arith.constant 0 : i32
    %dma_wait3A_389 = tpu.memref_slice %arg2[%dma_wait3A_387, %dma_wait3A_388] : memref<20032x64xf32, #tpu.memory_space<hbm>> -> memref<64x64xf32, #tpu.memory_space<hbm>>
    tpu.wait_dma2 semaphore(%arg20 : memref<!tpu.dma_semaphore, #tpu.memory_space<semaphore_mem>>) src(%dma_wait3A_389 : memref<64x64xf32, #tpu.memory_space<hbm>>) dst(%arg14 : memref<64x64xf32, #tpu.memory_space<vmem>>)
    %dma_start3A_390 = arith.constant 5 : i32
    %dma_start3A_391 = arith.constant 0 : i32
    %dma_start3A_392 = tpu.memref_slice %arg11[%dma_start3A_390, %dma_start3A_391] : memref<8x64xi32, #tpu.memory_space<vmem>> -> memref<1x64xi32, #tpu.memory_space<vmem>>
    %dma_start3A_393 = tpu.memref_squeeze %dma_start3A_392 : memref<1x64xi32, #tpu.memory_space<vmem>> -> memref<64xi32, #tpu.memory_space<vmem>>
    %dma_start3A_394 = arith.constant 0 : i32
    %dma_start3A_395 = arith.constant 0 : i32
    %dma_start3A_396 = tpu.memref_slice %arg8[%dma_start3A_394, %dma_start3A_395] : memref<10016x64xf32, #tpu.memory_space<vmem_shared>> -> memref<10016x64xf32, #tpu.memory_space<vmem_shared>>
    tpu.enqueue_indirect_dma source(%dma_start3A_396 : memref<10016x64xf32, #tpu.memory_space<vmem_shared>>) target(%arg14 : memref<64x64xf32, #tpu.memory_space<vmem>>) offsets(%dma_start3A_393 : memref<64xi32, #tpu.memory_space<vmem>>) semaphore(%arg16 : memref<!tpu.dma_semaphore, #tpu.memory_space<semaphore_mem>>)
    %dma_wait3A_397 = arith.constant 0 : i32
    %dma_wait3A_398 = arith.constant 0 : i32
    %dma_wait3A_399 = tpu.memref_slice %arg2[%dma_wait3A_397, %dma_wait3A_398] : memref<20032x64xf32, #tpu.memory_space<hbm>> -> memref<64x64xf32, #tpu.memory_space<hbm>>
    %dma_wait3A_400 = arith.constant 0 : i32
    %dma_wait3A_401 = arith.constant 0 : i32
    %dma_wait3A_402 = tpu.memref_slice %arg2[%dma_wait3A_400, %dma_wait3A_401] : memref<20032x64xf32, #tpu.memory_space<hbm>> -> memref<64x64xf32, #tpu.memory_space<hbm>>
    tpu.wait_dma2 semaphore(%arg15 : memref<!tpu.dma_semaphore, #tpu.memory_space<semaphore_mem>>) src(%dma_wait3A_402 : memref<64x64xf32, #tpu.memory_space<hbm>>) dst(%arg13 : memref<64x64xf32, #tpu.memory_space<vmem>>)
    %dma_start3A_403 = arith.constant 4 : i32
    %dma_start3A_404 = arith.constant 0 : i32
    %dma_start3A_405 = tpu.memref_slice %arg12[%dma_start3A_403, %dma_start3A_404] : memref<8x64xi32, #tpu.memory_space<vmem>> -> memref<1x64xi32, #tpu.memory_space<vmem>>
    %dma_start3A_406 = tpu.memref_squeeze %dma_start3A_405 : memref<1x64xi32, #tpu.memory_space<vmem>> -> memref<64xi32, #tpu.memory_space<vmem>>
    %dma_start3A_407 = arith.constant 0 : i32
    %dma_start3A_408 = arith.constant 0 : i32
    %dma_start3A_409 = tpu.memref_slice %arg7[%dma_start3A_407, %dma_start3A_408] : memref<20032x64xf32, #tpu.memory_space<vmem_shared>> -> memref<20032x64xf32, #tpu.memory_space<vmem_shared>>
    tpu.enqueue_indirect_dma source(%arg13 : memref<64x64xf32, #tpu.memory_space<vmem>>) target(%dma_start3A_409 : memref<20032x64xf32, #tpu.memory_space<vmem_shared>>) offsets(%dma_start3A_406 : memref<64xi32, #tpu.memory_space<vmem>>) semaphore(%arg19 : memref<!tpu.dma_semaphore, #tpu.memory_space<semaphore_mem>>) {add = true}
    %dma_wait3A_410 = arith.constant 0 : i32
    %dma_wait3A_411 = arith.constant 0 : i32
    %dma_wait3A_412 = tpu.memref_slice %arg2[%dma_wait3A_410, %dma_wait3A_411] : memref<20032x64xf32, #tpu.memory_space<hbm>> -> memref<64x64xf32, #tpu.memory_space<hbm>>
    %dma_wait3A_413 = arith.constant 0 : i32
    %dma_wait3A_414 = arith.constant 0 : i32
    %dma_wait3A_415 = tpu.memref_slice %arg2[%dma_wait3A_413, %dma_wait3A_414] : memref<20032x64xf32, #tpu.memory_space<hbm>> -> memref<64x64xf32, #tpu.memory_space<hbm>>
    tpu.wait_dma2 semaphore(%arg19 : memref<!tpu.dma_semaphore, #tpu.memory_space<semaphore_mem>>) src(%dma_wait3A_415 : memref<64x64xf32, #tpu.memory_space<hbm>>) dst(%arg13 : memref<64x64xf32, #tpu.memory_space<vmem>>)
    %dma_start3A_416 = arith.constant 6 : i32
    %dma_start3A_417 = arith.constant 0 : i32
    %dma_start3A_418 = tpu.memref_slice %arg11[%dma_start3A_416, %dma_start3A_417] : memref<8x64xi32, #tpu.memory_space<vmem>> -> memref<1x64xi32, #tpu.memory_space<vmem>>
    %dma_start3A_419 = tpu.memref_squeeze %dma_start3A_418 : memref<1x64xi32, #tpu.memory_space<vmem>> -> memref<64xi32, #tpu.memory_space<vmem>>
    %dma_start3A_420 = arith.constant 0 : i32
    %dma_start3A_421 = arith.constant 0 : i32
    %dma_start3A_422 = tpu.memref_slice %arg8[%dma_start3A_420, %dma_start3A_421] : memref<10016x64xf32, #tpu.memory_space<vmem_shared>> -> memref<10016x64xf32, #tpu.memory_space<vmem_shared>>
    tpu.enqueue_indirect_dma source(%dma_start3A_422 : memref<10016x64xf32, #tpu.memory_space<vmem_shared>>) target(%arg13 : memref<64x64xf32, #tpu.memory_space<vmem>>) offsets(%dma_start3A_419 : memref<64xi32, #tpu.memory_space<vmem>>) semaphore(%arg15 : memref<!tpu.dma_semaphore, #tpu.memory_space<semaphore_mem>>)
    %dma_wait3A_423 = arith.constant 0 : i32
    %dma_wait3A_424 = arith.constant 0 : i32
    %dma_wait3A_425 = tpu.memref_slice %arg2[%dma_wait3A_423, %dma_wait3A_424] : memref<20032x64xf32, #tpu.memory_space<hbm>> -> memref<64x64xf32, #tpu.memory_space<hbm>>
    %dma_wait3A_426 = arith.constant 0 : i32
    %dma_wait3A_427 = arith.constant 0 : i32
    %dma_wait3A_428 = tpu.memref_slice %arg2[%dma_wait3A_426, %dma_wait3A_427] : memref<20032x64xf32, #tpu.memory_space<hbm>> -> memref<64x64xf32, #tpu.memory_space<hbm>>
    tpu.wait_dma2 semaphore(%arg16 : memref<!tpu.dma_semaphore, #tpu.memory_space<semaphore_mem>>) src(%dma_wait3A_428 : memref<64x64xf32, #tpu.memory_space<hbm>>) dst(%arg14 : memref<64x64xf32, #tpu.memory_space<vmem>>)
    %dma_start3A_429 = arith.constant 5 : i32
    %dma_start3A_430 = arith.constant 0 : i32
    %dma_start3A_431 = tpu.memref_slice %arg12[%dma_start3A_429, %dma_start3A_430] : memref<8x64xi32, #tpu.memory_space<vmem>> -> memref<1x64xi32, #tpu.memory_space<vmem>>
    %dma_start3A_432 = tpu.memref_squeeze %dma_start3A_431 : memref<1x64xi32, #tpu.memory_space<vmem>> -> memref<64xi32, #tpu.memory_space<vmem>>
    %dma_start3A_433 = arith.constant 0 : i32
    %dma_start3A_434 = arith.constant 0 : i32
    %dma_start3A_435 = tpu.memref_slice %arg7[%dma_start3A_433, %dma_start3A_434] : memref<20032x64xf32, #tpu.memory_space<vmem_shared>> -> memref<20032x64xf32, #tpu.memory_space<vmem_shared>>
    tpu.enqueue_indirect_dma source(%arg14 : memref<64x64xf32, #tpu.memory_space<vmem>>) target(%dma_start3A_435 : memref<20032x64xf32, #tpu.memory_space<vmem_shared>>) offsets(%dma_start3A_432 : memref<64xi32, #tpu.memory_space<vmem>>) semaphore(%arg20 : memref<!tpu.dma_semaphore, #tpu.memory_space<semaphore_mem>>) {add = true}
    %dma_wait3A_436 = arith.constant 0 : i32
    %dma_wait3A_437 = arith.constant 0 : i32
    %dma_wait3A_438 = tpu.memref_slice %arg2[%dma_wait3A_436, %dma_wait3A_437] : memref<20032x64xf32, #tpu.memory_space<hbm>> -> memref<64x64xf32, #tpu.memory_space<hbm>>
    %dma_wait3A_439 = arith.constant 0 : i32
    %dma_wait3A_440 = arith.constant 0 : i32
    %dma_wait3A_441 = tpu.memref_slice %arg2[%dma_wait3A_439, %dma_wait3A_440] : memref<20032x64xf32, #tpu.memory_space<hbm>> -> memref<64x64xf32, #tpu.memory_space<hbm>>
    tpu.wait_dma2 semaphore(%arg20 : memref<!tpu.dma_semaphore, #tpu.memory_space<semaphore_mem>>) src(%dma_wait3A_441 : memref<64x64xf32, #tpu.memory_space<hbm>>) dst(%arg14 : memref<64x64xf32, #tpu.memory_space<vmem>>)
    %dma_start3A_442 = arith.constant 7 : i32
    %dma_start3A_443 = arith.constant 0 : i32
    %dma_start3A_444 = tpu.memref_slice %arg11[%dma_start3A_442, %dma_start3A_443] : memref<8x64xi32, #tpu.memory_space<vmem>> -> memref<1x64xi32, #tpu.memory_space<vmem>>
    %dma_start3A_445 = tpu.memref_squeeze %dma_start3A_444 : memref<1x64xi32, #tpu.memory_space<vmem>> -> memref<64xi32, #tpu.memory_space<vmem>>
    %dma_start3A_446 = arith.constant 0 : i32
    %dma_start3A_447 = arith.constant 0 : i32
    %dma_start3A_448 = tpu.memref_slice %arg8[%dma_start3A_446, %dma_start3A_447] : memref<10016x64xf32, #tpu.memory_space<vmem_shared>> -> memref<10016x64xf32, #tpu.memory_space<vmem_shared>>
    tpu.enqueue_indirect_dma source(%dma_start3A_448 : memref<10016x64xf32, #tpu.memory_space<vmem_shared>>) target(%arg14 : memref<64x64xf32, #tpu.memory_space<vmem>>) offsets(%dma_start3A_445 : memref<64xi32, #tpu.memory_space<vmem>>) semaphore(%arg16 : memref<!tpu.dma_semaphore, #tpu.memory_space<semaphore_mem>>)
    %dma_wait3A_449 = arith.constant 0 : i32
    %dma_wait3A_450 = arith.constant 0 : i32
    %dma_wait3A_451 = tpu.memref_slice %arg2[%dma_wait3A_449, %dma_wait3A_450] : memref<20032x64xf32, #tpu.memory_space<hbm>> -> memref<64x64xf32, #tpu.memory_space<hbm>>
    %dma_wait3A_452 = arith.constant 0 : i32
    %dma_wait3A_453 = arith.constant 0 : i32
    %dma_wait3A_454 = tpu.memref_slice %arg2[%dma_wait3A_452, %dma_wait3A_453] : memref<20032x64xf32, #tpu.memory_space<hbm>> -> memref<64x64xf32, #tpu.memory_space<hbm>>
    tpu.wait_dma2 semaphore(%arg15 : memref<!tpu.dma_semaphore, #tpu.memory_space<semaphore_mem>>) src(%dma_wait3A_454 : memref<64x64xf32, #tpu.memory_space<hbm>>) dst(%arg13 : memref<64x64xf32, #tpu.memory_space<vmem>>)
    %dma_start3A_455 = arith.constant 6 : i32
    %dma_start3A_456 = arith.constant 0 : i32
    %dma_start3A_457 = tpu.memref_slice %arg12[%dma_start3A_455, %dma_start3A_456] : memref<8x64xi32, #tpu.memory_space<vmem>> -> memref<1x64xi32, #tpu.memory_space<vmem>>
    %dma_start3A_458 = tpu.memref_squeeze %dma_start3A_457 : memref<1x64xi32, #tpu.memory_space<vmem>> -> memref<64xi32, #tpu.memory_space<vmem>>
    %dma_start3A_459 = arith.constant 0 : i32
    %dma_start3A_460 = arith.constant 0 : i32
    %dma_start3A_461 = tpu.memref_slice %arg7[%dma_start3A_459, %dma_start3A_460] : memref<20032x64xf32, #tpu.memory_space<vmem_shared>> -> memref<20032x64xf32, #tpu.memory_space<vmem_shared>>
    tpu.enqueue_indirect_dma source(%arg13 : memref<64x64xf32, #tpu.memory_space<vmem>>) target(%dma_start3A_461 : memref<20032x64xf32, #tpu.memory_space<vmem_shared>>) offsets(%dma_start3A_458 : memref<64xi32, #tpu.memory_space<vmem>>) semaphore(%arg19 : memref<!tpu.dma_semaphore, #tpu.memory_space<semaphore_mem>>) {add = true}
    %dma_wait3A_462 = arith.constant 0 : i32
    %dma_wait3A_463 = arith.constant 0 : i32
    %dma_wait3A_464 = tpu.memref_slice %arg2[%dma_wait3A_462, %dma_wait3A_463] : memref<20032x64xf32, #tpu.memory_space<hbm>> -> memref<64x64xf32, #tpu.memory_space<hbm>>
    %dma_wait3A_465 = arith.constant 0 : i32
    %dma_wait3A_466 = arith.constant 0 : i32
    %dma_wait3A_467 = tpu.memref_slice %arg2[%dma_wait3A_465, %dma_wait3A_466] : memref<20032x64xf32, #tpu.memory_space<hbm>> -> memref<64x64xf32, #tpu.memory_space<hbm>>
    tpu.wait_dma2 semaphore(%arg16 : memref<!tpu.dma_semaphore, #tpu.memory_space<semaphore_mem>>) src(%dma_wait3A_467 : memref<64x64xf32, #tpu.memory_space<hbm>>) dst(%arg14 : memref<64x64xf32, #tpu.memory_space<vmem>>)
    %dma_start3A_468 = arith.constant 7 : i32
    %dma_start3A_469 = arith.constant 0 : i32
    %dma_start3A_470 = tpu.memref_slice %arg12[%dma_start3A_468, %dma_start3A_469] : memref<8x64xi32, #tpu.memory_space<vmem>> -> memref<1x64xi32, #tpu.memory_space<vmem>>
    %dma_start3A_471 = tpu.memref_squeeze %dma_start3A_470 : memref<1x64xi32, #tpu.memory_space<vmem>> -> memref<64xi32, #tpu.memory_space<vmem>>
    %dma_start3A_472 = arith.constant 0 : i32
    %dma_start3A_473 = arith.constant 0 : i32
    %dma_start3A_474 = tpu.memref_slice %arg7[%dma_start3A_472, %dma_start3A_473] : memref<20032x64xf32, #tpu.memory_space<vmem_shared>> -> memref<20032x64xf32, #tpu.memory_space<vmem_shared>>
    tpu.enqueue_indirect_dma source(%arg14 : memref<64x64xf32, #tpu.memory_space<vmem>>) target(%dma_start3A_474 : memref<20032x64xf32, #tpu.memory_space<vmem_shared>>) offsets(%dma_start3A_471 : memref<64xi32, #tpu.memory_space<vmem>>) semaphore(%arg20 : memref<!tpu.dma_semaphore, #tpu.memory_space<semaphore_mem>>) {add = true}
    %dma_wait3A_475 = arith.constant 0 : i32
    %dma_wait3A_476 = arith.constant 0 : i32
    %dma_wait3A_477 = tpu.memref_slice %arg2[%dma_wait3A_475, %dma_wait3A_476] : memref<20032x64xf32, #tpu.memory_space<hbm>> -> memref<64x64xf32, #tpu.memory_space<hbm>>
    %dma_wait3A_478 = arith.constant 0 : i32
    %dma_wait3A_479 = arith.constant 0 : i32
    %dma_wait3A_480 = tpu.memref_slice %arg2[%dma_wait3A_478, %dma_wait3A_479] : memref<20032x64xf32, #tpu.memory_space<hbm>> -> memref<64x64xf32, #tpu.memory_space<hbm>>
    tpu.wait_dma2 semaphore(%arg19 : memref<!tpu.dma_semaphore, #tpu.memory_space<semaphore_mem>>) src(%dma_wait3A_480 : memref<64x64xf32, #tpu.memory_space<hbm>>) dst(%arg13 : memref<64x64xf32, #tpu.memory_space<vmem>>)
    %dma_wait3A_481 = arith.constant 0 : i32
    %dma_wait3A_482 = arith.constant 0 : i32
    %dma_wait3A_483 = tpu.memref_slice %arg2[%dma_wait3A_481, %dma_wait3A_482] : memref<20032x64xf32, #tpu.memory_space<hbm>> -> memref<64x64xf32, #tpu.memory_space<hbm>>
    %dma_wait3A_484 = arith.constant 0 : i32
    %dma_wait3A_485 = arith.constant 0 : i32
    %dma_wait3A_486 = tpu.memref_slice %arg2[%dma_wait3A_484, %dma_wait3A_485] : memref<20032x64xf32, #tpu.memory_space<hbm>> -> memref<64x64xf32, #tpu.memory_space<hbm>>
    tpu.wait_dma2 semaphore(%arg20 : memref<!tpu.dma_semaphore, #tpu.memory_space<semaphore_mem>>) src(%dma_wait3A_486 : memref<64x64xf32, #tpu.memory_space<hbm>>) dst(%arg14 : memref<64x64xf32, #tpu.memory_space<vmem>>)
    %barrier3A_487 = arith.constant 0 : index
    tpu.barrier barrier_id(%barrier3A_487)
    %jit3A = arith.constant 8 : i32
    %div3A = arith.divsi %arg1, %jit3A : i32
    %sign3A = arith.constant 0 : i32
    %sign3A_488 = arith.cmpi sgt, %arg1, %sign3A : i32
    %sign3A_489 = arith.extui %sign3A_488 : i1 to i32
    %sign3A_490 = arith.constant 0 : i32
    %sign3A_491 = arith.cmpi slt, %arg1, %sign3A_490 : i32
    %sign3A_492 = arith.extui %sign3A_491 : i1 to i32
    %sign3A_493 = arith.subi %sign3A_489, %sign3A_492 : i32
    %sign3A_494 = arith.constant 0 : i32
    %sign3A_495 = arith.cmpi sgt, %jit3A, %sign3A_494 : i32
    %sign3A_496 = arith.extui %sign3A_495 : i1 to i32
    %sign3A_497 = arith.constant 0 : i32
    %sign3A_498 = arith.cmpi slt, %jit3A, %sign3A_497 : i32
    %sign3A_499 = arith.extui %sign3A_498 : i1 to i32
    %sign3A_500 = arith.subi %sign3A_496, %sign3A_499 : i32
    %ne3A = arith.cmpi ne, %sign3A_493, %sign3A_500 : i32
    %rem3A = arith.remsi %arg1, %jit3A : i32
    %ne3A_501 = arith.constant 0 : i32
    %ne3A_502 = arith.cmpi ne, %rem3A, %ne3A_501 : i32
    %and3A = arith.andi %ne3A, %ne3A_502 : i1
    %sub3A = arith.constant 1 : i32
    %sub3A_503 = arith.subi %div3A, %sub3A : i32
    %select_n3A = arith.select %and3A, %sub3A_503, %div3A : i32
    %jit3A_504 = arith.constant 8 : i32
    %eq3A = arith.constant 0 : i32
    %eq3A_505 = arith.cmpi eq, %jit3A_504, %eq3A : i32
    %jit3A_506 = arith.constant 1 : i32
    %select_n3A_507 = arith.select %eq3A_505, %jit3A_506, %jit3A_504 : i32
    %rem3A_508 = arith.remsi %arg1, %select_n3A_507 : i32
    %ne3A_509 = arith.constant 0 : i32
    %ne3A_510 = arith.cmpi ne, %rem3A_508, %ne3A_509 : i32
    %lt3A = arith.constant 0 : i32
    %lt3A_511 = arith.cmpi slt, %rem3A_508, %lt3A : i32
    %lt3A_512 = arith.constant 0 : i32
    %lt3A_513 = arith.cmpi slt, %select_n3A_507, %lt3A_512 : i32
    %ne3A_514 = arith.xori %lt3A_511, %lt3A_513 : i1
    %and3A_515 = arith.andi %ne3A_514, %ne3A_510 : i1
    %add3A_516 = arith.addi %rem3A_508, %select_n3A_507 : i32
    %select_n3A_517 = arith.select %and3A_515, %add3A_516, %rem3A_508 : i32
    %mul3A_518 = arith.constant 1252 : i32
    %mul3A_519 = arith.muli %select_n3A_517, %mul3A_518 : i32
    "tpu.region"() ({
      %run_scoped3A = tpu.sem_alloc : memref<!tpu.dma_semaphore, #tpu.memory_space<semaphore_mem>>
      %dma_start3A_520 = arith.constant 0 : i32
      %dma_start3A_521 = tpu.memref_slice %arg6[%arg0, %select_n3A, %mul3A_519, %dma_start3A_520] : memref<2x2x10016x64xf32, #tpu.memory_space<hbm>> -> memref<1x1x1252x64xf32, #tpu.memory_space<hbm>>
      %dma_start3A_522 = tpu.memref_squeeze %dma_start3A_521 : memref<1x1x1252x64xf32, #tpu.memory_space<hbm>> -> memref<1252x64xf32, #tpu.memory_space<hbm>>
      %dma_start3A_523 = arith.constant 0 : i32
      %dma_start3A_524 = tpu.memref_slice %arg7[%mul3A_4, %dma_start3A_523] : memref<20032x64xf32, #tpu.memory_space<vmem_shared>> -> memref<1252x64xf32, #tpu.memory_space<vmem_shared>>
      tpu.enqueue_dma source(%dma_start3A_524 : memref<1252x64xf32, #tpu.memory_space<vmem_shared>>) target(%dma_start3A_522 : memref<1252x64xf32, #tpu.memory_space<hbm>>) target_semaphore(%run_scoped3A : memref<!tpu.dma_semaphore, #tpu.memory_space<semaphore_mem>>)
      %dma_wait3A_525 = arith.constant 0 : i32
      %dma_wait3A_526 = tpu.memref_slice %arg6[%arg0, %select_n3A, %mul3A_519, %dma_wait3A_525] : memref<2x2x10016x64xf32, #tpu.memory_space<hbm>> -> memref<1x1x1252x64xf32, #tpu.memory_space<hbm>>
      %dma_wait3A_527 = tpu.memref_squeeze %dma_wait3A_526 : memref<1x1x1252x64xf32, #tpu.memory_space<hbm>> -> memref<1252x64xf32, #tpu.memory_space<hbm>>
      %dma_wait3A_528 = arith.constant 0 : i32
      %dma_wait3A_529 = tpu.memref_slice %arg7[%mul3A_4, %dma_wait3A_528] : memref<20032x64xf32, #tpu.memory_space<vmem_shared>> -> memref<1252x64xf32, #tpu.memory_space<vmem_shared>>
      tpu.wait_dma2 semaphore(%run_scoped3A : memref<!tpu.dma_semaphore, #tpu.memory_space<semaphore_mem>>) src(%dma_wait3A_529 : memref<1252x64xf32, #tpu.memory_space<vmem_shared>>) dst(%dma_wait3A_527 : memref<1252x64xf32, #tpu.memory_space<hbm>>)
      tpu.yield
    }) : () -> ()
    return
  }
}

module attributes {stable_mosaic.version = 14 : i64} {
  func.func @_encode_body(%arg0: i32, %arg1: memref<1024x8xf32, #tpu.memory_space<vmem>>, %arg2: memref<8x128xf32, #tpu.memory_space<vmem>>, %arg3: memref<1x128xf32, #tpu.memory_space<vmem>>, %arg4: memref<128x128xf32, #tpu.memory_space<vmem>>, %arg5: memref<1x128xf32, #tpu.memory_space<vmem>>, %arg6: memref<1x128xf32, #tpu.memory_space<vmem>>, %arg7: memref<2x1024x64xf32, #tpu.memory_space<vmem>>) attributes {dimension_semantics = [#tpu.dimension_semantics<arbitrary>], iteration_bounds = array<i64: 10>, scalar_prefetch = 0 : i64, scratch_operands = 0 : i64, tpu.core_type = #tpu.core_type<tc>, window_params = [{transform_indices = @transform_0, window_bounds = array<i64: 1024, 8>}, {pipeline_mode = #tpu.pipeline_mode<synchronous>, transform_indices = @transform_1, window_bounds = array<i64: 8, 128>}, {pipeline_mode = #tpu.pipeline_mode<synchronous>, transform_indices = @transform_2, window_bounds = array<i64: 1, 128>}, {pipeline_mode = #tpu.pipeline_mode<synchronous>, transform_indices = @transform_3, window_bounds = array<i64: 128, 128>}, {pipeline_mode = #tpu.pipeline_mode<synchronous>, transform_indices = @transform_4, window_bounds = array<i64: 1, 128>}, {pipeline_mode = #tpu.pipeline_mode<synchronous>, transform_indices = @transform_5, window_bounds = array<i64: 1, 128>}, {transform_indices = @transform_6, window_bounds = array<i64: 2, 1024, 64>}]} {
    %get3A = arith.constant 0 : index
    %get3A_0 = arith.constant 0 : index
    %get3A_1 = vector.load %arg1[%get3A, %get3A_0] : memref<1024x8xf32, #tpu.memory_space<vmem>>, vector<1024x8xf32>
    %get3A_2 = arith.constant 0 : index
    %get3A_3 = arith.constant 0 : index
    %get3A_4 = vector.load %arg2[%get3A_2, %get3A_3] : memref<8x128xf32, #tpu.memory_space<vmem>>, vector<8x128xf32>
    %dot_general3A = arith.constant dense<0.000000e+00> : vector<1024x128xf32>
    %dot_general3A_5 = tpu.matmul %get3A_1, %get3A_4, %dot_general3A {dimension_numbers = #tpu.dot_dimension_numbers<[1], [0], [0], [1], [0, 0, 1, 1], [], []>, transpose_lhs_hint = false} : vector<1024x8xf32>, vector<8x128xf32>, vector<1024x128xf32> -> vector<1024x128xf32>
    %get3A_6 = arith.constant 0 : index
    %get3A_7 = arith.constant 0 : index
    %get3A_8 = vector.load %arg3[%get3A_6, %get3A_7] : memref<1x128xf32, #tpu.memory_space<vmem>>, vector<1x128xf32>
    %add3A = vector.broadcast %get3A_8 : vector<1x128xf32> to vector<1024x128xf32>
    %add3A_9 = arith.addf %dot_general3A_5, %add3A : vector<1024x128xf32>
    %ge3A = arith.constant 0.000000e+00 : f32
    %ge3A_10 = vector.broadcast %ge3A : f32 to vector<1024x128xf32>
    %ge3A_11 = arith.cmpf oge, %add3A_9, %ge3A_10 : vector<1024x128xf32>
    %mul3A = arith.constant 0.00999999977 : f32
    %mul3A_12 = vector.broadcast %mul3A : f32 to vector<1024x128xf32>
    %mul3A_13 = arith.mulf %mul3A_12, %add3A_9 : vector<1024x128xf32>
    %select_n3A = arith.select %ge3A_11, %add3A_9, %mul3A_13 : vector<1024x128xi1>, vector<1024x128xf32>
    %get3A_14 = arith.constant 0 : index
    %get3A_15 = arith.constant 0 : index
    %get3A_16 = vector.load %arg4[%get3A_14, %get3A_15] : memref<128x128xf32, #tpu.memory_space<vmem>>, vector<128x128xf32>
    %dot_general3A_17 = arith.constant dense<0.000000e+00> : vector<1024x128xf32>
    %dot_general3A_18 = tpu.matmul %select_n3A, %get3A_16, %dot_general3A_17 {dimension_numbers = #tpu.dot_dimension_numbers<[1], [0], [0], [1], [0, 0, 1, 1], [], []>, transpose_lhs_hint = false} : vector<1024x128xf32>, vector<128x128xf32>, vector<1024x128xf32> -> vector<1024x128xf32>
    %get3A_19 = arith.constant 0 : index
    %get3A_20 = arith.constant 0 : index
    %get3A_21 = vector.load %arg5[%get3A_19, %get3A_20] : memref<1x128xf32, #tpu.memory_space<vmem>>, vector<1x128xf32>
    %add3A_22 = vector.broadcast %get3A_21 : vector<1x128xf32> to vector<1024x128xf32>
    %add3A_23 = arith.addf %dot_general3A_18, %add3A_22 : vector<1024x128xf32>
    %ge3A_24 = arith.constant 0.000000e+00 : f32
    %ge3A_25 = vector.broadcast %ge3A_24 : f32 to vector<1024x128xf32>
    %ge3A_26 = arith.cmpf oge, %add3A_23, %ge3A_25 : vector<1024x128xf32>
    %get3A_27 = arith.constant 0 : index
    %get3A_28 = arith.constant 0 : index
    %get3A_29 = vector.load %arg6[%get3A_27, %get3A_28] : memref<1x128xf32, #tpu.memory_space<vmem>>, vector<1x128xf32>
    %mul3A_30 = vector.broadcast %get3A_29 : vector<1x128xf32> to vector<1024x128xf32>
    %mul3A_31 = arith.mulf %mul3A_30, %add3A_23 : vector<1024x128xf32>
    %select_n3A_32 = arith.select %ge3A_26, %add3A_23, %mul3A_31 : vector<1024x128xi1>, vector<1024x128xf32>
    %slice3A = vector.extract_strided_slice %select_n3A_32 {offsets = [0, 0], sizes = [1024, 64], strides = [1, 1]} : vector<1024x128xf32> to vector<1024x64xf32>
    %swap3A = arith.constant 0 : index
    %swap3A_33 = arith.constant 0 : index
    %swap3A_34 = arith.constant 0 : index
    %swap3A_35 = vector.load %arg7[%swap3A, %swap3A_33, %swap3A_34] : memref<2x1024x64xf32, #tpu.memory_space<vmem>>, vector<1x1024x64xf32>
    %swap3A_36 = vector.shape_cast %swap3A_35 : vector<1x1024x64xf32> to vector<1024x64xf32>
    %swap3A_37 = vector.shape_cast %slice3A : vector<1024x64xf32> to vector<1x1024x64xf32>
    tpu.vector_store %arg7[%swap3A, %swap3A_33, %swap3A_34], %swap3A_37 {strides = array<i32>} : memref<2x1024x64xf32, #tpu.memory_space<vmem>>, vector<1x1024x64xf32>,
    %slice3A_38 = vector.extract_strided_slice %select_n3A_32 {offsets = [0, 64], sizes = [1024, 64], strides = [1, 1]} : vector<1024x128xf32> to vector<1024x64xf32>
    %swap3A_39 = arith.constant 1 : index
    %swap3A_40 = arith.constant 0 : index
    %swap3A_41 = arith.constant 0 : index
    %swap3A_42 = vector.load %arg7[%swap3A_39, %swap3A_40, %swap3A_41] : memref<2x1024x64xf32, #tpu.memory_space<vmem>>, vector<1x1024x64xf32>
    %swap3A_43 = vector.shape_cast %swap3A_42 : vector<1x1024x64xf32> to vector<1024x64xf32>
    %swap3A_44 = vector.shape_cast %slice3A_38 : vector<1024x64xf32> to vector<1x1024x64xf32>
    tpu.vector_store %arg7[%swap3A_39, %swap3A_40, %swap3A_41], %swap3A_44 {strides = array<i32>} : memref<2x1024x64xf32, #tpu.memory_space<vmem>>, vector<1x1024x64xf32>,
    return
  }
  func.func @transform_0(%arg0: i32) -> (i32, i32) {
    %c0_i32 = arith.constant 0 : i32
    %c0_i32_0 = arith.constant 0 : i32
    return %arg0, %c0_i32 : i32, i32
  }
  func.func @transform_1(%arg0: i32) -> (i32, i32) {
    %c0_i32 = arith.constant 0 : i32
    %c0_i32_0 = arith.constant 0 : i32
    %c0_i32_1 = arith.constant 0 : i32
    return %c0_i32, %c0_i32_0 : i32, i32
  }
  func.func @transform_2(%arg0: i32) -> (i32, i32) {
    %c0_i32 = arith.constant 0 : i32
    %c0_i32_0 = arith.constant 0 : i32
    %c0_i32_1 = arith.constant 0 : i32
    return %c0_i32, %c0_i32_0 : i32, i32
  }
  func.func @transform_3(%arg0: i32) -> (i32, i32) {
    %c0_i32 = arith.constant 0 : i32
    %c0_i32_0 = arith.constant 0 : i32
    %c0_i32_1 = arith.constant 0 : i32
    return %c0_i32, %c0_i32_0 : i32, i32
  }
  func.func @transform_4(%arg0: i32) -> (i32, i32) {
    %c0_i32 = arith.constant 0 : i32
    %c0_i32_0 = arith.constant 0 : i32
    %c0_i32_1 = arith.constant 0 : i32
    return %c0_i32, %c0_i32_0 : i32, i32
  }
  func.func @transform_5(%arg0: i32) -> (i32, i32) {
    %c0_i32 = arith.constant 0 : i32
    %c0_i32_0 = arith.constant 0 : i32
    %c0_i32_1 = arith.constant 0 : i32
    return %c0_i32, %c0_i32_0 : i32, i32
  }
  func.func @transform_6(%arg0: i32) -> (i32, i32, i32) {
    %c0_i32 = arith.constant 0 : i32
    %c0_i32_0 = arith.constant 0 : i32
    %c0_i32_1 = arith.constant 0 : i32
    return %c0_i32, %arg0, %c0_i32_0 : i32, i32, i32
  }
}

module attributes {stable_mosaic.version = 14 : i64} {
  func.func @_combine_body(%arg0: i32, %arg1: memref<2x1024x64xf32, #tpu.memory_space<vmem>>, %arg2: memref<2x2x1024x64xf32, #tpu.memory_space<vmem>>, %arg3: memref<2x1024x16xf32, #tpu.memory_space<vmem>>, %arg4: memref<128x128xf32, #tpu.memory_space<vmem>>, %arg5: memref<2x128x128xf32, #tpu.memory_space<vmem>>, %arg6: memref<1x128xf32, #tpu.memory_space<vmem>>, %arg7: memref<128x128xf32, #tpu.memory_space<vmem>>, %arg8: memref<1x128xf32, #tpu.memory_space<vmem>>, %arg9: memref<2x1024x64xf32, #tpu.memory_space<vmem>>) attributes {dimension_semantics = [#tpu.dimension_semantics<arbitrary>], iteration_bounds = array<i64: 10>, scalar_prefetch = 0 : i64, scratch_operands = 0 : i64, tpu.core_type = #tpu.core_type<tc>, window_params = [{transform_indices = @transform_0, window_bounds = array<i64: 2, 1024, 64>}, {transform_indices = @transform_1, window_bounds = array<i64: 2, 2, 1024, 64>}, {transform_indices = @transform_2, window_bounds = array<i64: 2, 1024, 16>}, {pipeline_mode = #tpu.pipeline_mode<synchronous>, transform_indices = @transform_3, window_bounds = array<i64: 128, 128>}, {pipeline_mode = #tpu.pipeline_mode<synchronous>, transform_indices = @transform_4, window_bounds = array<i64: 2, 128, 128>}, {pipeline_mode = #tpu.pipeline_mode<synchronous>, transform_indices = @transform_5, window_bounds = array<i64: 1, 128>}, {pipeline_mode = #tpu.pipeline_mode<synchronous>, transform_indices = @transform_6, window_bounds = array<i64: 128, 128>}, {pipeline_mode = #tpu.pipeline_mode<synchronous>, transform_indices = @transform_7, window_bounds = array<i64: 1, 128>}, {transform_indices = @transform_8, window_bounds = array<i64: 2, 1024, 64>}]} {
    %get3A = arith.constant 0 : index
    %get3A_0 = arith.constant 0 : index
    %get3A_1 = arith.constant 0 : index
    %get3A_2 = vector.load %arg1[%get3A, %get3A_0, %get3A_1] : memref<2x1024x64xf32, #tpu.memory_space<vmem>>, vector<1x1024x64xf32>
    %get3A_3 = vector.shape_cast %get3A_2 : vector<1x1024x64xf32> to vector<1024x64xf32>
    %get3A_4 = arith.constant 1 : index
    %get3A_5 = arith.constant 0 : index
    %get3A_6 = arith.constant 0 : index
    %get3A_7 = vector.load %arg1[%get3A_4, %get3A_5, %get3A_6] : memref<2x1024x64xf32, #tpu.memory_space<vmem>>, vector<1x1024x64xf32>
    %get3A_8 = vector.shape_cast %get3A_7 : vector<1x1024x64xf32> to vector<1024x64xf32>
    %concatenate3A = tpu.concatenate %get3A_3, %get3A_8 in 1 : vector<1024x64xf32>, vector<1024x64xf32> -> vector<1024x128xf32>
    %get3A_9 = arith.constant 0 : index
    %get3A_10 = arith.constant 0 : index
    %get3A_11 = arith.constant 0 : index
    %get3A_12 = arith.constant 0 : index
    %get3A_13 = vector.load %arg2[%get3A_9, %get3A_10, %get3A_11, %get3A_12] : memref<2x2x1024x64xf32, #tpu.memory_space<vmem>>, vector<1x1x1024x64xf32>
    %get3A_14 = vector.shape_cast %get3A_13 : vector<1x1x1024x64xf32> to vector<1024x64xf32>
    %get3A_15 = arith.constant 1 : index
    %get3A_16 = arith.constant 0 : index
    %get3A_17 = arith.constant 0 : index
    %get3A_18 = arith.constant 0 : index
    %get3A_19 = vector.load %arg2[%get3A_15, %get3A_16, %get3A_17, %get3A_18] : memref<2x2x1024x64xf32, #tpu.memory_space<vmem>>, vector<1x1x1024x64xf32>
    %get3A_20 = vector.shape_cast %get3A_19 : vector<1x1x1024x64xf32> to vector<1024x64xf32>
    %concatenate3A_21 = tpu.concatenate %get3A_14, %get3A_20 in 1 : vector<1024x64xf32>, vector<1024x64xf32> -> vector<1024x128xf32>
    %get3A_22 = arith.constant 0 : index
    %get3A_23 = arith.constant 1 : index
    %get3A_24 = arith.constant 0 : index
    %get3A_25 = arith.constant 0 : index
    %get3A_26 = vector.load %arg2[%get3A_22, %get3A_23, %get3A_24, %get3A_25] : memref<2x2x1024x64xf32, #tpu.memory_space<vmem>>, vector<1x1x1024x64xf32>
    %get3A_27 = vector.shape_cast %get3A_26 : vector<1x1x1024x64xf32> to vector<1024x64xf32>
    %get3A_28 = arith.constant 1 : index
    %get3A_29 = arith.constant 1 : index
    %get3A_30 = arith.constant 0 : index
    %get3A_31 = arith.constant 0 : index
    %get3A_32 = vector.load %arg2[%get3A_28, %get3A_29, %get3A_30, %get3A_31] : memref<2x2x1024x64xf32, #tpu.memory_space<vmem>>, vector<1x1x1024x64xf32>
    %get3A_33 = vector.shape_cast %get3A_32 : vector<1x1x1024x64xf32> to vector<1024x64xf32>
    %concatenate3A_34 = tpu.concatenate %get3A_27, %get3A_33 in 1 : vector<1024x64xf32>, vector<1024x64xf32> -> vector<1024x128xf32>
    %get3A_35 = arith.constant 0 : index
    %get3A_36 = arith.constant 0 : index
    %get3A_37 = arith.constant 0 : index
    %get3A_38 = vector.load %arg3[%get3A_35, %get3A_36, %get3A_37] : memref<2x1024x16xf32, #tpu.memory_space<vmem>>, vector<1x1024x16xf32>
    %get3A_39 = vector.shape_cast %get3A_38 : vector<1x1024x16xf32> to vector<1024x16xf32>
    %slice3A = vector.extract_strided_slice %get3A_39 {offsets = [0, 0], sizes = [1024, 1], strides = [1, 1]} : vector<1024x16xf32> to vector<1024x1xf32>
    %max3A = arith.constant 1.000000e+00 : f32
    %max3A_40 = vector.broadcast %max3A : f32 to vector<1024x1xf32>
    %max3A_41 = arith.maximumf %slice3A, %max3A_40 : vector<1024x1xf32>
    %div3A = arith.constant 1.000000e+00 : f32
    %div3A_42 = vector.broadcast %div3A : f32 to vector<1024x1xf32>
    %div3A_43 = arith.divf %div3A_42, %max3A_41 : vector<1024x1xf32>
    %get3A_44 = arith.constant 1 : index
    %get3A_45 = arith.constant 0 : index
    %get3A_46 = arith.constant 0 : index
    %get3A_47 = vector.load %arg3[%get3A_44, %get3A_45, %get3A_46] : memref<2x1024x16xf32, #tpu.memory_space<vmem>>, vector<1x1024x16xf32>
    %get3A_48 = vector.shape_cast %get3A_47 : vector<1x1024x16xf32> to vector<1024x16xf32>
    %slice3A_49 = vector.extract_strided_slice %get3A_48 {offsets = [0, 0], sizes = [1024, 1], strides = [1, 1]} : vector<1024x16xf32> to vector<1024x1xf32>
    %max3A_50 = arith.constant 1.000000e+00 : f32
    %max3A_51 = vector.broadcast %max3A_50 : f32 to vector<1024x1xf32>
    %max3A_52 = arith.maximumf %slice3A_49, %max3A_51 : vector<1024x1xf32>
    %div3A_53 = arith.constant 1.000000e+00 : f32
    %div3A_54 = vector.broadcast %div3A_53 : f32 to vector<1024x1xf32>
    %div3A_55 = arith.divf %div3A_54, %max3A_52 : vector<1024x1xf32>
    %get3A_56 = arith.constant 0 : index
    %get3A_57 = arith.constant 0 : index
    %get3A_58 = vector.load %arg4[%get3A_56, %get3A_57] : memref<128x128xf32, #tpu.memory_space<vmem>>, vector<128x128xf32>
    %dot_general3A = arith.constant dense<0.000000e+00> : vector<1024x128xf32>
    %dot_general3A_59 = tpu.matmul %concatenate3A, %get3A_58, %dot_general3A {dimension_numbers = #tpu.dot_dimension_numbers<[1], [0], [0], [1], [0, 0, 1, 1], [], []>, transpose_lhs_hint = false} : vector<1024x128xf32>, vector<128x128xf32>, vector<1024x128xf32> -> vector<1024x128xf32>
    %get3A_60 = arith.constant 0 : index
    %get3A_61 = arith.constant 0 : index
    %get3A_62 = vector.load %arg6[%get3A_60, %get3A_61] : memref<1x128xf32, #tpu.memory_space<vmem>>, vector<1x128xf32>
    %add3A = vector.broadcast %get3A_62 : vector<1x128xf32> to vector<1024x128xf32>
    %add3A_63 = arith.addf %dot_general3A_59, %add3A : vector<1024x128xf32>
    %mul3A = vector.broadcast %div3A_43 : vector<1024x1xf32> to vector<1024x128xf32>
    %mul3A_64 = arith.mulf %concatenate3A_21, %mul3A : vector<1024x128xf32>
    %get3A_65 = arith.constant 0 : index
    %get3A_66 = arith.constant 0 : index
    %get3A_67 = arith.constant 0 : index
    %get3A_68 = vector.load %arg5[%get3A_65, %get3A_66, %get3A_67] : memref<2x128x128xf32, #tpu.memory_space<vmem>>, vector<1x128x128xf32>
    %get3A_69 = vector.shape_cast %get3A_68 : vector<1x128x128xf32> to vector<128x128xf32>
    %dot_general3A_70 = arith.constant dense<0.000000e+00> : vector<1024x128xf32>
    %dot_general3A_71 = tpu.matmul %mul3A_64, %get3A_69, %dot_general3A_70 {dimension_numbers = #tpu.dot_dimension_numbers<[1], [0], [0], [1], [0, 0, 1, 1], [], []>, transpose_lhs_hint = false} : vector<1024x128xf32>, vector<128x128xf32>, vector<1024x128xf32> -> vector<1024x128xf32>
    %add3A_72 = arith.addf %add3A_63, %dot_general3A_71 : vector<1024x128xf32>
    %mul3A_73 = vector.broadcast %div3A_55 : vector<1024x1xf32> to vector<1024x128xf32>
    %mul3A_74 = arith.mulf %concatenate3A_34, %mul3A_73 : vector<1024x128xf32>
    %get3A_75 = arith.constant 1 : index
    %get3A_76 = arith.constant 0 : index
    %get3A_77 = arith.constant 0 : index
    %get3A_78 = vector.load %arg5[%get3A_75, %get3A_76, %get3A_77] : memref<2x128x128xf32, #tpu.memory_space<vmem>>, vector<1x128x128xf32>
    %get3A_79 = vector.shape_cast %get3A_78 : vector<1x128x128xf32> to vector<128x128xf32>
    %dot_general3A_80 = arith.constant dense<0.000000e+00> : vector<1024x128xf32>
    %dot_general3A_81 = tpu.matmul %mul3A_74, %get3A_79, %dot_general3A_80 {dimension_numbers = #tpu.dot_dimension_numbers<[1], [0], [0], [1], [0, 0, 1, 1], [], []>, transpose_lhs_hint = false} : vector<1024x128xf32>, vector<128x128xf32>, vector<1024x128xf32> -> vector<1024x128xf32>
    %add3A_82 = arith.addf %add3A_72, %dot_general3A_81 : vector<1024x128xf32>
    %slice3A_83 = vector.extract_strided_slice %add3A_82 {offsets = [0, 0], sizes = [1024, 64], strides = [1, 1]} : vector<1024x128xf32> to vector<1024x64xf32>
    %swap3A = arith.constant 0 : index
    %swap3A_84 = arith.constant 0 : index
    %swap3A_85 = arith.constant 0 : index
    %swap3A_86 = vector.load %arg9[%swap3A, %swap3A_84, %swap3A_85] : memref<2x1024x64xf32, #tpu.memory_space<vmem>>, vector<1x1024x64xf32>
    %swap3A_87 = vector.shape_cast %swap3A_86 : vector<1x1024x64xf32> to vector<1024x64xf32>
    %swap3A_88 = vector.shape_cast %slice3A_83 : vector<1024x64xf32> to vector<1x1024x64xf32>
    tpu.vector_store %arg9[%swap3A, %swap3A_84, %swap3A_85], %swap3A_88 {strides = array<i32>} : memref<2x1024x64xf32, #tpu.memory_space<vmem>>, vector<1x1024x64xf32>,
    %slice3A_89 = vector.extract_strided_slice %add3A_82 {offsets = [0, 64], sizes = [1024, 64], strides = [1, 1]} : vector<1024x128xf32> to vector<1024x64xf32>
    %swap3A_90 = arith.constant 1 : index
    %swap3A_91 = arith.constant 0 : index
    %swap3A_92 = arith.constant 0 : index
    %swap3A_93 = vector.load %arg9[%swap3A_90, %swap3A_91, %swap3A_92] : memref<2x1024x64xf32, #tpu.memory_space<vmem>>, vector<1x1024x64xf32>
    %swap3A_94 = vector.shape_cast %swap3A_93 : vector<1x1024x64xf32> to vector<1024x64xf32>
    %swap3A_95 = vector.shape_cast %slice3A_89 : vector<1024x64xf32> to vector<1x1024x64xf32>
    tpu.vector_store %arg9[%swap3A_90, %swap3A_91, %swap3A_92], %swap3A_95 {strides = array<i32>} : memref<2x1024x64xf32, #tpu.memory_space<vmem>>, vector<1x1024x64xf32>,
    return
  }
  func.func @transform_0(%arg0: i32) -> (i32, i32, i32) {
    %c0_i32 = arith.constant 0 : i32
    %c0_i32_0 = arith.constant 0 : i32
    %c0_i32_1 = arith.constant 0 : i32
    return %c0_i32, %arg0, %c0_i32_0 : i32, i32, i32
  }
  func.func @transform_1(%arg0: i32) -> (i32, i32, i32, i32) {
    %c0_i32 = arith.constant 0 : i32
    %c0_i32_0 = arith.constant 0 : i32
    %c0_i32_1 = arith.constant 0 : i32
    %c0_i32_2 = arith.constant 0 : i32
    return %c0_i32, %c0_i32_0, %arg0, %c0_i32_1 : i32, i32, i32, i32
  }
  func.func @transform_2(%arg0: i32) -> (i32, i32, i32) {
    %c0_i32 = arith.constant 0 : i32
    %c0_i32_0 = arith.constant 0 : i32
    %c0_i32_1 = arith.constant 0 : i32
    return %c0_i32, %arg0, %c0_i32_0 : i32, i32, i32
  }
  func.func @transform_3(%arg0: i32) -> (i32, i32) {
    %c0_i32 = arith.constant 0 : i32
    %c0_i32_0 = arith.constant 0 : i32
    %c0_i32_1 = arith.constant 0 : i32
    return %c0_i32, %c0_i32_0 : i32, i32
  }
  func.func @transform_4(%arg0: i32) -> (i32, i32, i32) {
    %c0_i32 = arith.constant 0 : i32
    %c0_i32_0 = arith.constant 0 : i32
    %c0_i32_1 = arith.constant 0 : i32
    %c0_i32_2 = arith.constant 0 : i32
    return %c0_i32, %c0_i32_0, %c0_i32_1 : i32, i32, i32
  }
  func.func @transform_5(%arg0: i32) -> (i32, i32) {
    %c0_i32 = arith.constant 0 : i32
    %c0_i32_0 = arith.constant 0 : i32
    %c0_i32_1 = arith.constant 0 : i32
    return %c0_i32, %c0_i32_0 : i32, i32
  }
  func.func @transform_6(%arg0: i32) -> (i32, i32) {
    %c0_i32 = arith.constant 0 : i32
    %c0_i32_0 = arith.constant 0 : i32
    %c0_i32_1 = arith.constant 0 : i32
    return %c0_i32, %c0_i32_0 : i32, i32
  }
  func.func @transform_7(%arg0: i32) -> (i32, i32) {
    %c0_i32 = arith.constant 0 : i32
    %c0_i32_0 = arith.constant 0 : i32
    %c0_i32_1 = arith.constant 0 : i32
    return %c0_i32, %c0_i32_0 : i32, i32
  }
  func.func @transform_8(%arg0: i32) -> (i32, i32, i32) {
    %c0_i32 = arith.constant 0 : i32
    %c0_i32_0 = arith.constant 0 : i32
    %c0_i32_1 = arith.constant 0 : i32
    return %c0_i32, %arg0, %c0_i32_0 : i32, i32, i32
  }
}

module attributes {stable_mosaic.version = 14 : i64} {
  func.func @_combine_body(%arg0: i32, %arg1: memref<2x1024x64xf32, #tpu.memory_space<vmem>>, %arg2: memref<2x2x1024x64xf32, #tpu.memory_space<vmem>>, %arg3: memref<2x1024x16xf32, #tpu.memory_space<vmem>>, %arg4: memref<128x128xf32, #tpu.memory_space<vmem>>, %arg5: memref<2x128x128xf32, #tpu.memory_space<vmem>>, %arg6: memref<1x128xf32, #tpu.memory_space<vmem>>, %arg7: memref<128x128xf32, #tpu.memory_space<vmem>>, %arg8: memref<1x128xf32, #tpu.memory_space<vmem>>, %arg9: memref<1024x128xf32, #tpu.memory_space<vmem>>) attributes {dimension_semantics = [#tpu.dimension_semantics<arbitrary>], iteration_bounds = array<i64: 10>, scalar_prefetch = 0 : i64, scratch_operands = 0 : i64, tpu.core_type = #tpu.core_type<tc>, window_params = [{transform_indices = @transform_0, window_bounds = array<i64: 2, 1024, 64>}, {transform_indices = @transform_1, window_bounds = array<i64: 2, 2, 1024, 64>}, {transform_indices = @transform_2, window_bounds = array<i64: 2, 1024, 16>}, {pipeline_mode = #tpu.pipeline_mode<synchronous>, transform_indices = @transform_3, window_bounds = array<i64: 128, 128>}, {pipeline_mode = #tpu.pipeline_mode<synchronous>, transform_indices = @transform_4, window_bounds = array<i64: 2, 128, 128>}, {pipeline_mode = #tpu.pipeline_mode<synchronous>, transform_indices = @transform_5, window_bounds = array<i64: 1, 128>}, {pipeline_mode = #tpu.pipeline_mode<synchronous>, transform_indices = @transform_6, window_bounds = array<i64: 128, 128>}, {pipeline_mode = #tpu.pipeline_mode<synchronous>, transform_indices = @transform_7, window_bounds = array<i64: 1, 128>}, {transform_indices = @transform_8, window_bounds = array<i64: 1024, 128>}]} {
    %get3A = arith.constant 0 : index
    %get3A_0 = arith.constant 0 : index
    %get3A_1 = arith.constant 0 : index
    %get3A_2 = vector.load %arg1[%get3A, %get3A_0, %get3A_1] : memref<2x1024x64xf32, #tpu.memory_space<vmem>>, vector<1x1024x64xf32>
    %get3A_3 = vector.shape_cast %get3A_2 : vector<1x1024x64xf32> to vector<1024x64xf32>
    %get3A_4 = arith.constant 1 : index
    %get3A_5 = arith.constant 0 : index
    %get3A_6 = arith.constant 0 : index
    %get3A_7 = vector.load %arg1[%get3A_4, %get3A_5, %get3A_6] : memref<2x1024x64xf32, #tpu.memory_space<vmem>>, vector<1x1024x64xf32>
    %get3A_8 = vector.shape_cast %get3A_7 : vector<1x1024x64xf32> to vector<1024x64xf32>
    %concatenate3A = tpu.concatenate %get3A_3, %get3A_8 in 1 : vector<1024x64xf32>, vector<1024x64xf32> -> vector<1024x128xf32>
    %get3A_9 = arith.constant 0 : index
    %get3A_10 = arith.constant 0 : index
    %get3A_11 = arith.constant 0 : index
    %get3A_12 = arith.constant 0 : index
    %get3A_13 = vector.load %arg2[%get3A_9, %get3A_10, %get3A_11, %get3A_12] : memref<2x2x1024x64xf32, #tpu.memory_space<vmem>>, vector<1x1x1024x64xf32>
    %get3A_14 = vector.shape_cast %get3A_13 : vector<1x1x1024x64xf32> to vector<1024x64xf32>
    %get3A_15 = arith.constant 1 : index
    %get3A_16 = arith.constant 0 : index
    %get3A_17 = arith.constant 0 : index
    %get3A_18 = arith.constant 0 : index
    %get3A_19 = vector.load %arg2[%get3A_15, %get3A_16, %get3A_17, %get3A_18] : memref<2x2x1024x64xf32, #tpu.memory_space<vmem>>, vector<1x1x1024x64xf32>
    %get3A_20 = vector.shape_cast %get3A_19 : vector<1x1x1024x64xf32> to vector<1024x64xf32>
    %concatenate3A_21 = tpu.concatenate %get3A_14, %get3A_20 in 1 : vector<1024x64xf32>, vector<1024x64xf32> -> vector<1024x128xf32>
    %get3A_22 = arith.constant 0 : index
    %get3A_23 = arith.constant 1 : index
    %get3A_24 = arith.constant 0 : index
    %get3A_25 = arith.constant 0 : index
    %get3A_26 = vector.load %arg2[%get3A_22, %get3A_23, %get3A_24, %get3A_25] : memref<2x2x1024x64xf32, #tpu.memory_space<vmem>>, vector<1x1x1024x64xf32>
    %get3A_27 = vector.shape_cast %get3A_26 : vector<1x1x1024x64xf32> to vector<1024x64xf32>
    %get3A_28 = arith.constant 1 : index
    %get3A_29 = arith.constant 1 : index
    %get3A_30 = arith.constant 0 : index
    %get3A_31 = arith.constant 0 : index
    %get3A_32 = vector.load %arg2[%get3A_28, %get3A_29, %get3A_30, %get3A_31] : memref<2x2x1024x64xf32, #tpu.memory_space<vmem>>, vector<1x1x1024x64xf32>
    %get3A_33 = vector.shape_cast %get3A_32 : vector<1x1x1024x64xf32> to vector<1024x64xf32>
    %concatenate3A_34 = tpu.concatenate %get3A_27, %get3A_33 in 1 : vector<1024x64xf32>, vector<1024x64xf32> -> vector<1024x128xf32>
    %get3A_35 = arith.constant 0 : index
    %get3A_36 = arith.constant 0 : index
    %get3A_37 = arith.constant 0 : index
    %get3A_38 = vector.load %arg3[%get3A_35, %get3A_36, %get3A_37] : memref<2x1024x16xf32, #tpu.memory_space<vmem>>, vector<1x1024x16xf32>
    %get3A_39 = vector.shape_cast %get3A_38 : vector<1x1024x16xf32> to vector<1024x16xf32>
    %slice3A = vector.extract_strided_slice %get3A_39 {offsets = [0, 0], sizes = [1024, 1], strides = [1, 1]} : vector<1024x16xf32> to vector<1024x1xf32>
    %max3A = arith.constant 1.000000e+00 : f32
    %max3A_40 = vector.broadcast %max3A : f32 to vector<1024x1xf32>
    %max3A_41 = arith.maximumf %slice3A, %max3A_40 : vector<1024x1xf32>
    %div3A = arith.constant 1.000000e+00 : f32
    %div3A_42 = vector.broadcast %div3A : f32 to vector<1024x1xf32>
    %div3A_43 = arith.divf %div3A_42, %max3A_41 : vector<1024x1xf32>
    %get3A_44 = arith.constant 1 : index
    %get3A_45 = arith.constant 0 : index
    %get3A_46 = arith.constant 0 : index
    %get3A_47 = vector.load %arg3[%get3A_44, %get3A_45, %get3A_46] : memref<2x1024x16xf32, #tpu.memory_space<vmem>>, vector<1x1024x16xf32>
    %get3A_48 = vector.shape_cast %get3A_47 : vector<1x1024x16xf32> to vector<1024x16xf32>
    %slice3A_49 = vector.extract_strided_slice %get3A_48 {offsets = [0, 0], sizes = [1024, 1], strides = [1, 1]} : vector<1024x16xf32> to vector<1024x1xf32>
    %max3A_50 = arith.constant 1.000000e+00 : f32
    %max3A_51 = vector.broadcast %max3A_50 : f32 to vector<1024x1xf32>
    %max3A_52 = arith.maximumf %slice3A_49, %max3A_51 : vector<1024x1xf32>
    %div3A_53 = arith.constant 1.000000e+00 : f32
    %div3A_54 = vector.broadcast %div3A_53 : f32 to vector<1024x1xf32>
    %div3A_55 = arith.divf %div3A_54, %max3A_52 : vector<1024x1xf32>
    %get3A_56 = arith.constant 0 : index
    %get3A_57 = arith.constant 0 : index
    %get3A_58 = vector.load %arg4[%get3A_56, %get3A_57] : memref<128x128xf32, #tpu.memory_space<vmem>>, vector<128x128xf32>
    %dot_general3A = arith.constant dense<0.000000e+00> : vector<1024x128xf32>
    %dot_general3A_59 = tpu.matmul %concatenate3A, %get3A_58, %dot_general3A {dimension_numbers = #tpu.dot_dimension_numbers<[1], [0], [0], [1], [0, 0, 1, 1], [], []>, transpose_lhs_hint = false} : vector<1024x128xf32>, vector<128x128xf32>, vector<1024x128xf32> -> vector<1024x128xf32>
    %get3A_60 = arith.constant 0 : index
    %get3A_61 = arith.constant 0 : index
    %get3A_62 = vector.load %arg6[%get3A_60, %get3A_61] : memref<1x128xf32, #tpu.memory_space<vmem>>, vector<1x128xf32>
    %add3A = vector.broadcast %get3A_62 : vector<1x128xf32> to vector<1024x128xf32>
    %add3A_63 = arith.addf %dot_general3A_59, %add3A : vector<1024x128xf32>
    %mul3A = vector.broadcast %div3A_43 : vector<1024x1xf32> to vector<1024x128xf32>
    %mul3A_64 = arith.mulf %concatenate3A_21, %mul3A : vector<1024x128xf32>
    %get3A_65 = arith.constant 0 : index
    %get3A_66 = arith.constant 0 : index
    %get3A_67 = arith.constant 0 : index
    %get3A_68 = vector.load %arg5[%get3A_65, %get3A_66, %get3A_67] : memref<2x128x128xf32, #tpu.memory_space<vmem>>, vector<1x128x128xf32>
    %get3A_69 = vector.shape_cast %get3A_68 : vector<1x128x128xf32> to vector<128x128xf32>
    %dot_general3A_70 = arith.constant dense<0.000000e+00> : vector<1024x128xf32>
    %dot_general3A_71 = tpu.matmul %mul3A_64, %get3A_69, %dot_general3A_70 {dimension_numbers = #tpu.dot_dimension_numbers<[1], [0], [0], [1], [0, 0, 1, 1], [], []>, transpose_lhs_hint = false} : vector<1024x128xf32>, vector<128x128xf32>, vector<1024x128xf32> -> vector<1024x128xf32>
    %add3A_72 = arith.addf %add3A_63, %dot_general3A_71 : vector<1024x128xf32>
    %mul3A_73 = vector.broadcast %div3A_55 : vector<1024x1xf32> to vector<1024x128xf32>
    %mul3A_74 = arith.mulf %concatenate3A_34, %mul3A_73 : vector<1024x128xf32>
    %get3A_75 = arith.constant 1 : index
    %get3A_76 = arith.constant 0 : index
    %get3A_77 = arith.constant 0 : index
    %get3A_78 = vector.load %arg5[%get3A_75, %get3A_76, %get3A_77] : memref<2x128x128xf32, #tpu.memory_space<vmem>>, vector<1x128x128xf32>
    %get3A_79 = vector.shape_cast %get3A_78 : vector<1x128x128xf32> to vector<128x128xf32>
    %dot_general3A_80 = arith.constant dense<0.000000e+00> : vector<1024x128xf32>
    %dot_general3A_81 = tpu.matmul %mul3A_74, %get3A_79, %dot_general3A_80 {dimension_numbers = #tpu.dot_dimension_numbers<[1], [0], [0], [1], [0, 0, 1, 1], [], []>, transpose_lhs_hint = false} : vector<1024x128xf32>, vector<128x128xf32>, vector<1024x128xf32> -> vector<1024x128xf32>
    %add3A_82 = arith.addf %add3A_72, %dot_general3A_81 : vector<1024x128xf32>
    %get3A_83 = arith.constant 0 : index
    %get3A_84 = arith.constant 0 : index
    %get3A_85 = vector.load %arg7[%get3A_83, %get3A_84] : memref<128x128xf32, #tpu.memory_space<vmem>>, vector<128x128xf32>
    %dot_general3A_86 = arith.constant dense<0.000000e+00> : vector<1024x128xf32>
    %dot_general3A_87 = tpu.matmul %add3A_82, %get3A_85, %dot_general3A_86 {dimension_numbers = #tpu.dot_dimension_numbers<[1], [0], [0], [1], [0, 0, 1, 1], [], []>, transpose_lhs_hint = false} : vector<1024x128xf32>, vector<128x128xf32>, vector<1024x128xf32> -> vector<1024x128xf32>
    %get3A_88 = arith.constant 0 : index
    %get3A_89 = arith.constant 0 : index
    %get3A_90 = vector.load %arg8[%get3A_88, %get3A_89] : memref<1x128xf32, #tpu.memory_space<vmem>>, vector<1x128xf32>
    %add3A_91 = vector.broadcast %get3A_90 : vector<1x128xf32> to vector<1024x128xf32>
    %add3A_92 = arith.addf %dot_general3A_87, %add3A_91 : vector<1024x128xf32>
    %swap3A = arith.constant 0 : index
    %swap3A_93 = arith.constant 0 : index
    %swap3A_94 = vector.load %arg9[%swap3A, %swap3A_93] : memref<1024x128xf32, #tpu.memory_space<vmem>>, vector<1024x128xf32>
    tpu.vector_store %arg9[%swap3A, %swap3A_93], %add3A_92 {strides = array<i32>} : memref<1024x128xf32, #tpu.memory_space<vmem>>, vector<1024x128xf32>,
    return
  }
  func.func @transform_0(%arg0: i32) -> (i32, i32, i32) {
    %c0_i32 = arith.constant 0 : i32
    %c0_i32_0 = arith.constant 0 : i32
    %c0_i32_1 = arith.constant 0 : i32
    return %c0_i32, %arg0, %c0_i32_0 : i32, i32, i32
  }
  func.func @transform_1(%arg0: i32) -> (i32, i32, i32, i32) {
    %c0_i32 = arith.constant 0 : i32
    %c0_i32_0 = arith.constant 0 : i32
    %c0_i32_1 = arith.constant 0 : i32
    %c0_i32_2 = arith.constant 0 : i32
    return %c0_i32, %c0_i32_0, %arg0, %c0_i32_1 : i32, i32, i32, i32
  }
  func.func @transform_2(%arg0: i32) -> (i32, i32, i32) {
    %c0_i32 = arith.constant 0 : i32
    %c0_i32_0 = arith.constant 0 : i32
    %c0_i32_1 = arith.constant 0 : i32
    return %c0_i32, %arg0, %c0_i32_0 : i32, i32, i32
  }
  func.func @transform_3(%arg0: i32) -> (i32, i32) {
    %c0_i32 = arith.constant 0 : i32
    %c0_i32_0 = arith.constant 0 : i32
    %c0_i32_1 = arith.constant 0 : i32
    return %c0_i32, %c0_i32_0 : i32, i32
  }
  func.func @transform_4(%arg0: i32) -> (i32, i32, i32) {
    %c0_i32 = arith.constant 0 : i32
    %c0_i32_0 = arith.constant 0 : i32
    %c0_i32_1 = arith.constant 0 : i32
    %c0_i32_2 = arith.constant 0 : i32
    return %c0_i32, %c0_i32_0, %c0_i32_1 : i32, i32, i32
  }
  func.func @transform_5(%arg0: i32) -> (i32, i32) {
    %c0_i32 = arith.constant 0 : i32
    %c0_i32_0 = arith.constant 0 : i32
    %c0_i32_1 = arith.constant 0 : i32
    return %c0_i32, %c0_i32_0 : i32, i32
  }
  func.func @transform_6(%arg0: i32) -> (i32, i32) {
    %c0_i32 = arith.constant 0 : i32
    %c0_i32_0 = arith.constant 0 : i32
    %c0_i32_1 = arith.constant 0 : i32
    return %c0_i32, %c0_i32_0 : i32, i32
  }
  func.func @transform_7(%arg0: i32) -> (i32, i32) {
    %c0_i32 = arith.constant 0 : i32
    %c0_i32_0 = arith.constant 0 : i32
    %c0_i32_1 = arith.constant 0 : i32
    return %c0_i32, %c0_i32_0 : i32, i32
  }
  func.func @transform_8(%arg0: i32) -> (i32, i32) {
    %c0_i32 = arith.constant 0 : i32
    %c0_i32_0 = arith.constant 0 : i32
    return %arg0, %c0_i32 : i32, i32
  }
}

</mosaic_0001>

<sc_bundles>
// kernel: kernel.11.cloned.1.call-start
scs
__scs_entry_jumppad:
0x0: {  	(pc) =	sbr.rel $0x88, $3  }
0x1: {  	(tag) =	ssettag $0x0;
	lr =	simm.s32 $0x1  }
0x2: {  	[smem:$0x3F8F] =	sst lr;
	_ =	strace $0xD0000000  }
0x3: {  	_ = 	snop  }
0x4: {  	_ = 	snop  }
0x5: {  	_ = 	snop  }
0x6: {  	_ = 	snop  }
0x7: {  	_ = 	snop  }
__scs_overlays_trampoline_lowered:
0x8: {  	[smem:$0x3F9E] =	sst s0  }
0x9: {  	[smem:$0x3F9F] =	sst s1  }
0xa: {  	[smem:$0x3FA0] =	sst s2  }
0xb: {  	[smem:$0x3FA1] =	sst s3  }
0xc: {  	[smem:$0x3FA2] =	sst s4  }
0xd: {  	[smem:$0x3FA3] =	sst s5  }
0xe: {  	[smem:$0x3FA4] =	sst s6  }
0xf: {  	[smem:$0x3FA5] =	sst s7  }
0x10: {  	[smem:$0x3FA6] =	sst s8  }
0x11: {  	[smem:$0x3FA7] =	sst s9;
	s0 =	simm.s32 @!p0 $0x0  }
0x12: {  	s1 =	sld [smem:$0x3F8D];
	s0 =	simm.s32 @p0 $0x1  }
0x13: {  	[smem:$0x3FA8] =	sst s0;
	s0 =	simm.s32 @!p1 $0x0  }
0x14: {  	s2 =	sld [smem:$0x3F8C];
	s0 =	simm.s32 @p1 $0x1  }
0x15: {  	[smem:$0x3FA9] =	sst s0;
	s0 =	simm.s32 @!p2 $0x0  }
0x16: {  	s3 =	sld [smem:$0x3FDB];
	s0 =	simm.s32 @p2 $0x1  }
0x17: {  	s4 =	simm.s32 $0x1BF5;
	[smem:$0x3FAB] =	sst s0  }
0x18: {  	s0 =	sld [smem:$0x3F8E];
	_ =	swait.ge [sflag:s4], $0x0  }
0x19: {  	s7 =	sld [smem:$0x3F8F]  }
0x1a: {  	s8 =	sadd.s32 $0xFFFFE003, lr  }
0x1b: {  	s9 =	sadd.s32 $0xFFFFFEF7, lr;
	s5 =	simm.s32 $0xFFFFFFFF;
	p2 =	slt.u32 s8, $0xFFFFF086  }
0x1c: {  	p1 =	slt.u32 s9, $0xF7A;
	s5 =	simm.s32 @!p2 $0x0  }
0x1d: {  	s5 =	simm.s32 @p1 $0x1;
	p0 =	seq.s32 s7, s2  }
0x1e: {  	s7 =	smul.u32 @!p0 $0xF7A, s2;
	p2 =	seq.s32 @!p0 s5, $0x0  }
0x1f: {  	s9 =	smul.u32 $0xF7A, s1;
	s8 =	simm.s32 @!p0 $0x1BF5;
	p2 =	por !p2, p0  }
0x20: {  	[sflag:s8] =	ssyncset.s32 @!p0 $0xFFFFF086;
	s6 =	sadd.s32 @!p0 s3, s7;
	s7 =	simm.s32 @!p0 $0x108  }
0x21: {  	s3 =	sadd.s32 s3, s9;
	s6 =	sadd.s32 @!p0 $0x88, s6;
	s7 =	simm.s32 @p2 $0x1082  }
0x22: {  	[simem:s7], [sflag:s8] =	dma.local @!p0 [hbm:s6], $0xF7A  }
0x23: {  	s9 =	sor.u32 $0xD0000000, s2;
	s6 =	simm.s32 $0x108;
	_ =	swait.ge @!p0 [sflag:s8], $0x0  }
0x24: {  	s3 =	sadd.s32 $0x88, s3;
	s6 =	simm.s32 @!p1 $0x1082;
	[sflag:s4] =	ssyncset.s32 $0xFFFFF086  }
0x25: {  	[simem:s6], [sflag:s4] =	dma.local [hbm:s3], $0xF7A  }
0x26: {  	[smem:$0x3F8F] =	sst s1;
	(tag) =	ssettag s2;
	_ =	strace s9  }
0x27: {  	s1 =	sld [smem:$0x3F9F]  }
0x28: {  	s2 =	sld [smem:$0x3FA0]  }
0x29: {  	s4 =	sld [smem:$0x3FA2]  }
0x2a: {  	p0 =	seq.s32 s5, $0x0;
	s5 =	sld [smem:$0x3FA3]  }
0x2b: {  	s6 =	sld [smem:$0x3FA4]  }
0x2c: {  	s7 =	sld [smem:$0x3FA5]  }
0x2d: {  	s3 =	simm.s32 $0x108;
	s8 =	sld [smem:$0x3FA6]  }
0x2e: {  	s3 =	simm.s32 @!p0 $0x1082;
	s9 =	sld [smem:$0x3FA7]  }
0x2f: {  	lr =	sadd.s32 s0, s3;
	s0 =	sld [smem:$0x3F9E]  }
0x30: {  	s3 =	sld [smem:$0x3FA1]  }
0x31: {  	[smem:$0x3FAA] =	sst s10  }
0x32: {  	s10 =	sld [smem:$0x3FA8];
	_ =	sdelay $0x3  }
0x33: {  	p0 =	seq.s32 s10, $0x1;
	s10 =	sld [smem:$0x3FAA];
	_ =	sdelay $0x3  }
0x34: {  	[smem:$0x3FAA] =	sst s10  }
0x35: {  	s10 =	sld [smem:$0x3FA9];
	_ =	sdelay $0x3  }
0x36: {  	p1 =	seq.s32 s10, $0x1;
	s10 =	sld [smem:$0x3FAA];
	_ =	sdelay $0x3  }
0x37: {  	[smem:$0x3FAA] =	sst s10  }
0x38: {  	s10 =	sld [smem:$0x3FAB]  }
0x39: {  	_ = 	snop;
	(pc) =	sbr.ind lr, $3  }
0x3a: {  	_ = 	snop  }
0x3b: {  	_ = 	snop  }
0x3c: {  	p2 =	seq.s32 s10, $0x1;
	s10 =	sld [smem:$0x3FAA]  }
0x3d: {  	_ =	shalt  }
0x3e: {  	_ =	shalt  }
0x3f: {  	_ =	shalt  }
0x40: {  	_ =	shalt  }
0x41: {  	_ =	shalt  }
0x42: {  	_ =	shalt  }
0x43: {  	_ =	shalt  }
0x44: {  	_ =	shalt  }
0x45: {  	_ =	shalt  }
0x46: {  	_ =	shalt  }
0x47: {  	_ =	shalt  }
0x48: {  	_ =	shalt  }
0x49: {  	_ =	shalt  }
0x4a: {  	_ =	shalt  }
0x4b: {  	_ =	shalt  }
0x4c: {  	_ =	shalt  }
0x4d: {  	_ =	shalt  }
0x4e: {  	_ =	shalt  }
0x4f: {  	_ =	shalt  }
0x50: {  	_ =	shalt  }
0x51: {  	_ =	shalt  }
0x52: {  	_ =	shalt  }
0x53: {  	_ =	shalt  }
0x54: {  	_ =	shalt  }
0x55: {  	_ =	shalt  }
0x56: {  	_ =	shalt  }
0x57: {  	_ =	shalt  }
0x58: {  	_ =	shalt  }
0x59: {  	_ =	shalt  }
0x5a: {  	_ =	shalt  }
0x5b: {  	_ =	shalt  }
0x5c: {  	_ =	shalt  }
0x5d: {  	_ =	shalt  }
0x5e: {  	_ =	shalt  }
0x5f: {  	_ =	shalt  }
0x60: {  	_ =	shalt  }
0x61: {  	_ =	shalt  }
0x62: {  	_ =	shalt  }
0x63: {  	_ =	shalt  }
0x64: {  	_ =	shalt  }
0x65: {  	_ =	shalt  }
0x66: {  	_ =	shalt  }
0x67: {  	_ =	shalt  }
0x68: {  	_ =	shalt  }
0x69: {  	_ =	shalt  }
0x6a: {  	_ =	shalt  }
0x6b: {  	_ =	shalt  }
0x6c: {  	_ =	shalt  }
0x6d: {  	_ =	shalt  }
0x6e: {  	_ =	shalt  }
0x6f: {  	_ =	shalt  }
0x70: {  	_ =	shalt  }
0x71: {  	_ =	shalt  }
0x72: {  	_ =	shalt  }
0x73: {  	_ =	shalt  }
0x74: {  	_ =	shalt  }
0x75: {  	_ =	shalt  }
0x76: {  	_ =	shalt  }
0x77: {  	_ =	shalt  }
0x78: {  	_ =	shalt  }
0x79: {  	_ =	shalt  }
0x7a: {  	_ =	shalt  }
0x7b: {  	_ =	shalt  }
0x7c: {  	_ =	shalt  }
0x7d: {  	_ =	shalt  }
0x7e: {  	_ =	shalt  }
0x7f: {  	_ =	shalt  }
0x80: {  	_ =	shalt  }
0x81: {  	_ =	shalt  }
0x82: {  	_ =	shalt  }
0x83: {  	_ =	shalt  }
0x84: {  	_ =	shalt  }
0x85: {  	_ =	shalt  }
0x86: {  	_ =	shalt  }
0x87: {  	_ =	shalt  }
.Lfunc_end0:
.L_simem_size_0:
called_computation.1_lowered:
.L_overlay_start_0:
0x88: {  	s2 =	sld [smem:$0x3FD9]  }
0x89: {  	s3 =	sld [smem:$0x3FFE];
	_ =	sdelay $0x1  }
0x8a: {  	s1 =	srdreg.scid  }
0x8b: {  	s0 =	sand.u32 $0x1, s1  }
0x8c: {  	s17 =	sshll.u32 s0, $0xA;
	s2 =	sadd.s32 s3, s2  }
0x8d: {  	s2 =	sadd.s32 s2, s17  }
0x8e: {  	[smem:$0x3FB6] =	sst s2  }
0x8f: {  	_ = 	snop  }
0x90: {  	s2 =	sld [smem:$0x3FD0];
	(tm) =	ssettm $0x1  }
0x91: {  	s18 =	sld [smem:$0x3FFB];
	_ =	sdelay $0x3  }
0x92: {  	_ =	strace s18  }
0x93: {  	s3 =	sld [smem:$0x3FFC];
	_ =	sdelay $0x3  }
0x94: {  	_ =	strace s3  }
0x95: {  	s3 =	sld [smem:$0x3FFD];
	_ =	sdelay $0x3  }
0x96: {  	_ =	strace s3  }
0x97: {  	_ =	strace $0x8FFFFFFF  }
0x98: {  	s19 =	sld [smem:$0x3FDB];
	_ =	sdelay $0x1  }
0x99: {  	s4 =	simm.s32 $_scs_section_size  }
0x9a: {  	s5 =	simm.s32 $_size__tile_overlayer_lowered;
	s6 =	simm.s32 $_tile_overlayer_lowered  }
0x9b: {  	s22 =	simm.s32 $0x1BFF;
	s21 =	sshll.u32 s6, $0x1;
	s3 =	sadd.s32 s4, s19  }
0x9c: {  	s7 =	simm.s32 $0x0;
	s20 =	sshll.u32 s5, $0x1;
	s5 =	sadd.s32 s21, s3  }
0x9d: {  	[timem:s7], [sflag:s22] =	dma.local [hbm:s5], s20  }
0x9e: {  	_ =	swait.ge [sflag:s22], s20  }
0x9f: {  	s4 =	ssub.s32 $0x0, s20;
	[sflag:s22] =	ssyncset.done $0x0  }
0xa0: {  	[sflag:s22] =	ssyncadd.s32 s4;
	_ =	sdelay $0x1  }
0xa1: {  	s23 =	simm.s32 $0x1B8B  }
0xa2: {  	_ =	swait.ge [sflag:s23], $0x1  }
0xa3: {  	[sflag:s23] =	ssyncset.done $0x0  }
0xa4: {  	s25 =	simm.s32 $0x1B8E;
	s24 =	sld [smem:$0x3FFE];
	[sflag:s23] =	ssyncadd.s32 $0xFFFFFFFF  }
0xa5: {  	s26 =	simm.s32 $execute0_lowered;
	[smem:$0x3FD2] =	sst s25  }
0xa6: {  	s5 =	sshll.u32 s26, $0x1;
	_ =	strace $0x80000049;
	[dreg:$0x1] =	wrdreg $0xFFFFFFFF  }
0xa7: {  	s28 =	simm.s32 $_size_execute0_lowered;
	s3 =	sadd.s32 s3, s5;
	[dreg:$0x0] =	wrdreg $0x0  }
0xa8: {  	s5 =	sshll.u32 s28, $0x1;
	[dreg:$0x2] =	wrdreg s3  }
0xa9: {  	[dreg:$0x3] =	wrdreg s5  }
0xaa: {  	[dreg:$0x4] =	wrdreg $0xC0  }
0xab: {  	_ =	task [dreg:s7], $0x5FFFF  }
0xac: {  	[dreg:$0x1] =	wrdreg $0xFFFFFFFF  }
0xad: {  	[dreg:$0x0] =	wrdreg $0x60  }
0xae: {  	[dreg:$0x2] =	wrdreg s24  }
0xaf: {  	[dreg:$0x3] =	wrdreg s2  }
0xb0: {  	[dreg:$0x4] =	wrdreg $0x139000  }
0xb1: {  	[dreg:$0x5] =	wrdreg $0x0  }
0xb2: {  	[dreg:$0x6] =	wrdreg $0x9  }
0xb3: {  	_ =	task.clear_ibuf [dreg:s7], $0x7FFFF;
	_ =	strace $0x90000049  }
0xb4: {  	s29 =	simm.s32 $0x9;
	_ =	strace $0x8000004B  }
0xb5: {  	_ =	swait.ge [sflag:s29], $0x1  }
0xb6: {  	[sflag:s29] =	ssyncadd.s32 $0xFFFFFFFF  }
0xb7: {  	_ =	strace $0x9000004B  }
0xb8: {  	_ =	sfence  }
0xb9: {  	s30 =	sld [smem:$0x0];
	_ =	sdelay $0x2  }
0xba: {  	s31 =	sshll.u32 s1, $0xD;
	s1 =	sshrl.u32 s1, $0x2  }
0xbb: {  	s3 =	sand.u32 $0x4000, s31;
	s1 =	sadd.s32 s1, s30  }
0xbc: {  	s0 =	sor.u32 s3, s0;
	s1 =	sshll.u32 s1, $0x11  }
0xbd: {  	s0 =	sor.u32 s1, s0  }
0xbe: {  	s0 =	sadd.s32 $0x8F2B, s0  }
0xbf: {  	[sflag:s0] =	ssyncadd.remote.s32 $0x1  }
0xc0: {  	_ =	sfence.sel $0xFFFF  }
0xc1: {  	[dreg:$0x0] =	wrdreg $0xFFFFFFFF;
	(pc) =	sbr.abs _section_cstart, $3  }
0xc2: {  	[dreg:$0x1] =	wrdreg $0xFFFFFFFF  }
0xc3: {  	_ =	task.clear_ibuf [dreg:s7], $0x2FFFF;
	_ =	strace $0x9FFFFFFF  }
0xc4: {  	(tm) =	ssettm $0x7FFFFFFF  }
0xc5: {  	_ =	shalt  }
tec
execute0_lowered:
.L_overlay_start_1:
0x0: {  	(tag) =	ssettag $0x1  }
0x1: {  	s0 =	rddreg [dreg:$0x0]  }
0x2: {  	s1 =	rddreg [dreg:$0x1]  }
0x3: {  	s2 =	rddreg [dreg:$0x2];
	s12 =	stileid.u32  }
0x4: {  	s4 =	srdreg.scid;
	s7 =	smul.u32 $0x1390, s12  }
0x5: {  	s3 =	rddreg [dreg:$0x3];
	s14 =	smul.u32 $0x27200, s12  }
0x6: {  	s29 =	simm.s32 $0x7;
	s28 =	simm.s32 $0x5;
	s15 =	smul.u32 $0x4E400, s12  }
0x7: {  	s30 =	simm.s32 $0x2;
	s5 =	sand.u32 $0x1, s4;
	s21 =	smul.u32 $0xA00, s12  }
0x8: {  	s4 =	simm.s32 $0x0;
	s9 =	sshrl.u32 s12, $0x3;
	s6 =	smul.u32 $0x13900, s5  }
0x9: {  	s10 =	sand.u32 $0x7, s12;
	s26 =	sadd.s32 $0x22200, s0;
	s8 =	smul.u32 $0x139000, s5  }
0xa: {  	s11 =	sadd.s32 $0x3A00, s0;
	s18 =	sshll.u32 s12, $0x6;
	s9 =	smul.u32 $0x9C800, s9  }
0xb: {  	[smem:$0x7FF] =	sst s4;
	s25 =	smul.u32 $0x13900, s10;
	s5 =	ssub.s32 $0x2, s5  }
0xc: {  	s16 =	sor.u32 $0x1C07, s18;
	s18 =	simm.s32 $0x1D780;
	_ =	strace $0x8000004A  }
0xd: {  	[dreg:$0x7] =	wrdreg s11;
	s13 =	sshrl.u32 s5, $0x1;
	s17 =	sshrl.u32 s14, $0x2  }
0xe: {  	s11 =	smul.u32 $0x5000, s12;
	s19 =	sshrl.u32 s15, $0x2;
	s24 =	sadd.s32 s21, s26  }
0xf: {  	[dreg:$0x9] =	wrdreg s16;
	s14 =	simm.s32 $0x1D680;
	s6 =	sadd.s32 s7, s6  }
0x10: {  	s8 =	sadd.s32 s8, s9;
	s5 =	ssub.s32 s5, s13;
	[dreg:$0x5] =	wrdreg s24  }
0x11: {  	s6 =	sadd.s32 s6, s0;
	s7 =	sadd.s32 s25, s8;
	s8 =	sadd.s32 s17, s2  }
0x12: {  	s20 =	sshrl.u32 s11, $0x3;
	s25 =	smax.u32 s5, $0x1;
	s17 =	simm.s32 $0x1D580  }
0x13: {  	s7 =	sshrl.u32 s7, $0x3;
	s6 =	sadd.s32 $0x7A600, s6;
	s11 =	sadd.s32 s1, s20  }
0x14: {  	s22 =	sor.u32 $0x40, s20;
	[dreg:$0xf] =	wrdreg s25;
	s25 =	simm.s32 $0x1ED80  }
0x15: {  	s0 =	sadd.s32 s7, s0;
	[dreg:$0x8] =	wrdreg s6;
	s6 =	sadd.s32 s19, s3  }
0x16: {  	[dreg:$0xa] =	wrdreg s11;
	s7 =	sadd.s32 s26, s20;
	s23 =	sadd.s32 s1, s22  }
0x17: {  	s10 =	sadd.s32 s26, s22;
	s1 =	sadd.s32 s21, s1;
	[dreg:$0xb] =	wrdreg s7  }
0x18: {  	s26 =	sshrl.u32 s8, $0x3;
	s19 =	simm.s32 $0x3;
	[dreg:$0xc] =	wrdreg s23  }
0x19: {  	s20 =	simm.s32 $0x1D980;
	s21 =	simm.s32 $0x1DB80;
	[dreg:$0xd] =	wrdreg s10  }
0x1a: {  	s22 =	simm.s32 $0x40;
	s0 =	sadd.s32 $0xA1800, s0;
	[dreg:$0x6] =	wrdreg s1  }
0x1b: {  	[dreg:$0x10] =	wrdreg s26;
	s31 =	sshrl.u32 s6, $0x3;
	s23 =	simm.s32 $0x1DD80  }
0x1c: {  	s26 =	simm.s32 $0x1;
	s7 =	simm.s32 $0x4;
	[dreg:$0xe] =	wrdreg s0  }
0x1d: {  	s1 =	simm.s32 $0x0;
	s0 =	simm.s32 $0x6;
	[dreg:$0x11] =	wrdreg s31  }
.LBB2_1:
0x1e: {  	[dreg:$0x12] =	wrdreg s1  }
0x1f: {  	s15 =	rddreg [dreg:$0x8]  }
0x20: {  	s24 =	rddreg [dreg:$0x10]  }
0x21: {  	[spmem:s24], [sflag:s16] =	dma.local [hbm:s15], $0x1390  }
0x22: {  	_ =	swait.ge [sflag:s29], $0x1390  }
0x23: {  	[sflag:s29] =	ssyncset.done $0x0  }
0x24: {  	s9 =	rddreg [dreg:$0x7];
	[sflag:s29] =	ssyncadd.s32 $0xFFFFEC70  }
0x25: {  	[spmem:s31], [sflag:s16] =	dma.local [hbm:s9], $0x2720  }
0x26: {  	_ =	swait.ge [sflag:s29], $0x2720  }
0x27: {  	[sflag:s29] =	ssyncset.done $0x0  }
0x28: {  	s10 =	rddreg [dreg:$0xa];
	[sflag:s29] =	ssyncadd.s32 $0xFFFFD8E0  }
0x29: {  	[tilespmem:s17], [sflag:$0x3] =	stream.linear.gather [hbm4b:s10+s4], $0x200, $0x38;
	[tilespmem:$0x1FD80] =	vst v63  }
0x2a: {  	s11 =	rddreg [dreg:$0xb]  }
0x2b: {  	[tilespmem:s18], [sflag:$0x3] =	stream.linear.gather [hbm4b:s11+s4], $0x200, $0x38;
	[tilespmem:$0x1FD80] =	vst v63  }
0x2c: {  	[bflag:$0x0] =	sbarrier.arrive $0xFFFF  }
0x2d: {  	_ =	swait.ge [sflag:s19], $0x200  }
0x2e: {  	[sflag:s19] =	ssyncset.done $0x0  }
0x2f: {  	[sflag:s19] =	ssyncadd.s32 $0xFFFFFE00  }
0x30: {  	_ =	swait.ge [sflag:s19], $0x200  }
0x31: {  	[sflag:s19] =	ssyncset.done $0x0  }
0x32: {  	s12 =	rddreg [dreg:$0xc];
	[sflag:s19] =	ssyncadd.s32 $0xFFFFFE00  }
0x33: {  	[tilespmem:s20], [sflag:$0x4] =	stream.linear.gather [hbm4b:s12+s4], $0x200, $0x38;
	[tilespmem:$0x1FD80] =	vst v63  }
0x34: {  	s13 =	rddreg [dreg:$0xd]  }
0x35: {  	[tilespmem:s21], [sflag:$0x4] =	stream.linear.gather [hbm4b:s13+s4], $0x200, $0x38;
	[tilespmem:$0x1FD80] =	vst v63  }
0x36: {  	_ = 	snop  }
0x37: {  	[tilespmem:s23], [sflag:$0x1] =	stream.indirect.gather [spmem:s2], $0x40, s17, s22, $0xb8;
	[tilespmem:$0x1FD80] =	vst v63  }
0x38: {  	s29 =	simm.s32 $0x1D5C0  }
0x39: {  	[tilespmem:s25], [sflag:$0x2] =	stream.indirect.gather [spmem:s2], $0x40, s29, s22, $0xb8;
	[tilespmem:$0x1FD80] =	vst v63  }
0x3a: {  	_ =	swait.ge [sflag:s26], $0x1000  }
0x3b: {  	[sflag:s26] =	ssyncset.done $0x0  }
0x3c: {  	[sflag:s26] =	ssyncadd.s32 $0xFFFFF000  }
0x3d: {  	[spmem:s3] =	stream.indirect.scatter.add.f32 [tilespmem:s23], [sflag:$0x5], $0x40, s18, s22, $0xb8;
	[tilespmem:$0x1FD80] =	vst v63  }
0x3e: {  	_ =	swait.ge [sflag:s28], $0x1000  }
0x3f: {  	[sflag:s28] =	ssyncset.done $0x0  }
0x40: {  	s31 =	simm.s32 $0x1D600;
	[sflag:s28] =	ssyncadd.s32 $0xFFFFF000  }
0x41: {  	[tilespmem:s23], [sflag:$0x1] =	stream.indirect.gather [spmem:s2], $0x40, s31, s22, $0xb8;
	[tilespmem:$0x1FD80] =	vst v63  }
0x42: {  	_ =	swait.ge [sflag:s30], $0x1000  }
0x43: {  	[sflag:s30] =	ssyncset.done $0x0  }
0x44: {  	s1 =	simm.s32 $0x1D7C0;
	[sflag:s30] =	ssyncadd.s32 $0xFFFFF000  }
0x45: {  	[spmem:s3] =	stream.indirect.scatter.add.f32 [tilespmem:s25], [sflag:$0x6], $0x40, s1, s22, $0xb8;
	[tilespmem:$0x1FD80] =	vst v63  }
0x46: {  	_ =	swait.ge [sflag:s0], $0x1000  }
0x47: {  	[sflag:s0] =	ssyncset.done $0x0  }
0x48: {  	s5 =	simm.s32 $0x1D640;
	[sflag:s0] =	ssyncadd.s32 $0xFFFFF000  }
0x49: {  	[tilespmem:s25], [sflag:$0x2] =	stream.indirect.gather [spmem:s2], $0x40, s5, s22, $0xb8;
	[tilespmem:$0x1FD80] =	vst v63  }
0x4a: {  	_ =	swait.ge [sflag:s26], $0x1000  }
0x4b: {  	[sflag:s26] =	ssyncset.done $0x0  }
0x4c: {  	s6 =	simm.s32 $0x1D800;
	[sflag:s26] =	ssyncadd.s32 $0xFFFFF000  }
0x4d: {  	[spmem:s3] =	stream.indirect.scatter.add.f32 [tilespmem:s23], [sflag:$0x5], $0x40, s6, s22, $0xb8;
	[tilespmem:$0x1FD80] =	vst v63  }
0x4e: {  	_ =	swait.ge [sflag:s28], $0x1000  }
0x4f: {  	[sflag:s28] =	ssyncset.done $0x0  }
0x50: {  	s8 =	simm.s32 $0x1D680;
	[sflag:s28] =	ssyncadd.s32 $0xFFFFF000  }
0x51: {  	[tilespmem:s23], [sflag:$0x1] =	stream.indirect.gather [spmem:s2], $0x40, s8, s22, $0xb8;
	[tilespmem:$0x1FD80] =	vst v63  }
0x52: {  	_ =	swait.ge [sflag:s30], $0x1000  }
0x53: {  	[sflag:s30] =	ssyncset.done $0x0  }
0x54: {  	s9 =	simm.s32 $0x1D840;
	[sflag:s30] =	ssyncadd.s32 $0xFFFFF000  }
0x55: {  	[spmem:s3] =	stream.indirect.scatter.add.f32 [tilespmem:s25], [sflag:$0x6], $0x40, s9, s22, $0xb8;
	[tilespmem:$0x1FD80] =	vst v63  }
0x56: {  	_ =	swait.ge [sflag:s0], $0x1000  }
0x57: {  	[sflag:s0] =	ssyncset.done $0x0  }
0x58: {  	s10 =	simm.s32 $0x1D6C0;
	[sflag:s0] =	ssyncadd.s32 $0xFFFFF000  }
0x59: {  	[tilespmem:s25], [sflag:$0x2] =	stream.indirect.gather [spmem:s2], $0x40, s10, s22, $0xb8;
	[tilespmem:$0x1FD80] =	vst v63  }
0x5a: {  	_ =	swait.ge [sflag:s26], $0x1000  }
0x5b: {  	[sflag:s26] =	ssyncset.done $0x0  }
0x5c: {  	s11 =	simm.s32 $0x1D880;
	[sflag:s26] =	ssyncadd.s32 $0xFFFFF000  }
0x5d: {  	[spmem:s3] =	stream.indirect.scatter.add.f32 [tilespmem:s23], [sflag:$0x5], $0x40, s11, s22, $0xb8;
	[tilespmem:$0x1FD80] =	vst v63  }
0x5e: {  	_ =	swait.ge [sflag:s28], $0x1000  }
0x5f: {  	[sflag:s28] =	ssyncset.done $0x0  }
0x60: {  	s12 =	simm.s32 $0x1D700;
	[sflag:s28] =	ssyncadd.s32 $0xFFFFF000  }
0x61: {  	[tilespmem:s23], [sflag:$0x1] =	stream.indirect.gather [spmem:s2], $0x40, s12, s22, $0xb8;
	[tilespmem:$0x1FD80] =	vst v63  }
0x62: {  	_ =	swait.ge [sflag:s30], $0x1000  }
0x63: {  	[sflag:s30] =	ssyncset.done $0x0  }
0x64: {  	s13 =	simm.s32 $0x1D8C0;
	[sflag:s30] =	ssyncadd.s32 $0xFFFFF000  }
0x65: {  	[spmem:s3] =	stream.indirect.scatter.add.f32 [tilespmem:s25], [sflag:$0x6], $0x40, s13, s22, $0xb8;
	[tilespmem:$0x1FD80] =	vst v63  }
0x66: {  	_ =	swait.ge [sflag:s0], $0x1000  }
0x67: {  	[sflag:s0] =	ssyncset.done $0x0  }
0x68: {  	s16 =	simm.s32 $0x1D740;
	[sflag:s0] =	ssyncadd.s32 $0xFFFFF000  }
0x69: {  	[tilespmem:s25], [sflag:$0x2] =	stream.indirect.gather [spmem:s2], $0x40, s16, s22, $0xb8;
	[tilespmem:$0x1FD80] =	vst v63  }
0x6a: {  	_ =	swait.ge [sflag:s26], $0x1000  }
0x6b: {  	[sflag:s26] =	ssyncset.done $0x0  }
0x6c: {  	s24 =	simm.s32 $0x1D900;
	[sflag:s26] =	ssyncadd.s32 $0xFFFFF000  }
0x6d: {  	[spmem:s3] =	stream.indirect.scatter.add.f32 [tilespmem:s23], [sflag:$0x5], $0x40, s24, s22, $0xb8;
	[tilespmem:$0x1FD80] =	vst v63  }
0x6e: {  	_ =	swait.ge [sflag:s30], $0x1000  }
0x6f: {  	[sflag:s30] =	ssyncset.done $0x0  }
0x70: {  	s15 =	simm.s32 $0x1D940;
	[sflag:s30] =	ssyncadd.s32 $0xFFFFF000  }
0x71: {  	[spmem:s3] =	stream.indirect.scatter.add.f32 [tilespmem:s25], [sflag:$0x6], $0x40, s15, s22, $0xb8;
	[tilespmem:$0x1FD80] =	vst v63  }
0x72: {  	_ =	swait.ge [sflag:s28], $0x1000  }
0x73: {  	[sflag:s28] =	ssyncset.done $0x0  }
0x74: {  	[sflag:s28] =	ssyncadd.s32 $0xFFFFF000  }
0x75: {  	_ =	swait.ge [sflag:s7], $0x200  }
0x76: {  	[sflag:s7] =	ssyncset.done $0x0  }
0x77: {  	[sflag:s7] =	ssyncadd.s32 $0xFFFFFE00  }
0x78: {  	_ =	swait.ge [sflag:s7], $0x200  }
0x79: {  	s16 =	rddreg [dreg:$0x6]  }
0x7a: {  	s24 =	rddreg [dreg:$0x5];
	[sflag:s7] =	ssyncset.done $0x0;
	s15 =	sadd.s32 $0xFFFFF680, s16  }
0x7b: {  	[sflag:s7] =	ssyncadd.s32 $0xFFFFFE00;
	s16 =	sadd.s32 $0xFFFFF680, s24;
	s13 =	sadd.s32 $0xA00, s15  }
0x7c: {  	[tilespmem:s17], [sflag:$0x3] =	stream.linear.gather [hbm4b:s13+s4], $0x200, $0x38;
	[tilespmem:$0x1FD80] =	vst v63  }
0x7d: {  	s13 =	sadd.s32 $0xA00, s16  }
0x7e: {  	[tilespmem:s18], [sflag:$0x3] =	stream.linear.gather [hbm4b:s13+s4], $0x200, $0x38;
	[tilespmem:$0x1FD80] =	vst v63  }
0x7f: {  	_ = 	snop  }
0x80: {  	[tilespmem:s23], [sflag:$0x1] =	stream.indirect.gather [spmem:s2], $0x40, s20, s22, $0xb8;
	[tilespmem:$0x1FD80] =	vst v63  }
0x81: {  	_ =	swait.ge [sflag:s0], $0x1000  }
0x82: {  	[sflag:s0] =	ssyncset.done $0x0  }
0x83: {  	s13 =	simm.s32 $0x1D9C0;
	[sflag:s0] =	ssyncadd.s32 $0xFFFFF000  }
0x84: {  	[tilespmem:s25], [sflag:$0x2] =	stream.indirect.gather [spmem:s2], $0x40, s13, s22, $0xb8;
	[tilespmem:$0x1FD80] =	vst v63  }
0x85: {  	_ =	swait.ge [sflag:s26], $0x1000  }
0x86: {  	[sflag:s26] =	ssyncset.done $0x0  }
0x87: {  	[sflag:s26] =	ssyncadd.s32 $0xFFFFF000  }
0x88: {  	[spmem:s3] =	stream.indirect.scatter.add.f32 [tilespmem:s23], [sflag:$0x5], $0x40, s21, s22, $0xb8;
	[tilespmem:$0x1FD80] =	vst v63  }
0x89: {  	_ =	swait.ge [sflag:s28], $0x1000  }
0x8a: {  	[sflag:s28] =	ssyncset.done $0x0  }
0x8b: {  	s13 =	simm.s32 $0x1DA00;
	[sflag:s28] =	ssyncadd.s32 $0xFFFFF000  }
0x8c: {  	[tilespmem:s23], [sflag:$0x1] =	stream.indirect.gather [spmem:s2], $0x40, s13, s22, $0xb8;
	[tilespmem:$0x1FD80] =	vst v63  }
0x8d: {  	_ =	swait.ge [sflag:s30], $0x1000  }
0x8e: {  	[sflag:s30] =	ssyncset.done $0x0  }
0x8f: {  	s13 =	simm.s32 $0x1DBC0;
	[sflag:s30] =	ssyncadd.s32 $0xFFFFF000  }
0x90: {  	[spmem:s3] =	stream.indirect.scatter.add.f32 [tilespmem:s25], [sflag:$0x6], $0x40, s13, s22, $0xb8;
	[tilespmem:$0x1FD80] =	vst v63  }
0x91: {  	_ =	swait.ge [sflag:s0], $0x1000  }
0x92: {  	[sflag:s0] =	ssyncset.done $0x0  }
0x93: {  	s13 =	simm.s32 $0x1DA40;
	[sflag:s0] =	ssyncadd.s32 $0xFFFFF000  }
0x94: {  	[tilespmem:s25], [sflag:$0x2] =	stream.indirect.gather [spmem:s2], $0x40, s13, s22, $0xb8;
	[tilespmem:$0x1FD80] =	vst v63  }
0x95: {  	_ =	swait.ge [sflag:s26], $0x1000  }
0x96: {  	[sflag:s26] =	ssyncset.done $0x0  }
0x97: {  	s13 =	simm.s32 $0x1DC00;
	[sflag:s26] =	ssyncadd.s32 $0xFFFFF000  }
0x98: {  	[spmem:s3] =	stream.indirect.scatter.add.f32 [tilespmem:s23], [sflag:$0x5], $0x40, s13, s22, $0xb8;
	[tilespmem:$0x1FD80] =	vst v63  }
0x99: {  	_ =	swait.ge [sflag:s28], $0x1000  }
0x9a: {  	[sflag:s28] =	ssyncset.done $0x0  }
0x9b: {  	s13 =	simm.s32 $0x1DA80;
	[sflag:s28] =	ssyncadd.s32 $0xFFFFF000  }
0x9c: {  	[tilespmem:s23], [sflag:$0x1] =	stream.indirect.gather [spmem:s2], $0x40, s13, s22, $0xb8;
	[tilespmem:$0x1FD80] =	vst v63  }
0x9d: {  	_ =	swait.ge [sflag:s30], $0x1000  }
0x9e: {  	[sflag:s30] =	ssyncset.done $0x0  }
0x9f: {  	s13 =	simm.s32 $0x1DC40;
	[sflag:s30] =	ssyncadd.s32 $0xFFFFF000  }
0xa0: {  	[spmem:s3] =	stream.indirect.scatter.add.f32 [tilespmem:s25], [sflag:$0x6], $0x40, s13, s22, $0xb8;
	[tilespmem:$0x1FD80] =	vst v63  }
0xa1: {  	_ =	swait.ge [sflag:s0], $0x1000  }
0xa2: {  	[sflag:s0] =	ssyncset.done $0x0  }
0xa3: {  	s13 =	simm.s32 $0x1DAC0;
	[sflag:s0] =	ssyncadd.s32 $0xFFFFF000  }
0xa4: {  	[tilespmem:s25], [sflag:$0x2] =	stream.indirect.gather [spmem:s2], $0x40, s13, s22, $0xb8;
	[tilespmem:$0x1FD80] =	vst v63  }
0xa5: {  	_ =	swait.ge [sflag:s26], $0x1000  }
0xa6: {  	[sflag:s26] =	ssyncset.done $0x0  }
0xa7: {  	s13 =	simm.s32 $0x1DC80;
	[sflag:s26] =	ssyncadd.s32 $0xFFFFF000  }
0xa8: {  	[spmem:s3] =	stream.indirect.scatter.add.f32 [tilespmem:s23], [sflag:$0x5], $0x40, s13, s22, $0xb8;
	[tilespmem:$0x1FD80] =	vst v63  }
0xa9: {  	_ =	swait.ge [sflag:s28], $0x1000  }
0xaa: {  	[sflag:s28] =	ssyncset.done $0x0  }
0xab: {  	s13 =	simm.s32 $0x1DB00;
	[sflag:s28] =	ssyncadd.s32 $0xFFFFF000  }
0xac: {  	[tilespmem:s23], [sflag:$0x1] =	stream.indirect.gather [spmem:s2], $0x40, s13, s22, $0xb8;
	[tilespmem:$0x1FD80] =	vst v63  }
0xad: {  	_ =	swait.ge [sflag:s30], $0x1000  }
0xae: {  	[sflag:s30] =	ssyncset.done $0x0  }
0xaf: {  	s13 =	simm.s32 $0x1DCC0;
	[sflag:s30] =	ssyncadd.s32 $0xFFFFF000  }
0xb0: {  	[spmem:s3] =	stream.indirect.scatter.add.f32 [tilespmem:s25], [sflag:$0x6], $0x40, s13, s22, $0xb8;
	[tilespmem:$0x1FD80] =	vst v63  }
0xb1: {  	_ =	swait.ge [sflag:s0], $0x1000  }
0xb2: {  	[sflag:s0] =	ssyncset.done $0x0  }
0xb3: {  	s13 =	simm.s32 $0x1DB40;
	[sflag:s0] =	ssyncadd.s32 $0xFFFFF000  }
0xb4: {  	[tilespmem:s25], [sflag:$0x2] =	stream.indirect.gather [spmem:s2], $0x40, s13, s22, $0xb8;
	[tilespmem:$0x1FD80] =	vst v63  }
0xb5: {  	_ =	swait.ge [sflag:s26], $0x1000  }
0xb6: {  	[sflag:s26] =	ssyncset.done $0x0  }
0xb7: {  	s13 =	simm.s32 $0x1DD00;
	[sflag:s26] =	ssyncadd.s32 $0xFFFFF000  }
0xb8: {  	[spmem:s3] =	stream.indirect.scatter.add.f32 [tilespmem:s23], [sflag:$0x5], $0x40, s13, s22, $0xb8;
	[tilespmem:$0x1FD80] =	vst v63  }
0xb9: {  	_ =	swait.ge [sflag:s30], $0x1000  }
0xba: {  	[sflag:s30] =	ssyncset.done $0x0  }
0xbb: {  	s13 =	simm.s32 $0x1DD40;
	[sflag:s30] =	ssyncadd.s32 $0xFFFFF000  }
0xbc: {  	[spmem:s3] =	stream.indirect.scatter.add.f32 [tilespmem:s25], [sflag:$0x6], $0x40, s13, s22, $0xb8;
	[tilespmem:$0x1FD80] =	vst v63  }
0xbd: {  	_ =	swait.ge [sflag:s28], $0x1000  }
0xbe: {  	[sflag:s28] =	ssyncset.done $0x0  }
0xbf: {  	[sflag:s28] =	ssyncadd.s32 $0xFFFFF000  }
0xc0: {  	_ =	swait.ge [sflag:s19], $0x200  }
0xc1: {  	[sflag:s19] =	ssyncset.done $0x0  }
0xc2: {  	[sflag:s19] =	ssyncadd.s32 $0xFFFFFE00  }
0xc3: {  	_ =	swait.ge [sflag:s19], $0x200  }
0xc4: {  	[sflag:s19] =	ssyncset.done $0x0  }
0xc5: {  	s15 =	sadd.s32 $0xA40, s15;
	[sflag:s19] =	ssyncadd.s32 $0xFFFFFE00  }
0xc6: {  	[tilespmem:s20], [sflag:$0x4] =	stream.linear.gather [hbm4b:s15+s4], $0x200, $0x38;
	[tilespmem:$0x1FD80] =	vst v63  }
0xc7: {  	s13 =	sadd.s32 $0xA40, s16  }
0xc8: {  	[tilespmem:s21], [sflag:$0x4] =	stream.linear.gather [hbm4b:s13+s4], $0x200, $0x38;
	[tilespmem:$0x1FD80] =	vst v63  }
0xc9: {  	_ = 	snop  }
0xca: {  	[tilespmem:s23], [sflag:$0x1] =	stream.indirect.gather [spmem:s2], $0x40, s17, s22, $0xb8;
	[tilespmem:$0x1FD80] =	vst v63  }
0xcb: {  	_ =	swait.ge [sflag:s0], $0x1000  }
0xcc: {  	[sflag:s0] =	ssyncset.done $0x0  }
0xcd: {  	[sflag:s0] =	ssyncadd.s32 $0xFFFFF000  }
0xce: {  	[tilespmem:s25], [sflag:$0x2] =	stream.indirect.gather [spmem:s2], $0x40, s29, s22, $0xb8;
	[tilespmem:$0x1FD80] =	vst v63  }
0xcf: {  	_ =	swait.ge [sflag:s26], $0x1000  }
0xd0: {  	[sflag:s26] =	ssyncset.done $0x0  }
0xd1: {  	[sflag:s26] =	ssyncadd.s32 $0xFFFFF000  }
0xd2: {  	[spmem:s3] =	stream.indirect.scatter.add.f32 [tilespmem:s23], [sflag:$0x5], $0x40, s18, s22, $0xb8;
	[tilespmem:$0x1FD80] =	vst v63  }
0xd3: {  	_ =	swait.ge [sflag:s28], $0x1000  }
0xd4: {  	[sflag:s28] =	ssyncset.done $0x0  }
0xd5: {  	[sflag:s28] =	ssyncadd.s32 $0xFFFFF000  }
0xd6: {  	[tilespmem:s23], [sflag:$0x1] =	stream.indirect.gather [spmem:s2], $0x40, s31, s22, $0xb8;
	[tilespmem:$0x1FD80] =	vst v63  }
0xd7: {  	_ =	swait.ge [sflag:s30], $0x1000  }
0xd8: {  	[sflag:s30] =	ssyncset.done $0x0  }
0xd9: {  	[sflag:s30] =	ssyncadd.s32 $0xFFFFF000  }
0xda: {  	[spmem:s3] =	stream.indirect.scatter.add.f32 [tilespmem:s25], [sflag:$0x6], $0x40, s1, s22, $0xb8;
	[tilespmem:$0x1FD80] =	vst v63  }
0xdb: {  	_ =	swait.ge [sflag:s0], $0x1000  }
0xdc: {  	[sflag:s0] =	ssyncset.done $0x0  }
0xdd: {  	[sflag:s0] =	ssyncadd.s32 $0xFFFFF000  }
0xde: {  	[tilespmem:s25], [sflag:$0x2] =	stream.indirect.gather [spmem:s2], $0x40, s5, s22, $0xb8;
	[tilespmem:$0x1FD80] =	vst v63  }
0xdf: {  	_ =	swait.ge [sflag:s26], $0x1000  }
0xe0: {  	[sflag:s26] =	ssyncset.done $0x0  }
0xe1: {  	[sflag:s26] =	ssyncadd.s32 $0xFFFFF000  }
0xe2: {  	[spmem:s3] =	stream.indirect.scatter.add.f32 [tilespmem:s23], [sflag:$0x5], $0x40, s6, s22, $0xb8;
	[tilespmem:$0x1FD80] =	vst v63  }
0xe3: {  	_ =	swait.ge [sflag:s28], $0x1000  }
0xe4: {  	[sflag:s28] =	ssyncset.done $0x0  }
0xe5: {  	[sflag:s28] =	ssyncadd.s32 $0xFFFFF000  }
0xe6: {  	[tilespmem:s23], [sflag:$0x1] =	stream.indirect.gather [spmem:s2], $0x40, s8, s22, $0xb8;
	[tilespmem:$0x1FD80] =	vst v63  }
0xe7: {  	_ =	swait.ge [sflag:s30], $0x1000  }
0xe8: {  	[sflag:s30] =	ssyncset.done $0x0  }
0xe9: {  	[sflag:s30] =	ssyncadd.s32 $0xFFFFF000  }
0xea: {  	[spmem:s3] =	stream.indirect.scatter.add.f32 [tilespmem:s25], [sflag:$0x6], $0x40, s9, s22, $0xb8;
	[tilespmem:$0x1FD80] =	vst v63  }
0xeb: {  	_ =	swait.ge [sflag:s0], $0x1000  }
0xec: {  	[sflag:s0] =	ssyncset.done $0x0  }
0xed: {  	[sflag:s0] =	ssyncadd.s32 $0xFFFFF000  }
0xee: {  	[tilespmem:s25], [sflag:$0x2] =	stream.indirect.gather [spmem:s2], $0x40, s10, s22, $0xb8;
	[tilespmem:$0x1FD80] =	vst v63  }
0xef: {  	_ =	swait.ge [sflag:s26], $0x1000  }
0xf0: {  	[sflag:s26] =	ssyncset.done $0x0  }
0xf1: {  	[sflag:s26] =	ssyncadd.s32 $0xFFFFF000  }
0xf2: {  	[spmem:s3] =	stream.indirect.scatter.add.f32 [tilespmem:s23], [sflag:$0x5], $0x40, s11, s22, $0xb8;
	[tilespmem:$0x1FD80] =	vst v63  }
0xf3: {  	_ =	swait.ge [sflag:s28], $0x1000  }
0xf4: {  	[sflag:s28] =	ssyncset.done $0x0  }
0xf5: {  	[sflag:s28] =	ssyncadd.s32 $0xFFFFF000  }
0xf6: {  	[tilespmem:s23], [sflag:$0x1] =	stream.indirect.gather [spmem:s2], $0x40, s12, s22, $0xb8;
	[tilespmem:$0x1FD80] =	vst v63  }
0xf7: {  	_ =	swait.ge [sflag:s30], $0x1000  }
0xf8: {  	[sflag:s30] =	ssyncset.done $0x0  }
0xf9: {  	s16 =	simm.s32 $0x1D8C0;
	[sflag:s30] =	ssyncadd.s32 $0xFFFFF000  }
0xfa: {  	[spmem:s3] =	stream.indirect.scatter.add.f32 [tilespmem:s25], [sflag:$0x6], $0x40, s16, s22, $0xb8;
	[tilespmem:$0x1FD80] =	vst v63  }
0xfb: {  	_ =	swait.ge [sflag:s0], $0x1000  }
0xfc: {  	[sflag:s0] =	ssyncset.done $0x0  }
0xfd: {  	s24 =	simm.s32 $0x1D740;
	[sflag:s0] =	ssyncadd.s32 $0xFFFFF000  }
0xfe: {  	[tilespmem:s25], [sflag:$0x2] =	stream.indirect.gather [spmem:s2], $0x40, s24, s22, $0xb8;
	[tilespmem:$0x1FD80] =	vst v63  }
0xff: {  	_ =	swait.ge [sflag:s26], $0x1000  }
0x100: {  	[sflag:s26] =	ssyncset.done $0x0  }
0x101: {  	s13 =	simm.s32 $0x1D800;
	s29 =	simm.s32 $0x1D900;
	[sflag:s26] =	ssyncadd.s32 $0xFFFFF000  }
0x102: {  	[spmem:s3] =	stream.indirect.scatter.add.f32 [tilespmem:s23], [sflag:$0x5], $0x40, s29, s22, $0xb8;
	[tilespmem:$0x1FD80] =	vst v63  }
0x103: {  	s31 =	simm.s32 $0x1D940;
	s1 =	simm.s32 $0x1D840;
	_ =	swait.ge [sflag:s30], $0x1000  }
0x104: {  	s5 =	simm.s32 $0x1D6C0;
	s6 =	simm.s32 $0x1D880;
	[sflag:s30] =	ssyncset.done $0x0  }
0x105: {  	s8 =	simm.s32 $0x1D700;
	s9 =	simm.s32 $0x1D8C0;
	[sflag:s30] =	ssyncadd.s32 $0xFFFFF000  }
0x106: {  	[spmem:s3] =	stream.indirect.scatter.add.f32 [tilespmem:s25], [sflag:$0x6], $0x40, s31, s22, $0xb8;
	[tilespmem:$0x1FD80] =	vst v63  }
0x107: {  	s10 =	simm.s32 $0x1D740;
	s11 =	simm.s32 $0x1D900;
	_ =	swait.ge [sflag:s28], $0x1000  }
0x108: {  	s12 =	simm.s32 $0x1D940;
	s16 =	simm.s32 $0xFFFFF700;
	[sflag:s28] =	ssyncset.done $0x0  }
.LBB2_2:
0x109: {  	[sflag:s28] =	ssyncadd.s32 $0xFFFFF000  }
0x10a: {  	_ =	swait.ge [sflag:s7], $0x200  }
0x10b: {  	[sflag:s7] =	ssyncset.done $0x0  }
0x10c: {  	[sflag:s7] =	ssyncadd.s32 $0xFFFFFE00  }
0x10d: {  	_ =	swait.ge [sflag:s7], $0x200  }
0x10e: {  	s24 =	smov.u32 s16;
	s15 =	rddreg [dreg:$0x6]  }
0x10f: {  	s29 =	rddreg [dreg:$0x5];
	[sflag:s7] =	ssyncset.done $0x0;
	s15 =	sadd.s32 s24, s15  }
0x110: {  	[sflag:s7] =	ssyncadd.s32 $0xFFFFFE00;
	s24 =	sadd.s32 s24, s29;
	s31 =	sadd.s32 $0xA00, s15  }
0x111: {  	[tilespmem:s17], [sflag:$0x3] =	stream.linear.gather [hbm4b:s31+s4], $0x200, $0x38;
	[tilespmem:$0x1FD80] =	vst v63  }
0x112: {  	s29 =	sadd.s32 $0xA00, s24  }
0x113: {  	[tilespmem:s18], [sflag:$0x3] =	stream.linear.gather [hbm4b:s29+s4], $0x200, $0x38;
	[tilespmem:$0x1FD80] =	vst v63  }
0x114: {  	_ = 	snop  }
0x115: {  	[tilespmem:s23], [sflag:$0x1] =	stream.indirect.gather [spmem:s2], $0x40, s20, s22, $0xb8;
	[tilespmem:$0x1FD80] =	vst v63  }
0x116: {  	_ =	swait.ge [sflag:s0], $0x1000  }
0x117: {  	[sflag:s0] =	ssyncset.done $0x0  }
0x118: {  	s31 =	simm.s32 $0x1D9C0;
	[sflag:s0] =	ssyncadd.s32 $0xFFFFF000  }
0x119: {  	[tilespmem:s25], [sflag:$0x2] =	stream.indirect.gather [spmem:s2], $0x40, s31, s22, $0xb8;
	[tilespmem:$0x1FD80] =	vst v63  }
0x11a: {  	_ =	swait.ge [sflag:s26], $0x1000  }
0x11b: {  	[sflag:s26] =	ssyncset.done $0x0  }
0x11c: {  	[sflag:s26] =	ssyncadd.s32 $0xFFFFF000  }
0x11d: {  	[spmem:s3] =	stream.indirect.scatter.add.f32 [tilespmem:s23], [sflag:$0x5], $0x40, s21, s22, $0xb8;
	[tilespmem:$0x1FD80] =	vst v63  }
0x11e: {  	_ =	swait.ge [sflag:s28], $0x1000  }
0x11f: {  	[sflag:s28] =	ssyncset.done $0x0  }
0x120: {  	s31 =	simm.s32 $0x1DA00;
	[sflag:s28] =	ssyncadd.s32 $0xFFFFF000  }
0x121: {  	[tilespmem:s23], [sflag:$0x1] =	stream.indirect.gather [spmem:s2], $0x40, s31, s22, $0xb8;
	[tilespmem:$0x1FD80] =	vst v63  }
0x122: {  	_ =	swait.ge [sflag:s30], $0x1000  }
0x123: {  	[sflag:s30] =	ssyncset.done $0x0  }
0x124: {  	s31 =	simm.s32 $0x1DBC0;
	[sflag:s30] =	ssyncadd.s32 $0xFFFFF000  }
0x125: {  	[spmem:s3] =	stream.indirect.scatter.add.f32 [tilespmem:s25], [sflag:$0x6], $0x40, s31, s22, $0xb8;
	[tilespmem:$0x1FD80] =	vst v63  }
0x126: {  	_ =	swait.ge [sflag:s0], $0x1000  }
0x127: {  	[sflag:s0] =	ssyncset.done $0x0  }
0x128: {  	s31 =	simm.s32 $0x1DA40;
	[sflag:s0] =	ssyncadd.s32 $0xFFFFF000  }
0x129: {  	[tilespmem:s25], [sflag:$0x2] =	stream.indirect.gather [spmem:s2], $0x40, s31, s22, $0xb8;
	[tilespmem:$0x1FD80] =	vst v63  }
0x12a: {  	_ =	swait.ge [sflag:s26], $0x1000  }
0x12b: {  	[sflag:s26] =	ssyncset.done $0x0  }
0x12c: {  	s31 =	simm.s32 $0x1DC00;
	[sflag:s26] =	ssyncadd.s32 $0xFFFFF000  }
0x12d: {  	[spmem:s3] =	stream.indirect.scatter.add.f32 [tilespmem:s23], [sflag:$0x5], $0x40, s31, s22, $0xb8;
	[tilespmem:$0x1FD80] =	vst v63  }
0x12e: {  	_ =	swait.ge [sflag:s28], $0x1000  }
0x12f: {  	[sflag:s28] =	ssyncset.done $0x0  }
0x130: {  	s31 =	simm.s32 $0x1DA80;
	[sflag:s28] =	ssyncadd.s32 $0xFFFFF000  }
0x131: {  	[tilespmem:s23], [sflag:$0x1] =	stream.indirect.gather [spmem:s2], $0x40, s31, s22, $0xb8;
	[tilespmem:$0x1FD80] =	vst v63  }
0x132: {  	_ =	swait.ge [sflag:s30], $0x1000  }
0x133: {  	[sflag:s30] =	ssyncset.done $0x0  }
0x134: {  	s31 =	simm.s32 $0x1DC40;
	[sflag:s30] =	ssyncadd.s32 $0xFFFFF000  }
0x135: {  	[spmem:s3] =	stream.indirect.scatter.add.f32 [tilespmem:s25], [sflag:$0x6], $0x40, s31, s22, $0xb8;
	[tilespmem:$0x1FD80] =	vst v63  }
0x136: {  	_ =	swait.ge [sflag:s0], $0x1000  }
0x137: {  	[sflag:s0] =	ssyncset.done $0x0  }
0x138: {  	s31 =	simm.s32 $0x1DAC0;
	[sflag:s0] =	ssyncadd.s32 $0xFFFFF000  }
0x139: {  	[tilespmem:s25], [sflag:$0x2] =	stream.indirect.gather [spmem:s2], $0x40, s31, s22, $0xb8;
	[tilespmem:$0x1FD80] =	vst v63  }
0x13a: {  	_ =	swait.ge [sflag:s26], $0x1000  }
0x13b: {  	[sflag:s26] =	ssyncset.done $0x0  }
0x13c: {  	s31 =	simm.s32 $0x1DC80;
	[sflag:s26] =	ssyncadd.s32 $0xFFFFF000  }
0x13d: {  	[spmem:s3] =	stream.indirect.scatter.add.f32 [tilespmem:s23], [sflag:$0x5], $0x40, s31, s22, $0xb8;
	[tilespmem:$0x1FD80] =	vst v63  }
0x13e: {  	_ =	swait.ge [sflag:s28], $0x1000  }
0x13f: {  	[sflag:s28] =	ssyncset.done $0x0  }
0x140: {  	s31 =	simm.s32 $0x1DB00;
	[sflag:s28] =	ssyncadd.s32 $0xFFFFF000  }
0x141: {  	[tilespmem:s23], [sflag:$0x1] =	stream.indirect.gather [spmem:s2], $0x40, s31, s22, $0xb8;
	[tilespmem:$0x1FD80] =	vst v63  }
0x142: {  	_ =	swait.ge [sflag:s30], $0x1000  }
0x143: {  	[sflag:s30] =	ssyncset.done $0x0  }
0x144: {  	s31 =	simm.s32 $0x1DCC0;
	[sflag:s30] =	ssyncadd.s32 $0xFFFFF000  }
0x145: {  	[spmem:s3] =	stream.indirect.scatter.add.f32 [tilespmem:s25], [sflag:$0x6], $0x40, s31, s22, $0xb8;
	[tilespmem:$0x1FD80] =	vst v63  }
0x146: {  	_ =	swait.ge [sflag:s0], $0x1000  }
0x147: {  	[sflag:s0] =	ssyncset.done $0x0  }
0x148: {  	s31 =	simm.s32 $0x1DB40;
	[sflag:s0] =	ssyncadd.s32 $0xFFFFF000  }
0x149: {  	[tilespmem:s25], [sflag:$0x2] =	stream.indirect.gather [spmem:s2], $0x40, s31, s22, $0xb8;
	[tilespmem:$0x1FD80] =	vst v63  }
0x14a: {  	_ =	swait.ge [sflag:s26], $0x1000  }
0x14b: {  	[sflag:s26] =	ssyncset.done $0x0  }
0x14c: {  	s31 =	simm.s32 $0x1DD00;
	[sflag:s26] =	ssyncadd.s32 $0xFFFFF000  }
0x14d: {  	[spmem:s3] =	stream.indirect.scatter.add.f32 [tilespmem:s23], [sflag:$0x5], $0x40, s31, s22, $0xb8;
	[tilespmem:$0x1FD80] =	vst v63  }
0x14e: {  	_ =	swait.ge [sflag:s30], $0x1000  }
0x14f: {  	[sflag:s30] =	ssyncset.done $0x0  }
0x150: {  	s31 =	simm.s32 $0x1DD40;
	[sflag:s30] =	ssyncadd.s32 $0xFFFFF000  }
0x151: {  	[spmem:s3] =	stream.indirect.scatter.add.f32 [tilespmem:s25], [sflag:$0x6], $0x40, s31, s22, $0xb8;
	[tilespmem:$0x1FD80] =	vst v63  }
0x152: {  	_ =	swait.ge [sflag:s28], $0x1000  }
0x153: {  	[sflag:s28] =	ssyncset.done $0x0  }
0x154: {  	[sflag:s28] =	ssyncadd.s32 $0xFFFFF000  }
0x155: {  	_ =	swait.ge [sflag:s19], $0x200  }
0x156: {  	[sflag:s19] =	ssyncset.done $0x0  }
0x157: {  	[sflag:s19] =	ssyncadd.s32 $0xFFFFFE00  }
0x158: {  	_ =	swait.ge [sflag:s19], $0x200  }
0x159: {  	[sflag:s19] =	ssyncset.done $0x0  }
0x15a: {  	s15 =	sadd.s32 $0xA40, s15;
	[sflag:s19] =	ssyncadd.s32 $0xFFFFFE00  }
0x15b: {  	[tilespmem:s20], [sflag:$0x4] =	stream.linear.gather [hbm4b:s15+s4], $0x200, $0x38;
	[tilespmem:$0x1FD80] =	vst v63  }
0x15c: {  	s29 =	sadd.s32 $0xA40, s24  }
0x15d: {  	[tilespmem:s21], [sflag:$0x4] =	stream.linear.gather [hbm4b:s29+s4], $0x200, $0x38;
	[tilespmem:$0x1FD80] =	vst v63  }
0x15e: {  	_ = 	snop  }
0x15f: {  	[tilespmem:s23], [sflag:$0x1] =	stream.indirect.gather [spmem:s2], $0x40, s17, s22, $0xb8;
	[tilespmem:$0x1FD80] =	vst v63  }
0x160: {  	_ =	swait.ge [sflag:s0], $0x1000  }
0x161: {  	[sflag:s0] =	ssyncset.done $0x0  }
0x162: {  	s31 =	simm.s32 $0x1D5C0;
	[sflag:s0] =	ssyncadd.s32 $0xFFFFF000  }
0x163: {  	[tilespmem:s25], [sflag:$0x2] =	stream.indirect.gather [spmem:s2], $0x40, s31, s22, $0xb8;
	[tilespmem:$0x1FD80] =	vst v63  }
0x164: {  	_ =	swait.ge [sflag:s26], $0x1000  }
0x165: {  	[sflag:s26] =	ssyncset.done $0x0  }
0x166: {  	[sflag:s26] =	ssyncadd.s32 $0xFFFFF000  }
0x167: {  	[spmem:s3] =	stream.indirect.scatter.add.f32 [tilespmem:s23], [sflag:$0x5], $0x40, s18, s22, $0xb8;
	[tilespmem:$0x1FD80] =	vst v63  }
0x168: {  	_ =	swait.ge [sflag:s28], $0x1000  }
0x169: {  	[sflag:s28] =	ssyncset.done $0x0  }
0x16a: {  	s24 =	simm.s32 $0x1D600;
	[sflag:s28] =	ssyncadd.s32 $0xFFFFF000  }
0x16b: {  	[tilespmem:s23], [sflag:$0x1] =	stream.indirect.gather [spmem:s2], $0x40, s24, s22, $0xb8;
	[tilespmem:$0x1FD80] =	vst v63  }
0x16c: {  	_ =	swait.ge [sflag:s30], $0x1000  }
0x16d: {  	[sflag:s30] =	ssyncset.done $0x0  }
0x16e: {  	s29 =	simm.s32 $0x1D7C0;
	[sflag:s30] =	ssyncadd.s32 $0xFFFFF000  }
0x16f: {  	[spmem:s3] =	stream.indirect.scatter.add.f32 [tilespmem:s25], [sflag:$0x6], $0x40, s29, s22, $0xb8;
	[tilespmem:$0x1FD80] =	vst v63  }
0x170: {  	_ =	swait.ge [sflag:s0], $0x1000  }
0x171: {  	[sflag:s0] =	ssyncset.done $0x0  }
0x172: {  	s31 =	simm.s32 $0x1D640;
	[sflag:s0] =	ssyncadd.s32 $0xFFFFF000  }
0x173: {  	[tilespmem:s25], [sflag:$0x2] =	stream.indirect.gather [spmem:s2], $0x40, s31, s22, $0xb8;
	[tilespmem:$0x1FD80] =	vst v63  }
0x174: {  	_ =	swait.ge [sflag:s26], $0x1000  }
0x175: {  	[sflag:s26] =	ssyncset.done $0x0  }
0x176: {  	[sflag:s26] =	ssyncadd.s32 $0xFFFFF000  }
0x177: {  	[spmem:s3] =	stream.indirect.scatter.add.f32 [tilespmem:s23], [sflag:$0x5], $0x40, s13, s22, $0xb8;
	[tilespmem:$0x1FD80] =	vst v63  }
0x178: {  	_ =	swait.ge [sflag:s28], $0x1000  }
0x179: {  	[sflag:s28] =	ssyncset.done $0x0  }
0x17a: {  	[sflag:s28] =	ssyncadd.s32 $0xFFFFF000  }
0x17b: {  	[tilespmem:s23], [sflag:$0x1] =	stream.indirect.gather [spmem:s2], $0x40, s14, s22, $0xb8;
	[tilespmem:$0x1FD80] =	vst v63  }
0x17c: {  	_ =	swait.ge [sflag:s30], $0x1000  }
0x17d: {  	[sflag:s30] =	ssyncset.done $0x0  }
0x17e: {  	[sflag:s30] =	ssyncadd.s32 $0xFFFFF000  }
0x17f: {  	[spmem:s3] =	stream.indirect.scatter.add.f32 [tilespmem:s25], [sflag:$0x6], $0x40, s1, s22, $0xb8;
	[tilespmem:$0x1FD80] =	vst v63  }
0x180: {  	_ =	swait.ge [sflag:s0], $0x1000  }
0x181: {  	[sflag:s0] =	ssyncset.done $0x0  }
0x182: {  	[sflag:s0] =	ssyncadd.s32 $0xFFFFF000  }
0x183: {  	[tilespmem:s25], [sflag:$0x2] =	stream.indirect.gather [spmem:s2], $0x40, s5, s22, $0xb8;
	[tilespmem:$0x1FD80] =	vst v63  }
0x184: {  	_ =	swait.ge [sflag:s26], $0x1000  }
0x185: {  	[sflag:s26] =	ssyncset.done $0x0  }
0x186: {  	[sflag:s26] =	ssyncadd.s32 $0xFFFFF000  }
0x187: {  	[spmem:s3] =	stream.indirect.scatter.add.f32 [tilespmem:s23], [sflag:$0x5], $0x40, s6, s22, $0xb8;
	[tilespmem:$0x1FD80] =	vst v63  }
0x188: {  	_ =	swait.ge [sflag:s28], $0x1000  }
0x189: {  	[sflag:s28] =	ssyncset.done $0x0  }
0x18a: {  	[sflag:s28] =	ssyncadd.s32 $0xFFFFF000  }
0x18b: {  	[tilespmem:s23], [sflag:$0x1] =	stream.indirect.gather [spmem:s2], $0x40, s8, s22, $0xb8;
	[tilespmem:$0x1FD80] =	vst v63  }
0x18c: {  	_ =	swait.ge [sflag:s30], $0x1000  }
0x18d: {  	[sflag:s30] =	ssyncset.done $0x0  }
0x18e: {  	[sflag:s30] =	ssyncadd.s32 $0xFFFFF000  }
0x18f: {  	[spmem:s3] =	stream.indirect.scatter.add.f32 [tilespmem:s25], [sflag:$0x6], $0x40, s9, s22, $0xb8;
	[tilespmem:$0x1FD80] =	vst v63  }
0x190: {  	_ =	swait.ge [sflag:s0], $0x1000  }
0x191: {  	[sflag:s0] =	ssyncset.done $0x0  }
0x192: {  	[sflag:s0] =	ssyncadd.s32 $0xFFFFF000  }
0x193: {  	[tilespmem:s25], [sflag:$0x2] =	stream.indirect.gather [spmem:s2], $0x40, s10, s22, $0xb8;
	[tilespmem:$0x1FD80] =	vst v63  }
0x194: {  	_ =	swait.ge [sflag:s26], $0x1000  }
0x195: {  	[sflag:s26] =	ssyncset.done $0x0  }
0x196: {  	[sflag:s26] =	ssyncadd.s32 $0xFFFFF000  }
0x197: {  	[spmem:s3] =	stream.indirect.scatter.add.f32 [tilespmem:s23], [sflag:$0x5], $0x40, s11, s22, $0xb8;
	[tilespmem:$0x1FD80] =	vst v63  }
0x198: {  	p0 =	sne.s32 s16, $0xFFFFFF80;
	_ =	swait.ge [sflag:s30], $0x1000  }
.Ltmp0:
0x199: {  	[sflag:s30] =	ssyncset.done $0x0;
	(pc) =	sbr.rel @p0 .LBB2_2-.Ltmp0, $4  }
0x19a: {  	[sflag:s30] =	ssyncadd.s32 $0xFFFFF000  }
0x19b: {  	[spmem:s3] =	stream.indirect.scatter.add.f32 [tilespmem:s25], [sflag:$0x6], $0x40, s12, s22, $0xb8;
	[tilespmem:$0x1FD80] =	vst v63  }
0x19c: {  	_ =	swait.ge [sflag:s28], $0x1000  }
0x19d: {  	s16 =	sadd.s32 $0x80, s16;
	[sflag:s28] =	ssyncset.done $0x0  }
0x19e: {  	[sflag:s28] =	ssyncadd.s32 $0xFFFFF000  }
0x19f: {  	_ =	swait.ge [sflag:s7], $0x200  }
0x1a0: {  	[sflag:s7] =	ssyncset.done $0x0  }
0x1a1: {  	[sflag:s7] =	ssyncadd.s32 $0xFFFFFE00  }
0x1a2: {  	_ =	swait.ge [sflag:s7], $0x200  }
0x1a3: {  	[sflag:s7] =	ssyncset.done $0x0  }
0x1a4: {  	[sflag:s7] =	ssyncadd.s32 $0xFFFFFE00  }
0x1a5: {  	[tilespmem:s23], [sflag:$0x1] =	stream.indirect.gather [spmem:s2], $0x40, s20, s22, $0xb8;
	[tilespmem:$0x1FD80] =	vst v63  }
0x1a6: {  	_ =	swait.ge [sflag:s0], $0x1000  }
0x1a7: {  	[sflag:s0] =	ssyncset.done $0x0  }
0x1a8: {  	s1 =	simm.s32 $0x1D9C0;
	[sflag:s0] =	ssyncadd.s32 $0xFFFFF000  }
0x1a9: {  	[tilespmem:s25], [sflag:$0x2] =	stream.indirect.gather [spmem:s2], $0x40, s1, s22, $0xb8;
	[tilespmem:$0x1FD80] =	vst v63  }
0x1aa: {  	_ =	swait.ge [sflag:s26], $0x1000  }
0x1ab: {  	[sflag:s26] =	ssyncset.done $0x0  }
0x1ac: {  	[sflag:s26] =	ssyncadd.s32 $0xFFFFF000  }
0x1ad: {  	[spmem:s3] =	stream.indirect.scatter.add.f32 [tilespmem:s23], [sflag:$0x5], $0x40, s21, s22, $0xb8;
	[tilespmem:$0x1FD80] =	vst v63  }
0x1ae: {  	_ =	swait.ge [sflag:s28], $0x1000  }
0x1af: {  	[sflag:s28] =	ssyncset.done $0x0  }
0x1b0: {  	s12 =	simm.s32 $0x1DA00;
	[sflag:s28] =	ssyncadd.s32 $0xFFFFF000  }
0x1b1: {  	[tilespmem:s23], [sflag:$0x1] =	stream.indirect.gather [spmem:s2], $0x40, s12, s22, $0xb8;
	[tilespmem:$0x1FD80] =	vst v63  }
0x1b2: {  	_ =	swait.ge [sflag:s30], $0x1000  }
0x1b3: {  	[sflag:s30] =	ssyncset.done $0x0  }
0x1b4: {  	s13 =	simm.s32 $0x1DBC0;
	[sflag:s30] =	ssyncadd.s32 $0xFFFFF000  }
0x1b5: {  	[spmem:s3] =	stream.indirect.scatter.add.f32 [tilespmem:s25], [sflag:$0x6], $0x40, s13, s22, $0xb8;
	[tilespmem:$0x1FD80] =	vst v63  }
0x1b6: {  	_ =	swait.ge [sflag:s0], $0x1000  }
0x1b7: {  	[sflag:s0] =	ssyncset.done $0x0  }
0x1b8: {  	s15 =	simm.s32 $0x1DA40;
	[sflag:s0] =	ssyncadd.s32 $0xFFFFF000  }
0x1b9: {  	[tilespmem:s25], [sflag:$0x2] =	stream.indirect.gather [spmem:s2], $0x40, s15, s22, $0xb8;
	[tilespmem:$0x1FD80] =	vst v63  }
0x1ba: {  	_ =	swait.ge [sflag:s26], $0x1000  }
0x1bb: {  	[sflag:s26] =	ssyncset.done $0x0  }
0x1bc: {  	s16 =	simm.s32 $0x1DC00;
	[sflag:s26] =	ssyncadd.s32 $0xFFFFF000  }
0x1bd: {  	[spmem:s3] =	stream.indirect.scatter.add.f32 [tilespmem:s23], [sflag:$0x5], $0x40, s16, s22, $0xb8;
	[tilespmem:$0x1FD80] =	vst v63  }
0x1be: {  	_ =	swait.ge [sflag:s28], $0x1000  }
0x1bf: {  	[sflag:s28] =	ssyncset.done $0x0  }
0x1c0: {  	s24 =	simm.s32 $0x1DA80;
	[sflag:s28] =	ssyncadd.s32 $0xFFFFF000  }
0x1c1: {  	[tilespmem:s23], [sflag:$0x1] =	stream.indirect.gather [spmem:s2], $0x40, s24, s22, $0xb8;
	[tilespmem:$0x1FD80] =	vst v63  }
0x1c2: {  	_ =	swait.ge [sflag:s30], $0x1000  }
0x1c3: {  	[sflag:s30] =	ssyncset.done $0x0  }
0x1c4: {  	s5 =	simm.s32 $0x1DC40;
	[sflag:s30] =	ssyncadd.s32 $0xFFFFF000  }
0x1c5: {  	[spmem:s3] =	stream.indirect.scatter.add.f32 [tilespmem:s25], [sflag:$0x6], $0x40, s5, s22, $0xb8;
	[tilespmem:$0x1FD80] =	vst v63  }
0x1c6: {  	_ =	swait.ge [sflag:s0], $0x1000  }
0x1c7: {  	[sflag:s0] =	ssyncset.done $0x0  }
0x1c8: {  	s6 =	simm.s32 $0x1DAC0;
	[sflag:s0] =	ssyncadd.s32 $0xFFFFF000  }
0x1c9: {  	[tilespmem:s25], [sflag:$0x2] =	stream.indirect.gather [spmem:s2], $0x40, s6, s22, $0xb8;
	[tilespmem:$0x1FD80] =	vst v63  }
0x1ca: {  	_ =	swait.ge [sflag:s26], $0x1000  }
0x1cb: {  	[sflag:s26] =	ssyncset.done $0x0  }
0x1cc: {  	s8 =	simm.s32 $0x1DC80;
	[sflag:s26] =	ssyncadd.s32 $0xFFFFF000  }
0x1cd: {  	[spmem:s3] =	stream.indirect.scatter.add.f32 [tilespmem:s23], [sflag:$0x5], $0x40, s8, s22, $0xb8;
	[tilespmem:$0x1FD80] =	vst v63  }
0x1ce: {  	_ =	swait.ge [sflag:s28], $0x1000  }
0x1cf: {  	[sflag:s28] =	ssyncset.done $0x0  }
0x1d0: {  	s9 =	simm.s32 $0x1DB00;
	[sflag:s28] =	ssyncadd.s32 $0xFFFFF000  }
0x1d1: {  	[tilespmem:s23], [sflag:$0x1] =	stream.indirect.gather [spmem:s2], $0x40, s9, s22, $0xb8;
	[tilespmem:$0x1FD80] =	vst v63  }
0x1d2: {  	_ =	swait.ge [sflag:s30], $0x1000  }
0x1d3: {  	[sflag:s30] =	ssyncset.done $0x0  }
0x1d4: {  	s10 =	simm.s32 $0x1DCC0;
	[sflag:s30] =	ssyncadd.s32 $0xFFFFF000  }
0x1d5: {  	[spmem:s3] =	stream.indirect.scatter.add.f32 [tilespmem:s25], [sflag:$0x6], $0x40, s10, s22, $0xb8;
	[tilespmem:$0x1FD80] =	vst v63  }
0x1d6: {  	_ =	swait.ge [sflag:s0], $0x1000  }
0x1d7: {  	[sflag:s0] =	ssyncset.done $0x0  }
0x1d8: {  	s11 =	simm.s32 $0x1DB40;
	[sflag:s0] =	ssyncadd.s32 $0xFFFFF000  }
0x1d9: {  	[tilespmem:s25], [sflag:$0x2] =	stream.indirect.gather [spmem:s2], $0x40, s11, s22, $0xb8;
	[tilespmem:$0x1FD80] =	vst v63  }
0x1da: {  	_ =	swait.ge [sflag:s26], $0x1000  }
0x1db: {  	[sflag:s26] =	ssyncset.done $0x0  }
0x1dc: {  	s12 =	simm.s32 $0x1DD00;
	[sflag:s26] =	ssyncadd.s32 $0xFFFFF000  }
0x1dd: {  	[spmem:s3] =	stream.indirect.scatter.add.f32 [tilespmem:s23], [sflag:$0x5], $0x40, s12, s22, $0xb8;
	[tilespmem:$0x1FD80] =	vst v63  }
0x1de: {  	_ =	swait.ge [sflag:s30], $0x1000  }
0x1df: {  	[sflag:s30] =	ssyncset.done $0x0  }
0x1e0: {  	s13 =	simm.s32 $0x1DD40;
	[sflag:s30] =	ssyncadd.s32 $0xFFFFF000  }
0x1e1: {  	[spmem:s3] =	stream.indirect.scatter.add.f32 [tilespmem:s25], [sflag:$0x6], $0x40, s13, s22, $0xb8;
	[tilespmem:$0x1FD80] =	vst v63  }
0x1e2: {  	_ =	swait.ge [sflag:s28], $0x1000  }
0x1e3: {  	[sflag:s28] =	ssyncset.done $0x0  }
0x1e4: {  	[sflag:s28] =	ssyncadd.s32 $0xFFFFF000  }
0x1e5: {  	_ =	swait.ge [sflag:s0], $0x1000  }
0x1e6: {  	[sflag:s0] =	ssyncset.done $0x0  }
0x1e7: {  	[sflag:s0] =	ssyncadd.s32 $0xFFFFF000  }
0x1e8: {  	[bflag:$0x0] =	sbarrier.arrive $0xFFFF  }
0x1e9: {  	s16 =	rddreg [dreg:$0x9]  }
0x1ea: {  	s15 =	rddreg [dreg:$0xe]  }
0x1eb: {  	s29 =	simm.s32 $0x7;
	s31 =	rddreg [dreg:$0x11]  }
0x1ec: {  	[hbm:s15], [sflag:s16] =	dma.local [spmem:s31], $0x2720  }
0x1ed: {  	_ =	swait.ge [sflag:s29], $0x2720  }
0x1ee: {  	s15 =	rddreg [dreg:$0x12]  }
0x1ef: {  	s24 =	rddreg [dreg:$0xf];
	s1 =	sadd.s32 $0x1, s15  }
0x1f0: {  	p0 =	sne.s32 s1, s24  }
.Ltmp1:
0x1f1: {  	_ = 	snop;
	(pc) =	sbr.rel @p0 .LBB2_1-.Ltmp1, $3  }
0x1f2: {  	_ =	sdelay $0x1  }
0x1f3: {  	[sflag:s29] =	ssyncset.done $0x0  }
0x1f4: {  	[sflag:s29] =	ssyncadd.s32 $0xFFFFD8E0  }
0x1f5: {  	_ =	sfence.sel $0x180000  }
0x1f6: {  	[bflag:$0x0] =	sbarrier.arrive $0xFFFF  }
0x1f7: {  	_ =	strace $0x9000004A  }
0x1f8: {  	s0 =	stileid.u32;
	[bflag:$0x2] =	sbarrier.arrive $0xFFFF  }
0x1f9: {  	p0 =	sne.s32 s0, $0x0;
	s0 =	rddreg [dreg:$0x4]  }
0x1fa: {  	s0 =	sadd.s32 @!p0 $0x100000, s0  }
0x1fb: {  	[sflag:s0] =	ssyncadd.tile.s32 @!p0 $0x1;
	_ =	shalt  }
.Lfunc_end2:
_tile_overlayer_lowered:
.L_overlay_start_2:
0x1fc: {  	(tag) =	ssettag $0x2  }
0x1fd: {  	s0 =	rddreg [dreg:$0x0];
	s2 =	stileid.u32  }
0x1fe: {  	s1 =	rddreg [dreg:$0x1];
	p0 =	sne.s32 s2, $0x0  }
0x1ff: {  	s3 =	rddreg [dreg:$0x2];
	[bflag:$0x3] =	sbarrier.arrive $0xFFFF;
	s2 =	simm.s32 @!p0 $0x1C07  }
0x200: {  	[timem:s3], [sflag:s2] =	dma.local @!p0 [hbm:s0], s1  }
0x201: {  	s0 =	simm.s32 @!p0 $0x7  }
0x202: {  	_ =	swait.ge @!p0 [sflag:s0], s1  }
0x203: {  	s1 =	ssub.s32 @!p0 $0x0, s1;
	[sflag:s0] =	ssyncset.done @!p0 $0x0  }
0x204: {  	[sflag:s0] =	ssyncadd.s32 @!p0 s1  }
0x205: {  	[bflag:$0x3] =	sbarrier.arrive $0xFFFF  }
0x206: {  	_ =	shalt  }

// kernel: kernel.14.cloned.1.call-start
scs
__scs_entry_jumppad:
0x0: {  	(pc) =	sbr.rel $0x88, $3  }
0x1: {  	(tag) =	ssettag $0x0;
	lr =	simm.s32 $0x1  }
0x2: {  	[smem:$0x3F8F] =	sst lr;
	_ =	strace $0xD0000000  }
0x3: {  	_ = 	snop  }
0x4: {  	_ = 	snop  }
0x5: {  	_ = 	snop  }
0x6: {  	_ = 	snop  }
0x7: {  	_ = 	snop  }
__scs_overlays_trampoline_lowered:
0x8: {  	[smem:$0x3F9E] =	sst s0  }
0x9: {  	[smem:$0x3F9F] =	sst s1  }
0xa: {  	[smem:$0x3FA0] =	sst s2  }
0xb: {  	[smem:$0x3FA1] =	sst s3  }
0xc: {  	[smem:$0x3FA2] =	sst s4  }
0xd: {  	[smem:$0x3FA3] =	sst s5  }
0xe: {  	[smem:$0x3FA4] =	sst s6  }
0xf: {  	[smem:$0x3FA5] =	sst s7  }
0x10: {  	[smem:$0x3FA6] =	sst s8  }
0x11: {  	[smem:$0x3FA7] =	sst s9;
	s0 =	simm.s32 @!p0 $0x0  }
0x12: {  	s1 =	sld [smem:$0x3F8D];
	s0 =	simm.s32 @p0 $0x1  }
0x13: {  	[smem:$0x3FA8] =	sst s0;
	s0 =	simm.s32 @!p1 $0x0  }
0x14: {  	s2 =	sld [smem:$0x3F8C];
	s0 =	simm.s32 @p1 $0x1  }
0x15: {  	[smem:$0x3FA9] =	sst s0;
	s0 =	simm.s32 @!p2 $0x0  }
0x16: {  	s3 =	sld [smem:$0x3FDB];
	s0 =	simm.s32 @p2 $0x1  }
0x17: {  	s4 =	simm.s32 $0x1BF5;
	[smem:$0x3FAB] =	sst s0  }
0x18: {  	s0 =	sld [smem:$0x3F8E];
	_ =	swait.ge [sflag:s4], $0x0  }
0x19: {  	s7 =	sld [smem:$0x3F8F]  }
0x1a: {  	s8 =	sadd.s32 $0xFFFFE003, lr  }
0x1b: {  	s9 =	sadd.s32 $0xFFFFFEF7, lr;
	s5 =	simm.s32 $0xFFFFFFFF;
	p2 =	slt.u32 s8, $0xFFFFF086  }
0x1c: {  	p1 =	slt.u32 s9, $0xF7A;
	s5 =	simm.s32 @!p2 $0x0  }
0x1d: {  	s5 =	simm.s32 @p1 $0x1;
	p0 =	seq.s32 s7, s2  }
0x1e: {  	s7 =	smul.u32 @!p0 $0xF7A, s2;
	p2 =	seq.s32 @!p0 s5, $0x0  }
0x1f: {  	s9 =	smul.u32 $0xF7A, s1;
	s8 =	simm.s32 @!p0 $0x1BF5;
	p2 =	por !p2, p0  }
0x20: {  	[sflag:s8] =	ssyncset.s32 @!p0 $0xFFFFF086;
	s6 =	sadd.s32 @!p0 s3, s7;
	s7 =	simm.s32 @!p0 $0x108  }
0x21: {  	s3 =	sadd.s32 s3, s9;
	s6 =	sadd.s32 @!p0 $0x88, s6;
	s7 =	simm.s32 @p2 $0x1082  }
0x22: {  	[simem:s7], [sflag:s8] =	dma.local @!p0 [hbm:s6], $0xF7A  }
0x23: {  	s9 =	sor.u32 $0xD0000000, s2;
	s6 =	simm.s32 $0x108;
	_ =	swait.ge @!p0 [sflag:s8], $0x0  }
0x24: {  	s3 =	sadd.s32 $0x88, s3;
	s6 =	simm.s32 @!p1 $0x1082;
	[sflag:s4] =	ssyncset.s32 $0xFFFFF086  }
0x25: {  	[simem:s6], [sflag:s4] =	dma.local [hbm:s3], $0xF7A  }
0x26: {  	[smem:$0x3F8F] =	sst s1;
	(tag) =	ssettag s2;
	_ =	strace s9  }
0x27: {  	s1 =	sld [smem:$0x3F9F]  }
0x28: {  	s2 =	sld [smem:$0x3FA0]  }
0x29: {  	s4 =	sld [smem:$0x3FA2]  }
0x2a: {  	p0 =	seq.s32 s5, $0x0;
	s5 =	sld [smem:$0x3FA3]  }
0x2b: {  	s6 =	sld [smem:$0x3FA4]  }
0x2c: {  	s7 =	sld [smem:$0x3FA5]  }
0x2d: {  	s3 =	simm.s32 $0x108;
	s8 =	sld [smem:$0x3FA6]  }
0x2e: {  	s3 =	simm.s32 @!p0 $0x1082;
	s9 =	sld [smem:$0x3FA7]  }
0x2f: {  	lr =	sadd.s32 s0, s3;
	s0 =	sld [smem:$0x3F9E]  }
0x30: {  	s3 =	sld [smem:$0x3FA1]  }
0x31: {  	[smem:$0x3FAA] =	sst s10  }
0x32: {  	s10 =	sld [smem:$0x3FA8];
	_ =	sdelay $0x3  }
0x33: {  	p0 =	seq.s32 s10, $0x1;
	s10 =	sld [smem:$0x3FAA];
	_ =	sdelay $0x3  }
0x34: {  	[smem:$0x3FAA] =	sst s10  }
0x35: {  	s10 =	sld [smem:$0x3FA9];
	_ =	sdelay $0x3  }
0x36: {  	p1 =	seq.s32 s10, $0x1;
	s10 =	sld [smem:$0x3FAA];
	_ =	sdelay $0x3  }
0x37: {  	[smem:$0x3FAA] =	sst s10  }
0x38: {  	s10 =	sld [smem:$0x3FAB]  }
0x39: {  	_ = 	snop;
	(pc) =	sbr.ind lr, $3  }
0x3a: {  	_ = 	snop  }
0x3b: {  	_ = 	snop  }
0x3c: {  	p2 =	seq.s32 s10, $0x1;
	s10 =	sld [smem:$0x3FAA]  }
0x3d: {  	_ =	shalt  }
0x3e: {  	_ =	shalt  }
0x3f: {  	_ =	shalt  }
0x40: {  	_ =	shalt  }
0x41: {  	_ =	shalt  }
0x42: {  	_ =	shalt  }
0x43: {  	_ =	shalt  }
0x44: {  	_ =	shalt  }
0x45: {  	_ =	shalt  }
0x46: {  	_ =	shalt  }
0x47: {  	_ =	shalt  }
0x48: {  	_ =	shalt  }
0x49: {  	_ =	shalt  }
0x4a: {  	_ =	shalt  }
0x4b: {  	_ =	shalt  }
0x4c: {  	_ =	shalt  }
0x4d: {  	_ =	shalt  }
0x4e: {  	_ =	shalt  }
0x4f: {  	_ =	shalt  }
0x50: {  	_ =	shalt  }
0x51: {  	_ =	shalt  }
0x52: {  	_ =	shalt  }
0x53: {  	_ =	shalt  }
0x54: {  	_ =	shalt  }
0x55: {  	_ =	shalt  }
0x56: {  	_ =	shalt  }
0x57: {  	_ =	shalt  }
0x58: {  	_ =	shalt  }
0x59: {  	_ =	shalt  }
0x5a: {  	_ =	shalt  }
0x5b: {  	_ =	shalt  }
0x5c: {  	_ =	shalt  }
0x5d: {  	_ =	shalt  }
0x5e: {  	_ =	shalt  }
0x5f: {  	_ =	shalt  }
0x60: {  	_ =	shalt  }
0x61: {  	_ =	shalt  }
0x62: {  	_ =	shalt  }
0x63: {  	_ =	shalt  }
0x64: {  	_ =	shalt  }
0x65: {  	_ =	shalt  }
0x66: {  	_ =	shalt  }
0x67: {  	_ =	shalt  }
0x68: {  	_ =	shalt  }
0x69: {  	_ =	shalt  }
0x6a: {  	_ =	shalt  }
0x6b: {  	_ =	shalt  }
0x6c: {  	_ =	shalt  }
0x6d: {  	_ =	shalt  }
0x6e: {  	_ =	shalt  }
0x6f: {  	_ =	shalt  }
0x70: {  	_ =	shalt  }
0x71: {  	_ =	shalt  }
0x72: {  	_ =	shalt  }
0x73: {  	_ =	shalt  }
0x74: {  	_ =	shalt  }
0x75: {  	_ =	shalt  }
0x76: {  	_ =	shalt  }
0x77: {  	_ =	shalt  }
0x78: {  	_ =	shalt  }
0x79: {  	_ =	shalt  }
0x7a: {  	_ =	shalt  }
0x7b: {  	_ =	shalt  }
0x7c: {  	_ =	shalt  }
0x7d: {  	_ =	shalt  }
0x7e: {  	_ =	shalt  }
0x7f: {  	_ =	shalt  }
0x80: {  	_ =	shalt  }
0x81: {  	_ =	shalt  }
0x82: {  	_ =	shalt  }
0x83: {  	_ =	shalt  }
0x84: {  	_ =	shalt  }
0x85: {  	_ =	shalt  }
0x86: {  	_ =	shalt  }
0x87: {  	_ =	shalt  }
.Lfunc_end0:
.L_simem_size_0:
called_computation.2_lowered:
.L_overlay_start_0:
0x88: {  	s2 =	sld [smem:$0x3FD9]  }
0x89: {  	s3 =	sld [smem:$0x3FFE];
	_ =	sdelay $0x1  }
0x8a: {  	s1 =	srdreg.scid  }
0x8b: {  	s0 =	sand.u32 $0x1, s1  }
0x8c: {  	s17 =	sshll.u32 s0, $0xA;
	s2 =	sadd.s32 s3, s2  }
0x8d: {  	s2 =	sadd.s32 s2, s17  }
0x8e: {  	[smem:$0x3FB6] =	sst s2  }
0x8f: {  	_ = 	snop  }
0x90: {  	s2 =	sld [smem:$0x3FD0];
	(tm) =	ssettm $0x1  }
0x91: {  	s18 =	sld [smem:$0x3FFB];
	_ =	sdelay $0x3  }
0x92: {  	_ =	strace s18  }
0x93: {  	s3 =	sld [smem:$0x3FFC];
	_ =	sdelay $0x3  }
0x94: {  	_ =	strace s3  }
0x95: {  	s3 =	sld [smem:$0x3FFD];
	_ =	sdelay $0x3  }
0x96: {  	_ =	strace s3  }
0x97: {  	_ =	strace $0x8FFFFFFF  }
0x98: {  	s19 =	sld [smem:$0x3FDB];
	_ =	sdelay $0x1  }
0x99: {  	s4 =	simm.s32 $_scs_section_size  }
0x9a: {  	s5 =	simm.s32 $_size__tile_overlayer_lowered;
	s6 =	simm.s32 $_tile_overlayer_lowered  }
0x9b: {  	s22 =	simm.s32 $0x1BFF;
	s21 =	sshll.u32 s6, $0x1;
	s3 =	sadd.s32 s4, s19  }
0x9c: {  	s7 =	simm.s32 $0x0;
	s20 =	sshll.u32 s5, $0x1;
	s5 =	sadd.s32 s21, s3  }
0x9d: {  	[timem:s7], [sflag:s22] =	dma.local [hbm:s5], s20  }
0x9e: {  	_ =	swait.ge [sflag:s22], s20  }
0x9f: {  	s4 =	ssub.s32 $0x0, s20;
	[sflag:s22] =	ssyncset.done $0x0  }
0xa0: {  	[sflag:s22] =	ssyncadd.s32 s4;
	_ =	sdelay $0x1  }
0xa1: {  	s23 =	simm.s32 $0x1B8B  }
0xa2: {  	_ =	swait.ge [sflag:s23], $0x1  }
0xa3: {  	[sflag:s23] =	ssyncset.done $0x0  }
0xa4: {  	s25 =	simm.s32 $0x1B8E;
	s24 =	sld [smem:$0x3FFE];
	[sflag:s23] =	ssyncadd.s32 $0xFFFFFFFF  }
0xa5: {  	s26 =	simm.s32 $execute0_lowered;
	[smem:$0x3FD2] =	sst s25  }
0xa6: {  	s5 =	sshll.u32 s26, $0x1;
	_ =	strace $0x8000004C;
	[dreg:$0x1] =	wrdreg $0xFFFFFFFF  }
0xa7: {  	s28 =	simm.s32 $_size_execute0_lowered;
	s3 =	sadd.s32 s3, s5;
	[dreg:$0x0] =	wrdreg $0x0  }
0xa8: {  	s5 =	sshll.u32 s28, $0x1;
	[dreg:$0x2] =	wrdreg s3  }
0xa9: {  	[dreg:$0x3] =	wrdreg s5  }
0xaa: {  	[dreg:$0x4] =	wrdreg $0xC0  }
0xab: {  	_ =	task [dreg:s7], $0x5FFFF  }
0xac: {  	[dreg:$0x1] =	wrdreg $0xFFFFFFFF  }
0xad: {  	[dreg:$0x0] =	wrdreg $0x60  }
0xae: {  	[dreg:$0x2] =	wrdreg s24  }
0xaf: {  	[dreg:$0x3] =	wrdreg s2  }
0xb0: {  	[dreg:$0x4] =	wrdreg $0x139000  }
0xb1: {  	[dreg:$0x5] =	wrdreg $0x0  }
0xb2: {  	[dreg:$0x6] =	wrdreg $0x9  }
0xb3: {  	_ =	task.clear_ibuf [dreg:s7], $0x7FFFF;
	_ =	strace $0x9000004C  }
0xb4: {  	s29 =	simm.s32 $0x9;
	_ =	strace $0x8000004E  }
0xb5: {  	_ =	swait.ge [sflag:s29], $0x1  }
0xb6: {  	[sflag:s29] =	ssyncadd.s32 $0xFFFFFFFF  }
0xb7: {  	_ =	strace $0x9000004E  }
0xb8: {  	_ =	sfence  }
0xb9: {  	s30 =	sld [smem:$0x0];
	_ =	sdelay $0x2  }
0xba: {  	s31 =	sshll.u32 s1, $0xD;
	s1 =	sshrl.u32 s1, $0x2  }
0xbb: {  	s3 =	sand.u32 $0x4000, s31;
	s1 =	sadd.s32 s1, s30  }
0xbc: {  	s0 =	sor.u32 s3, s0;
	s1 =	sshll.u32 s1, $0x11  }
0xbd: {  	s0 =	sor.u32 s1, s0  }
0xbe: {  	s0 =	sadd.s32 $0x8F2B, s0  }
0xbf: {  	[sflag:s0] =	ssyncadd.remote.s32 $0x1  }
0xc0: {  	_ =	sfence.sel $0xFFFF  }
0xc1: {  	[dreg:$0x0] =	wrdreg $0xFFFFFFFF;
	(pc) =	sbr.abs _section_cstart, $3  }
0xc2: {  	[dreg:$0x1] =	wrdreg $0xFFFFFFFF  }
0xc3: {  	_ =	task.clear_ibuf [dreg:s7], $0x2FFFF;
	_ =	strace $0x9FFFFFFF  }
0xc4: {  	(tm) =	ssettm $0x7FFFFFFF  }
0xc5: {  	_ =	shalt  }
tec
execute0_lowered:
.L_overlay_start_1:
0x0: {  	(tag) =	ssettag $0x1  }
0x1: {  	s0 =	rddreg [dreg:$0x0]  }
0x2: {  	s1 =	rddreg [dreg:$0x1]  }
0x3: {  	s2 =	rddreg [dreg:$0x2];
	s12 =	stileid.u32  }
0x4: {  	s4 =	srdreg.scid;
	s7 =	smul.u32 $0x1390, s12  }
0x5: {  	s3 =	rddreg [dreg:$0x3];
	s14 =	smul.u32 $0x27200, s12  }
0x6: {  	s29 =	simm.s32 $0x7;
	s28 =	simm.s32 $0x5;
	s15 =	smul.u32 $0x4E400, s12  }
0x7: {  	s30 =	simm.s32 $0x2;
	s5 =	sand.u32 $0x1, s4;
	s21 =	smul.u32 $0xA00, s12  }
0x8: {  	s4 =	simm.s32 $0x0;
	s9 =	sshrl.u32 s12, $0x3;
	s6 =	smul.u32 $0x13900, s5  }
0x9: {  	s10 =	sand.u32 $0x7, s12;
	s26 =	sadd.s32 $0x22200, s0;
	s8 =	smul.u32 $0x139000, s5  }
0xa: {  	s11 =	sadd.s32 $0x3A00, s0;
	s18 =	sshll.u32 s12, $0x6;
	s9 =	smul.u32 $0x9C800, s9  }
0xb: {  	[smem:$0x7FF] =	sst s4;
	s25 =	smul.u32 $0x13900, s10;
	s5 =	ssub.s32 $0x2, s5  }
0xc: {  	s16 =	sor.u32 $0x1C07, s18;
	s18 =	simm.s32 $0x1D780;
	_ =	strace $0x8000004D  }
0xd: {  	[dreg:$0x7] =	wrdreg s11;
	s13 =	sshrl.u32 s5, $0x1;
	s17 =	sshrl.u32 s14, $0x2  }
0xe: {  	s11 =	smul.u32 $0x5000, s12;
	s19 =	sshrl.u32 s15, $0x2;
	s24 =	sadd.s32 s21, s26  }
0xf: {  	[dreg:$0x9] =	wrdreg s16;
	s14 =	simm.s32 $0x1D680;
	s6 =	sadd.s32 s7, s6  }
0x10: {  	s8 =	sadd.s32 s8, s9;
	s5 =	ssub.s32 s5, s13;
	[dreg:$0x5] =	wrdreg s24  }
0x11: {  	s6 =	sadd.s32 s6, s0;
	s7 =	sadd.s32 s25, s8;
	s8 =	sadd.s32 s17, s2  }
0x12: {  	s20 =	sshrl.u32 s11, $0x3;
	s25 =	smax.u32 s5, $0x1;
	s17 =	simm.s32 $0x1D580  }
0x13: {  	s7 =	sshrl.u32 s7, $0x3;
	s6 =	sadd.s32 $0x2C200, s6;
	s11 =	sadd.s32 s1, s20  }
0x14: {  	s22 =	sor.u32 $0x40, s20;
	[dreg:$0xf] =	wrdreg s25;
	s25 =	simm.s32 $0x1ED80  }
0x15: {  	s0 =	sadd.s32 s7, s0;
	[dreg:$0x8] =	wrdreg s6;
	s6 =	sadd.s32 s19, s3  }
0x16: {  	[dreg:$0xa] =	wrdreg s11;
	s7 =	sadd.s32 s26, s20;
	s23 =	sadd.s32 s1, s22  }
0x17: {  	s10 =	sadd.s32 s26, s22;
	s1 =	sadd.s32 s21, s1;
	[dreg:$0xb] =	wrdreg s7  }
0x18: {  	s26 =	sshrl.u32 s8, $0x3;
	s19 =	simm.s32 $0x3;
	[dreg:$0xc] =	wrdreg s23  }
0x19: {  	s20 =	simm.s32 $0x1D980;
	s21 =	simm.s32 $0x1DB80;
	[dreg:$0xd] =	wrdreg s10  }
0x1a: {  	s22 =	simm.s32 $0x40;
	s0 =	sadd.s32 $0x53400, s0;
	[dreg:$0x6] =	wrdreg s1  }
0x1b: {  	[dreg:$0x10] =	wrdreg s26;
	s31 =	sshrl.u32 s6, $0x3;
	s23 =	simm.s32 $0x1DD80  }
0x1c: {  	s26 =	simm.s32 $0x1;
	s7 =	simm.s32 $0x4;
	[dreg:$0xe] =	wrdreg s0  }
0x1d: {  	s1 =	simm.s32 $0x0;
	s0 =	simm.s32 $0x6;
	[dreg:$0x11] =	wrdreg s31  }
.LBB2_1:
0x1e: {  	[dreg:$0x12] =	wrdreg s1  }
0x1f: {  	s15 =	rddreg [dreg:$0x8]  }
0x20: {  	s24 =	rddreg [dreg:$0x10]  }
0x21: {  	[spmem:s24], [sflag:s16] =	dma.local [hbm:s15], $0x1390  }
0x22: {  	_ =	swait.ge [sflag:s29], $0x1390  }
0x23: {  	[sflag:s29] =	ssyncset.done $0x0  }
0x24: {  	s9 =	rddreg [dreg:$0x7];
	[sflag:s29] =	ssyncadd.s32 $0xFFFFEC70  }
0x25: {  	[spmem:s31], [sflag:s16] =	dma.local [hbm:s9], $0x2720  }
0x26: {  	_ =	swait.ge [sflag:s29], $0x2720  }
0x27: {  	[sflag:s29] =	ssyncset.done $0x0  }
0x28: {  	s10 =	rddreg [dreg:$0xa];
	[sflag:s29] =	ssyncadd.s32 $0xFFFFD8E0  }
0x29: {  	[tilespmem:s17], [sflag:$0x3] =	stream.linear.gather [hbm4b:s10+s4], $0x200, $0x38;
	[tilespmem:$0x1FD80] =	vst v63  }
0x2a: {  	s11 =	rddreg [dreg:$0xb]  }
0x2b: {  	[tilespmem:s18], [sflag:$0x3] =	stream.linear.gather [hbm4b:s11+s4], $0x200, $0x38;
	[tilespmem:$0x1FD80] =	vst v63  }
0x2c: {  	[bflag:$0x0] =	sbarrier.arrive $0xFFFF  }
0x2d: {  	_ =	swait.ge [sflag:s19], $0x200  }
0x2e: {  	[sflag:s19] =	ssyncset.done $0x0  }
0x2f: {  	[sflag:s19] =	ssyncadd.s32 $0xFFFFFE00  }
0x30: {  	_ =	swait.ge [sflag:s19], $0x200  }
0x31: {  	[sflag:s19] =	ssyncset.done $0x0  }
0x32: {  	s12 =	rddreg [dreg:$0xc];
	[sflag:s19] =	ssyncadd.s32 $0xFFFFFE00  }
0x33: {  	[tilespmem:s20], [sflag:$0x4] =	stream.linear.gather [hbm4b:s12+s4], $0x200, $0x38;
	[tilespmem:$0x1FD80] =	vst v63  }
0x34: {  	s13 =	rddreg [dreg:$0xd]  }
0x35: {  	[tilespmem:s21], [sflag:$0x4] =	stream.linear.gather [hbm4b:s13+s4], $0x200, $0x38;
	[tilespmem:$0x1FD80] =	vst v63  }
0x36: {  	_ = 	snop  }
0x37: {  	[tilespmem:s23], [sflag:$0x1] =	stream.indirect.gather [spmem:s2], $0x40, s17, s22, $0xb8;
	[tilespmem:$0x1FD80] =	vst v63  }
0x38: {  	s29 =	simm.s32 $0x1D5C0  }
0x39: {  	[tilespmem:s25], [sflag:$0x2] =	stream.indirect.gather [spmem:s2], $0x40, s29, s22, $0xb8;
	[tilespmem:$0x1FD80] =	vst v63  }
0x3a: {  	_ =	swait.ge [sflag:s26], $0x1000  }
0x3b: {  	[sflag:s26] =	ssyncset.done $0x0  }
0x3c: {  	[sflag:s26] =	ssyncadd.s32 $0xFFFFF000  }
0x3d: {  	[spmem:s3] =	stream.indirect.scatter.add.f32 [tilespmem:s23], [sflag:$0x5], $0x40, s18, s22, $0xb8;
	[tilespmem:$0x1FD80] =	vst v63  }
0x3e: {  	_ =	swait.ge [sflag:s28], $0x1000  }
0x3f: {  	[sflag:s28] =	ssyncset.done $0x0  }
0x40: {  	s31 =	simm.s32 $0x1D600;
	[sflag:s28] =	ssyncadd.s32 $0xFFFFF000  }
0x41: {  	[tilespmem:s23], [sflag:$0x1] =	stream.indirect.gather [spmem:s2], $0x40, s31, s22, $0xb8;
	[tilespmem:$0x1FD80] =	vst v63  }
0x42: {  	_ =	swait.ge [sflag:s30], $0x1000  }
0x43: {  	[sflag:s30] =	ssyncset.done $0x0  }
0x44: {  	s1 =	simm.s32 $0x1D7C0;
	[sflag:s30] =	ssyncadd.s32 $0xFFFFF000  }
0x45: {  	[spmem:s3] =	stream.indirect.scatter.add.f32 [tilespmem:s25], [sflag:$0x6], $0x40, s1, s22, $0xb8;
	[tilespmem:$0x1FD80] =	vst v63  }
0x46: {  	_ =	swait.ge [sflag:s0], $0x1000  }
0x47: {  	[sflag:s0] =	ssyncset.done $0x0  }
0x48: {  	s5 =	simm.s32 $0x1D640;
	[sflag:s0] =	ssyncadd.s32 $0xFFFFF000  }
0x49: {  	[tilespmem:s25], [sflag:$0x2] =	stream.indirect.gather [spmem:s2], $0x40, s5, s22, $0xb8;
	[tilespmem:$0x1FD80] =	vst v63  }
0x4a: {  	_ =	swait.ge [sflag:s26], $0x1000  }
0x4b: {  	[sflag:s26] =	ssyncset.done $0x0  }
0x4c: {  	s6 =	simm.s32 $0x1D800;
	[sflag:s26] =	ssyncadd.s32 $0xFFFFF000  }
0x4d: {  	[spmem:s3] =	stream.indirect.scatter.add.f32 [tilespmem:s23], [sflag:$0x5], $0x40, s6, s22, $0xb8;
	[tilespmem:$0x1FD80] =	vst v63  }
0x4e: {  	_ =	swait.ge [sflag:s28], $0x1000  }
0x4f: {  	[sflag:s28] =	ssyncset.done $0x0  }
0x50: {  	s8 =	simm.s32 $0x1D680;
	[sflag:s28] =	ssyncadd.s32 $0xFFFFF000  }
0x51: {  	[tilespmem:s23], [sflag:$0x1] =	stream.indirect.gather [spmem:s2], $0x40, s8, s22, $0xb8;
	[tilespmem:$0x1FD80] =	vst v63  }
0x52: {  	_ =	swait.ge [sflag:s30], $0x1000  }
0x53: {  	[sflag:s30] =	ssyncset.done $0x0  }
0x54: {  	s9 =	simm.s32 $0x1D840;
	[sflag:s30] =	ssyncadd.s32 $0xFFFFF000  }
0x55: {  	[spmem:s3] =	stream.indirect.scatter.add.f32 [tilespmem:s25], [sflag:$0x6], $0x40, s9, s22, $0xb8;
	[tilespmem:$0x1FD80] =	vst v63  }
0x56: {  	_ =	swait.ge [sflag:s0], $0x1000  }
0x57: {  	[sflag:s0] =	ssyncset.done $0x0  }
0x58: {  	s10 =	simm.s32 $0x1D6C0;
	[sflag:s0] =	ssyncadd.s32 $0xFFFFF000  }
0x59: {  	[tilespmem:s25], [sflag:$0x2] =	stream.indirect.gather [spmem:s2], $0x40, s10, s22, $0xb8;
	[tilespmem:$0x1FD80] =	vst v63  }
0x5a: {  	_ =	swait.ge [sflag:s26], $0x1000  }
0x5b: {  	[sflag:s26] =	ssyncset.done $0x0  }
0x5c: {  	s11 =	simm.s32 $0x1D880;
	[sflag:s26] =	ssyncadd.s32 $0xFFFFF000  }
0x5d: {  	[spmem:s3] =	stream.indirect.scatter.add.f32 [tilespmem:s23], [sflag:$0x5], $0x40, s11, s22, $0xb8;
	[tilespmem:$0x1FD80] =	vst v63  }
0x5e: {  	_ =	swait.ge [sflag:s28], $0x1000  }
0x5f: {  	[sflag:s28] =	ssyncset.done $0x0  }
0x60: {  	s12 =	simm.s32 $0x1D700;
	[sflag:s28] =	ssyncadd.s32 $0xFFFFF000  }
0x61: {  	[tilespmem:s23], [sflag:$0x1] =	stream.indirect.gather [spmem:s2], $0x40, s12, s22, $0xb8;
	[tilespmem:$0x1FD80] =	vst v63  }
0x62: {  	_ =	swait.ge [sflag:s30], $0x1000  }
0x63: {  	[sflag:s30] =	ssyncset.done $0x0  }
0x64: {  	s13 =	simm.s32 $0x1D8C0;
	[sflag:s30] =	ssyncadd.s32 $0xFFFFF000  }
0x65: {  	[spmem:s3] =	stream.indirect.scatter.add.f32 [tilespmem:s25], [sflag:$0x6], $0x40, s13, s22, $0xb8;
	[tilespmem:$0x1FD80] =	vst v63  }
0x66: {  	_ =	swait.ge [sflag:s0], $0x1000  }
0x67: {  	[sflag:s0] =	ssyncset.done $0x0  }
0x68: {  	s16 =	simm.s32 $0x1D740;
	[sflag:s0] =	ssyncadd.s32 $0xFFFFF000  }
0x69: {  	[tilespmem:s25], [sflag:$0x2] =	stream.indirect.gather [spmem:s2], $0x40, s16, s22, $0xb8;
	[tilespmem:$0x1FD80] =	vst v63  }
0x6a: {  	_ =	swait.ge [sflag:s26], $0x1000  }
0x6b: {  	[sflag:s26] =	ssyncset.done $0x0  }
0x6c: {  	s24 =	simm.s32 $0x1D900;
	[sflag:s26] =	ssyncadd.s32 $0xFFFFF000  }
0x6d: {  	[spmem:s3] =	stream.indirect.scatter.add.f32 [tilespmem:s23], [sflag:$0x5], $0x40, s24, s22, $0xb8;
	[tilespmem:$0x1FD80] =	vst v63  }
0x6e: {  	_ =	swait.ge [sflag:s30], $0x1000  }
0x6f: {  	[sflag:s30] =	ssyncset.done $0x0  }
0x70: {  	s15 =	simm.s32 $0x1D940;
	[sflag:s30] =	ssyncadd.s32 $0xFFFFF000  }
0x71: {  	[spmem:s3] =	stream.indirect.scatter.add.f32 [tilespmem:s25], [sflag:$0x6], $0x40, s15, s22, $0xb8;
	[tilespmem:$0x1FD80] =	vst v63  }
0x72: {  	_ =	swait.ge [sflag:s28], $0x1000  }
0x73: {  	[sflag:s28] =	ssyncset.done $0x0  }
0x74: {  	[sflag:s28] =	ssyncadd.s32 $0xFFFFF000  }
0x75: {  	_ =	swait.ge [sflag:s7], $0x200  }
0x76: {  	[sflag:s7] =	ssyncset.done $0x0  }
0x77: {  	[sflag:s7] =	ssyncadd.s32 $0xFFFFFE00  }
0x78: {  	_ =	swait.ge [sflag:s7], $0x200  }
0x79: {  	s16 =	rddreg [dreg:$0x6]  }
0x7a: {  	s24 =	rddreg [dreg:$0x5];
	[sflag:s7] =	ssyncset.done $0x0;
	s15 =	sadd.s32 $0xFFFFF680, s16  }
0x7b: {  	[sflag:s7] =	ssyncadd.s32 $0xFFFFFE00;
	s16 =	sadd.s32 $0xFFFFF680, s24;
	s13 =	sadd.s32 $0xA00, s15  }
0x7c: {  	[tilespmem:s17], [sflag:$0x3] =	stream.linear.gather [hbm4b:s13+s4], $0x200, $0x38;
	[tilespmem:$0x1FD80] =	vst v63  }
0x7d: {  	s13 =	sadd.s32 $0xA00, s16  }
0x7e: {  	[tilespmem:s18], [sflag:$0x3] =	stream.linear.gather [hbm4b:s13+s4], $0x200, $0x38;
	[tilespmem:$0x1FD80] =	vst v63  }
0x7f: {  	_ = 	snop  }
0x80: {  	[tilespmem:s23], [sflag:$0x1] =	stream.indirect.gather [spmem:s2], $0x40, s20, s22, $0xb8;
	[tilespmem:$0x1FD80] =	vst v63  }
0x81: {  	_ =	swait.ge [sflag:s0], $0x1000  }
0x82: {  	[sflag:s0] =	ssyncset.done $0x0  }
0x83: {  	s13 =	simm.s32 $0x1D9C0;
	[sflag:s0] =	ssyncadd.s32 $0xFFFFF000  }
0x84: {  	[tilespmem:s25], [sflag:$0x2] =	stream.indirect.gather [spmem:s2], $0x40, s13, s22, $0xb8;
	[tilespmem:$0x1FD80] =	vst v63  }
0x85: {  	_ =	swait.ge [sflag:s26], $0x1000  }
0x86: {  	[sflag:s26] =	ssyncset.done $0x0  }
0x87: {  	[sflag:s26] =	ssyncadd.s32 $0xFFFFF000  }
0x88: {  	[spmem:s3] =	stream.indirect.scatter.add.f32 [tilespmem:s23], [sflag:$0x5], $0x40, s21, s22, $0xb8;
	[tilespmem:$0x1FD80] =	vst v63  }
0x89: {  	_ =	swait.ge [sflag:s28], $0x1000  }
0x8a: {  	[sflag:s28] =	ssyncset.done $0x0  }
0x8b: {  	s13 =	simm.s32 $0x1DA00;
	[sflag:s28] =	ssyncadd.s32 $0xFFFFF000  }
0x8c: {  	[tilespmem:s23], [sflag:$0x1] =	stream.indirect.gather [spmem:s2], $0x40, s13, s22, $0xb8;
	[tilespmem:$0x1FD80] =	vst v63  }
0x8d: {  	_ =	swait.ge [sflag:s30], $0x1000  }
0x8e: {  	[sflag:s30] =	ssyncset.done $0x0  }
0x8f: {  	s13 =	simm.s32 $0x1DBC0;
	[sflag:s30] =	ssyncadd.s32 $0xFFFFF000  }
0x90: {  	[spmem:s3] =	stream.indirect.scatter.add.f32 [tilespmem:s25], [sflag:$0x6], $0x40, s13, s22, $0xb8;
	[tilespmem:$0x1FD80] =	vst v63  }
0x91: {  	_ =	swait.ge [sflag:s0], $0x1000  }
0x92: {  	[sflag:s0] =	ssyncset.done $0x0  }
0x93: {  	s13 =	simm.s32 $0x1DA40;
	[sflag:s0] =	ssyncadd.s32 $0xFFFFF000  }
0x94: {  	[tilespmem:s25], [sflag:$0x2] =	stream.indirect.gather [spmem:s2], $0x40, s13, s22, $0xb8;
	[tilespmem:$0x1FD80] =	vst v63  }
0x95: {  	_ =	swait.ge [sflag:s26], $0x1000  }
0x96: {  	[sflag:s26] =	ssyncset.done $0x0  }
0x97: {  	s13 =	simm.s32 $0x1DC00;
	[sflag:s26] =	ssyncadd.s32 $0xFFFFF000  }
0x98: {  	[spmem:s3] =	stream.indirect.scatter.add.f32 [tilespmem:s23], [sflag:$0x5], $0x40, s13, s22, $0xb8;
	[tilespmem:$0x1FD80] =	vst v63  }
0x99: {  	_ =	swait.ge [sflag:s28], $0x1000  }
0x9a: {  	[sflag:s28] =	ssyncset.done $0x0  }
0x9b: {  	s13 =	simm.s32 $0x1DA80;
	[sflag:s28] =	ssyncadd.s32 $0xFFFFF000  }
0x9c: {  	[tilespmem:s23], [sflag:$0x1] =	stream.indirect.gather [spmem:s2], $0x40, s13, s22, $0xb8;
	[tilespmem:$0x1FD80] =	vst v63  }
0x9d: {  	_ =	swait.ge [sflag:s30], $0x1000  }
0x9e: {  	[sflag:s30] =	ssyncset.done $0x0  }
0x9f: {  	s13 =	simm.s32 $0x1DC40;
	[sflag:s30] =	ssyncadd.s32 $0xFFFFF000  }
0xa0: {  	[spmem:s3] =	stream.indirect.scatter.add.f32 [tilespmem:s25], [sflag:$0x6], $0x40, s13, s22, $0xb8;
	[tilespmem:$0x1FD80] =	vst v63  }
0xa1: {  	_ =	swait.ge [sflag:s0], $0x1000  }
0xa2: {  	[sflag:s0] =	ssyncset.done $0x0  }
0xa3: {  	s13 =	simm.s32 $0x1DAC0;
	[sflag:s0] =	ssyncadd.s32 $0xFFFFF000  }
0xa4: {  	[tilespmem:s25], [sflag:$0x2] =	stream.indirect.gather [spmem:s2], $0x40, s13, s22, $0xb8;
	[tilespmem:$0x1FD80] =	vst v63  }
0xa5: {  	_ =	swait.ge [sflag:s26], $0x1000  }
0xa6: {  	[sflag:s26] =	ssyncset.done $0x0  }
0xa7: {  	s13 =	simm.s32 $0x1DC80;
	[sflag:s26] =	ssyncadd.s32 $0xFFFFF000  }
0xa8: {  	[spmem:s3] =	stream.indirect.scatter.add.f32 [tilespmem:s23], [sflag:$0x5], $0x40, s13, s22, $0xb8;
	[tilespmem:$0x1FD80] =	vst v63  }
0xa9: {  	_ =	swait.ge [sflag:s28], $0x1000  }
0xaa: {  	[sflag:s28] =	ssyncset.done $0x0  }
0xab: {  	s13 =	simm.s32 $0x1DB00;
	[sflag:s28] =	ssyncadd.s32 $0xFFFFF000  }
0xac: {  	[tilespmem:s23], [sflag:$0x1] =	stream.indirect.gather [spmem:s2], $0x40, s13, s22, $0xb8;
	[tilespmem:$0x1FD80] =	vst v63  }
0xad: {  	_ =	swait.ge [sflag:s30], $0x1000  }
0xae: {  	[sflag:s30] =	ssyncset.done $0x0  }
0xaf: {  	s13 =	simm.s32 $0x1DCC0;
	[sflag:s30] =	ssyncadd.s32 $0xFFFFF000  }
0xb0: {  	[spmem:s3] =	stream.indirect.scatter.add.f32 [tilespmem:s25], [sflag:$0x6], $0x40, s13, s22, $0xb8;
	[tilespmem:$0x1FD80] =	vst v63  }
0xb1: {  	_ =	swait.ge [sflag:s0], $0x1000  }
0xb2: {  	[sflag:s0] =	ssyncset.done $0x0  }
0xb3: {  	s13 =	simm.s32 $0x1DB40;
	[sflag:s0] =	ssyncadd.s32 $0xFFFFF000  }
0xb4: {  	[tilespmem:s25], [sflag:$0x2] =	stream.indirect.gather [spmem:s2], $0x40, s13, s22, $0xb8;
	[tilespmem:$0x1FD80] =	vst v63  }
0xb5: {  	_ =	swait.ge [sflag:s26], $0x1000  }
0xb6: {  	[sflag:s26] =	ssyncset.done $0x0  }
0xb7: {  	s13 =	simm.s32 $0x1DD00;
	[sflag:s26] =	ssyncadd.s32 $0xFFFFF000  }
0xb8: {  	[spmem:s3] =	stream.indirect.scatter.add.f32 [tilespmem:s23], [sflag:$0x5], $0x40, s13, s22, $0xb8;
	[tilespmem:$0x1FD80] =	vst v63  }
0xb9: {  	_ =	swait.ge [sflag:s30], $0x1000  }
0xba: {  	[sflag:s30] =	ssyncset.done $0x0  }
0xbb: {  	s13 =	simm.s32 $0x1DD40;
	[sflag:s30] =	ssyncadd.s32 $0xFFFFF000  }
0xbc: {  	[spmem:s3] =	stream.indirect.scatter.add.f32 [tilespmem:s25], [sflag:$0x6], $0x40, s13, s22, $0xb8;
	[tilespmem:$0x1FD80] =	vst v63  }
0xbd: {  	_ =	swait.ge [sflag:s28], $0x1000  }
0xbe: {  	[sflag:s28] =	ssyncset.done $0x0  }
0xbf: {  	[sflag:s28] =	ssyncadd.s32 $0xFFFFF000  }
0xc0: {  	_ =	swait.ge [sflag:s19], $0x200  }
0xc1: {  	[sflag:s19] =	ssyncset.done $0x0  }
0xc2: {  	[sflag:s19] =	ssyncadd.s32 $0xFFFFFE00  }
0xc3: {  	_ =	swait.ge [sflag:s19], $0x200  }
0xc4: {  	[sflag:s19] =	ssyncset.done $0x0  }
0xc5: {  	s15 =	sadd.s32 $0xA40, s15;
	[sflag:s19] =	ssyncadd.s32 $0xFFFFFE00  }
0xc6: {  	[tilespmem:s20], [sflag:$0x4] =	stream.linear.gather [hbm4b:s15+s4], $0x200, $0x38;
	[tilespmem:$0x1FD80] =	vst v63  }
0xc7: {  	s13 =	sadd.s32 $0xA40, s16  }
0xc8: {  	[tilespmem:s21], [sflag:$0x4] =	stream.linear.gather [hbm4b:s13+s4], $0x200, $0x38;
	[tilespmem:$0x1FD80] =	vst v63  }
0xc9: {  	_ = 	snop  }
0xca: {  	[tilespmem:s23], [sflag:$0x1] =	stream.indirect.gather [spmem:s2], $0x40, s17, s22, $0xb8;
	[tilespmem:$0x1FD80] =	vst v63  }
0xcb: {  	_ =	swait.ge [sflag:s0], $0x1000  }
0xcc: {  	[sflag:s0] =	ssyncset.done $0x0  }
0xcd: {  	[sflag:s0] =	ssyncadd.s32 $0xFFFFF000  }
0xce: {  	[tilespmem:s25], [sflag:$0x2] =	stream.indirect.gather [spmem:s2], $0x40, s29, s22, $0xb8;
	[tilespmem:$0x1FD80] =	vst v63  }
0xcf: {  	_ =	swait.ge [sflag:s26], $0x1000  }
0xd0: {  	[sflag:s26] =	ssyncset.done $0x0  }
0xd1: {  	[sflag:s26] =	ssyncadd.s32 $0xFFFFF000  }
0xd2: {  	[spmem:s3] =	stream.indirect.scatter.add.f32 [tilespmem:s23], [sflag:$0x5], $0x40, s18, s22, $0xb8;
	[tilespmem:$0x1FD80] =	vst v63  }
0xd3: {  	_ =	swait.ge [sflag:s28], $0x1000  }
0xd4: {  	[sflag:s28] =	ssyncset.done $0x0  }
0xd5: {  	[sflag:s28] =	ssyncadd.s32 $0xFFFFF000  }
0xd6: {  	[tilespmem:s23], [sflag:$0x1] =	stream.indirect.gather [spmem:s2], $0x40, s31, s22, $0xb8;
	[tilespmem:$0x1FD80] =	vst v63  }
0xd7: {  	_ =	swait.ge [sflag:s30], $0x1000  }
0xd8: {  	[sflag:s30] =	ssyncset.done $0x0  }
0xd9: {  	[sflag:s30] =	ssyncadd.s32 $0xFFFFF000  }
0xda: {  	[spmem:s3] =	stream.indirect.scatter.add.f32 [tilespmem:s25], [sflag:$0x6], $0x40, s1, s22, $0xb8;
	[tilespmem:$0x1FD80] =	vst v63  }
0xdb: {  	_ =	swait.ge [sflag:s0], $0x1000  }
0xdc: {  	[sflag:s0] =	ssyncset.done $0x0  }
0xdd: {  	[sflag:s0] =	ssyncadd.s32 $0xFFFFF000  }
0xde: {  	[tilespmem:s25], [sflag:$0x2] =	stream.indirect.gather [spmem:s2], $0x40, s5, s22, $0xb8;
	[tilespmem:$0x1FD80] =	vst v63  }
0xdf: {  	_ =	swait.ge [sflag:s26], $0x1000  }
0xe0: {  	[sflag:s26] =	ssyncset.done $0x0  }
0xe1: {  	[sflag:s26] =	ssyncadd.s32 $0xFFFFF000  }
0xe2: {  	[spmem:s3] =	stream.indirect.scatter.add.f32 [tilespmem:s23], [sflag:$0x5], $0x40, s6, s22, $0xb8;
	[tilespmem:$0x1FD80] =	vst v63  }
0xe3: {  	_ =	swait.ge [sflag:s28], $0x1000  }
0xe4: {  	[sflag:s28] =	ssyncset.done $0x0  }
0xe5: {  	[sflag:s28] =	ssyncadd.s32 $0xFFFFF000  }
0xe6: {  	[tilespmem:s23], [sflag:$0x1] =	stream.indirect.gather [spmem:s2], $0x40, s8, s22, $0xb8;
	[tilespmem:$0x1FD80] =	vst v63  }
0xe7: {  	_ =	swait.ge [sflag:s30], $0x1000  }
0xe8: {  	[sflag:s30] =	ssyncset.done $0x0  }
0xe9: {  	[sflag:s30] =	ssyncadd.s32 $0xFFFFF000  }
0xea: {  	[spmem:s3] =	stream.indirect.scatter.add.f32 [tilespmem:s25], [sflag:$0x6], $0x40, s9, s22, $0xb8;
	[tilespmem:$0x1FD80] =	vst v63  }
0xeb: {  	_ =	swait.ge [sflag:s0], $0x1000  }
0xec: {  	[sflag:s0] =	ssyncset.done $0x0  }
0xed: {  	[sflag:s0] =	ssyncadd.s32 $0xFFFFF000  }
0xee: {  	[tilespmem:s25], [sflag:$0x2] =	stream.indirect.gather [spmem:s2], $0x40, s10, s22, $0xb8;
	[tilespmem:$0x1FD80] =	vst v63  }
0xef: {  	_ =	swait.ge [sflag:s26], $0x1000  }
0xf0: {  	[sflag:s26] =	ssyncset.done $0x0  }
0xf1: {  	[sflag:s26] =	ssyncadd.s32 $0xFFFFF000  }
0xf2: {  	[spmem:s3] =	stream.indirect.scatter.add.f32 [tilespmem:s23], [sflag:$0x5], $0x40, s11, s22, $0xb8;
	[tilespmem:$0x1FD80] =	vst v63  }
0xf3: {  	_ =	swait.ge [sflag:s28], $0x1000  }
0xf4: {  	[sflag:s28] =	ssyncset.done $0x0  }
0xf5: {  	[sflag:s28] =	ssyncadd.s32 $0xFFFFF000  }
0xf6: {  	[tilespmem:s23], [sflag:$0x1] =	stream.indirect.gather [spmem:s2], $0x40, s12, s22, $0xb8;
	[tilespmem:$0x1FD80] =	vst v63  }
0xf7: {  	_ =	swait.ge [sflag:s30], $0x1000  }
0xf8: {  	[sflag:s30] =	ssyncset.done $0x0  }
0xf9: {  	s16 =	simm.s32 $0x1D8C0;
	[sflag:s30] =	ssyncadd.s32 $0xFFFFF000  }
0xfa: {  	[spmem:s3] =	stream.indirect.scatter.add.f32 [tilespmem:s25], [sflag:$0x6], $0x40, s16, s22, $0xb8;
	[tilespmem:$0x1FD80] =	vst v63  }
0xfb: {  	_ =	swait.ge [sflag:s0], $0x1000  }
0xfc: {  	[sflag:s0] =	ssyncset.done $0x0  }
0xfd: {  	s24 =	simm.s32 $0x1D740;
	[sflag:s0] =	ssyncadd.s32 $0xFFFFF000  }
0xfe: {  	[tilespmem:s25], [sflag:$0x2] =	stream.indirect.gather [spmem:s2], $0x40, s24, s22, $0xb8;
	[tilespmem:$0x1FD80] =	vst v63  }
0xff: {  	_ =	swait.ge [sflag:s26], $0x1000  }
0x100: {  	[sflag:s26] =	ssyncset.done $0x0  }
0x101: {  	s13 =	simm.s32 $0x1D800;
	s29 =	simm.s32 $0x1D900;
	[sflag:s26] =	ssyncadd.s32 $0xFFFFF000  }
0x102: {  	[spmem:s3] =	stream.indirect.scatter.add.f32 [tilespmem:s23], [sflag:$0x5], $0x40, s29, s22, $0xb8;
	[tilespmem:$0x1FD80] =	vst v63  }
0x103: {  	s31 =	simm.s32 $0x1D940;
	s1 =	simm.s32 $0x1D840;
	_ =	swait.ge [sflag:s30], $0x1000  }
0x104: {  	s5 =	simm.s32 $0x1D6C0;
	s6 =	simm.s32 $0x1D880;
	[sflag:s30] =	ssyncset.done $0x0  }
0x105: {  	s8 =	simm.s32 $0x1D700;
	s9 =	simm.s32 $0x1D8C0;
	[sflag:s30] =	ssyncadd.s32 $0xFFFFF000  }
0x106: {  	[spmem:s3] =	stream.indirect.scatter.add.f32 [tilespmem:s25], [sflag:$0x6], $0x40, s31, s22, $0xb8;
	[tilespmem:$0x1FD80] =	vst v63  }
0x107: {  	s10 =	simm.s32 $0x1D740;
	s11 =	simm.s32 $0x1D900;
	_ =	swait.ge [sflag:s28], $0x1000  }
0x108: {  	s12 =	simm.s32 $0x1D940;
	s16 =	simm.s32 $0xFFFFF700;
	[sflag:s28] =	ssyncset.done $0x0  }
.LBB2_2:
0x109: {  	[sflag:s28] =	ssyncadd.s32 $0xFFFFF000  }
0x10a: {  	_ =	swait.ge [sflag:s7], $0x200  }
0x10b: {  	[sflag:s7] =	ssyncset.done $0x0  }
0x10c: {  	[sflag:s7] =	ssyncadd.s32 $0xFFFFFE00  }
0x10d: {  	_ =	swait.ge [sflag:s7], $0x200  }
0x10e: {  	s24 =	smov.u32 s16;
	s15 =	rddreg [dreg:$0x6]  }
0x10f: {  	s29 =	rddreg [dreg:$0x5];
	[sflag:s7] =	ssyncset.done $0x0;
	s15 =	sadd.s32 s24, s15  }
0x110: {  	[sflag:s7] =	ssyncadd.s32 $0xFFFFFE00;
	s24 =	sadd.s32 s24, s29;
	s31 =	sadd.s32 $0xA00, s15  }
0x111: {  	[tilespmem:s17], [sflag:$0x3] =	stream.linear.gather [hbm4b:s31+s4], $0x200, $0x38;
	[tilespmem:$0x1FD80] =	vst v63  }
0x112: {  	s29 =	sadd.s32 $0xA00, s24  }
0x113: {  	[tilespmem:s18], [sflag:$0x3] =	stream.linear.gather [hbm4b:s29+s4], $0x200, $0x38;
	[tilespmem:$0x1FD80] =	vst v63  }
0x114: {  	_ = 	snop  }
0x115: {  	[tilespmem:s23], [sflag:$0x1] =	stream.indirect.gather [spmem:s2], $0x40, s20, s22, $0xb8;
	[tilespmem:$0x1FD80] =	vst v63  }
0x116: {  	_ =	swait.ge [sflag:s0], $0x1000  }
0x117: {  	[sflag:s0] =	ssyncset.done $0x0  }
0x118: {  	s31 =	simm.s32 $0x1D9C0;
	[sflag:s0] =	ssyncadd.s32 $0xFFFFF000  }
0x119: {  	[tilespmem:s25], [sflag:$0x2] =	stream.indirect.gather [spmem:s2], $0x40, s31, s22, $0xb8;
	[tilespmem:$0x1FD80] =	vst v63  }
0x11a: {  	_ =	swait.ge [sflag:s26], $0x1000  }
0x11b: {  	[sflag:s26] =	ssyncset.done $0x0  }
0x11c: {  	[sflag:s26] =	ssyncadd.s32 $0xFFFFF000  }
0x11d: {  	[spmem:s3] =	stream.indirect.scatter.add.f32 [tilespmem:s23], [sflag:$0x5], $0x40, s21, s22, $0xb8;
	[tilespmem:$0x1FD80] =	vst v63  }
0x11e: {  	_ =	swait.ge [sflag:s28], $0x1000  }
0x11f: {  	[sflag:s28] =	ssyncset.done $0x0  }
0x120: {  	s31 =	simm.s32 $0x1DA00;
	[sflag:s28] =	ssyncadd.s32 $0xFFFFF000  }
0x121: {  	[tilespmem:s23], [sflag:$0x1] =	stream.indirect.gather [spmem:s2], $0x40, s31, s22, $0xb8;
	[tilespmem:$0x1FD80] =	vst v63  }
0x122: {  	_ =	swait.ge [sflag:s30], $0x1000  }
0x123: {  	[sflag:s30] =	ssyncset.done $0x0  }
0x124: {  	s31 =	simm.s32 $0x1DBC0;
	[sflag:s30] =	ssyncadd.s32 $0xFFFFF000  }
0x125: {  	[spmem:s3] =	stream.indirect.scatter.add.f32 [tilespmem:s25], [sflag:$0x6], $0x40, s31, s22, $0xb8;
	[tilespmem:$0x1FD80] =	vst v63  }
0x126: {  	_ =	swait.ge [sflag:s0], $0x1000  }
0x127: {  	[sflag:s0] =	ssyncset.done $0x0  }
0x128: {  	s31 =	simm.s32 $0x1DA40;
	[sflag:s0] =	ssyncadd.s32 $0xFFFFF000  }
0x129: {  	[tilespmem:s25], [sflag:$0x2] =	stream.indirect.gather [spmem:s2], $0x40, s31, s22, $0xb8;
	[tilespmem:$0x1FD80] =	vst v63  }
0x12a: {  	_ =	swait.ge [sflag:s26], $0x1000  }
0x12b: {  	[sflag:s26] =	ssyncset.done $0x0  }
0x12c: {  	s31 =	simm.s32 $0x1DC00;
	[sflag:s26] =	ssyncadd.s32 $0xFFFFF000  }
0x12d: {  	[spmem:s3] =	stream.indirect.scatter.add.f32 [tilespmem:s23], [sflag:$0x5], $0x40, s31, s22, $0xb8;
	[tilespmem:$0x1FD80] =	vst v63  }
0x12e: {  	_ =	swait.ge [sflag:s28], $0x1000  }
0x12f: {  	[sflag:s28] =	ssyncset.done $0x0  }
0x130: {  	s31 =	simm.s32 $0x1DA80;
	[sflag:s28] =	ssyncadd.s32 $0xFFFFF000  }
0x131: {  	[tilespmem:s23], [sflag:$0x1] =	stream.indirect.gather [spmem:s2], $0x40, s31, s22, $0xb8;
	[tilespmem:$0x1FD80] =	vst v63  }
0x132: {  	_ =	swait.ge [sflag:s30], $0x1000  }
0x133: {  	[sflag:s30] =	ssyncset.done $0x0  }
0x134: {  	s31 =	simm.s32 $0x1DC40;
	[sflag:s30] =	ssyncadd.s32 $0xFFFFF000  }
0x135: {  	[spmem:s3] =	stream.indirect.scatter.add.f32 [tilespmem:s25], [sflag:$0x6], $0x40, s31, s22, $0xb8;
	[tilespmem:$0x1FD80] =	vst v63  }
0x136: {  	_ =	swait.ge [sflag:s0], $0x1000  }
0x137: {  	[sflag:s0] =	ssyncset.done $0x0  }
0x138: {  	s31 =	simm.s32 $0x1DAC0;
	[sflag:s0] =	ssyncadd.s32 $0xFFFFF000  }
0x139: {  	[tilespmem:s25], [sflag:$0x2] =	stream.indirect.gather [spmem:s2], $0x40, s31, s22, $0xb8;
	[tilespmem:$0x1FD80] =	vst v63  }
0x13a: {  	_ =	swait.ge [sflag:s26], $0x1000  }
0x13b: {  	[sflag:s26] =	ssyncset.done $0x0  }
0x13c: {  	s31 =	simm.s32 $0x1DC80;
	[sflag:s26] =	ssyncadd.s32 $0xFFFFF000  }
0x13d: {  	[spmem:s3] =	stream.indirect.scatter.add.f32 [tilespmem:s23], [sflag:$0x5], $0x40, s31, s22, $0xb8;
	[tilespmem:$0x1FD80] =	vst v63  }
0x13e: {  	_ =	swait.ge [sflag:s28], $0x1000  }
0x13f: {  	[sflag:s28] =	ssyncset.done $0x0  }
0x140: {  	s31 =	simm.s32 $0x1DB00;
	[sflag:s28] =	ssyncadd.s32 $0xFFFFF000  }
0x141: {  	[tilespmem:s23], [sflag:$0x1] =	stream.indirect.gather [spmem:s2], $0x40, s31, s22, $0xb8;
	[tilespmem:$0x1FD80] =	vst v63  }
0x142: {  	_ =	swait.ge [sflag:s30], $0x1000  }
0x143: {  	[sflag:s30] =	ssyncset.done $0x0  }
0x144: {  	s31 =	simm.s32 $0x1DCC0;
	[sflag:s30] =	ssyncadd.s32 $0xFFFFF000  }
0x145: {  	[spmem:s3] =	stream.indirect.scatter.add.f32 [tilespmem:s25], [sflag:$0x6], $0x40, s31, s22, $0xb8;
	[tilespmem:$0x1FD80] =	vst v63  }
0x146: {  	_ =	swait.ge [sflag:s0], $0x1000  }
0x147: {  	[sflag:s0] =	ssyncset.done $0x0  }
0x148: {  	s31 =	simm.s32 $0x1DB40;
	[sflag:s0] =	ssyncadd.s32 $0xFFFFF000  }
0x149: {  	[tilespmem:s25], [sflag:$0x2] =	stream.indirect.gather [spmem:s2], $0x40, s31, s22, $0xb8;
	[tilespmem:$0x1FD80] =	vst v63  }
0x14a: {  	_ =	swait.ge [sflag:s26], $0x1000  }
0x14b: {  	[sflag:s26] =	ssyncset.done $0x0  }
0x14c: {  	s31 =	simm.s32 $0x1DD00;
	[sflag:s26] =	ssyncadd.s32 $0xFFFFF000  }
0x14d: {  	[spmem:s3] =	stream.indirect.scatter.add.f32 [tilespmem:s23], [sflag:$0x5], $0x40, s31, s22, $0xb8;
	[tilespmem:$0x1FD80] =	vst v63  }
0x14e: {  	_ =	swait.ge [sflag:s30], $0x1000  }
0x14f: {  	[sflag:s30] =	ssyncset.done $0x0  }
0x150: {  	s31 =	simm.s32 $0x1DD40;
	[sflag:s30] =	ssyncadd.s32 $0xFFFFF000  }
0x151: {  	[spmem:s3] =	stream.indirect.scatter.add.f32 [tilespmem:s25], [sflag:$0x6], $0x40, s31, s22, $0xb8;
	[tilespmem:$0x1FD80] =	vst v63  }
0x152: {  	_ =	swait.ge [sflag:s28], $0x1000  }
0x153: {  	[sflag:s28] =	ssyncset.done $0x0  }
0x154: {  	[sflag:s28] =	ssyncadd.s32 $0xFFFFF000  }
0x155: {  	_ =	swait.ge [sflag:s19], $0x200  }
0x156: {  	[sflag:s19] =	ssyncset.done $0x0  }
0x157: {  	[sflag:s19] =	ssyncadd.s32 $0xFFFFFE00  }
0x158: {  	_ =	swait.ge [sflag:s19], $0x200  }
0x159: {  	[sflag:s19] =	ssyncset.done $0x0  }
0x15a: {  	s15 =	sadd.s32 $0xA40, s15;
	[sflag:s19] =	ssyncadd.s32 $0xFFFFFE00  }
0x15b: {  	[tilespmem:s20], [sflag:$0x4] =	stream.linear.gather [hbm4b:s15+s4], $0x200, $0x38;
	[tilespmem:$0x1FD80] =	vst v63  }
0x15c: {  	s29 =	sadd.s32 $0xA40, s24  }
0x15d: {  	[tilespmem:s21], [sflag:$0x4] =	stream.linear.gather [hbm4b:s29+s4], $0x200, $0x38;
	[tilespmem:$0x1FD80] =	vst v63  }
0x15e: {  	_ = 	snop  }
0x15f: {  	[tilespmem:s23], [sflag:$0x1] =	stream.indirect.gather [spmem:s2], $0x40, s17, s22, $0xb8;
	[tilespmem:$0x1FD80] =	vst v63  }
0x160: {  	_ =	swait.ge [sflag:s0], $0x1000  }
0x161: {  	[sflag:s0] =	ssyncset.done $0x0  }
0x162: {  	s31 =	simm.s32 $0x1D5C0;
	[sflag:s0] =	ssyncadd.s32 $0xFFFFF000  }
0x163: {  	[tilespmem:s25], [sflag:$0x2] =	stream.indirect.gather [spmem:s2], $0x40, s31, s22, $0xb8;
	[tilespmem:$0x1FD80] =	vst v63  }
0x164: {  	_ =	swait.ge [sflag:s26], $0x1000  }
0x165: {  	[sflag:s26] =	ssyncset.done $0x0  }
0x166: {  	[sflag:s26] =	ssyncadd.s32 $0xFFFFF000  }
0x167: {  	[spmem:s3] =	stream.indirect.scatter.add.f32 [tilespmem:s23], [sflag:$0x5], $0x40, s18, s22, $0xb8;
	[tilespmem:$0x1FD80] =	vst v63  }
0x168: {  	_ =	swait.ge [sflag:s28], $0x1000  }
0x169: {  	[sflag:s28] =	ssyncset.done $0x0  }
0x16a: {  	s24 =	simm.s32 $0x1D600;
	[sflag:s28] =	ssyncadd.s32 $0xFFFFF000  }
0x16b: {  	[tilespmem:s23], [sflag:$0x1] =	stream.indirect.gather [spmem:s2], $0x40, s24, s22, $0xb8;
	[tilespmem:$0x1FD80] =	vst v63  }
0x16c: {  	_ =	swait.ge [sflag:s30], $0x1000  }
0x16d: {  	[sflag:s30] =	ssyncset.done $0x0  }
0x16e: {  	s29 =	simm.s32 $0x1D7C0;
	[sflag:s30] =	ssyncadd.s32 $0xFFFFF000  }
0x16f: {  	[spmem:s3] =	stream.indirect.scatter.add.f32 [tilespmem:s25], [sflag:$0x6], $0x40, s29, s22, $0xb8;
	[tilespmem:$0x1FD80] =	vst v63  }
0x170: {  	_ =	swait.ge [sflag:s0], $0x1000  }
0x171: {  	[sflag:s0] =	ssyncset.done $0x0  }
0x172: {  	s31 =	simm.s32 $0x1D640;
	[sflag:s0] =	ssyncadd.s32 $0xFFFFF000  }
0x173: {  	[tilespmem:s25], [sflag:$0x2] =	stream.indirect.gather [spmem:s2], $0x40, s31, s22, $0xb8;
	[tilespmem:$0x1FD80] =	vst v63  }
0x174: {  	_ =	swait.ge [sflag:s26], $0x1000  }
0x175: {  	[sflag:s26] =	ssyncset.done $0x0  }
0x176: {  	[sflag:s26] =	ssyncadd.s32 $0xFFFFF000  }
0x177: {  	[spmem:s3] =	stream.indirect.scatter.add.f32 [tilespmem:s23], [sflag:$0x5], $0x40, s13, s22, $0xb8;
	[tilespmem:$0x1FD80] =	vst v63  }
0x178: {  	_ =	swait.ge [sflag:s28], $0x1000  }
0x179: {  	[sflag:s28] =	ssyncset.done $0x0  }
0x17a: {  	[sflag:s28] =	ssyncadd.s32 $0xFFFFF000  }
0x17b: {  	[tilespmem:s23], [sflag:$0x1] =	stream.indirect.gather [spmem:s2], $0x40, s14, s22, $0xb8;
	[tilespmem:$0x1FD80] =	vst v63  }
0x17c: {  	_ =	swait.ge [sflag:s30], $0x1000  }
0x17d: {  	[sflag:s30] =	ssyncset.done $0x0  }
0x17e: {  	[sflag:s30] =	ssyncadd.s32 $0xFFFFF000  }
0x17f: {  	[spmem:s3] =	stream.indirect.scatter.add.f32 [tilespmem:s25], [sflag:$0x6], $0x40, s1, s22, $0xb8;
	[tilespmem:$0x1FD80] =	vst v63  }
0x180: {  	_ =	swait.ge [sflag:s0], $0x1000  }
0x181: {  	[sflag:s0] =	ssyncset.done $0x0  }
0x182: {  	[sflag:s0] =	ssyncadd.s32 $0xFFFFF000  }
0x183: {  	[tilespmem:s25], [sflag:$0x2] =	stream.indirect.gather [spmem:s2], $0x40, s5, s22, $0xb8;
	[tilespmem:$0x1FD80] =	vst v63  }
0x184: {  	_ =	swait.ge [sflag:s26], $0x1000  }
0x185: {  	[sflag:s26] =	ssyncset.done $0x0  }
0x186: {  	[sflag:s26] =	ssyncadd.s32 $0xFFFFF000  }
0x187: {  	[spmem:s3] =	stream.indirect.scatter.add.f32 [tilespmem:s23], [sflag:$0x5], $0x40, s6, s22, $0xb8;
	[tilespmem:$0x1FD80] =	vst v63  }
0x188: {  	_ =	swait.ge [sflag:s28], $0x1000  }
0x189: {  	[sflag:s28] =	ssyncset.done $0x0  }
0x18a: {  	[sflag:s28] =	ssyncadd.s32 $0xFFFFF000  }
0x18b: {  	[tilespmem:s23], [sflag:$0x1] =	stream.indirect.gather [spmem:s2], $0x40, s8, s22, $0xb8;
	[tilespmem:$0x1FD80] =	vst v63  }
0x18c: {  	_ =	swait.ge [sflag:s30], $0x1000  }
0x18d: {  	[sflag:s30] =	ssyncset.done $0x0  }
0x18e: {  	[sflag:s30] =	ssyncadd.s32 $0xFFFFF000  }
0x18f: {  	[spmem:s3] =	stream.indirect.scatter.add.f32 [tilespmem:s25], [sflag:$0x6], $0x40, s9, s22, $0xb8;
	[tilespmem:$0x1FD80] =	vst v63  }
0x190: {  	_ =	swait.ge [sflag:s0], $0x1000  }
0x191: {  	[sflag:s0] =	ssyncset.done $0x0  }
0x192: {  	[sflag:s0] =	ssyncadd.s32 $0xFFFFF000  }
0x193: {  	[tilespmem:s25], [sflag:$0x2] =	stream.indirect.gather [spmem:s2], $0x40, s10, s22, $0xb8;
	[tilespmem:$0x1FD80] =	vst v63  }
0x194: {  	_ =	swait.ge [sflag:s26], $0x1000  }
0x195: {  	[sflag:s26] =	ssyncset.done $0x0  }
0x196: {  	[sflag:s26] =	ssyncadd.s32 $0xFFFFF000  }
0x197: {  	[spmem:s3] =	stream.indirect.scatter.add.f32 [tilespmem:s23], [sflag:$0x5], $0x40, s11, s22, $0xb8;
	[tilespmem:$0x1FD80] =	vst v63  }
0x198: {  	p0 =	sne.s32 s16, $0xFFFFFF80;
	_ =	swait.ge [sflag:s30], $0x1000  }
.Ltmp0:
0x199: {  	[sflag:s30] =	ssyncset.done $0x0;
	(pc) =	sbr.rel @p0 .LBB2_2-.Ltmp0, $4  }
0x19a: {  	[sflag:s30] =	ssyncadd.s32 $0xFFFFF000  }
0x19b: {  	[spmem:s3] =	stream.indirect.scatter.add.f32 [tilespmem:s25], [sflag:$0x6], $0x40, s12, s22, $0xb8;
	[tilespmem:$0x1FD80] =	vst v63  }
0x19c: {  	_ =	swait.ge [sflag:s28], $0x1000  }
0x19d: {  	s16 =	sadd.s32 $0x80, s16;
	[sflag:s28] =	ssyncset.done $0x0  }
0x19e: {  	[sflag:s28] =	ssyncadd.s32 $0xFFFFF000  }
0x19f: {  	_ =	swait.ge [sflag:s7], $0x200  }
0x1a0: {  	[sflag:s7] =	ssyncset.done $0x0  }
0x1a1: {  	[sflag:s7] =	ssyncadd.s32 $0xFFFFFE00  }
0x1a2: {  	_ =	swait.ge [sflag:s7], $0x200  }
0x1a3: {  	[sflag:s7] =	ssyncset.done $0x0  }
0x1a4: {  	[sflag:s7] =	ssyncadd.s32 $0xFFFFFE00  }
0x1a5: {  	[tilespmem:s23], [sflag:$0x1] =	stream.indirect.gather [spmem:s2], $0x40, s20, s22, $0xb8;
	[tilespmem:$0x1FD80] =	vst v63  }
0x1a6: {  	_ =	swait.ge [sflag:s0], $0x1000  }
0x1a7: {  	[sflag:s0] =	ssyncset.done $0x0  }
0x1a8: {  	s1 =	simm.s32 $0x1D9C0;
	[sflag:s0] =	ssyncadd.s32 $0xFFFFF000  }
0x1a9: {  	[tilespmem:s25], [sflag:$0x2] =	stream.indirect.gather [spmem:s2], $0x40, s1, s22, $0xb8;
	[tilespmem:$0x1FD80] =	vst v63  }
0x1aa: {  	_ =	swait.ge [sflag:s26], $0x1000  }
0x1ab: {  	[sflag:s26] =	ssyncset.done $0x0  }
0x1ac: {  	[sflag:s26] =	ssyncadd.s32 $0xFFFFF000  }
0x1ad: {  	[spmem:s3] =	stream.indirect.scatter.add.f32 [tilespmem:s23], [sflag:$0x5], $0x40, s21, s22, $0xb8;
	[tilespmem:$0x1FD80] =	vst v63  }
0x1ae: {  	_ =	swait.ge [sflag:s28], $0x1000  }
0x1af: {  	[sflag:s28] =	ssyncset.done $0x0  }
0x1b0: {  	s12 =	simm.s32 $0x1DA00;
	[sflag:s28] =	ssyncadd.s32 $0xFFFFF000  }
0x1b1: {  	[tilespmem:s23], [sflag:$0x1] =	stream.indirect.gather [spmem:s2], $0x40, s12, s22, $0xb8;
	[tilespmem:$0x1FD80] =	vst v63  }
0x1b2: {  	_ =	swait.ge [sflag:s30], $0x1000  }
0x1b3: {  	[sflag:s30] =	ssyncset.done $0x0  }
0x1b4: {  	s13 =	simm.s32 $0x1DBC0;
	[sflag:s30] =	ssyncadd.s32 $0xFFFFF000  }
0x1b5: {  	[spmem:s3] =	stream.indirect.scatter.add.f32 [tilespmem:s25], [sflag:$0x6], $0x40, s13, s22, $0xb8;
	[tilespmem:$0x1FD80] =	vst v63  }
0x1b6: {  	_ =	swait.ge [sflag:s0], $0x1000  }
0x1b7: {  	[sflag:s0] =	ssyncset.done $0x0  }
0x1b8: {  	s15 =	simm.s32 $0x1DA40;
	[sflag:s0] =	ssyncadd.s32 $0xFFFFF000  }
0x1b9: {  	[tilespmem:s25], [sflag:$0x2] =	stream.indirect.gather [spmem:s2], $0x40, s15, s22, $0xb8;
	[tilespmem:$0x1FD80] =	vst v63  }
0x1ba: {  	_ =	swait.ge [sflag:s26], $0x1000  }
0x1bb: {  	[sflag:s26] =	ssyncset.done $0x0  }
0x1bc: {  	s16 =	simm.s32 $0x1DC00;
	[sflag:s26] =	ssyncadd.s32 $0xFFFFF000  }
0x1bd: {  	[spmem:s3] =	stream.indirect.scatter.add.f32 [tilespmem:s23], [sflag:$0x5], $0x40, s16, s22, $0xb8;
	[tilespmem:$0x1FD80] =	vst v63  }
0x1be: {  	_ =	swait.ge [sflag:s28], $0x1000  }
0x1bf: {  	[sflag:s28] =	ssyncset.done $0x0  }
0x1c0: {  	s24 =	simm.s32 $0x1DA80;
	[sflag:s28] =	ssyncadd.s32 $0xFFFFF000  }
0x1c1: {  	[tilespmem:s23], [sflag:$0x1] =	stream.indirect.gather [spmem:s2], $0x40, s24, s22, $0xb8;
	[tilespmem:$0x1FD80] =	vst v63  }
0x1c2: {  	_ =	swait.ge [sflag:s30], $0x1000  }
0x1c3: {  	[sflag:s30] =	ssyncset.done $0x0  }
0x1c4: {  	s5 =	simm.s32 $0x1DC40;
	[sflag:s30] =	ssyncadd.s32 $0xFFFFF000  }
0x1c5: {  	[spmem:s3] =	stream.indirect.scatter.add.f32 [tilespmem:s25], [sflag:$0x6], $0x40, s5, s22, $0xb8;
	[tilespmem:$0x1FD80] =	vst v63  }
0x1c6: {  	_ =	swait.ge [sflag:s0], $0x1000  }
0x1c7: {  	[sflag:s0] =	ssyncset.done $0x0  }
0x1c8: {  	s6 =	simm.s32 $0x1DAC0;
	[sflag:s0] =	ssyncadd.s32 $0xFFFFF000  }
0x1c9: {  	[tilespmem:s25], [sflag:$0x2] =	stream.indirect.gather [spmem:s2], $0x40, s6, s22, $0xb8;
	[tilespmem:$0x1FD80] =	vst v63  }
0x1ca: {  	_ =	swait.ge [sflag:s26], $0x1000  }
0x1cb: {  	[sflag:s26] =	ssyncset.done $0x0  }
0x1cc: {  	s8 =	simm.s32 $0x1DC80;
	[sflag:s26] =	ssyncadd.s32 $0xFFFFF000  }
0x1cd: {  	[spmem:s3] =	stream.indirect.scatter.add.f32 [tilespmem:s23], [sflag:$0x5], $0x40, s8, s22, $0xb8;
	[tilespmem:$0x1FD80] =	vst v63  }
0x1ce: {  	_ =	swait.ge [sflag:s28], $0x1000  }
0x1cf: {  	[sflag:s28] =	ssyncset.done $0x0  }
0x1d0: {  	s9 =	simm.s32 $0x1DB00;
	[sflag:s28] =	ssyncadd.s32 $0xFFFFF000  }
0x1d1: {  	[tilespmem:s23], [sflag:$0x1] =	stream.indirect.gather [spmem:s2], $0x40, s9, s22, $0xb8;
	[tilespmem:$0x1FD80] =	vst v63  }
0x1d2: {  	_ =	swait.ge [sflag:s30], $0x1000  }
0x1d3: {  	[sflag:s30] =	ssyncset.done $0x0  }
0x1d4: {  	s10 =	simm.s32 $0x1DCC0;
	[sflag:s30] =	ssyncadd.s32 $0xFFFFF000  }
0x1d5: {  	[spmem:s3] =	stream.indirect.scatter.add.f32 [tilespmem:s25], [sflag:$0x6], $0x40, s10, s22, $0xb8;
	[tilespmem:$0x1FD80] =	vst v63  }
0x1d6: {  	_ =	swait.ge [sflag:s0], $0x1000  }
0x1d7: {  	[sflag:s0] =	ssyncset.done $0x0  }
0x1d8: {  	s11 =	simm.s32 $0x1DB40;
	[sflag:s0] =	ssyncadd.s32 $0xFFFFF000  }
0x1d9: {  	[tilespmem:s25], [sflag:$0x2] =	stream.indirect.gather [spmem:s2], $0x40, s11, s22, $0xb8;
	[tilespmem:$0x1FD80] =	vst v63  }
0x1da: {  	_ =	swait.ge [sflag:s26], $0x1000  }
0x1db: {  	[sflag:s26] =	ssyncset.done $0x0  }
0x1dc: {  	s12 =	simm.s32 $0x1DD00;
	[sflag:s26] =	ssyncadd.s32 $0xFFFFF000  }
0x1dd: {  	[spmem:s3] =	stream.indirect.scatter.add.f32 [tilespmem:s23], [sflag:$0x5], $0x40, s12, s22, $0xb8;
	[tilespmem:$0x1FD80] =	vst v63  }
0x1de: {  	_ =	swait.ge [sflag:s30], $0x1000  }
0x1df: {  	[sflag:s30] =	ssyncset.done $0x0  }
0x1e0: {  	s13 =	simm.s32 $0x1DD40;
	[sflag:s30] =	ssyncadd.s32 $0xFFFFF000  }
0x1e1: {  	[spmem:s3] =	stream.indirect.scatter.add.f32 [tilespmem:s25], [sflag:$0x6], $0x40, s13, s22, $0xb8;
	[tilespmem:$0x1FD80] =	vst v63  }
0x1e2: {  	_ =	swait.ge [sflag:s28], $0x1000  }
0x1e3: {  	[sflag:s28] =	ssyncset.done $0x0  }
0x1e4: {  	[sflag:s28] =	ssyncadd.s32 $0xFFFFF000  }
0x1e5: {  	_ =	swait.ge [sflag:s0], $0x1000  }
0x1e6: {  	[sflag:s0] =	ssyncset.done $0x0  }
0x1e7: {  	[sflag:s0] =	ssyncadd.s32 $0xFFFFF000  }
0x1e8: {  	[bflag:$0x0] =	sbarrier.arrive $0xFFFF  }
0x1e9: {  	s16 =	rddreg [dreg:$0x9]  }
0x1ea: {  	s15 =	rddreg [dreg:$0xe]  }
0x1eb: {  	s29 =	simm.s32 $0x7;
	s31 =	rddreg [dreg:$0x11]  }
0x1ec: {  	[hbm:s15], [sflag:s16] =	dma.local [spmem:s31], $0x2720  }
0x1ed: {  	_ =	swait.ge [sflag:s29], $0x2720  }
0x1ee: {  	s15 =	rddreg [dreg:$0x12]  }
0x1ef: {  	s24 =	rddreg [dreg:$0xf];
	s1 =	sadd.s32 $0x1, s15  }
0x1f0: {  	p0 =	sne.s32 s1, s24  }
.Ltmp1:
0x1f1: {  	_ = 	snop;
	(pc) =	sbr.rel @p0 .LBB2_1-.Ltmp1, $3  }
0x1f2: {  	_ =	sdelay $0x1  }
0x1f3: {  	[sflag:s29] =	ssyncset.done $0x0  }
0x1f4: {  	[sflag:s29] =	ssyncadd.s32 $0xFFFFD8E0  }
0x1f5: {  	_ =	sfence.sel $0x180000  }
0x1f6: {  	[bflag:$0x0] =	sbarrier.arrive $0xFFFF  }
0x1f7: {  	_ =	strace $0x9000004D  }
0x1f8: {  	s0 =	stileid.u32;
	[bflag:$0x2] =	sbarrier.arrive $0xFFFF  }
0x1f9: {  	p0 =	sne.s32 s0, $0x0;
	s0 =	rddreg [dreg:$0x4]  }
0x1fa: {  	s0 =	sadd.s32 @!p0 $0x100000, s0  }
0x1fb: {  	[sflag:s0] =	ssyncadd.tile.s32 @!p0 $0x1;
	_ =	shalt  }
.Lfunc_end2:
_tile_overlayer_lowered:
.L_overlay_start_2:
0x1fc: {  	(tag) =	ssettag $0x2  }
0x1fd: {  	s0 =	rddreg [dreg:$0x0];
	s2 =	stileid.u32  }
0x1fe: {  	s1 =	rddreg [dreg:$0x1];
	p0 =	sne.s32 s2, $0x0  }
0x1ff: {  	s3 =	rddreg [dreg:$0x2];
	[bflag:$0x3] =	sbarrier.arrive $0xFFFF;
	s2 =	simm.s32 @!p0 $0x1C07  }
0x200: {  	[timem:s3], [sflag:s2] =	dma.local @!p0 [hbm:s0], s1  }
0x201: {  	s0 =	simm.s32 @!p0 $0x7  }
0x202: {  	_ =	swait.ge @!p0 [sflag:s0], s1  }
0x203: {  	s1 =	ssub.s32 @!p0 $0x0, s1;
	[sflag:s0] =	ssyncset.done @!p0 $0x0  }
0x204: {  	[sflag:s0] =	ssyncadd.s32 @!p0 s1  }
0x205: {  	[bflag:$0x3] =	sbarrier.arrive $0xFFFF  }
0x206: {  	_ =	shalt  }

// kernel: kernel.8.cloned.1.call-start
scs
__scs_entry_jumppad:
0x0: {  	(pc) =	sbr.rel $0x88, $3  }
0x1: {  	(tag) =	ssettag $0x0;
	lr =	simm.s32 $0x1  }
0x2: {  	[smem:$0x3F8F] =	sst lr;
	_ =	strace $0xD0000000  }
0x3: {  	_ = 	snop  }
0x4: {  	_ = 	snop  }
0x5: {  	_ = 	snop  }
0x6: {  	_ = 	snop  }
0x7: {  	_ = 	snop  }
__scs_overlays_trampoline_lowered:
0x8: {  	[smem:$0x3F9E] =	sst s0  }
0x9: {  	[smem:$0x3F9F] =	sst s1  }
0xa: {  	[smem:$0x3FA0] =	sst s2  }
0xb: {  	[smem:$0x3FA1] =	sst s3  }
0xc: {  	[smem:$0x3FA2] =	sst s4  }
0xd: {  	[smem:$0x3FA3] =	sst s5  }
0xe: {  	[smem:$0x3FA4] =	sst s6  }
0xf: {  	[smem:$0x3FA5] =	sst s7  }
0x10: {  	[smem:$0x3FA6] =	sst s8  }
0x11: {  	[smem:$0x3FA7] =	sst s9;
	s0 =	simm.s32 @!p0 $0x0  }
0x12: {  	s1 =	sld [smem:$0x3F8D];
	s0 =	simm.s32 @p0 $0x1  }
0x13: {  	[smem:$0x3FA8] =	sst s0;
	s0 =	simm.s32 @!p1 $0x0  }
0x14: {  	s2 =	sld [smem:$0x3F8C];
	s0 =	simm.s32 @p1 $0x1  }
0x15: {  	[smem:$0x3FA9] =	sst s0;
	s0 =	simm.s32 @!p2 $0x0  }
0x16: {  	s3 =	sld [smem:$0x3FDB];
	s0 =	simm.s32 @p2 $0x1  }
0x17: {  	s4 =	simm.s32 $0x1BF5;
	[smem:$0x3FAB] =	sst s0  }
0x18: {  	s0 =	sld [smem:$0x3F8E];
	_ =	swait.ge [sflag:s4], $0x0  }
0x19: {  	s7 =	sld [smem:$0x3F8F]  }
0x1a: {  	s8 =	sadd.s32 $0xFFFFE003, lr  }
0x1b: {  	s9 =	sadd.s32 $0xFFFFFEF7, lr;
	s5 =	simm.s32 $0xFFFFFFFF;
	p2 =	slt.u32 s8, $0xFFFFF086  }
0x1c: {  	p1 =	slt.u32 s9, $0xF7A;
	s5 =	simm.s32 @!p2 $0x0  }
0x1d: {  	s5 =	simm.s32 @p1 $0x1;
	p0 =	seq.s32 s7, s2  }
0x1e: {  	s7 =	smul.u32 @!p0 $0xF7A, s2;
	p2 =	seq.s32 @!p0 s5, $0x0  }
0x1f: {  	s9 =	smul.u32 $0xF7A, s1;
	s8 =	simm.s32 @!p0 $0x1BF5;
	p2 =	por !p2, p0  }
0x20: {  	[sflag:s8] =	ssyncset.s32 @!p0 $0xFFFFF086;
	s6 =	sadd.s32 @!p0 s3, s7;
	s7 =	simm.s32 @!p0 $0x108  }
0x21: {  	s3 =	sadd.s32 s3, s9;
	s6 =	sadd.s32 @!p0 $0x88, s6;
	s7 =	simm.s32 @p2 $0x1082  }
0x22: {  	[simem:s7], [sflag:s8] =	dma.local @!p0 [hbm:s6], $0xF7A  }
0x23: {  	s9 =	sor.u32 $0xD0000000, s2;
	s6 =	simm.s32 $0x108;
	_ =	swait.ge @!p0 [sflag:s8], $0x0  }
0x24: {  	s3 =	sadd.s32 $0x88, s3;
	s6 =	simm.s32 @!p1 $0x1082;
	[sflag:s4] =	ssyncset.s32 $0xFFFFF086  }
0x25: {  	[simem:s6], [sflag:s4] =	dma.local [hbm:s3], $0xF7A  }
0x26: {  	[smem:$0x3F8F] =	sst s1;
	(tag) =	ssettag s2;
	_ =	strace s9  }
0x27: {  	s1 =	sld [smem:$0x3F9F]  }
0x28: {  	s2 =	sld [smem:$0x3FA0]  }
0x29: {  	s4 =	sld [smem:$0x3FA2]  }
0x2a: {  	p0 =	seq.s32 s5, $0x0;
	s5 =	sld [smem:$0x3FA3]  }
0x2b: {  	s6 =	sld [smem:$0x3FA4]  }
0x2c: {  	s7 =	sld [smem:$0x3FA5]  }
0x2d: {  	s3 =	simm.s32 $0x108;
	s8 =	sld [smem:$0x3FA6]  }
0x2e: {  	s3 =	simm.s32 @!p0 $0x1082;
	s9 =	sld [smem:$0x3FA7]  }
0x2f: {  	lr =	sadd.s32 s0, s3;
	s0 =	sld [smem:$0x3F9E]  }
0x30: {  	s3 =	sld [smem:$0x3FA1]  }
0x31: {  	[smem:$0x3FAA] =	sst s10  }
0x32: {  	s10 =	sld [smem:$0x3FA8];
	_ =	sdelay $0x3  }
0x33: {  	p0 =	seq.s32 s10, $0x1;
	s10 =	sld [smem:$0x3FAA];
	_ =	sdelay $0x3  }
0x34: {  	[smem:$0x3FAA] =	sst s10  }
0x35: {  	s10 =	sld [smem:$0x3FA9];
	_ =	sdelay $0x3  }
0x36: {  	p1 =	seq.s32 s10, $0x1;
	s10 =	sld [smem:$0x3FAA];
	_ =	sdelay $0x3  }
0x37: {  	[smem:$0x3FAA] =	sst s10  }
0x38: {  	s10 =	sld [smem:$0x3FAB]  }
0x39: {  	_ = 	snop;
	(pc) =	sbr.ind lr, $3  }
0x3a: {  	_ = 	snop  }
0x3b: {  	_ = 	snop  }
0x3c: {  	p2 =	seq.s32 s10, $0x1;
	s10 =	sld [smem:$0x3FAA]  }
0x3d: {  	_ =	shalt  }
0x3e: {  	_ =	shalt  }
0x3f: {  	_ =	shalt  }
0x40: {  	_ =	shalt  }
0x41: {  	_ =	shalt  }
0x42: {  	_ =	shalt  }
0x43: {  	_ =	shalt  }
0x44: {  	_ =	shalt  }
0x45: {  	_ =	shalt  }
0x46: {  	_ =	shalt  }
0x47: {  	_ =	shalt  }
0x48: {  	_ =	shalt  }
0x49: {  	_ =	shalt  }
0x4a: {  	_ =	shalt  }
0x4b: {  	_ =	shalt  }
0x4c: {  	_ =	shalt  }
0x4d: {  	_ =	shalt  }
0x4e: {  	_ =	shalt  }
0x4f: {  	_ =	shalt  }
0x50: {  	_ =	shalt  }
0x51: {  	_ =	shalt  }
0x52: {  	_ =	shalt  }
0x53: {  	_ =	shalt  }
0x54: {  	_ =	shalt  }
0x55: {  	_ =	shalt  }
0x56: {  	_ =	shalt  }
0x57: {  	_ =	shalt  }
0x58: {  	_ =	shalt  }
0x59: {  	_ =	shalt  }
0x5a: {  	_ =	shalt  }
0x5b: {  	_ =	shalt  }
0x5c: {  	_ =	shalt  }
0x5d: {  	_ =	shalt  }
0x5e: {  	_ =	shalt  }
0x5f: {  	_ =	shalt  }
0x60: {  	_ =	shalt  }
0x61: {  	_ =	shalt  }
0x62: {  	_ =	shalt  }
0x63: {  	_ =	shalt  }
0x64: {  	_ =	shalt  }
0x65: {  	_ =	shalt  }
0x66: {  	_ =	shalt  }
0x67: {  	_ =	shalt  }
0x68: {  	_ =	shalt  }
0x69: {  	_ =	shalt  }
0x6a: {  	_ =	shalt  }
0x6b: {  	_ =	shalt  }
0x6c: {  	_ =	shalt  }
0x6d: {  	_ =	shalt  }
0x6e: {  	_ =	shalt  }
0x6f: {  	_ =	shalt  }
0x70: {  	_ =	shalt  }
0x71: {  	_ =	shalt  }
0x72: {  	_ =	shalt  }
0x73: {  	_ =	shalt  }
0x74: {  	_ =	shalt  }
0x75: {  	_ =	shalt  }
0x76: {  	_ =	shalt  }
0x77: {  	_ =	shalt  }
0x78: {  	_ =	shalt  }
0x79: {  	_ =	shalt  }
0x7a: {  	_ =	shalt  }
0x7b: {  	_ =	shalt  }
0x7c: {  	_ =	shalt  }
0x7d: {  	_ =	shalt  }
0x7e: {  	_ =	shalt  }
0x7f: {  	_ =	shalt  }
0x80: {  	_ =	shalt  }
0x81: {  	_ =	shalt  }
0x82: {  	_ =	shalt  }
0x83: {  	_ =	shalt  }
0x84: {  	_ =	shalt  }
0x85: {  	_ =	shalt  }
0x86: {  	_ =	shalt  }
0x87: {  	_ =	shalt  }
.Lfunc_end0:
.L_simem_size_0:
called_computation_lowered:
.L_overlay_start_0:
0x88: {  	s2 =	sld [smem:$0x3FD9]  }
0x89: {  	s3 =	sld [smem:$0x3FFE];
	_ =	sdelay $0x1  }
0x8a: {  	s1 =	srdreg.scid  }
0x8b: {  	s0 =	sand.u32 $0x1, s1  }
0x8c: {  	s16 =	sshll.u32 s0, $0xA;
	s2 =	sadd.s32 s3, s2  }
0x8d: {  	s2 =	sadd.s32 s2, s16  }
0x8e: {  	[smem:$0x3FB6] =	sst s2  }
0x8f: {  	_ = 	snop  }
0x90: {  	(tm) =	ssettm $0x1  }
0x91: {  	s17 =	sld [smem:$0x3FFB];
	_ =	sdelay $0x3  }
0x92: {  	_ =	strace s17  }
0x93: {  	s2 =	sld [smem:$0x3FFC];
	_ =	sdelay $0x3  }
0x94: {  	_ =	strace s2  }
0x95: {  	s2 =	sld [smem:$0x3FFD];
	_ =	sdelay $0x3  }
0x96: {  	_ =	strace s2  }
0x97: {  	_ =	strace $0x8FFFFFFF  }
0x98: {  	s18 =	sld [smem:$0x3FDB];
	_ =	sdelay $0x1  }
0x99: {  	s19 =	simm.s32 $_scs_section_size  }
0x9a: {  	s4 =	simm.s32 $_size__tile_overlayer_lowered;
	s5 =	simm.s32 $_tile_overlayer_lowered  }
0x9b: {  	s22 =	simm.s32 $0x1BFF;
	s21 =	sshll.u32 s5, $0x1;
	s2 =	sadd.s32 s19, s18  }
0x9c: {  	s6 =	simm.s32 $0x0;
	s20 =	sshll.u32 s4, $0x1;
	s4 =	sadd.s32 s21, s2  }
0x9d: {  	[timem:s6], [sflag:s22] =	dma.local [hbm:s4], s20  }
0x9e: {  	_ =	swait.ge [sflag:s22], s20  }
0x9f: {  	s3 =	ssub.s32 $0x0, s20;
	[sflag:s22] =	ssyncset.done $0x0  }
0xa0: {  	[sflag:s22] =	ssyncadd.s32 s3;
	_ =	sdelay $0x1  }
0xa1: {  	s23 =	simm.s32 $0x1B8B  }
0xa2: {  	_ =	swait.ge [sflag:s23], $0x1  }
0xa3: {  	[sflag:s23] =	ssyncset.done $0x0  }
0xa4: {  	s25 =	simm.s32 $0x1B8E;
	s24 =	sld [smem:$0x3FFE];
	[sflag:s23] =	ssyncadd.s32 $0xFFFFFFFF  }
0xa5: {  	s26 =	simm.s32 $execute0_lowered;
	[smem:$0x3FD2] =	sst s25  }
0xa6: {  	s4 =	sshll.u32 s26, $0x1;
	_ =	strace $0x80000046;
	[dreg:$0x1] =	wrdreg $0xFFFFFFFF  }
0xa7: {  	s28 =	simm.s32 $_size_execute0_lowered;
	s2 =	sadd.s32 s2, s4;
	[dreg:$0x0] =	wrdreg $0x0  }
0xa8: {  	s4 =	sshll.u32 s28, $0x1;
	[dreg:$0x2] =	wrdreg s2  }
0xa9: {  	[dreg:$0x3] =	wrdreg s4  }
0xaa: {  	[dreg:$0x4] =	wrdreg $0xC0  }
0xab: {  	_ =	task [dreg:s6], $0x5FFFF  }
0xac: {  	[dreg:$0x1] =	wrdreg $0xFFFFFFFF  }
0xad: {  	[dreg:$0x0] =	wrdreg $0x60  }
0xae: {  	[dreg:$0x2] =	wrdreg s24  }
0xaf: {  	[dreg:$0x3] =	wrdreg $0x0  }
0xb0: {  	[dreg:$0x4] =	wrdreg $0x9  }
0xb1: {  	_ =	task.clear_ibuf [dreg:s6], $0x5FFFF;
	_ =	strace $0x90000046  }
0xb2: {  	s29 =	simm.s32 $0x9;
	_ =	strace $0x80000048  }
0xb3: {  	_ =	swait.ge [sflag:s29], $0x1  }
0xb4: {  	[sflag:s29] =	ssyncadd.s32 $0xFFFFFFFF  }
0xb5: {  	_ =	strace $0x90000048  }
0xb6: {  	_ =	sfence  }
0xb7: {  	s30 =	sld [smem:$0x0];
	_ =	sdelay $0x2  }
0xb8: {  	s31 =	sshll.u32 s1, $0xD;
	s1 =	sshrl.u32 s1, $0x2  }
0xb9: {  	s3 =	sand.u32 $0x4000, s31;
	s1 =	sadd.s32 s1, s30  }
0xba: {  	s0 =	sor.u32 s3, s0;
	s1 =	sshll.u32 s1, $0x11  }
0xbb: {  	s0 =	sor.u32 s1, s0  }
0xbc: {  	s0 =	sadd.s32 $0x8F2B, s0  }
0xbd: {  	[sflag:s0] =	ssyncadd.remote.s32 $0x1  }
0xbe: {  	_ =	sfence.sel $0xFFFF  }
0xbf: {  	[dreg:$0x0] =	wrdreg $0xFFFFFFFF;
	(pc) =	sbr.abs _section_cstart, $3  }
0xc0: {  	[dreg:$0x1] =	wrdreg $0xFFFFFFFF  }
0xc1: {  	_ =	task.clear_ibuf [dreg:s6], $0x2FFFF;
	_ =	strace $0x9FFFFFFF  }
0xc2: {  	(tm) =	ssettm $0x7FFFFFFF  }
0xc3: {  	_ =	shalt  }
tec
execute0_lowered:
.L_overlay_start_1:
0x0: {  	(tag) =	ssettag $0x1  }
0x1: {  	s0 =	rddreg [dreg:$0x0]  }
0x2: {  	s2 =	rddreg [dreg:$0x1]  }
0x3: {  	s3 =	simm.s32 $0x0;
	s13 =	stileid.u32;
	s8 =	srdreg.scid  }
0x4: {  	s15 =	simm.s32 $0x4;
	s16 =	simm.s32 $0x4E40;
	s18 =	simm.s32 $0x1  }
0x5: {  	s19 =	simm.s32 $0x40;
	s20 =	simm.s32 $0x5240;
	s21 =	simm.s32 $0x4E80  }
0x6: {  	s28 =	simm.s32 $0x5000;
	s29 =	simm.s32 $0x3;
	s30 =	simm.s32 $0x2  }
0x7: {  	s31 =	simm.s32 $0x0;
	[smem:$0x7FF] =	sst s3;
	s1 =	sshrl.u32 s13, $0x3  }
0x8: {  	s6 =	sand.u32 $0x7, s13;
	s4 =	sadd.s32 $0xDA00, s0;
	s9 =	smul.u32 $0x13900, s13  }
0x9: {  	s5 =	sadd.s32 $0x3A00, s0;
	s22 =	sand.u32 $0x1, s8;
	s8 =	smul.u32 $0x5000, s13  }
0xa: {  	s7 =	sadd.s32 $0x17A00, s0;
	s26 =	sshll.u32 s13, $0x6;
	s1 =	smul.u32 $0x27200, s1  }
0xb: {  	_ =	strace $0x80000047;
	s6 =	smul.u32 $0x4E40, s6;
	[dreg:$0x3] =	wrdreg s7  }
0xc: {  	s7 =	sadd.s32 $0x22200, s0;
	s10 =	ssub.s32 $0x2, s22;
	p0 =	sne.s32 s22, $0x0  }
0xd: {  	s13 =	sor.u32 $0x1C04, s26;
	s22 =	simm.s32 $0x4EC0;
	s26 =	simm.s32 $0x4FC0  }
0xe: {  	s23 =	sshrl.u32 s10, $0x1;
	s9 =	sshrl.u32 s9, $0x2;
	s24 =	sshrl.u32 s8, $0x3  }
.Ltmp0:
0xf: {  	s1 =	sadd.s32 s6, s1;
	s25 =	sadd.s32 s4, s24;
	(pc) =	sbr.rel .LBB2_1-.Ltmp0, $4  }
0x10: {  	s14 =	sadd.s32 s9, s2;
	s1 =	sshrl.u32 s1, $0x3;
	[dreg:$0x4] =	wrdreg s25  }
0x11: {  	s14 =	sshrl.u32 s14, $0x3;
	s25 =	simm.s32 $0x4F80;
	s0 =	sadd.s32 s1, s0  }
0x12: {  	s1 =	ssub.s32 s10, s23;
	s10 =	sadd.s32 s5, s24;
	s23 =	simm.s32 $0x4F00  }
0x13: {  	v0 =	vimm.f32 $1.000000000e+00;
	s24 =	simm.s32 $0x4F40;
	s11 =	sadd.s32 $0x18400, s0;
	s12 =	smax.u32 s1, $0x1  }
.LBB2_11:
0x14: {  	[bflag:$0x0] =	sbarrier.arrive $0xFFFF  }
0x15: {  	[bflag:$0x0] =	sbarrier.arrive $0xFFFF  }
.LBB2_9:
0x16: {  	s31 =	sadd.s32 $0x1, s31  }
0x17: {  	p1 =	sne.s32 s31, s12  }
.Ltmp1:
0x18: {  	_ = 	snop;
	(pc) =	sbr.rel @!p1 .LBB2_10-.Ltmp1, $1  }
0x19: {  	_ =	sdelay $0x3  }
.LBB2_1:
.Ltmp2:
0x1a: {  	(pc) =	sbr.rel @p0 .LBB2_11-.Ltmp2, $1  }
0x1b: {  	_ =	sdelay $0x3  }
0x1c: {  	s0 =	simm.s32 $0x40;
	s1 =	simm.s32 $0x0  }
.LBB2_3:
0x1d: {  	p1 =	sne.s32 s0, $0xFC0;
	[tilespmem:s1+$0x5240] =	vst v0;
	s1 =	smov.u32 s0;
	s0 =	sadd.s32 $0x40, s0  }
.Ltmp3:
0x1e: {  	(pc) =	sbr.rel @p1 .LBB2_3-.Ltmp3, $2  }
0x1f: {  	_ =	sdelay $0x2  }
0x20: {  	s1 =	sshra.s32 s1, $0x2  }
0x21: {  	[tilespmem:s1+$0x5240] =	vst v0;
	s0 =	rddreg [dreg:$0x3]  }
0x22: {  	[spmem:s14], [sflag:s13] =	dma.local [hbm:s0], $0x9C8  }
0x23: {  	_ =	swait.ge [sflag:s15], $0x9C8  }
0x24: {  	[sflag:s15] =	ssyncset.done $0x0  }
0x25: {  	s0 =	simm.s32 $0x0;
	s9 =	rddreg [dreg:$0x4];
	[sflag:s15] =	ssyncadd.s32 $0xFFFFF638  }
0x26: {  	[tilespmem:s16], [sflag:$0x1] =	stream.linear.gather [hbm4b:s9+s0], $0x200, $0x38;
	[tilespmem:$0x5640] =	vst v63  }
0x27: {  	s17 =	simm.s32 $0x5040  }
0x28: {  	[tilespmem:s17], [sflag:$0x1] =	stream.linear.gather [hbm4b:s10+s0], $0x200, $0x38;
	[tilespmem:$0x5640] =	vst v63  }
0x29: {  	[bflag:$0x0] =	sbarrier.arrive $0xFFFF  }
.LBB2_5:
0x2a: {  	_ =	swait.ge [sflag:s18], $0x200  }
0x2b: {  	[sflag:s18] =	ssyncset.done $0x0  }
0x2c: {  	[sflag:s18] =	ssyncadd.s32 $0xFFFFFE00  }
0x2d: {  	_ =	swait.ge [sflag:s18], $0x200  }
0x2e: {  	[sflag:s18] =	ssyncset.done $0x0  }
0x2f: {  	s1 =	simm.s32 $0x0;
	[sflag:s18] =	ssyncadd.s32 $0xFFFFFE00  }
0x30: {  	v2 =	vld [tilespmem:s1+$0x5040];
	_ =	sdelay $0x1  }
0x31: {  	v1 =	vld [tilespmem:s1+$0x4E40];
	_ =	sdelay $0x2  }
0x32: {  	v2 =	vmul.u32 $0x2720, v2  }
0x33: {  	s17 =	simm.s32 $0x10;
	s6 =	simm.s32 $0x80  }
.LBB2_6:
0x34: {  	p1 =	sne.s32 s6, $0x7C0;
	v3 =	vld [tilespmem:s17+$0x5040];
	v1 =	vadd.s32 v1, v2  }
0x35: {  	[tilespmem:s1+$0x4E40] =	vst v1;
	s1 =	smov.u32 s17  }
.Ltmp4:
0x36: {  	v1 =	vld [tilespmem:s1+$0x4E40];
	(pc) =	sbr.rel @p1 .LBB2_6-.Ltmp4, $3  }
0x37: {  	_ =	sdelay $0x1  }
0x38: {  	v2 =	vmul.u32 $0x2720, v3  }
0x39: {  	s17 =	sshra.s32 s6, $0x2;
	s6 =	sadd.s32 $0x40, s6  }
0x3a: {  	v3 =	vld [tilespmem:s17+$0x5040];
	v1 =	vadd.s32 v1, v2  }
0x3b: {  	[tilespmem:s1+$0x4E40] =	vst v1  }
0x3c: {  	v1 =	vld [tilespmem:s17+$0x4E40];
	_ =	sdelay $0x2  }
0x3d: {  	s9 =	sshll.u32 s0, $0x9;
	v2 =	vmul.u32 $0x2720, v3  }
0x3e: {  	s1 =	sadd.s32 s8, s9  }
0x3f: {  	s1 =	sshrl.u32 s1, $0x3;
	v1 =	vadd.s32 v1, v2  }
0x40: {  	s1 =	sadd.s32 s7, s1;
	[tilespmem:s17+$0x4E40] =	vst v1  }
0x41: {  	[hbm4b:s1+s3] =	stream.linear.scatter [tilespmem:s16], [sflag:$0x2], $0x200, $0x38;
	[tilespmem:$0x5640] =	vst v63  }
0x42: {  	_ = 	snop  }
0x43: {  	[spmem:s2] =	stream.indirect.scatter.add.f32 [tilespmem:s20], [sflag:$0x3], $0x10, s16, s19, $0xb8;
	[tilespmem:$0x5640] =	vst v63  }
0x44: {  	_ = 	snop  }
0x45: {  	[spmem:s2] =	stream.indirect.scatter.add.f32 [tilespmem:s20], [sflag:$0x3], $0x10, s21, s19, $0xb8;
	[tilespmem:$0x5640] =	vst v63  }
0x46: {  	_ = 	snop  }
0x47: {  	[spmem:s2] =	stream.indirect.scatter.add.f32 [tilespmem:s20], [sflag:$0x3], $0x10, s22, s19, $0xb8;
	[tilespmem:$0x5640] =	vst v63  }
0x48: {  	_ = 	snop  }
0x49: {  	[spmem:s2] =	stream.indirect.scatter.add.f32 [tilespmem:s20], [sflag:$0x3], $0x10, s23, s19, $0xb8;
	[tilespmem:$0x5640] =	vst v63  }
0x4a: {  	_ = 	snop  }
0x4b: {  	[spmem:s2] =	stream.indirect.scatter.add.f32 [tilespmem:s20], [sflag:$0x3], $0x10, s24, s19, $0xb8;
	[tilespmem:$0x5640] =	vst v63  }
0x4c: {  	_ = 	snop  }
0x4d: {  	[spmem:s2] =	stream.indirect.scatter.add.f32 [tilespmem:s20], [sflag:$0x3], $0x10, s25, s19, $0xb8;
	[tilespmem:$0x5640] =	vst v63  }
0x4e: {  	_ = 	snop  }
0x4f: {  	[spmem:s2] =	stream.indirect.scatter.add.f32 [tilespmem:s20], [sflag:$0x3], $0x10, s26, s19, $0xb8;
	[tilespmem:$0x5640] =	vst v63  }
0x50: {  	_ = 	snop  }
0x51: {  	[spmem:s2] =	stream.indirect.scatter.add.f32 [tilespmem:s20], [sflag:$0x3], $0x10, s28, s19, $0xb8;
	[tilespmem:$0x5640] =	vst v63  }
0x52: {  	_ =	swait.ge [sflag:s29], $0x400  }
0x53: {  	[sflag:s29] =	ssyncset.done $0x0  }
0x54: {  	[sflag:s29] =	ssyncadd.s32 $0xFFFFFC00  }
0x55: {  	_ =	swait.ge [sflag:s29], $0x400  }
0x56: {  	[sflag:s29] =	ssyncset.done $0x0  }
0x57: {  	[sflag:s29] =	ssyncadd.s32 $0xFFFFFC00  }
0x58: {  	_ =	swait.ge [sflag:s29], $0x400  }
0x59: {  	[sflag:s29] =	ssyncset.done $0x0  }
0x5a: {  	[sflag:s29] =	ssyncadd.s32 $0xFFFFFC00  }
0x5b: {  	_ =	swait.ge [sflag:s29], $0x400  }
0x5c: {  	[sflag:s29] =	ssyncset.done $0x0  }
0x5d: {  	[sflag:s29] =	ssyncadd.s32 $0xFFFFFC00  }
0x5e: {  	_ =	swait.ge [sflag:s29], $0x400  }
0x5f: {  	[sflag:s29] =	ssyncset.done $0x0  }
0x60: {  	[sflag:s29] =	ssyncadd.s32 $0xFFFFFC00  }
0x61: {  	_ =	swait.ge [sflag:s29], $0x400  }
0x62: {  	[sflag:s29] =	ssyncset.done $0x0  }
0x63: {  	[sflag:s29] =	ssyncadd.s32 $0xFFFFFC00  }
0x64: {  	_ =	swait.ge [sflag:s29], $0x400  }
0x65: {  	[sflag:s29] =	ssyncset.done $0x0  }
0x66: {  	[sflag:s29] =	ssyncadd.s32 $0xFFFFFC00  }
0x67: {  	p1 =	seq.s32 s0, $0x27;
	_ =	swait.ge [sflag:s29], $0x400  }
0x68: {  	s0 =	sadd.s32 @!p1 $0x1, s0;
	[sflag:s29] =	ssyncset.done $0x0  }
0x69: {  	s1 =	sshll.u32 @!p1 s0, $0x9;
	[sflag:s29] =	ssyncadd.s32 $0xFFFFFC00  }
0x6a: {  	s1 =	sadd.s32 @!p1 s8, s1;
	_ =	swait.ge [sflag:s30], $0x200  }
0x6b: {  	s9 =	simm.s32 @!p1 $0x4E40;
	s1 =	sshrl.u32 @!p1 s1, $0x3;
	[sflag:s30] =	ssyncset.done $0x0  }
0x6c: {  	s17 =	simm.s32 @!p1 $0x0;
	s6 =	sadd.s32 @!p1 s4, s1;
	[sflag:s30] =	ssyncadd.s32 $0xFFFFFE00  }
0x6d: {  	[tilespmem:s9], [sflag:$0x1] =	stream.linear.gather @!p1 [hbm4b:s6+s17], $0x200, $0x38;
	[tilespmem:$0x5640] =	vst v63  }
0x6e: {  	p2 =	seq.s32 @!p1 s0, $0x28;
	s1 =	sadd.s32 @!p1 s5, s1;
	s6 =	simm.s32 @!p1 $0x5040  }
0x6f: {  	[tilespmem:s6], [sflag:$0x1] =	stream.linear.gather @!p1 [hbm4b:s1+s17], $0x200, $0x38;
	[tilespmem:$0x5640] =	vst v63  }
0x70: {  	p1 =	por p1, p2  }
.Ltmp5:
0x71: {  	_ = 	snop;
	(pc) =	sbr.rel @!p1 .LBB2_5-.Ltmp5, $1  }
0x72: {  	_ =	sdelay $0x3  }
.Ltmp6:
0x73: {  	[bflag:$0x0] =	sbarrier.arrive $0xFFFF;
	(pc) =	sbr.rel .LBB2_9-.Ltmp6, $4  }
0x74: {  	[hbm:s11], [sflag:s13] =	dma.local [spmem:s14], $0x9C8  }
0x75: {  	_ =	swait.ge [sflag:s15], $0x9C8  }
0x76: {  	[sflag:s15] =	ssyncset.done $0x0  }
0x77: {  	[sflag:s15] =	ssyncadd.s32 $0xFFFFF638  }
.LBB2_10:
0x78: {  	_ =	sfence.sel $0x180000  }
0x79: {  	[bflag:$0x0] =	sbarrier.arrive $0xFFFF  }
0x7a: {  	_ =	strace $0x90000047  }
0x7b: {  	s0 =	stileid.u32;
	[bflag:$0x2] =	sbarrier.arrive $0xFFFF  }
0x7c: {  	p0 =	sne.s32 s0, $0x0;
	s0 =	rddreg [dreg:$0x2]  }
0x7d: {  	s0 =	sadd.s32 @!p0 $0x100000, s0  }
0x7e: {  	[sflag:s0] =	ssyncadd.tile.s32 @!p0 $0x1;
	_ =	shalt  }
.Lfunc_end2:
_tile_overlayer_lowered:
.L_overlay_start_2:
0x7f: {  	(tag) =	ssettag $0x2  }
0x80: {  	s0 =	rddreg [dreg:$0x0];
	s2 =	stileid.u32  }
0x81: {  	s1 =	rddreg [dreg:$0x1];
	p0 =	sne.s32 s2, $0x0  }
0x82: {  	s3 =	rddreg [dreg:$0x2];
	[bflag:$0x3] =	sbarrier.arrive $0xFFFF;
	s2 =	simm.s32 @!p0 $0x1C04  }
0x83: {  	[timem:s3], [sflag:s2] =	dma.local @!p0 [hbm:s0], s1  }
0x84: {  	s0 =	simm.s32 @!p0 $0x4  }
0x85: {  	_ =	swait.ge @!p0 [sflag:s0], s1  }
0x86: {  	s1 =	ssub.s32 @!p0 $0x0, s1;
	[sflag:s0] =	ssyncset.done @!p0 $0x0  }
0x87: {  	[sflag:s0] =	ssyncadd.s32 @!p0 s1  }
0x88: {  	[bflag:$0x3] =	sbarrier.arrive $0xFFFF  }
0x89: {  	_ =	shalt  }

</sc_bundles>
